<compile_context>
chip_gen: v7x
topology: tpu7x:2x2x1
jax: 0.10.2.dev20260603
libtpu: 0.0.44.dev20260713+nightly
codegen_flags: <defaults>
</compile_context>

<pallas_src>
import jax
import jax.numpy as jnp
import numpy as np
from jax import lax
from jax.experimental import pallas as pl
from jax.experimental.pallas import tpu as pltpu
from jax.experimental.pallas import tpu_sc as plsc

_VOCAB = 100000
_EMBED = 128
_BATCH = 1024
_SEQLEN = 200

_NW = 32
_ROWS_PER_W = (_BATCH * _SEQLEN) // _NW
_HALF = _SEQLEN // 2
_NCHUNK = _ROWS_PER_W // _SEQLEN
_NIDX = _ROWS_PER_W // _HALF
_PA = 96
_PB = _SEQLEN - _PA


def _positional_encoding_np():
    pos = np.arange(_SEQLEN, dtype=np.float32)[:, None]
    div = np.exp(
        np.arange(0, _EMBED, 2, dtype=np.float32) * (-np.log(10000.0) / _EMBED)
    )
    ang = pos * div[None, :]
    pe = np.zeros((_SEQLEN, _EMBED), dtype=np.float32)
    pe[:, 0::2] = np.sin(ang)
    pe[:, 1::2] = np.cos(ang)
    return pe


_PE = _positional_encoding_np()


def _sc_kernel(table_hbm, idx_hbm, pe_hbm, out_hbm,
               idx_v, pe_v, b0, b1, sha, shb,
               ga0, gb0, ga1, gb1, ha, hb, oa, ob):
    bufs = (b0, b1)
    gsa = (ga0, ga1)
    gsb = (gb0, gb1)
    sid = lax.axis_index("s")

    nc = 2
    wid = sid * nc + lax.axis_index("c")
    row_base = wid * _ROWS_PER_W

    def issue_gather(c, b):
        pltpu.async_copy(table_hbm.at[idx_v.at[2 * c]],
                         bufs[b].at[pl.ds(0, _HALF)], gsa[b])
        pltpu.async_copy(table_hbm.at[idx_v.at[2 * c + 1]],
                         bufs[b].at[pl.ds(_HALF, _HALF)], gsb[b])

    def wait_stream_a(c, b):
        pltpu.make_async_copy(table_hbm.at[idx_v.at[2 * c]],
                              bufs[b].at[pl.ds(0, _HALF)], gsa[b]).wait()

    def wait_stream_b(c, b):
        pltpu.make_async_copy(table_hbm.at[idx_v.at[2 * c + 1]],
                              bufs[b].at[pl.ds(_HALF, _HALF)], gsb[b]).wait()

    def hop_a(b):
        pltpu.async_copy(bufs[b].at[pl.ds(0, _PA)], sha.at[sid], ha)

    def hop_b(b):
        pltpu.async_copy(bufs[b].at[pl.ds(_PA, _PB)], shb.at[sid], hb)

    def wait_hop_a(b):
        pltpu.make_async_copy(bufs[b].at[pl.ds(0, _PA)], sha.at[sid],
                              ha).wait()

    def wait_hop_b(b):
        pltpu.make_async_copy(bufs[b].at[pl.ds(_PA, _PB)], shb.at[sid],
                              hb).wait()

    def out_a(c):
        pltpu.async_copy(
            sha.at[sid], out_hbm.at[pl.ds(row_base + c * _SEQLEN, _PA)], oa)

    def out_b(c):
        pltpu.async_copy(
            shb.at[sid],
            out_hbm.at[pl.ds(row_base + c * _SEQLEN + _PA, _PB)], ob)

    def wait_out_a(c):
        pltpu.make_async_copy(
            sha.at[sid], out_hbm.at[pl.ds(row_base + c * _SEQLEN, _PA)],
            oa).wait()

    def wait_out_b(c):
        pltpu.make_async_copy(
            shb.at[sid],
            out_hbm.at[pl.ds(row_base + c * _SEQLEN + _PA, _PB)], ob).wait()

    def pe_add(b, lo, hi):
        def body(i, _):
            r = lo + 2 * i
            for dr in range(2):
                for k in range(_EMBED // 16):
                    plsc.addupdate(
                        bufs[b].at[r + dr, pl.ds(k * 16, 16)],
                        pe_v[r + dr, pl.ds(k * 16, 16)],
                    )
            return 0

        lax.fori_loop(0, (hi - lo) // 2, body, 0)

    def process(c, b, first, last):
        wait_stream_a(c, b)
        pe_add(b, 0, _PA)
        if not first:
            wait_out_a(c - 1)
        hop_a(b)
        wait_stream_b(c, b)
        pe_add(b, _PA, _SEQLEN)
        if not first:
            wait_out_b(c - 1)
        hop_b(b)
        wait_hop_a(b)
        out_a(c)
        wait_hop_b(b)
        out_b(c)
        if not last:
            issue_gather(c + 2, b)

    pltpu.sync_copy(idx_hbm.at[pl.ds(wid * _NIDX, _NIDX)], idx_v)
    issue_gather(0, 0)
    issue_gather(1, 1)
    pltpu.sync_copy(pe_hbm, pe_v)

    process(0, 0, True, False)

    def round_body(r, _):
        for j in range(2):
            c = 1 + 2 * r + j
            process(c, (1 + j) % 2, False, False)
        return 0

    lax.fori_loop(0, (_NCHUNK - 4) // 2, round_body, 0)

    for c in range(_NCHUNK - 3, _NCHUNK):
        process(c, c % 2, False, c + 2 >= _NCHUNK)
    wait_out_a(_NCHUNK - 1)
    wait_out_b(_NCHUNK - 1)


@jax.jit
def _run(sequence_flat2d, token_table, pe):
    mesh = plsc.VectorSubcoreMesh(core_axis_name="c", subcore_axis_name="s")
    return pl.kernel(
        _sc_kernel,
        mesh=mesh,
        out_type=jax.ShapeDtypeStruct((_BATCH * _SEQLEN, _EMBED), jnp.float32),
        scratch_types=[
            pltpu.VMEM((_NIDX, _HALF), jnp.int32),
            pltpu.VMEM((_SEQLEN, _EMBED), jnp.float32),
            pltpu.VMEM((_SEQLEN, _EMBED), jnp.float32),
            pltpu.VMEM((_SEQLEN, _EMBED), jnp.float32),
            pltpu.VMEM_SHARED((16, _PA, _EMBED), jnp.float32),
            pltpu.VMEM_SHARED((16, _PB, _EMBED), jnp.float32),
            pltpu.SemaphoreType.DMA,
            pltpu.SemaphoreType.DMA,
            pltpu.SemaphoreType.DMA,
            pltpu.SemaphoreType.DMA,
            pltpu.SemaphoreType.DMA,
            pltpu.SemaphoreType.DMA,
            pltpu.SemaphoreType.DMA,
            pltpu.SemaphoreType.DMA,
        ],
    )(token_table, sequence_flat2d, pe)


def kernel(sequence, token_table):
    idx = sequence.reshape(-1).astype(jnp.int32).reshape(-1, _HALF)
    pe = jnp.asarray(_PE)
    out = _run(idx, token_table, pe)
    return out.reshape(_BATCH, _SEQLEN, _EMBED)

# --- scband reference (transcript-rebuilt; emitter-appended) ---
"""Pipeline reference for scband-bertembedding-61263413510519 (READ-ONLY COPY).

The authoritative reference and input builder live on the scoring server;
editing this copy changes nothing except your own understanding.
"""

import jax, jax.numpy as jnp
import numpy as np

VOCAB = 100000
EMBED = 128
BATCH = 1024
SEQLEN = 200


def _positional_encoding(seq_len, d_model):
    pos = jnp.arange(seq_len, dtype=jnp.float32)[:, None]
    div = jnp.exp(jnp.arange(0, d_model, 2, dtype=jnp.float32) * (-np.log(10000.0) / d_model))
    ang = pos * div[None, :]
    pe = jnp.zeros((seq_len, d_model), dtype=jnp.float32)
    pe = pe.at[:, 0::2].set(jnp.sin(ang))
    pe = pe.at[:, 1::2].set(jnp.cos(ang))
    return pe


def setup_inputs(seed: int = 0) -> dict:
    key = jax.random.key(seed)
    k_idx, k_tok = jax.random.split(key)
    sequence = jax.random.randint(k_idx, (BATCH, SEQLEN), 0, VOCAB, dtype=jnp.int64 if jax.config.jax_enable_x64 else jnp.int32)
    token_table = jax.random.normal(k_tok, (VOCAB, EMBED), dtype=jnp.float32) * 0.02
    return {"sequence": sequence, "token_table": token_table}


def reference(sequence, token_table):
    # TokenEmbedding: gather rows of the learned table
    tok = jnp.take(token_table, sequence, axis=0)  # [B, L, D]
    # PositionalEmbedding: fixed sin/cos encoding, broadcast over batch
    L = sequence.shape[1]
    pe = _positional_encoding(L, token_table.shape[1])  # [L, D]
    x = tok + pe[None, :, :]
    # Dropout is identity at inference (eval mode)
    return x

if __name__ == "__main__":
    import jax
    _d = setup_inputs()
    print(jax.jit(kernel)(*tuple(_d.values())))

</pallas_src>

<mosaic_0001>
#map = affine_map<(d0, d1) -> (0, 0)>
module attributes {stable_mosaic.version = 14 : i64} {
  func.func @_sc_kernel(%arg0: i32, %arg1: i32, %arg2: memref<100000x128xf32, #tpu.memory_space<hbm>>, %arg3: memref<2048x100xi32, #tpu.memory_space<hbm>>, %arg4: memref<200x128xf32, #tpu.memory_space<hbm>>, %arg5: memref<204800x128xf32, #tpu.memory_space<hbm>>, %arg6: memref<64x100xi32, #tpu.memory_space<vmem>>, %arg7: memref<200x128xf32, #tpu.memory_space<vmem>>, %arg8: memref<200x128xf32, #tpu.memory_space<vmem>>, %arg9: memref<200x128xf32, #tpu.memory_space<vmem>>, %arg10: memref<16x96x128xf32, #tpu.memory_space<vmem_shared>>, %arg11: memref<16x104x128xf32, #tpu.memory_space<vmem_shared>>, %arg12: memref<!tpu.dma_semaphore, #tpu.memory_space<semaphore_mem>>, %arg13: memref<!tpu.dma_semaphore, #tpu.memory_space<semaphore_mem>>, %arg14: memref<!tpu.dma_semaphore, #tpu.memory_space<semaphore_mem>>, %arg15: memref<!tpu.dma_semaphore, #tpu.memory_space<semaphore_mem>>, %arg16: memref<!tpu.dma_semaphore, #tpu.memory_space<semaphore_mem>>, %arg17: memref<!tpu.dma_semaphore, #tpu.memory_space<semaphore_mem>>, %arg18: memref<!tpu.dma_semaphore, #tpu.memory_space<semaphore_mem>>, %arg19: memref<!tpu.dma_semaphore, #tpu.memory_space<semaphore_mem>>) attributes {dimension_semantics = [#tpu.dimension_semantics<core_parallel>, #tpu.dimension_semantics<subcore_parallel>], iteration_bounds = array<i64: 2, 16>, scalar_prefetch = 0 : i64, scratch_operands = 14 : i64, tpu.core_type = #tpu.core_type<sc_vector_subcore>, window_params = [{transform_indices = #map}, {transform_indices = #map}, {transform_indices = #map}, {transform_indices = #map}]} {
    %mul3A = arith.constant 2 : i32
    %mul3A_0 = arith.muli %arg1, %mul3A : i32
    %add3A = arith.addi %mul3A_0, %arg0 : i32
    %mul3A_1 = arith.constant 6400 : i32
    %mul3A_2 = arith.muli %add3A, %mul3A_1 : i32
    %mul3A_3 = arith.constant 64 : i32
    %mul3A_4 = arith.muli %add3A, %mul3A_3 : i32
    "tpu.region"() ({
      %run_scoped3A = tpu.sem_alloc : memref<!tpu.dma_semaphore, #tpu.memory_space<semaphore_mem>>
      %dma_start3A_593 = arith.constant 0 : i32
      %dma_start3A_594 = tpu.memref_slice %arg3[%mul3A_4, %dma_start3A_593] : memref<2048x100xi32, #tpu.memory_space<hbm>> -> memref<64x100xi32, #tpu.memory_space<hbm>>
      %dma_start3A_595 = arith.constant 0 : i32
      %dma_start3A_596 = tpu.memref_slice %arg3[%mul3A_4, %dma_start3A_595] : memref<2048x100xi32, #tpu.memory_space<hbm>> -> memref<64x100xi32, #tpu.memory_space<hbm>>
      tpu.enqueue_dma source(%dma_start3A_596 : memref<64x100xi32, #tpu.memory_space<hbm>>) target(%arg6 : memref<64x100xi32, #tpu.memory_space<vmem>>) target_semaphore(%run_scoped3A : memref<!tpu.dma_semaphore, #tpu.memory_space<semaphore_mem>>)
      %dma_wait3A_597 = arith.constant 0 : i32
      %dma_wait3A_598 = tpu.memref_slice %arg3[%mul3A_4, %dma_wait3A_597] : memref<2048x100xi32, #tpu.memory_space<hbm>> -> memref<64x100xi32, #tpu.memory_space<hbm>>
      %dma_wait3A_599 = arith.constant 0 : i32
      %dma_wait3A_600 = tpu.memref_slice %arg3[%mul3A_4, %dma_wait3A_599] : memref<2048x100xi32, #tpu.memory_space<hbm>> -> memref<64x100xi32, #tpu.memory_space<hbm>>
      tpu.wait_dma2 semaphore(%run_scoped3A : memref<!tpu.dma_semaphore, #tpu.memory_space<semaphore_mem>>) src(%dma_wait3A_600 : memref<64x100xi32, #tpu.memory_space<hbm>>) dst(%arg6 : memref<64x100xi32, #tpu.memory_space<vmem>>)
      tpu.yield
    }) : () -> ()
    %dma_start3A = arith.constant 0 : i32
    %dma_start3A_5 = arith.constant 0 : i32
    %dma_start3A_6 = arith.constant 0 : i32
    %dma_start3A_7 = tpu.memref_slice %arg8[%dma_start3A_5, %dma_start3A_6] : memref<200x128xf32, #tpu.memory_space<vmem>> -> memref<100x128xf32, #tpu.memory_space<vmem>>
    %dma_start3A_8 = arith.constant 0 : i32
    %dma_start3A_9 = tpu.memref_slice %arg6[%dma_start3A, %dma_start3A_8] : memref<64x100xi32, #tpu.memory_space<vmem>> -> memref<1x100xi32, #tpu.memory_space<vmem>>
    %dma_start3A_10 = tpu.memref_squeeze %dma_start3A_9 : memref<1x100xi32, #tpu.memory_space<vmem>> -> memref<100xi32, #tpu.memory_space<vmem>>
    %dma_start3A_11 = arith.constant 0 : i32
    %dma_start3A_12 = arith.constant 0 : i32
    %dma_start3A_13 = tpu.memref_slice %arg2[%dma_start3A_11, %dma_start3A_12] : memref<100000x128xf32, #tpu.memory_space<hbm>> -> memref<100000x128xf32, #tpu.memory_space<hbm>>
    tpu.enqueue_indirect_dma source(%dma_start3A_13 : memref<100000x128xf32, #tpu.memory_space<hbm>>) target(%dma_start3A_7 : memref<100x128xf32, #tpu.memory_space<vmem>>) offsets(%dma_start3A_10 : memref<100xi32, #tpu.memory_space<vmem>>) semaphore(%arg12 : memref<!tpu.dma_semaphore, #tpu.memory_space<semaphore_mem>>)
    %dma_start3A_14 = arith.constant 1 : i32
    %dma_start3A_15 = arith.constant 100 : i32
    %dma_start3A_16 = arith.constant 0 : i32
    %dma_start3A_17 = tpu.memref_slice %arg8[%dma_start3A_15, %dma_start3A_16] : memref<200x128xf32, #tpu.memory_space<vmem>> -> memref<100x128xf32, #tpu.memory_space<vmem>>
    %dma_start3A_18 = arith.constant 0 : i32
    %dma_start3A_19 = tpu.memref_slice %arg6[%dma_start3A_14, %dma_start3A_18] : memref<64x100xi32, #tpu.memory_space<vmem>> -> memref<1x100xi32, #tpu.memory_space<vmem>>
    %dma_start3A_20 = tpu.memref_squeeze %dma_start3A_19 : memref<1x100xi32, #tpu.memory_space<vmem>> -> memref<100xi32, #tpu.memory_space<vmem>>
    %dma_start3A_21 = arith.constant 0 : i32
    %dma_start3A_22 = arith.constant 0 : i32
    %dma_start3A_23 = tpu.memref_slice %arg2[%dma_start3A_21, %dma_start3A_22] : memref<100000x128xf32, #tpu.memory_space<hbm>> -> memref<100000x128xf32, #tpu.memory_space<hbm>>
    tpu.enqueue_indirect_dma source(%dma_start3A_23 : memref<100000x128xf32, #tpu.memory_space<hbm>>) target(%dma_start3A_17 : memref<100x128xf32, #tpu.memory_space<vmem>>) offsets(%dma_start3A_20 : memref<100xi32, #tpu.memory_space<vmem>>) semaphore(%arg13 : memref<!tpu.dma_semaphore, #tpu.memory_space<semaphore_mem>>)
    %dma_start3A_24 = arith.constant 2 : i32
    %dma_start3A_25 = arith.constant 0 : i32
    %dma_start3A_26 = arith.constant 0 : i32
    %dma_start3A_27 = tpu.memref_slice %arg9[%dma_start3A_25, %dma_start3A_26] : memref<200x128xf32, #tpu.memory_space<vmem>> -> memref<100x128xf32, #tpu.memory_space<vmem>>
    %dma_start3A_28 = arith.constant 0 : i32
    %dma_start3A_29 = tpu.memref_slice %arg6[%dma_start3A_24, %dma_start3A_28] : memref<64x100xi32, #tpu.memory_space<vmem>> -> memref<1x100xi32, #tpu.memory_space<vmem>>
    %dma_start3A_30 = tpu.memref_squeeze %dma_start3A_29 : memref<1x100xi32, #tpu.memory_space<vmem>> -> memref<100xi32, #tpu.memory_space<vmem>>
    %dma_start3A_31 = arith.constant 0 : i32
    %dma_start3A_32 = arith.constant 0 : i32
    %dma_start3A_33 = tpu.memref_slice %arg2[%dma_start3A_31, %dma_start3A_32] : memref<100000x128xf32, #tpu.memory_space<hbm>> -> memref<100000x128xf32, #tpu.memory_space<hbm>>
    tpu.enqueue_indirect_dma source(%dma_start3A_33 : memref<100000x128xf32, #tpu.memory_space<hbm>>) target(%dma_start3A_27 : memref<100x128xf32, #tpu.memory_space<vmem>>) offsets(%dma_start3A_30 : memref<100xi32, #tpu.memory_space<vmem>>) semaphore(%arg14 : memref<!tpu.dma_semaphore, #tpu.memory_space<semaphore_mem>>)
    %dma_start3A_34 = arith.constant 3 : i32
    %dma_start3A_35 = arith.constant 100 : i32
    %dma_start3A_36 = arith.constant 0 : i32
    %dma_start3A_37 = tpu.memref_slice %arg9[%dma_start3A_35, %dma_start3A_36] : memref<200x128xf32, #tpu.memory_space<vmem>> -> memref<100x128xf32, #tpu.memory_space<vmem>>
    %dma_start3A_38 = arith.constant 0 : i32
    %dma_start3A_39 = tpu.memref_slice %arg6[%dma_start3A_34, %dma_start3A_38] : memref<64x100xi32, #tpu.memory_space<vmem>> -> memref<1x100xi32, #tpu.memory_space<vmem>>
    %dma_start3A_40 = tpu.memref_squeeze %dma_start3A_39 : memref<1x100xi32, #tpu.memory_space<vmem>> -> memref<100xi32, #tpu.memory_space<vmem>>
    %dma_start3A_41 = arith.constant 0 : i32
    %dma_start3A_42 = arith.constant 0 : i32
    %dma_start3A_43 = tpu.memref_slice %arg2[%dma_start3A_41, %dma_start3A_42] : memref<100000x128xf32, #tpu.memory_space<hbm>> -> memref<100000x128xf32, #tpu.memory_space<hbm>>
    tpu.enqueue_indirect_dma source(%dma_start3A_43 : memref<100000x128xf32, #tpu.memory_space<hbm>>) target(%dma_start3A_37 : memref<100x128xf32, #tpu.memory_space<vmem>>) offsets(%dma_start3A_40 : memref<100xi32, #tpu.memory_space<vmem>>) semaphore(%arg15 : memref<!tpu.dma_semaphore, #tpu.memory_space<semaphore_mem>>)
    "tpu.region"() ({
      %run_scoped3A = tpu.sem_alloc : memref<!tpu.dma_semaphore, #tpu.memory_space<semaphore_mem>>
      tpu.enqueue_dma source(%arg4 : memref<200x128xf32, #tpu.memory_space<hbm>>) target(%arg7 : memref<200x128xf32, #tpu.memory_space<vmem>>) target_semaphore(%run_scoped3A : memref<!tpu.dma_semaphore, #tpu.memory_space<semaphore_mem>>)
      tpu.wait_dma2 semaphore(%run_scoped3A : memref<!tpu.dma_semaphore, #tpu.memory_space<semaphore_mem>>) src(%arg4 : memref<200x128xf32, #tpu.memory_space<hbm>>) dst(%arg7 : memref<200x128xf32, #tpu.memory_space<vmem>>)
      tpu.yield
    }) : () -> ()
    %dma_wait3A = arith.constant 0 : i32
    %dma_wait3A_44 = arith.constant 0 : i32
    %dma_wait3A_45 = arith.constant 0 : i32
    %dma_wait3A_46 = tpu.memref_slice %arg8[%dma_wait3A_44, %dma_wait3A_45] : memref<200x128xf32, #tpu.memory_space<vmem>> -> memref<100x128xf32, #tpu.memory_space<vmem>>
    %dma_wait3A_47 = arith.constant 0 : i32
    %dma_wait3A_48 = tpu.memref_slice %arg6[%dma_wait3A, %dma_wait3A_47] : memref<64x100xi32, #tpu.memory_space<vmem>> -> memref<1x100xi32, #tpu.memory_space<vmem>>
    %dma_wait3A_49 = tpu.memref_squeeze %dma_wait3A_48 : memref<1x100xi32, #tpu.memory_space<vmem>> -> memref<100xi32, #tpu.memory_space<vmem>>
    %dma_wait3A_50 = arith.constant 0 : i32
    %dma_wait3A_51 = arith.constant 0 : i32
    %dma_wait3A_52 = tpu.memref_slice %arg2[%dma_wait3A_50, %dma_wait3A_51] : memref<100000x128xf32, #tpu.memory_space<hbm>> -> memref<100000x128xf32, #tpu.memory_space<hbm>>
    tpu.wait_indirect_dma semaphore(%arg12 : memref<!tpu.dma_semaphore, #tpu.memory_space<semaphore_mem>>) src(%dma_wait3A_52 : memref<100000x128xf32, #tpu.memory_space<hbm>>) dst(%dma_wait3A_46 : memref<100x128xf32, #tpu.memory_space<vmem>>)
    %scan3A = arith.constant 0 : i32
    %scan3A_53 = arith.constant 0 : i32
    %scan3A_54 = arith.constant 48 : i32
    %scan3A_55 = arith.addi %scan3A_53, %scan3A_54 : i32
    %scan3A_56 = arith.constant 1 : i32
    %scan3A_57 = scf.for %scan3A_593 = %scan3A_53 to %scan3A_55 step %scan3A_56 iter_args(%scan3A_594 = %scan3A) -> (i32)  : i32 {
      %mul3A_595 = arith.constant 2 : i32
      %mul3A_596 = arith.muli %mul3A_595, %scan3A_593 : i32
      %add3A_597 = arith.constant 0 : i32
      %add3A_598 = arith.addi %add3A_597, %mul3A_596 : i32
      %add3A_599 = arith.constant 0 : i32
      %add3A_600 = arith.addi %add3A_598, %add3A_599 : i32
      %add3A_601 = arith.constant 0 : i32
      %add3A_602 = arith.addi %add3A_598, %add3A_601 : i32
      %get3A = arith.index_cast %add3A_602 : i32 to index
      %get3A_603 = arith.constant 0 : index
      %get3A_604 = tpu.vector_load %arg7[%get3A, %get3A_603] {strides = array<i32>} : memref<200x128xf32, #tpu.memory_space<vmem>>, vector<1x16xf32>,
      %get3A_605 = vector.shape_cast %get3A_604 : vector<1x16xf32> to vector<16xf32>
      %swap3A = arith.index_cast %add3A_600 : i32 to index
      %swap3A_606 = arith.constant 0 : index
      %swap3A_607 = tpu.vector_load %arg8[%swap3A, %swap3A_606] {strides = array<i32>} : memref<200x128xf32, #tpu.memory_space<vmem>>, vector<1x16xf32>,
      %swap3A_608 = vector.shape_cast %swap3A_607 : vector<1x16xf32> to vector<16xf32>
      %swap3A_609 = vector.shape_cast %get3A_605 : vector<16xf32> to vector<1x16xf32>
      tpu.vector_store %arg8[%swap3A, %swap3A_606], %swap3A_609 {add = true, strides = array<i32>} : memref<200x128xf32, #tpu.memory_space<vmem>>, vector<1x16xf32>,
      %add3A_610 = arith.constant 0 : i32
      %add3A_611 = arith.addi %add3A_598, %add3A_610 : i32
      %add3A_612 = arith.constant 0 : i32
      %add3A_613 = arith.addi %add3A_598, %add3A_612 : i32
      %get3A_614 = arith.index_cast %add3A_613 : i32 to index
      %get3A_615 = arith.constant 16 : index
      %get3A_616 = tpu.vector_load %arg7[%get3A_614, %get3A_615] {strides = array<i32>} : memref<200x128xf32, #tpu.memory_space<vmem>>, vector<1x16xf32>,
      %get3A_617 = vector.shape_cast %get3A_616 : vector<1x16xf32> to vector<16xf32>
      %swap3A_618 = arith.index_cast %add3A_611 : i32 to index
      %swap3A_619 = arith.constant 16 : index
      %swap3A_620 = tpu.vector_load %arg8[%swap3A_618, %swap3A_619] {strides = array<i32>} : memref<200x128xf32, #tpu.memory_space<vmem>>, vector<1x16xf32>,
      %swap3A_621 = vector.shape_cast %swap3A_620 : vector<1x16xf32> to vector<16xf32>
      %swap3A_622 = vector.shape_cast %get3A_617 : vector<16xf32> to vector<1x16xf32>
      tpu.vector_store %arg8[%swap3A_618, %swap3A_619], %swap3A_622 {add = true, strides = array<i32>} : memref<200x128xf32, #tpu.memory_space<vmem>>, vector<1x16xf32>,
      %add3A_623 = arith.constant 0 : i32
      %add3A_624 = arith.addi %add3A_598, %add3A_623 : i32
      %add3A_625 = arith.constant 0 : i32
      %add3A_626 = arith.addi %add3A_598, %add3A_625 : i32
      %get3A_627 = arith.index_cast %add3A_626 : i32 to index
      %get3A_628 = arith.constant 32 : index
      %get3A_629 = tpu.vector_load %arg7[%get3A_627, %get3A_628] {strides = array<i32>} : memref<200x128xf32, #tpu.memory_space<vmem>>, vector<1x16xf32>,
      %get3A_630 = vector.shape_cast %get3A_629 : vector<1x16xf32> to vector<16xf32>
      %swap3A_631 = arith.index_cast %add3A_624 : i32 to index
      %swap3A_632 = arith.constant 32 : index
      %swap3A_633 = tpu.vector_load %arg8[%swap3A_631, %swap3A_632] {strides = array<i32>} : memref<200x128xf32, #tpu.memory_space<vmem>>, vector<1x16xf32>,
      %swap3A_634 = vector.shape_cast %swap3A_633 : vector<1x16xf32> to vector<16xf32>
      %swap3A_635 = vector.shape_cast %get3A_630 : vector<16xf32> to vector<1x16xf32>
      tpu.vector_store %arg8[%swap3A_631, %swap3A_632], %swap3A_635 {add = true, strides = array<i32>} : memref<200x128xf32, #tpu.memory_space<vmem>>, vector<1x16xf32>,
      %add3A_636 = arith.constant 0 : i32
      %add3A_637 = arith.addi %add3A_598, %add3A_636 : i32
      %add3A_638 = arith.constant 0 : i32
      %add3A_639 = arith.addi %add3A_598, %add3A_638 : i32
      %get3A_640 = arith.index_cast %add3A_639 : i32 to index
      %get3A_641 = arith.constant 48 : index
      %get3A_642 = tpu.vector_load %arg7[%get3A_640, %get3A_641] {strides = array<i32>} : memref<200x128xf32, #tpu.memory_space<vmem>>, vector<1x16xf32>,
      %get3A_643 = vector.shape_cast %get3A_642 : vector<1x16xf32> to vector<16xf32>
      %swap3A_644 = arith.index_cast %add3A_637 : i32 to index
      %swap3A_645 = arith.constant 48 : index
      %swap3A_646 = tpu.vector_load %arg8[%swap3A_644, %swap3A_645] {strides = array<i32>} : memref<200x128xf32, #tpu.memory_space<vmem>>, vector<1x16xf32>,
      %swap3A_647 = vector.shape_cast %swap3A_646 : vector<1x16xf32> to vector<16xf32>
      %swap3A_648 = vector.shape_cast %get3A_643 : vector<16xf32> to vector<1x16xf32>
      tpu.vector_store %arg8[%swap3A_644, %swap3A_645], %swap3A_648 {add = true, strides = array<i32>} : memref<200x128xf32, #tpu.memory_space<vmem>>, vector<1x16xf32>,
      %add3A_649 = arith.constant 0 : i32
      %add3A_650 = arith.addi %add3A_598, %add3A_649 : i32
      %add3A_651 = arith.constant 0 : i32
      %add3A_652 = arith.addi %add3A_598, %add3A_651 : i32
      %get3A_653 = arith.index_cast %add3A_652 : i32 to index
      %get3A_654 = arith.constant 64 : index
      %get3A_655 = tpu.vector_load %arg7[%get3A_653, %get3A_654] {strides = array<i32>} : memref<200x128xf32, #tpu.memory_space<vmem>>, vector<1x16xf32>,
      %get3A_656 = vector.shape_cast %get3A_655 : vector<1x16xf32> to vector<16xf32>
      %swap3A_657 = arith.index_cast %add3A_650 : i32 to index
      %swap3A_658 = arith.constant 64 : index
      %swap3A_659 = tpu.vector_load %arg8[%swap3A_657, %swap3A_658] {strides = array<i32>} : memref<200x128xf32, #tpu.memory_space<vmem>>, vector<1x16xf32>,
      %swap3A_660 = vector.shape_cast %swap3A_659 : vector<1x16xf32> to vector<16xf32>
      %swap3A_661 = vector.shape_cast %get3A_656 : vector<16xf32> to vector<1x16xf32>
      tpu.vector_store %arg8[%swap3A_657, %swap3A_658], %swap3A_661 {add = true, strides = array<i32>} : memref<200x128xf32, #tpu.memory_space<vmem>>, vector<1x16xf32>,
      %add3A_662 = arith.constant 0 : i32
      %add3A_663 = arith.addi %add3A_598, %add3A_662 : i32
      %add3A_664 = arith.constant 0 : i32
      %add3A_665 = arith.addi %add3A_598, %add3A_664 : i32
      %get3A_666 = arith.index_cast %add3A_665 : i32 to index
      %get3A_667 = arith.constant 80 : index
      %get3A_668 = tpu.vector_load %arg7[%get3A_666, %get3A_667] {strides = array<i32>} : memref<200x128xf32, #tpu.memory_space<vmem>>, vector<1x16xf32>,
      %get3A_669 = vector.shape_cast %get3A_668 : vector<1x16xf32> to vector<16xf32>
      %swap3A_670 = arith.index_cast %add3A_663 : i32 to index
      %swap3A_671 = arith.constant 80 : index
      %swap3A_672 = tpu.vector_load %arg8[%swap3A_670, %swap3A_671] {strides = array<i32>} : memref<200x128xf32, #tpu.memory_space<vmem>>, vector<1x16xf32>,
      %swap3A_673 = vector.shape_cast %swap3A_672 : vector<1x16xf32> to vector<16xf32>
      %swap3A_674 = vector.shape_cast %get3A_669 : vector<16xf32> to vector<1x16xf32>
      tpu.vector_store %arg8[%swap3A_670, %swap3A_671], %swap3A_674 {add = true, strides = array<i32>} : memref<200x128xf32, #tpu.memory_space<vmem>>, vector<1x16xf32>,
      %add3A_675 = arith.constant 0 : i32
      %add3A_676 = arith.addi %add3A_598, %add3A_675 : i32
      %add3A_677 = arith.constant 0 : i32
      %add3A_678 = arith.addi %add3A_598, %add3A_677 : i32
      %get3A_679 = arith.index_cast %add3A_678 : i32 to index
      %get3A_680 = arith.constant 96 : index
      %get3A_681 = tpu.vector_load %arg7[%get3A_679, %get3A_680] {strides = array<i32>} : memref<200x128xf32, #tpu.memory_space<vmem>>, vector<1x16xf32>,
      %get3A_682 = vector.shape_cast %get3A_681 : vector<1x16xf32> to vector<16xf32>
      %swap3A_683 = arith.index_cast %add3A_676 : i32 to index
      %swap3A_684 = arith.constant 96 : index
      %swap3A_685 = tpu.vector_load %arg8[%swap3A_683, %swap3A_684] {strides = array<i32>} : memref<200x128xf32, #tpu.memory_space<vmem>>, vector<1x16xf32>,
      %swap3A_686 = vector.shape_cast %swap3A_685 : vector<1x16xf32> to vector<16xf32>
      %swap3A_687 = vector.shape_cast %get3A_682 : vector<16xf32> to vector<1x16xf32>
      tpu.vector_store %arg8[%swap3A_683, %swap3A_684], %swap3A_687 {add = true, strides = array<i32>} : memref<200x128xf32, #tpu.memory_space<vmem>>, vector<1x16xf32>,
      %add3A_688 = arith.constant 0 : i32
      %add3A_689 = arith.addi %add3A_598, %add3A_688 : i32
      %add3A_690 = arith.constant 0 : i32
      %add3A_691 = arith.addi %add3A_598, %add3A_690 : i32
      %get3A_692 = arith.index_cast %add3A_691 : i32 to index
      %get3A_693 = arith.constant 112 : index
      %get3A_694 = tpu.vector_load %arg7[%get3A_692, %get3A_693] {strides = array<i32>} : memref<200x128xf32, #tpu.memory_space<vmem>>, vector<1x16xf32>,
      %get3A_695 = vector.shape_cast %get3A_694 : vector<1x16xf32> to vector<16xf32>
      %swap3A_696 = arith.index_cast %add3A_689 : i32 to index
      %swap3A_697 = arith.constant 112 : index
      %swap3A_698 = tpu.vector_load %arg8[%swap3A_696, %swap3A_697] {strides = array<i32>} : memref<200x128xf32, #tpu.memory_space<vmem>>, vector<1x16xf32>,
      %swap3A_699 = vector.shape_cast %swap3A_698 : vector<1x16xf32> to vector<16xf32>
      %swap3A_700 = vector.shape_cast %get3A_695 : vector<16xf32> to vector<1x16xf32>
      tpu.vector_store %arg8[%swap3A_696, %swap3A_697], %swap3A_700 {add = true, strides = array<i32>} : memref<200x128xf32, #tpu.memory_space<vmem>>, vector<1x16xf32>,
      %add3A_701 = arith.constant 1 : i32
      %add3A_702 = arith.addi %add3A_598, %add3A_701 : i32
      %add3A_703 = arith.constant 1 : i32
      %add3A_704 = arith.addi %add3A_598, %add3A_703 : i32
      %get3A_705 = arith.index_cast %add3A_704 : i32 to index
      %get3A_706 = arith.constant 0 : index
      %get3A_707 = tpu.vector_load %arg7[%get3A_705, %get3A_706] {strides = array<i32>} : memref<200x128xf32, #tpu.memory_space<vmem>>, vector<1x16xf32>,
      %get3A_708 = vector.shape_cast %get3A_707 : vector<1x16xf32> to vector<16xf32>
      %swap3A_709 = arith.index_cast %add3A_702 : i32 to index
      %swap3A_710 = arith.constant 0 : index
      %swap3A_711 = tpu.vector_load %arg8[%swap3A_709, %swap3A_710] {strides = array<i32>} : memref<200x128xf32, #tpu.memory_space<vmem>>, vector<1x16xf32>,
      %swap3A_712 = vector.shape_cast %swap3A_711 : vector<1x16xf32> to vector<16xf32>
      %swap3A_713 = vector.shape_cast %get3A_708 : vector<16xf32> to vector<1x16xf32>
      tpu.vector_store %arg8[%swap3A_709, %swap3A_710], %swap3A_713 {add = true, strides = array<i32>} : memref<200x128xf32, #tpu.memory_space<vmem>>, vector<1x16xf32>,
      %add3A_714 = arith.constant 1 : i32
      %add3A_715 = arith.addi %add3A_598, %add3A_714 : i32
      %add3A_716 = arith.constant 1 : i32
      %add3A_717 = arith.addi %add3A_598, %add3A_716 : i32
      %get3A_718 = arith.index_cast %add3A_717 : i32 to index
      %get3A_719 = arith.constant 16 : index
      %get3A_720 = tpu.vector_load %arg7[%get3A_718, %get3A_719] {strides = array<i32>} : memref<200x128xf32, #tpu.memory_space<vmem>>, vector<1x16xf32>,
      %get3A_721 = vector.shape_cast %get3A_720 : vector<1x16xf32> to vector<16xf32>
      %swap3A_722 = arith.index_cast %add3A_715 : i32 to index
      %swap3A_723 = arith.constant 16 : index
      %swap3A_724 = tpu.vector_load %arg8[%swap3A_722, %swap3A_723] {strides = array<i32>} : memref<200x128xf32, #tpu.memory_space<vmem>>, vector<1x16xf32>,
      %swap3A_725 = vector.shape_cast %swap3A_724 : vector<1x16xf32> to vector<16xf32>
      %swap3A_726 = vector.shape_cast %get3A_721 : vector<16xf32> to vector<1x16xf32>
      tpu.vector_store %arg8[%swap3A_722, %swap3A_723], %swap3A_726 {add = true, strides = array<i32>} : memref<200x128xf32, #tpu.memory_space<vmem>>, vector<1x16xf32>,
      %add3A_727 = arith.constant 1 : i32
      %add3A_728 = arith.addi %add3A_598, %add3A_727 : i32
      %add3A_729 = arith.constant 1 : i32
      %add3A_730 = arith.addi %add3A_598, %add3A_729 : i32
      %get3A_731 = arith.index_cast %add3A_730 : i32 to index
      %get3A_732 = arith.constant 32 : index
      %get3A_733 = tpu.vector_load %arg7[%get3A_731, %get3A_732] {strides = array<i32>} : memref<200x128xf32, #tpu.memory_space<vmem>>, vector<1x16xf32>,
      %get3A_734 = vector.shape_cast %get3A_733 : vector<1x16xf32> to vector<16xf32>
      %swap3A_735 = arith.index_cast %add3A_728 : i32 to index
      %swap3A_736 = arith.constant 32 : index
      %swap3A_737 = tpu.vector_load %arg8[%swap3A_735, %swap3A_736] {strides = array<i32>} : memref<200x128xf32, #tpu.memory_space<vmem>>, vector<1x16xf32>,
      %swap3A_738 = vector.shape_cast %swap3A_737 : vector<1x16xf32> to vector<16xf32>
      %swap3A_739 = vector.shape_cast %get3A_734 : vector<16xf32> to vector<1x16xf32>
      tpu.vector_store %arg8[%swap3A_735, %swap3A_736], %swap3A_739 {add = true, strides = array<i32>} : memref<200x128xf32, #tpu.memory_space<vmem>>, vector<1x16xf32>,
      %add3A_740 = arith.constant 1 : i32
      %add3A_741 = arith.addi %add3A_598, %add3A_740 : i32
      %add3A_742 = arith.constant 1 : i32
      %add3A_743 = arith.addi %add3A_598, %add3A_742 : i32
      %get3A_744 = arith.index_cast %add3A_743 : i32 to index
      %get3A_745 = arith.constant 48 : index
      %get3A_746 = tpu.vector_load %arg7[%get3A_744, %get3A_745] {strides = array<i32>} : memref<200x128xf32, #tpu.memory_space<vmem>>, vector<1x16xf32>,
      %get3A_747 = vector.shape_cast %get3A_746 : vector<1x16xf32> to vector<16xf32>
      %swap3A_748 = arith.index_cast %add3A_741 : i32 to index
      %swap3A_749 = arith.constant 48 : index
      %swap3A_750 = tpu.vector_load %arg8[%swap3A_748, %swap3A_749] {strides = array<i32>} : memref<200x128xf32, #tpu.memory_space<vmem>>, vector<1x16xf32>,
      %swap3A_751 = vector.shape_cast %swap3A_750 : vector<1x16xf32> to vector<16xf32>
      %swap3A_752 = vector.shape_cast %get3A_747 : vector<16xf32> to vector<1x16xf32>
      tpu.vector_store %arg8[%swap3A_748, %swap3A_749], %swap3A_752 {add = true, strides = array<i32>} : memref<200x128xf32, #tpu.memory_space<vmem>>, vector<1x16xf32>,
      %add3A_753 = arith.constant 1 : i32
      %add3A_754 = arith.addi %add3A_598, %add3A_753 : i32
      %add3A_755 = arith.constant 1 : i32
      %add3A_756 = arith.addi %add3A_598, %add3A_755 : i32
      %get3A_757 = arith.index_cast %add3A_756 : i32 to index
      %get3A_758 = arith.constant 64 : index
      %get3A_759 = tpu.vector_load %arg7[%get3A_757, %get3A_758] {strides = array<i32>} : memref<200x128xf32, #tpu.memory_space<vmem>>, vector<1x16xf32>,
      %get3A_760 = vector.shape_cast %get3A_759 : vector<1x16xf32> to vector<16xf32>
      %swap3A_761 = arith.index_cast %add3A_754 : i32 to index
      %swap3A_762 = arith.constant 64 : index
      %swap3A_763 = tpu.vector_load %arg8[%swap3A_761, %swap3A_762] {strides = array<i32>} : memref<200x128xf32, #tpu.memory_space<vmem>>, vector<1x16xf32>,
      %swap3A_764 = vector.shape_cast %swap3A_763 : vector<1x16xf32> to vector<16xf32>
      %swap3A_765 = vector.shape_cast %get3A_760 : vector<16xf32> to vector<1x16xf32>
      tpu.vector_store %arg8[%swap3A_761, %swap3A_762], %swap3A_765 {add = true, strides = array<i32>} : memref<200x128xf32, #tpu.memory_space<vmem>>, vector<1x16xf32>,
      %add3A_766 = arith.constant 1 : i32
      %add3A_767 = arith.addi %add3A_598, %add3A_766 : i32
      %add3A_768 = arith.constant 1 : i32
      %add3A_769 = arith.addi %add3A_598, %add3A_768 : i32
      %get3A_770 = arith.index_cast %add3A_769 : i32 to index
      %get3A_771 = arith.constant 80 : index
      %get3A_772 = tpu.vector_load %arg7[%get3A_770, %get3A_771] {strides = array<i32>} : memref<200x128xf32, #tpu.memory_space<vmem>>, vector<1x16xf32>,
      %get3A_773 = vector.shape_cast %get3A_772 : vector<1x16xf32> to vector<16xf32>
      %swap3A_774 = arith.index_cast %add3A_767 : i32 to index
      %swap3A_775 = arith.constant 80 : index
      %swap3A_776 = tpu.vector_load %arg8[%swap3A_774, %swap3A_775] {strides = array<i32>} : memref<200x128xf32, #tpu.memory_space<vmem>>, vector<1x16xf32>,
      %swap3A_777 = vector.shape_cast %swap3A_776 : vector<1x16xf32> to vector<16xf32>
      %swap3A_778 = vector.shape_cast %get3A_773 : vector<16xf32> to vector<1x16xf32>
      tpu.vector_store %arg8[%swap3A_774, %swap3A_775], %swap3A_778 {add = true, strides = array<i32>} : memref<200x128xf32, #tpu.memory_space<vmem>>, vector<1x16xf32>,
      %add3A_779 = arith.constant 1 : i32
      %add3A_780 = arith.addi %add3A_598, %add3A_779 : i32
      %add3A_781 = arith.constant 1 : i32
      %add3A_782 = arith.addi %add3A_598, %add3A_781 : i32
      %get3A_783 = arith.index_cast %add3A_782 : i32 to index
      %get3A_784 = arith.constant 96 : index
      %get3A_785 = tpu.vector_load %arg7[%get3A_783, %get3A_784] {strides = array<i32>} : memref<200x128xf32, #tpu.memory_space<vmem>>, vector<1x16xf32>,
      %get3A_786 = vector.shape_cast %get3A_785 : vector<1x16xf32> to vector<16xf32>
      %swap3A_787 = arith.index_cast %add3A_780 : i32 to index
      %swap3A_788 = arith.constant 96 : index
      %swap3A_789 = tpu.vector_load %arg8[%swap3A_787, %swap3A_788] {strides = array<i32>} : memref<200x128xf32, #tpu.memory_space<vmem>>, vector<1x16xf32>,
      %swap3A_790 = vector.shape_cast %swap3A_789 : vector<1x16xf32> to vector<16xf32>
      %swap3A_791 = vector.shape_cast %get3A_786 : vector<16xf32> to vector<1x16xf32>
      tpu.vector_store %arg8[%swap3A_787, %swap3A_788], %swap3A_791 {add = true, strides = array<i32>} : memref<200x128xf32, #tpu.memory_space<vmem>>, vector<1x16xf32>,
      %add3A_792 = arith.constant 1 : i32
      %add3A_793 = arith.addi %add3A_598, %add3A_792 : i32
      %add3A_794 = arith.constant 1 : i32
      %add3A_795 = arith.addi %add3A_598, %add3A_794 : i32
      %get3A_796 = arith.index_cast %add3A_795 : i32 to index
      %get3A_797 = arith.constant 112 : index
      %get3A_798 = tpu.vector_load %arg7[%get3A_796, %get3A_797] {strides = array<i32>} : memref<200x128xf32, #tpu.memory_space<vmem>>, vector<1x16xf32>,
      %get3A_799 = vector.shape_cast %get3A_798 : vector<1x16xf32> to vector<16xf32>
      %swap3A_800 = arith.index_cast %add3A_793 : i32 to index
      %swap3A_801 = arith.constant 112 : index
      %swap3A_802 = tpu.vector_load %arg8[%swap3A_800, %swap3A_801] {strides = array<i32>} : memref<200x128xf32, #tpu.memory_space<vmem>>, vector<1x16xf32>,
      %swap3A_803 = vector.shape_cast %swap3A_802 : vector<1x16xf32> to vector<16xf32>
      %swap3A_804 = vector.shape_cast %get3A_799 : vector<16xf32> to vector<1x16xf32>
      tpu.vector_store %arg8[%swap3A_800, %swap3A_801], %swap3A_804 {add = true, strides = array<i32>} : memref<200x128xf32, #tpu.memory_space<vmem>>, vector<1x16xf32>,
      %scan3A_805 = arith.constant 0 : i32
      scf.yield %scan3A_805 : i32
    }
    %scan3A_58 = arith.constant 48 : i32
    %dma_start3A_59 = arith.constant 0 : i32
    %dma_start3A_60 = arith.constant 0 : i32
    %dma_start3A_61 = tpu.memref_slice %arg8[%dma_start3A_59, %dma_start3A_60] : memref<200x128xf32, #tpu.memory_space<vmem>> -> memref<96x128xf32, #tpu.memory_space<vmem>>
    %dma_start3A_62 = arith.constant 0 : i32
    %dma_start3A_63 = arith.constant 0 : i32
    %dma_start3A_64 = tpu.memref_slice %arg10[%arg1, %dma_start3A_62, %dma_start3A_63] : memref<16x96x128xf32, #tpu.memory_space<vmem_shared>> -> memref<1x96x128xf32, #tpu.memory_space<vmem_shared>>
    %dma_start3A_65 = tpu.memref_squeeze %dma_start3A_64 : memref<1x96x128xf32, #tpu.memory_space<vmem_shared>> -> memref<96x128xf32, #tpu.memory_space<vmem_shared>>
    %dma_start3A_66 = arith.constant 0 : i32
    %dma_start3A_67 = arith.constant 0 : i32
    %dma_start3A_68 = tpu.memref_slice %arg10[%arg1, %dma_start3A_66, %dma_start3A_67] : memref<16x96x128xf32, #tpu.memory_space<vmem_shared>> -> memref<1x96x128xf32, #tpu.memory_space<vmem_shared>>
    %dma_start3A_69 = tpu.memref_squeeze %dma_start3A_68 : memref<1x96x128xf32, #tpu.memory_space<vmem_shared>> -> memref<96x128xf32, #tpu.memory_space<vmem_shared>>
    %dma_start3A_70 = arith.constant 0 : i32
    %dma_start3A_71 = arith.constant 0 : i32
    %dma_start3A_72 = tpu.memref_slice %arg8[%dma_start3A_70, %dma_start3A_71] : memref<200x128xf32, #tpu.memory_space<vmem>> -> memref<96x128xf32, #tpu.memory_space<vmem>>
    tpu.enqueue_dma source(%dma_start3A_72 : memref<96x128xf32, #tpu.memory_space<vmem>>) target(%dma_start3A_69 : memref<96x128xf32, #tpu.memory_space<vmem_shared>>) target_semaphore(%arg16 : memref<!tpu.dma_semaphore, #tpu.memory_space<semaphore_mem>>)
    %dma_wait3A_73 = arith.constant 1 : i32
    %dma_wait3A_74 = arith.constant 100 : i32
    %dma_wait3A_75 = arith.constant 0 : i32
    %dma_wait3A_76 = tpu.memref_slice %arg8[%dma_wait3A_74, %dma_wait3A_75] : memref<200x128xf32, #tpu.memory_space<vmem>> -> memref<100x128xf32, #tpu.memory_space<vmem>>
    %dma_wait3A_77 = arith.constant 0 : i32
    %dma_wait3A_78 = tpu.memref_slice %arg6[%dma_wait3A_73, %dma_wait3A_77] : memref<64x100xi32, #tpu.memory_space<vmem>> -> memref<1x100xi32, #tpu.memory_space<vmem>>
    %dma_wait3A_79 = tpu.memref_squeeze %dma_wait3A_78 : memref<1x100xi32, #tpu.memory_space<vmem>> -> memref<100xi32, #tpu.memory_space<vmem>>
    %dma_wait3A_80 = arith.constant 0 : i32
    %dma_wait3A_81 = arith.constant 0 : i32
    %dma_wait3A_82 = tpu.memref_slice %arg2[%dma_wait3A_80, %dma_wait3A_81] : memref<100000x128xf32, #tpu.memory_space<hbm>> -> memref<100000x128xf32, #tpu.memory_space<hbm>>
    tpu.wait_indirect_dma semaphore(%arg13 : memref<!tpu.dma_semaphore, #tpu.memory_space<semaphore_mem>>) src(%dma_wait3A_82 : memref<100000x128xf32, #tpu.memory_space<hbm>>) dst(%dma_wait3A_76 : memref<100x128xf32, #tpu.memory_space<vmem>>)
    %scan3A_83 = arith.constant 0 : i32
    %scan3A_84 = arith.constant 0 : i32
    %scan3A_85 = arith.constant 52 : i32
    %scan3A_86 = arith.addi %scan3A_84, %scan3A_85 : i32
    %scan3A_87 = arith.constant 1 : i32
    %scan3A_88 = scf.for %scan3A_593 = %scan3A_84 to %scan3A_86 step %scan3A_87 iter_args(%scan3A_594 = %scan3A_83) -> (i32)  : i32 {
      %mul3A_595 = arith.constant 2 : i32
      %mul3A_596 = arith.muli %mul3A_595, %scan3A_593 : i32
      %add3A_597 = arith.constant 96 : i32
      %add3A_598 = arith.addi %add3A_597, %mul3A_596 : i32
      %add3A_599 = arith.constant 0 : i32
      %add3A_600 = arith.addi %add3A_598, %add3A_599 : i32
      %add3A_601 = arith.constant 0 : i32
      %add3A_602 = arith.addi %add3A_598, %add3A_601 : i32
      %get3A = arith.index_cast %add3A_602 : i32 to index
      %get3A_603 = arith.constant 0 : index
      %get3A_604 = tpu.vector_load %arg7[%get3A, %get3A_603] {strides = array<i32>} : memref<200x128xf32, #tpu.memory_space<vmem>>, vector<1x16xf32>,
      %get3A_605 = vector.shape_cast %get3A_604 : vector<1x16xf32> to vector<16xf32>
      %swap3A = arith.index_cast %add3A_600 : i32 to index
      %swap3A_606 = arith.constant 0 : index
      %swap3A_607 = tpu.vector_load %arg8[%swap3A, %swap3A_606] {strides = array<i32>} : memref<200x128xf32, #tpu.memory_space<vmem>>, vector<1x16xf32>,
      %swap3A_608 = vector.shape_cast %swap3A_607 : vector<1x16xf32> to vector<16xf32>
      %swap3A_609 = vector.shape_cast %get3A_605 : vector<16xf32> to vector<1x16xf32>
      tpu.vector_store %arg8[%swap3A, %swap3A_606], %swap3A_609 {add = true, strides = array<i32>} : memref<200x128xf32, #tpu.memory_space<vmem>>, vector<1x16xf32>,
      %add3A_610 = arith.constant 0 : i32
      %add3A_611 = arith.addi %add3A_598, %add3A_610 : i32
      %add3A_612 = arith.constant 0 : i32
      %add3A_613 = arith.addi %add3A_598, %add3A_612 : i32
      %get3A_614 = arith.index_cast %add3A_613 : i32 to index
      %get3A_615 = arith.constant 16 : index
      %get3A_616 = tpu.vector_load %arg7[%get3A_614, %get3A_615] {strides = array<i32>} : memref<200x128xf32, #tpu.memory_space<vmem>>, vector<1x16xf32>,
      %get3A_617 = vector.shape_cast %get3A_616 : vector<1x16xf32> to vector<16xf32>
      %swap3A_618 = arith.index_cast %add3A_611 : i32 to index
      %swap3A_619 = arith.constant 16 : index
      %swap3A_620 = tpu.vector_load %arg8[%swap3A_618, %swap3A_619] {strides = array<i32>} : memref<200x128xf32, #tpu.memory_space<vmem>>, vector<1x16xf32>,
      %swap3A_621 = vector.shape_cast %swap3A_620 : vector<1x16xf32> to vector<16xf32>
      %swap3A_622 = vector.shape_cast %get3A_617 : vector<16xf32> to vector<1x16xf32>
      tpu.vector_store %arg8[%swap3A_618, %swap3A_619], %swap3A_622 {add = true, strides = array<i32>} : memref<200x128xf32, #tpu.memory_space<vmem>>, vector<1x16xf32>,
      %add3A_623 = arith.constant 0 : i32
      %add3A_624 = arith.addi %add3A_598, %add3A_623 : i32
      %add3A_625 = arith.constant 0 : i32
      %add3A_626 = arith.addi %add3A_598, %add3A_625 : i32
      %get3A_627 = arith.index_cast %add3A_626 : i32 to index
      %get3A_628 = arith.constant 32 : index
      %get3A_629 = tpu.vector_load %arg7[%get3A_627, %get3A_628] {strides = array<i32>} : memref<200x128xf32, #tpu.memory_space<vmem>>, vector<1x16xf32>,
      %get3A_630 = vector.shape_cast %get3A_629 : vector<1x16xf32> to vector<16xf32>
      %swap3A_631 = arith.index_cast %add3A_624 : i32 to index
      %swap3A_632 = arith.constant 32 : index
      %swap3A_633 = tpu.vector_load %arg8[%swap3A_631, %swap3A_632] {strides = array<i32>} : memref<200x128xf32, #tpu.memory_space<vmem>>, vector<1x16xf32>,
      %swap3A_634 = vector.shape_cast %swap3A_633 : vector<1x16xf32> to vector<16xf32>
      %swap3A_635 = vector.shape_cast %get3A_630 : vector<16xf32> to vector<1x16xf32>
      tpu.vector_store %arg8[%swap3A_631, %swap3A_632], %swap3A_635 {add = true, strides = array<i32>} : memref<200x128xf32, #tpu.memory_space<vmem>>, vector<1x16xf32>,
      %add3A_636 = arith.constant 0 : i32
      %add3A_637 = arith.addi %add3A_598, %add3A_636 : i32
      %add3A_638 = arith.constant 0 : i32
      %add3A_639 = arith.addi %add3A_598, %add3A_638 : i32
      %get3A_640 = arith.index_cast %add3A_639 : i32 to index
      %get3A_641 = arith.constant 48 : index
      %get3A_642 = tpu.vector_load %arg7[%get3A_640, %get3A_641] {strides = array<i32>} : memref<200x128xf32, #tpu.memory_space<vmem>>, vector<1x16xf32>,
      %get3A_643 = vector.shape_cast %get3A_642 : vector<1x16xf32> to vector<16xf32>
      %swap3A_644 = arith.index_cast %add3A_637 : i32 to index
      %swap3A_645 = arith.constant 48 : index
      %swap3A_646 = tpu.vector_load %arg8[%swap3A_644, %swap3A_645] {strides = array<i32>} : memref<200x128xf32, #tpu.memory_space<vmem>>, vector<1x16xf32>,
      %swap3A_647 = vector.shape_cast %swap3A_646 : vector<1x16xf32> to vector<16xf32>
      %swap3A_648 = vector.shape_cast %get3A_643 : vector<16xf32> to vector<1x16xf32>
      tpu.vector_store %arg8[%swap3A_644, %swap3A_645], %swap3A_648 {add = true, strides = array<i32>} : memref<200x128xf32, #tpu.memory_space<vmem>>, vector<1x16xf32>,
      %add3A_649 = arith.constant 0 : i32
      %add3A_650 = arith.addi %add3A_598, %add3A_649 : i32
      %add3A_651 = arith.constant 0 : i32
      %add3A_652 = arith.addi %add3A_598, %add3A_651 : i32
      %get3A_653 = arith.index_cast %add3A_652 : i32 to index
      %get3A_654 = arith.constant 64 : index
      %get3A_655 = tpu.vector_load %arg7[%get3A_653, %get3A_654] {strides = array<i32>} : memref<200x128xf32, #tpu.memory_space<vmem>>, vector<1x16xf32>,
      %get3A_656 = vector.shape_cast %get3A_655 : vector<1x16xf32> to vector<16xf32>
      %swap3A_657 = arith.index_cast %add3A_650 : i32 to index
      %swap3A_658 = arith.constant 64 : index
      %swap3A_659 = tpu.vector_load %arg8[%swap3A_657, %swap3A_658] {strides = array<i32>} : memref<200x128xf32, #tpu.memory_space<vmem>>, vector<1x16xf32>,
      %swap3A_660 = vector.shape_cast %swap3A_659 : vector<1x16xf32> to vector<16xf32>
      %swap3A_661 = vector.shape_cast %get3A_656 : vector<16xf32> to vector<1x16xf32>
      tpu.vector_store %arg8[%swap3A_657, %swap3A_658], %swap3A_661 {add = true, strides = array<i32>} : memref<200x128xf32, #tpu.memory_space<vmem>>, vector<1x16xf32>,
      %add3A_662 = arith.constant 0 : i32
      %add3A_663 = arith.addi %add3A_598, %add3A_662 : i32
      %add3A_664 = arith.constant 0 : i32
      %add3A_665 = arith.addi %add3A_598, %add3A_664 : i32
      %get3A_666 = arith.index_cast %add3A_665 : i32 to index
      %get3A_667 = arith.constant 80 : index
      %get3A_668 = tpu.vector_load %arg7[%get3A_666, %get3A_667] {strides = array<i32>} : memref<200x128xf32, #tpu.memory_space<vmem>>, vector<1x16xf32>,
      %get3A_669 = vector.shape_cast %get3A_668 : vector<1x16xf32> to vector<16xf32>
      %swap3A_670 = arith.index_cast %add3A_663 : i32 to index
      %swap3A_671 = arith.constant 80 : index
      %swap3A_672 = tpu.vector_load %arg8[%swap3A_670, %swap3A_671] {strides = array<i32>} : memref<200x128xf32, #tpu.memory_space<vmem>>, vector<1x16xf32>,
      %swap3A_673 = vector.shape_cast %swap3A_672 : vector<1x16xf32> to vector<16xf32>
      %swap3A_674 = vector.shape_cast %get3A_669 : vector<16xf32> to vector<1x16xf32>
      tpu.vector_store %arg8[%swap3A_670, %swap3A_671], %swap3A_674 {add = true, strides = array<i32>} : memref<200x128xf32, #tpu.memory_space<vmem>>, vector<1x16xf32>,
      %add3A_675 = arith.constant 0 : i32
      %add3A_676 = arith.addi %add3A_598, %add3A_675 : i32
      %add3A_677 = arith.constant 0 : i32
      %add3A_678 = arith.addi %add3A_598, %add3A_677 : i32
      %get3A_679 = arith.index_cast %add3A_678 : i32 to index
      %get3A_680 = arith.constant 96 : index
      %get3A_681 = tpu.vector_load %arg7[%get3A_679, %get3A_680] {strides = array<i32>} : memref<200x128xf32, #tpu.memory_space<vmem>>, vector<1x16xf32>,
      %get3A_682 = vector.shape_cast %get3A_681 : vector<1x16xf32> to vector<16xf32>
      %swap3A_683 = arith.index_cast %add3A_676 : i32 to index
      %swap3A_684 = arith.constant 96 : index
      %swap3A_685 = tpu.vector_load %arg8[%swap3A_683, %swap3A_684] {strides = array<i32>} : memref<200x128xf32, #tpu.memory_space<vmem>>, vector<1x16xf32>,
      %swap3A_686 = vector.shape_cast %swap3A_685 : vector<1x16xf32> to vector<16xf32>
      %swap3A_687 = vector.shape_cast %get3A_682 : vector<16xf32> to vector<1x16xf32>
      tpu.vector_store %arg8[%swap3A_683, %swap3A_684], %swap3A_687 {add = true, strides = array<i32>} : memref<200x128xf32, #tpu.memory_space<vmem>>, vector<1x16xf32>,
      %add3A_688 = arith.constant 0 : i32
      %add3A_689 = arith.addi %add3A_598, %add3A_688 : i32
      %add3A_690 = arith.constant 0 : i32
      %add3A_691 = arith.addi %add3A_598, %add3A_690 : i32
      %get3A_692 = arith.index_cast %add3A_691 : i32 to index
      %get3A_693 = arith.constant 112 : index
      %get3A_694 = tpu.vector_load %arg7[%get3A_692, %get3A_693] {strides = array<i32>} : memref<200x128xf32, #tpu.memory_space<vmem>>, vector<1x16xf32>,
      %get3A_695 = vector.shape_cast %get3A_694 : vector<1x16xf32> to vector<16xf32>
      %swap3A_696 = arith.index_cast %add3A_689 : i32 to index
      %swap3A_697 = arith.constant 112 : index
      %swap3A_698 = tpu.vector_load %arg8[%swap3A_696, %swap3A_697] {strides = array<i32>} : memref<200x128xf32, #tpu.memory_space<vmem>>, vector<1x16xf32>,
      %swap3A_699 = vector.shape_cast %swap3A_698 : vector<1x16xf32> to vector<16xf32>
      %swap3A_700 = vector.shape_cast %get3A_695 : vector<16xf32> to vector<1x16xf32>
      tpu.vector_store %arg8[%swap3A_696, %swap3A_697], %swap3A_700 {add = true, strides = array<i32>} : memref<200x128xf32, #tpu.memory_space<vmem>>, vector<1x16xf32>,
      %add3A_701 = arith.constant 1 : i32
      %add3A_702 = arith.addi %add3A_598, %add3A_701 : i32
      %add3A_703 = arith.constant 1 : i32
      %add3A_704 = arith.addi %add3A_598, %add3A_703 : i32
      %get3A_705 = arith.index_cast %add3A_704 : i32 to index
      %get3A_706 = arith.constant 0 : index
      %get3A_707 = tpu.vector_load %arg7[%get3A_705, %get3A_706] {strides = array<i32>} : memref<200x128xf32, #tpu.memory_space<vmem>>, vector<1x16xf32>,
      %get3A_708 = vector.shape_cast %get3A_707 : vector<1x16xf32> to vector<16xf32>
      %swap3A_709 = arith.index_cast %add3A_702 : i32 to index
      %swap3A_710 = arith.constant 0 : index
      %swap3A_711 = tpu.vector_load %arg8[%swap3A_709, %swap3A_710] {strides = array<i32>} : memref<200x128xf32, #tpu.memory_space<vmem>>, vector<1x16xf32>,
      %swap3A_712 = vector.shape_cast %swap3A_711 : vector<1x16xf32> to vector<16xf32>
      %swap3A_713 = vector.shape_cast %get3A_708 : vector<16xf32> to vector<1x16xf32>
      tpu.vector_store %arg8[%swap3A_709, %swap3A_710], %swap3A_713 {add = true, strides = array<i32>} : memref<200x128xf32, #tpu.memory_space<vmem>>, vector<1x16xf32>,
      %add3A_714 = arith.constant 1 : i32
      %add3A_715 = arith.addi %add3A_598, %add3A_714 : i32
      %add3A_716 = arith.constant 1 : i32
      %add3A_717 = arith.addi %add3A_598, %add3A_716 : i32
      %get3A_718 = arith.index_cast %add3A_717 : i32 to index
      %get3A_719 = arith.constant 16 : index
      %get3A_720 = tpu.vector_load %arg7[%get3A_718, %get3A_719] {strides = array<i32>} : memref<200x128xf32, #tpu.memory_space<vmem>>, vector<1x16xf32>,
      %get3A_721 = vector.shape_cast %get3A_720 : vector<1x16xf32> to vector<16xf32>
      %swap3A_722 = arith.index_cast %add3A_715 : i32 to index
      %swap3A_723 = arith.constant 16 : index
      %swap3A_724 = tpu.vector_load %arg8[%swap3A_722, %swap3A_723] {strides = array<i32>} : memref<200x128xf32, #tpu.memory_space<vmem>>, vector<1x16xf32>,
      %swap3A_725 = vector.shape_cast %swap3A_724 : vector<1x16xf32> to vector<16xf32>
      %swap3A_726 = vector.shape_cast %get3A_721 : vector<16xf32> to vector<1x16xf32>
      tpu.vector_store %arg8[%swap3A_722, %swap3A_723], %swap3A_726 {add = true, strides = array<i32>} : memref<200x128xf32, #tpu.memory_space<vmem>>, vector<1x16xf32>,
      %add3A_727 = arith.constant 1 : i32
      %add3A_728 = arith.addi %add3A_598, %add3A_727 : i32
      %add3A_729 = arith.constant 1 : i32
      %add3A_730 = arith.addi %add3A_598, %add3A_729 : i32
      %get3A_731 = arith.index_cast %add3A_730 : i32 to index
      %get3A_732 = arith.constant 32 : index
      %get3A_733 = tpu.vector_load %arg7[%get3A_731, %get3A_732] {strides = array<i32>} : memref<200x128xf32, #tpu.memory_space<vmem>>, vector<1x16xf32>,
      %get3A_734 = vector.shape_cast %get3A_733 : vector<1x16xf32> to vector<16xf32>
      %swap3A_735 = arith.index_cast %add3A_728 : i32 to index
      %swap3A_736 = arith.constant 32 : index
      %swap3A_737 = tpu.vector_load %arg8[%swap3A_735, %swap3A_736] {strides = array<i32>} : memref<200x128xf32, #tpu.memory_space<vmem>>, vector<1x16xf32>,
      %swap3A_738 = vector.shape_cast %swap3A_737 : vector<1x16xf32> to vector<16xf32>
      %swap3A_739 = vector.shape_cast %get3A_734 : vector<16xf32> to vector<1x16xf32>
      tpu.vector_store %arg8[%swap3A_735, %swap3A_736], %swap3A_739 {add = true, strides = array<i32>} : memref<200x128xf32, #tpu.memory_space<vmem>>, vector<1x16xf32>,
      %add3A_740 = arith.constant 1 : i32
      %add3A_741 = arith.addi %add3A_598, %add3A_740 : i32
      %add3A_742 = arith.constant 1 : i32
      %add3A_743 = arith.addi %add3A_598, %add3A_742 : i32
      %get3A_744 = arith.index_cast %add3A_743 : i32 to index
      %get3A_745 = arith.constant 48 : index
      %get3A_746 = tpu.vector_load %arg7[%get3A_744, %get3A_745] {strides = array<i32>} : memref<200x128xf32, #tpu.memory_space<vmem>>, vector<1x16xf32>,
      %get3A_747 = vector.shape_cast %get3A_746 : vector<1x16xf32> to vector<16xf32>
      %swap3A_748 = arith.index_cast %add3A_741 : i32 to index
      %swap3A_749 = arith.constant 48 : index
      %swap3A_750 = tpu.vector_load %arg8[%swap3A_748, %swap3A_749] {strides = array<i32>} : memref<200x128xf32, #tpu.memory_space<vmem>>, vector<1x16xf32>,
      %swap3A_751 = vector.shape_cast %swap3A_750 : vector<1x16xf32> to vector<16xf32>
      %swap3A_752 = vector.shape_cast %get3A_747 : vector<16xf32> to vector<1x16xf32>
      tpu.vector_store %arg8[%swap3A_748, %swap3A_749], %swap3A_752 {add = true, strides = array<i32>} : memref<200x128xf32, #tpu.memory_space<vmem>>, vector<1x16xf32>,
      %add3A_753 = arith.constant 1 : i32
      %add3A_754 = arith.addi %add3A_598, %add3A_753 : i32
      %add3A_755 = arith.constant 1 : i32
      %add3A_756 = arith.addi %add3A_598, %add3A_755 : i32
      %get3A_757 = arith.index_cast %add3A_756 : i32 to index
      %get3A_758 = arith.constant 64 : index
      %get3A_759 = tpu.vector_load %arg7[%get3A_757, %get3A_758] {strides = array<i32>} : memref<200x128xf32, #tpu.memory_space<vmem>>, vector<1x16xf32>,
      %get3A_760 = vector.shape_cast %get3A_759 : vector<1x16xf32> to vector<16xf32>
      %swap3A_761 = arith.index_cast %add3A_754 : i32 to index
      %swap3A_762 = arith.constant 64 : index
      %swap3A_763 = tpu.vector_load %arg8[%swap3A_761, %swap3A_762] {strides = array<i32>} : memref<200x128xf32, #tpu.memory_space<vmem>>, vector<1x16xf32>,
      %swap3A_764 = vector.shape_cast %swap3A_763 : vector<1x16xf32> to vector<16xf32>
      %swap3A_765 = vector.shape_cast %get3A_760 : vector<16xf32> to vector<1x16xf32>
      tpu.vector_store %arg8[%swap3A_761, %swap3A_762], %swap3A_765 {add = true, strides = array<i32>} : memref<200x128xf32, #tpu.memory_space<vmem>>, vector<1x16xf32>,
      %add3A_766 = arith.constant 1 : i32
      %add3A_767 = arith.addi %add3A_598, %add3A_766 : i32
      %add3A_768 = arith.constant 1 : i32
      %add3A_769 = arith.addi %add3A_598, %add3A_768 : i32
      %get3A_770 = arith.index_cast %add3A_769 : i32 to index
      %get3A_771 = arith.constant 80 : index
      %get3A_772 = tpu.vector_load %arg7[%get3A_770, %get3A_771] {strides = array<i32>} : memref<200x128xf32, #tpu.memory_space<vmem>>, vector<1x16xf32>,
      %get3A_773 = vector.shape_cast %get3A_772 : vector<1x16xf32> to vector<16xf32>
      %swap3A_774 = arith.index_cast %add3A_767 : i32 to index
      %swap3A_775 = arith.constant 80 : index
      %swap3A_776 = tpu.vector_load %arg8[%swap3A_774, %swap3A_775] {strides = array<i32>} : memref<200x128xf32, #tpu.memory_space<vmem>>, vector<1x16xf32>,
      %swap3A_777 = vector.shape_cast %swap3A_776 : vector<1x16xf32> to vector<16xf32>
      %swap3A_778 = vector.shape_cast %get3A_773 : vector<16xf32> to vector<1x16xf32>
      tpu.vector_store %arg8[%swap3A_774, %swap3A_775], %swap3A_778 {add = true, strides = array<i32>} : memref<200x128xf32, #tpu.memory_space<vmem>>, vector<1x16xf32>,
      %add3A_779 = arith.constant 1 : i32
      %add3A_780 = arith.addi %add3A_598, %add3A_779 : i32
      %add3A_781 = arith.constant 1 : i32
      %add3A_782 = arith.addi %add3A_598, %add3A_781 : i32
      %get3A_783 = arith.index_cast %add3A_782 : i32 to index
      %get3A_784 = arith.constant 96 : index
      %get3A_785 = tpu.vector_load %arg7[%get3A_783, %get3A_784] {strides = array<i32>} : memref<200x128xf32, #tpu.memory_space<vmem>>, vector<1x16xf32>,
      %get3A_786 = vector.shape_cast %get3A_785 : vector<1x16xf32> to vector<16xf32>
      %swap3A_787 = arith.index_cast %add3A_780 : i32 to index
      %swap3A_788 = arith.constant 96 : index
      %swap3A_789 = tpu.vector_load %arg8[%swap3A_787, %swap3A_788] {strides = array<i32>} : memref<200x128xf32, #tpu.memory_space<vmem>>, vector<1x16xf32>,
      %swap3A_790 = vector.shape_cast %swap3A_789 : vector<1x16xf32> to vector<16xf32>
      %swap3A_791 = vector.shape_cast %get3A_786 : vector<16xf32> to vector<1x16xf32>
      tpu.vector_store %arg8[%swap3A_787, %swap3A_788], %swap3A_791 {add = true, strides = array<i32>} : memref<200x128xf32, #tpu.memory_space<vmem>>, vector<1x16xf32>,
      %add3A_792 = arith.constant 1 : i32
      %add3A_793 = arith.addi %add3A_598, %add3A_792 : i32
      %add3A_794 = arith.constant 1 : i32
      %add3A_795 = arith.addi %add3A_598, %add3A_794 : i32
      %get3A_796 = arith.index_cast %add3A_795 : i32 to index
      %get3A_797 = arith.constant 112 : index
      %get3A_798 = tpu.vector_load %arg7[%get3A_796, %get3A_797] {strides = array<i32>} : memref<200x128xf32, #tpu.memory_space<vmem>>, vector<1x16xf32>,
      %get3A_799 = vector.shape_cast %get3A_798 : vector<1x16xf32> to vector<16xf32>
      %swap3A_800 = arith.index_cast %add3A_793 : i32 to index
      %swap3A_801 = arith.constant 112 : index
      %swap3A_802 = tpu.vector_load %arg8[%swap3A_800, %swap3A_801] {strides = array<i32>} : memref<200x128xf32, #tpu.memory_space<vmem>>, vector<1x16xf32>,
      %swap3A_803 = vector.shape_cast %swap3A_802 : vector<1x16xf32> to vector<16xf32>
      %swap3A_804 = vector.shape_cast %get3A_799 : vector<16xf32> to vector<1x16xf32>
      tpu.vector_store %arg8[%swap3A_800, %swap3A_801], %swap3A_804 {add = true, strides = array<i32>} : memref<200x128xf32, #tpu.memory_space<vmem>>, vector<1x16xf32>,
      %scan3A_805 = arith.constant 0 : i32
      scf.yield %scan3A_805 : i32
    }
    %scan3A_89 = arith.constant 52 : i32
    %dma_start3A_90 = arith.constant 96 : i32
    %dma_start3A_91 = arith.constant 0 : i32
    %dma_start3A_92 = tpu.memref_slice %arg8[%dma_start3A_90, %dma_start3A_91] : memref<200x128xf32, #tpu.memory_space<vmem>> -> memref<104x128xf32, #tpu.memory_space<vmem>>
    %dma_start3A_93 = arith.constant 0 : i32
    %dma_start3A_94 = arith.constant 0 : i32
    %dma_start3A_95 = tpu.memref_slice %arg11[%arg1, %dma_start3A_93, %dma_start3A_94] : memref<16x104x128xf32, #tpu.memory_space<vmem_shared>> -> memref<1x104x128xf32, #tpu.memory_space<vmem_shared>>
    %dma_start3A_96 = tpu.memref_squeeze %dma_start3A_95 : memref<1x104x128xf32, #tpu.memory_space<vmem_shared>> -> memref<104x128xf32, #tpu.memory_space<vmem_shared>>
    %dma_start3A_97 = arith.constant 0 : i32
    %dma_start3A_98 = arith.constant 0 : i32
    %dma_start3A_99 = tpu.memref_slice %arg11[%arg1, %dma_start3A_97, %dma_start3A_98] : memref<16x104x128xf32, #tpu.memory_space<vmem_shared>> -> memref<1x104x128xf32, #tpu.memory_space<vmem_shared>>
    %dma_start3A_100 = tpu.memref_squeeze %dma_start3A_99 : memref<1x104x128xf32, #tpu.memory_space<vmem_shared>> -> memref<104x128xf32, #tpu.memory_space<vmem_shared>>
    %dma_start3A_101 = arith.constant 96 : i32
    %dma_start3A_102 = arith.constant 0 : i32
    %dma_start3A_103 = tpu.memref_slice %arg8[%dma_start3A_101, %dma_start3A_102] : memref<200x128xf32, #tpu.memory_space<vmem>> -> memref<104x128xf32, #tpu.memory_space<vmem>>
    tpu.enqueue_dma source(%dma_start3A_103 : memref<104x128xf32, #tpu.memory_space<vmem>>) target(%dma_start3A_100 : memref<104x128xf32, #tpu.memory_space<vmem_shared>>) target_semaphore(%arg17 : memref<!tpu.dma_semaphore, #tpu.memory_space<semaphore_mem>>)
    %dma_wait3A_104 = arith.constant 0 : i32
    %dma_wait3A_105 = arith.constant 0 : i32
    %dma_wait3A_106 = tpu.memref_slice %arg8[%dma_wait3A_104, %dma_wait3A_105] : memref<200x128xf32, #tpu.memory_space<vmem>> -> memref<96x128xf32, #tpu.memory_space<vmem>>
    %dma_wait3A_107 = arith.constant 0 : i32
    %dma_wait3A_108 = arith.constant 0 : i32
    %dma_wait3A_109 = tpu.memref_slice %arg10[%arg1, %dma_wait3A_107, %dma_wait3A_108] : memref<16x96x128xf32, #tpu.memory_space<vmem_shared>> -> memref<1x96x128xf32, #tpu.memory_space<vmem_shared>>
    %dma_wait3A_110 = tpu.memref_squeeze %dma_wait3A_109 : memref<1x96x128xf32, #tpu.memory_space<vmem_shared>> -> memref<96x128xf32, #tpu.memory_space<vmem_shared>>
    %dma_wait3A_111 = arith.constant 0 : i32
    %dma_wait3A_112 = arith.constant 0 : i32
    %dma_wait3A_113 = tpu.memref_slice %arg10[%arg1, %dma_wait3A_111, %dma_wait3A_112] : memref<16x96x128xf32, #tpu.memory_space<vmem_shared>> -> memref<1x96x128xf32, #tpu.memory_space<vmem_shared>>
    %dma_wait3A_114 = tpu.memref_squeeze %dma_wait3A_113 : memref<1x96x128xf32, #tpu.memory_space<vmem_shared>> -> memref<96x128xf32, #tpu.memory_space<vmem_shared>>
    %dma_wait3A_115 = arith.constant 0 : i32
    %dma_wait3A_116 = arith.constant 0 : i32
    %dma_wait3A_117 = tpu.memref_slice %arg8[%dma_wait3A_115, %dma_wait3A_116] : memref<200x128xf32, #tpu.memory_space<vmem>> -> memref<96x128xf32, #tpu.memory_space<vmem>>
    tpu.wait_dma2 semaphore(%arg16 : memref<!tpu.dma_semaphore, #tpu.memory_space<semaphore_mem>>) src(%dma_wait3A_117 : memref<96x128xf32, #tpu.memory_space<vmem>>) dst(%dma_wait3A_114 : memref<96x128xf32, #tpu.memory_space<vmem_shared>>)
    %add3A_118 = arith.constant 0 : i32
    %add3A_119 = arith.addi %mul3A_2, %add3A_118 : i32
    %dma_start3A_120 = arith.constant 0 : i32
    %dma_start3A_121 = tpu.memref_slice %arg5[%add3A_119, %dma_start3A_120] : memref<204800x128xf32, #tpu.memory_space<hbm>> -> memref<96x128xf32, #tpu.memory_space<hbm>>
    %dma_start3A_122 = arith.constant 0 : i32
    %dma_start3A_123 = arith.constant 0 : i32
    %dma_start3A_124 = tpu.memref_slice %arg10[%arg1, %dma_start3A_122, %dma_start3A_123] : memref<16x96x128xf32, #tpu.memory_space<vmem_shared>> -> memref<1x96x128xf32, #tpu.memory_space<vmem_shared>>
    %dma_start3A_125 = tpu.memref_squeeze %dma_start3A_124 : memref<1x96x128xf32, #tpu.memory_space<vmem_shared>> -> memref<96x128xf32, #tpu.memory_space<vmem_shared>>
    tpu.enqueue_dma source(%dma_start3A_125 : memref<96x128xf32, #tpu.memory_space<vmem_shared>>) target(%dma_start3A_121 : memref<96x128xf32, #tpu.memory_space<hbm>>) target_semaphore(%arg18 : memref<!tpu.dma_semaphore, #tpu.memory_space<semaphore_mem>>)
    %dma_wait3A_126 = arith.constant 96 : i32
    %dma_wait3A_127 = arith.constant 0 : i32
    %dma_wait3A_128 = tpu.memref_slice %arg8[%dma_wait3A_126, %dma_wait3A_127] : memref<200x128xf32, #tpu.memory_space<vmem>> -> memref<104x128xf32, #tpu.memory_space<vmem>>
    %dma_wait3A_129 = arith.constant 0 : i32
    %dma_wait3A_130 = arith.constant 0 : i32
    %dma_wait3A_131 = tpu.memref_slice %arg11[%arg1, %dma_wait3A_129, %dma_wait3A_130] : memref<16x104x128xf32, #tpu.memory_space<vmem_shared>> -> memref<1x104x128xf32, #tpu.memory_space<vmem_shared>>
    %dma_wait3A_132 = tpu.memref_squeeze %dma_wait3A_131 : memref<1x104x128xf32, #tpu.memory_space<vmem_shared>> -> memref<104x128xf32, #tpu.memory_space<vmem_shared>>
    %dma_wait3A_133 = arith.constant 0 : i32
    %dma_wait3A_134 = arith.constant 0 : i32
    %dma_wait3A_135 = tpu.memref_slice %arg11[%arg1, %dma_wait3A_133, %dma_wait3A_134] : memref<16x104x128xf32, #tpu.memory_space<vmem_shared>> -> memref<1x104x128xf32, #tpu.memory_space<vmem_shared>>
    %dma_wait3A_136 = tpu.memref_squeeze %dma_wait3A_135 : memref<1x104x128xf32, #tpu.memory_space<vmem_shared>> -> memref<104x128xf32, #tpu.memory_space<vmem_shared>>
    %dma_wait3A_137 = arith.constant 96 : i32
    %dma_wait3A_138 = arith.constant 0 : i32
    %dma_wait3A_139 = tpu.memref_slice %arg8[%dma_wait3A_137, %dma_wait3A_138] : memref<200x128xf32, #tpu.memory_space<vmem>> -> memref<104x128xf32, #tpu.memory_space<vmem>>
    tpu.wait_dma2 semaphore(%arg17 : memref<!tpu.dma_semaphore, #tpu.memory_space<semaphore_mem>>) src(%dma_wait3A_139 : memref<104x128xf32, #tpu.memory_space<vmem>>) dst(%dma_wait3A_136 : memref<104x128xf32, #tpu.memory_space<vmem_shared>>)
    %add3A_140 = arith.constant 0 : i32
    %add3A_141 = arith.addi %mul3A_2, %add3A_140 : i32
    %add3A_142 = arith.constant 96 : i32
    %add3A_143 = arith.addi %add3A_141, %add3A_142 : i32
    %dma_start3A_144 = arith.constant 0 : i32
    %dma_start3A_145 = tpu.memref_slice %arg5[%add3A_143, %dma_start3A_144] : memref<204800x128xf32, #tpu.memory_space<hbm>> -> memref<104x128xf32, #tpu.memory_space<hbm>>
    %dma_start3A_146 = arith.constant 0 : i32
    %dma_start3A_147 = arith.constant 0 : i32
    %dma_start3A_148 = tpu.memref_slice %arg11[%arg1, %dma_start3A_146, %dma_start3A_147] : memref<16x104x128xf32, #tpu.memory_space<vmem_shared>> -> memref<1x104x128xf32, #tpu.memory_space<vmem_shared>>
    %dma_start3A_149 = tpu.memref_squeeze %dma_start3A_148 : memref<1x104x128xf32, #tpu.memory_space<vmem_shared>> -> memref<104x128xf32, #tpu.memory_space<vmem_shared>>
    tpu.enqueue_dma source(%dma_start3A_149 : memref<104x128xf32, #tpu.memory_space<vmem_shared>>) target(%dma_start3A_145 : memref<104x128xf32, #tpu.memory_space<hbm>>) target_semaphore(%arg19 : memref<!tpu.dma_semaphore, #tpu.memory_space<semaphore_mem>>)
    %dma_start3A_150 = arith.constant 4 : i32
    %dma_start3A_151 = arith.constant 0 : i32
    %dma_start3A_152 = arith.constant 0 : i32
    %dma_start3A_153 = tpu.memref_slice %arg8[%dma_start3A_151, %dma_start3A_152] : memref<200x128xf32, #tpu.memory_space<vmem>> -> memref<100x128xf32, #tpu.memory_space<vmem>>
    %dma_start3A_154 = arith.constant 0 : i32
    %dma_start3A_155 = tpu.memref_slice %arg6[%dma_start3A_150, %dma_start3A_154] : memref<64x100xi32, #tpu.memory_space<vmem>> -> memref<1x100xi32, #tpu.memory_space<vmem>>
    %dma_start3A_156 = tpu.memref_squeeze %dma_start3A_155 : memref<1x100xi32, #tpu.memory_space<vmem>> -> memref<100xi32, #tpu.memory_space<vmem>>
    %dma_start3A_157 = arith.constant 0 : i32
    %dma_start3A_158 = arith.constant 0 : i32
    %dma_start3A_159 = tpu.memref_slice %arg2[%dma_start3A_157, %dma_start3A_158] : memref<100000x128xf32, #tpu.memory_space<hbm>> -> memref<100000x128xf32, #tpu.memory_space<hbm>>
    tpu.enqueue_indirect_dma source(%dma_start3A_159 : memref<100000x128xf32, #tpu.memory_space<hbm>>) target(%dma_start3A_153 : memref<100x128xf32, #tpu.memory_space<vmem>>) offsets(%dma_start3A_156 : memref<100xi32, #tpu.memory_space<vmem>>) semaphore(%arg12 : memref<!tpu.dma_semaphore, #tpu.memory_space<semaphore_mem>>)
    %dma_start3A_160 = arith.constant 5 : i32
    %dma_start3A_161 = arith.constant 100 : i32
    %dma_start3A_162 = arith.constant 0 : i32
    %dma_start3A_163 = tpu.memref_slice %arg8[%dma_start3A_161, %dma_start3A_162] : memref<200x128xf32, #tpu.memory_space<vmem>> -> memref<100x128xf32, #tpu.memory_space<vmem>>
    %dma_start3A_164 = arith.constant 0 : i32
    %dma_start3A_165 = tpu.memref_slice %arg6[%dma_start3A_160, %dma_start3A_164] : memref<64x100xi32, #tpu.memory_space<vmem>> -> memref<1x100xi32, #tpu.memory_space<vmem>>
    %dma_start3A_166 = tpu.memref_squeeze %dma_start3A_165 : memref<1x100xi32, #tpu.memory_space<vmem>> -> memref<100xi32, #tpu.memory_space<vmem>>
    %dma_start3A_167 = arith.constant 0 : i32
    %dma_start3A_168 = arith.constant 0 : i32
    %dma_start3A_169 = tpu.memref_slice %arg2[%dma_start3A_167, %dma_start3A_168] : memref<100000x128xf32, #tpu.memory_space<hbm>> -> memref<100000x128xf32, #tpu.memory_space<hbm>>
    tpu.enqueue_indirect_dma source(%dma_start3A_169 : memref<100000x128xf32, #tpu.memory_space<hbm>>) target(%dma_start3A_163 : memref<100x128xf32, #tpu.memory_space<vmem>>) offsets(%dma_start3A_166 : memref<100xi32, #tpu.memory_space<vmem>>) semaphore(%arg13 : memref<!tpu.dma_semaphore, #tpu.memory_space<semaphore_mem>>)
    %scan3A_170 = arith.constant 0 : i32
    %scan3A_171 = arith.constant 0 : i32
    %scan3A_172 = arith.constant 14 : i32
    %scan3A_173 = arith.addi %scan3A_171, %scan3A_172 : i32
    %scan3A_174 = arith.constant 1 : i32
    %scan3A_175 = scf.for %scan3A_593 = %scan3A_171 to %scan3A_173 step %scan3A_174 iter_args(%scan3A_594 = %scan3A_170) -> (i32)  : i32 {
      %mul3A_595 = arith.constant 2 : i32
      %mul3A_596 = arith.muli %mul3A_595, %scan3A_593 : i32
      %add3A_597 = arith.constant 1 : i32
      %add3A_598 = arith.addi %add3A_597, %mul3A_596 : i32
      %add3A_599 = arith.constant 0 : i32
      %add3A_600 = arith.addi %add3A_598, %add3A_599 : i32
      %mul3A_601 = arith.constant 2 : i32
      %mul3A_602 = arith.muli %mul3A_601, %add3A_600 : i32
      %dma_wait3A_603 = arith.constant 0 : i32
      %dma_wait3A_604 = arith.constant 0 : i32
      %dma_wait3A_605 = tpu.memref_slice %arg9[%dma_wait3A_603, %dma_wait3A_604] : memref<200x128xf32, #tpu.memory_space<vmem>> -> memref<100x128xf32, #tpu.memory_space<vmem>>
      %dma_wait3A_606 = arith.constant 0 : i32
      %dma_wait3A_607 = tpu.memref_slice %arg6[%mul3A_602, %dma_wait3A_606] : memref<64x100xi32, #tpu.memory_space<vmem>> -> memref<1x100xi32, #tpu.memory_space<vmem>>
      %dma_wait3A_608 = tpu.memref_squeeze %dma_wait3A_607 : memref<1x100xi32, #tpu.memory_space<vmem>> -> memref<100xi32, #tpu.memory_space<vmem>>
      %dma_wait3A_609 = arith.constant 0 : i32
      %dma_wait3A_610 = arith.constant 0 : i32
      %dma_wait3A_611 = tpu.memref_slice %arg2[%dma_wait3A_609, %dma_wait3A_610] : memref<100000x128xf32, #tpu.memory_space<hbm>> -> memref<100000x128xf32, #tpu.memory_space<hbm>>
      tpu.wait_indirect_dma semaphore(%arg14 : memref<!tpu.dma_semaphore, #tpu.memory_space<semaphore_mem>>) src(%dma_wait3A_611 : memref<100000x128xf32, #tpu.memory_space<hbm>>) dst(%dma_wait3A_605 : memref<100x128xf32, #tpu.memory_space<vmem>>)
      %scan3A_612 = arith.constant 0 : i32
      %scan3A_613 = arith.constant 0 : i32
      %scan3A_614 = arith.constant 48 : i32
      %scan3A_615 = arith.addi %scan3A_613, %scan3A_614 : i32
      %scan3A_616 = arith.constant 1 : i32
      %scan3A_617 = scf.for %scan3A_935 = %scan3A_613 to %scan3A_615 step %scan3A_616 iter_args(%scan3A_936 = %scan3A_612) -> (i32)  : i32 {
        %mul3A_937 = arith.constant 2 : i32
        %mul3A_938 = arith.muli %mul3A_937, %scan3A_935 : i32
        %add3A_939 = arith.constant 0 : i32
        %add3A_940 = arith.addi %add3A_939, %mul3A_938 : i32
        %add3A_941 = arith.constant 0 : i32
        %add3A_942 = arith.addi %add3A_940, %add3A_941 : i32
        %add3A_943 = arith.constant 0 : i32
        %add3A_944 = arith.addi %add3A_940, %add3A_943 : i32
        %get3A = arith.index_cast %add3A_944 : i32 to index
        %get3A_945 = arith.constant 0 : index
        %get3A_946 = tpu.vector_load %arg7[%get3A, %get3A_945] {strides = array<i32>} : memref<200x128xf32, #tpu.memory_space<vmem>>, vector<1x16xf32>,
        %get3A_947 = vector.shape_cast %get3A_946 : vector<1x16xf32> to vector<16xf32>
        %swap3A = arith.index_cast %add3A_942 : i32 to index
        %swap3A_948 = arith.constant 0 : index
        %swap3A_949 = tpu.vector_load %arg9[%swap3A, %swap3A_948] {strides = array<i32>} : memref<200x128xf32, #tpu.memory_space<vmem>>, vector<1x16xf32>,
        %swap3A_950 = vector.shape_cast %swap3A_949 : vector<1x16xf32> to vector<16xf32>
        %swap3A_951 = vector.shape_cast %get3A_947 : vector<16xf32> to vector<1x16xf32>
        tpu.vector_store %arg9[%swap3A, %swap3A_948], %swap3A_951 {add = true, strides = array<i32>} : memref<200x128xf32, #tpu.memory_space<vmem>>, vector<1x16xf32>,
        %add3A_952 = arith.constant 0 : i32
        %add3A_953 = arith.addi %add3A_940, %add3A_952 : i32
        %add3A_954 = arith.constant 0 : i32
        %add3A_955 = arith.addi %add3A_940, %add3A_954 : i32
        %get3A_956 = arith.index_cast %add3A_955 : i32 to index
        %get3A_957 = arith.constant 16 : index
        %get3A_958 = tpu.vector_load %arg7[%get3A_956, %get3A_957] {strides = array<i32>} : memref<200x128xf32, #tpu.memory_space<vmem>>, vector<1x16xf32>,
        %get3A_959 = vector.shape_cast %get3A_958 : vector<1x16xf32> to vector<16xf32>
        %swap3A_960 = arith.index_cast %add3A_953 : i32 to index
        %swap3A_961 = arith.constant 16 : index
        %swap3A_962 = tpu.vector_load %arg9[%swap3A_960, %swap3A_961] {strides = array<i32>} : memref<200x128xf32, #tpu.memory_space<vmem>>, vector<1x16xf32>,
        %swap3A_963 = vector.shape_cast %swap3A_962 : vector<1x16xf32> to vector<16xf32>
        %swap3A_964 = vector.shape_cast %get3A_959 : vector<16xf32> to vector<1x16xf32>
        tpu.vector_store %arg9[%swap3A_960, %swap3A_961], %swap3A_964 {add = true, strides = array<i32>} : memref<200x128xf32, #tpu.memory_space<vmem>>, vector<1x16xf32>,
        %add3A_965 = arith.constant 0 : i32
        %add3A_966 = arith.addi %add3A_940, %add3A_965 : i32
        %add3A_967 = arith.constant 0 : i32
        %add3A_968 = arith.addi %add3A_940, %add3A_967 : i32
        %get3A_969 = arith.index_cast %add3A_968 : i32 to index
        %get3A_970 = arith.constant 32 : index
        %get3A_971 = tpu.vector_load %arg7[%get3A_969, %get3A_970] {strides = array<i32>} : memref<200x128xf32, #tpu.memory_space<vmem>>, vector<1x16xf32>,
        %get3A_972 = vector.shape_cast %get3A_971 : vector<1x16xf32> to vector<16xf32>
        %swap3A_973 = arith.index_cast %add3A_966 : i32 to index
        %swap3A_974 = arith.constant 32 : index
        %swap3A_975 = tpu.vector_load %arg9[%swap3A_973, %swap3A_974] {strides = array<i32>} : memref<200x128xf32, #tpu.memory_space<vmem>>, vector<1x16xf32>,
        %swap3A_976 = vector.shape_cast %swap3A_975 : vector<1x16xf32> to vector<16xf32>
        %swap3A_977 = vector.shape_cast %get3A_972 : vector<16xf32> to vector<1x16xf32>
        tpu.vector_store %arg9[%swap3A_973, %swap3A_974], %swap3A_977 {add = true, strides = array<i32>} : memref<200x128xf32, #tpu.memory_space<vmem>>, vector<1x16xf32>,
        %add3A_978 = arith.constant 0 : i32
        %add3A_979 = arith.addi %add3A_940, %add3A_978 : i32
        %add3A_980 = arith.constant 0 : i32
        %add3A_981 = arith.addi %add3A_940, %add3A_980 : i32
        %get3A_982 = arith.index_cast %add3A_981 : i32 to index
        %get3A_983 = arith.constant 48 : index
        %get3A_984 = tpu.vector_load %arg7[%get3A_982, %get3A_983] {strides = array<i32>} : memref<200x128xf32, #tpu.memory_space<vmem>>, vector<1x16xf32>,
        %get3A_985 = vector.shape_cast %get3A_984 : vector<1x16xf32> to vector<16xf32>
        %swap3A_986 = arith.index_cast %add3A_979 : i32 to index
        %swap3A_987 = arith.constant 48 : index
        %swap3A_988 = tpu.vector_load %arg9[%swap3A_986, %swap3A_987] {strides = array<i32>} : memref<200x128xf32, #tpu.memory_space<vmem>>, vector<1x16xf32>,
        %swap3A_989 = vector.shape_cast %swap3A_988 : vector<1x16xf32> to vector<16xf32>
        %swap3A_990 = vector.shape_cast %get3A_985 : vector<16xf32> to vector<1x16xf32>
        tpu.vector_store %arg9[%swap3A_986, %swap3A_987], %swap3A_990 {add = true, strides = array<i32>} : memref<200x128xf32, #tpu.memory_space<vmem>>, vector<1x16xf32>,
        %add3A_991 = arith.constant 0 : i32
        %add3A_992 = arith.addi %add3A_940, %add3A_991 : i32
        %add3A_993 = arith.constant 0 : i32
        %add3A_994 = arith.addi %add3A_940, %add3A_993 : i32
        %get3A_995 = arith.index_cast %add3A_994 : i32 to index
        %get3A_996 = arith.constant 64 : index
        %get3A_997 = tpu.vector_load %arg7[%get3A_995, %get3A_996] {strides = array<i32>} : memref<200x128xf32, #tpu.memory_space<vmem>>, vector<1x16xf32>,
        %get3A_998 = vector.shape_cast %get3A_997 : vector<1x16xf32> to vector<16xf32>
        %swap3A_999 = arith.index_cast %add3A_992 : i32 to index
        %swap3A_1000 = arith.constant 64 : index
        %swap3A_1001 = tpu.vector_load %arg9[%swap3A_999, %swap3A_1000] {strides = array<i32>} : memref<200x128xf32, #tpu.memory_space<vmem>>, vector<1x16xf32>,
        %swap3A_1002 = vector.shape_cast %swap3A_1001 : vector<1x16xf32> to vector<16xf32>
        %swap3A_1003 = vector.shape_cast %get3A_998 : vector<16xf32> to vector<1x16xf32>
        tpu.vector_store %arg9[%swap3A_999, %swap3A_1000], %swap3A_1003 {add = true, strides = array<i32>} : memref<200x128xf32, #tpu.memory_space<vmem>>, vector<1x16xf32>,
        %add3A_1004 = arith.constant 0 : i32
        %add3A_1005 = arith.addi %add3A_940, %add3A_1004 : i32
        %add3A_1006 = arith.constant 0 : i32
        %add3A_1007 = arith.addi %add3A_940, %add3A_1006 : i32
        %get3A_1008 = arith.index_cast %add3A_1007 : i32 to index
        %get3A_1009 = arith.constant 80 : index
        %get3A_1010 = tpu.vector_load %arg7[%get3A_1008, %get3A_1009] {strides = array<i32>} : memref<200x128xf32, #tpu.memory_space<vmem>>, vector<1x16xf32>,
        %get3A_1011 = vector.shape_cast %get3A_1010 : vector<1x16xf32> to vector<16xf32>
        %swap3A_1012 = arith.index_cast %add3A_1005 : i32 to index
        %swap3A_1013 = arith.constant 80 : index
        %swap3A_1014 = tpu.vector_load %arg9[%swap3A_1012, %swap3A_1013] {strides = array<i32>} : memref<200x128xf32, #tpu.memory_space<vmem>>, vector<1x16xf32>,
        %swap3A_1015 = vector.shape_cast %swap3A_1014 : vector<1x16xf32> to vector<16xf32>
        %swap3A_1016 = vector.shape_cast %get3A_1011 : vector<16xf32> to vector<1x16xf32>
        tpu.vector_store %arg9[%swap3A_1012, %swap3A_1013], %swap3A_1016 {add = true, strides = array<i32>} : memref<200x128xf32, #tpu.memory_space<vmem>>, vector<1x16xf32>,
        %add3A_1017 = arith.constant 0 : i32
        %add3A_1018 = arith.addi %add3A_940, %add3A_1017 : i32
        %add3A_1019 = arith.constant 0 : i32
        %add3A_1020 = arith.addi %add3A_940, %add3A_1019 : i32
        %get3A_1021 = arith.index_cast %add3A_1020 : i32 to index
        %get3A_1022 = arith.constant 96 : index
        %get3A_1023 = tpu.vector_load %arg7[%get3A_1021, %get3A_1022] {strides = array<i32>} : memref<200x128xf32, #tpu.memory_space<vmem>>, vector<1x16xf32>,
        %get3A_1024 = vector.shape_cast %get3A_1023 : vector<1x16xf32> to vector<16xf32>
        %swap3A_1025 = arith.index_cast %add3A_1018 : i32 to index
        %swap3A_1026 = arith.constant 96 : index
        %swap3A_1027 = tpu.vector_load %arg9[%swap3A_1025, %swap3A_1026] {strides = array<i32>} : memref<200x128xf32, #tpu.memory_space<vmem>>, vector<1x16xf32>,
        %swap3A_1028 = vector.shape_cast %swap3A_1027 : vector<1x16xf32> to vector<16xf32>
        %swap3A_1029 = vector.shape_cast %get3A_1024 : vector<16xf32> to vector<1x16xf32>
        tpu.vector_store %arg9[%swap3A_1025, %swap3A_1026], %swap3A_1029 {add = true, strides = array<i32>} : memref<200x128xf32, #tpu.memory_space<vmem>>, vector<1x16xf32>,
        %add3A_1030 = arith.constant 0 : i32
        %add3A_1031 = arith.addi %add3A_940, %add3A_1030 : i32
        %add3A_1032 = arith.constant 0 : i32
        %add3A_1033 = arith.addi %add3A_940, %add3A_1032 : i32
        %get3A_1034 = arith.index_cast %add3A_1033 : i32 to index
        %get3A_1035 = arith.constant 112 : index
        %get3A_1036 = tpu.vector_load %arg7[%get3A_1034, %get3A_1035] {strides = array<i32>} : memref<200x128xf32, #tpu.memory_space<vmem>>, vector<1x16xf32>,
        %get3A_1037 = vector.shape_cast %get3A_1036 : vector<1x16xf32> to vector<16xf32>
        %swap3A_1038 = arith.index_cast %add3A_1031 : i32 to index
        %swap3A_1039 = arith.constant 112 : index
        %swap3A_1040 = tpu.vector_load %arg9[%swap3A_1038, %swap3A_1039] {strides = array<i32>} : memref<200x128xf32, #tpu.memory_space<vmem>>, vector<1x16xf32>,
        %swap3A_1041 = vector.shape_cast %swap3A_1040 : vector<1x16xf32> to vector<16xf32>
        %swap3A_1042 = vector.shape_cast %get3A_1037 : vector<16xf32> to vector<1x16xf32>
        tpu.vector_store %arg9[%swap3A_1038, %swap3A_1039], %swap3A_1042 {add = true, strides = array<i32>} : memref<200x128xf32, #tpu.memory_space<vmem>>, vector<1x16xf32>,
        %add3A_1043 = arith.constant 1 : i32
        %add3A_1044 = arith.addi %add3A_940, %add3A_1043 : i32
        %add3A_1045 = arith.constant 1 : i32
        %add3A_1046 = arith.addi %add3A_940, %add3A_1045 : i32
        %get3A_1047 = arith.index_cast %add3A_1046 : i32 to index
        %get3A_1048 = arith.constant 0 : index
        %get3A_1049 = tpu.vector_load %arg7[%get3A_1047, %get3A_1048] {strides = array<i32>} : memref<200x128xf32, #tpu.memory_space<vmem>>, vector<1x16xf32>,
        %get3A_1050 = vector.shape_cast %get3A_1049 : vector<1x16xf32> to vector<16xf32>
        %swap3A_1051 = arith.index_cast %add3A_1044 : i32 to index
        %swap3A_1052 = arith.constant 0 : index
        %swap3A_1053 = tpu.vector_load %arg9[%swap3A_1051, %swap3A_1052] {strides = array<i32>} : memref<200x128xf32, #tpu.memory_space<vmem>>, vector<1x16xf32>,
        %swap3A_1054 = vector.shape_cast %swap3A_1053 : vector<1x16xf32> to vector<16xf32>
        %swap3A_1055 = vector.shape_cast %get3A_1050 : vector<16xf32> to vector<1x16xf32>
        tpu.vector_store %arg9[%swap3A_1051, %swap3A_1052], %swap3A_1055 {add = true, strides = array<i32>} : memref<200x128xf32, #tpu.memory_space<vmem>>, vector<1x16xf32>,
        %add3A_1056 = arith.constant 1 : i32
        %add3A_1057 = arith.addi %add3A_940, %add3A_1056 : i32
        %add3A_1058 = arith.constant 1 : i32
        %add3A_1059 = arith.addi %add3A_940, %add3A_1058 : i32
        %get3A_1060 = arith.index_cast %add3A_1059 : i32 to index
        %get3A_1061 = arith.constant 16 : index
        %get3A_1062 = tpu.vector_load %arg7[%get3A_1060, %get3A_1061] {strides = array<i32>} : memref<200x128xf32, #tpu.memory_space<vmem>>, vector<1x16xf32>,
        %get3A_1063 = vector.shape_cast %get3A_1062 : vector<1x16xf32> to vector<16xf32>
        %swap3A_1064 = arith.index_cast %add3A_1057 : i32 to index
        %swap3A_1065 = arith.constant 16 : index
        %swap3A_1066 = tpu.vector_load %arg9[%swap3A_1064, %swap3A_1065] {strides = array<i32>} : memref<200x128xf32, #tpu.memory_space<vmem>>, vector<1x16xf32>,
        %swap3A_1067 = vector.shape_cast %swap3A_1066 : vector<1x16xf32> to vector<16xf32>
        %swap3A_1068 = vector.shape_cast %get3A_1063 : vector<16xf32> to vector<1x16xf32>
        tpu.vector_store %arg9[%swap3A_1064, %swap3A_1065], %swap3A_1068 {add = true, strides = array<i32>} : memref<200x128xf32, #tpu.memory_space<vmem>>, vector<1x16xf32>,
        %add3A_1069 = arith.constant 1 : i32
        %add3A_1070 = arith.addi %add3A_940, %add3A_1069 : i32
        %add3A_1071 = arith.constant 1 : i32
        %add3A_1072 = arith.addi %add3A_940, %add3A_1071 : i32
        %get3A_1073 = arith.index_cast %add3A_1072 : i32 to index
        %get3A_1074 = arith.constant 32 : index
        %get3A_1075 = tpu.vector_load %arg7[%get3A_1073, %get3A_1074] {strides = array<i32>} : memref<200x128xf32, #tpu.memory_space<vmem>>, vector<1x16xf32>,
        %get3A_1076 = vector.shape_cast %get3A_1075 : vector<1x16xf32> to vector<16xf32>
        %swap3A_1077 = arith.index_cast %add3A_1070 : i32 to index
        %swap3A_1078 = arith.constant 32 : index
        %swap3A_1079 = tpu.vector_load %arg9[%swap3A_1077, %swap3A_1078] {strides = array<i32>} : memref<200x128xf32, #tpu.memory_space<vmem>>, vector<1x16xf32>,
        %swap3A_1080 = vector.shape_cast %swap3A_1079 : vector<1x16xf32> to vector<16xf32>
        %swap3A_1081 = vector.shape_cast %get3A_1076 : vector<16xf32> to vector<1x16xf32>
        tpu.vector_store %arg9[%swap3A_1077, %swap3A_1078], %swap3A_1081 {add = true, strides = array<i32>} : memref<200x128xf32, #tpu.memory_space<vmem>>, vector<1x16xf32>,
        %add3A_1082 = arith.constant 1 : i32
        %add3A_1083 = arith.addi %add3A_940, %add3A_1082 : i32
        %add3A_1084 = arith.constant 1 : i32
        %add3A_1085 = arith.addi %add3A_940, %add3A_1084 : i32
        %get3A_1086 = arith.index_cast %add3A_1085 : i32 to index
        %get3A_1087 = arith.constant 48 : index
        %get3A_1088 = tpu.vector_load %arg7[%get3A_1086, %get3A_1087] {strides = array<i32>} : memref<200x128xf32, #tpu.memory_space<vmem>>, vector<1x16xf32>,
        %get3A_1089 = vector.shape_cast %get3A_1088 : vector<1x16xf32> to vector<16xf32>
        %swap3A_1090 = arith.index_cast %add3A_1083 : i32 to index
        %swap3A_1091 = arith.constant 48 : index
        %swap3A_1092 = tpu.vector_load %arg9[%swap3A_1090, %swap3A_1091] {strides = array<i32>} : memref<200x128xf32, #tpu.memory_space<vmem>>, vector<1x16xf32>,
        %swap3A_1093 = vector.shape_cast %swap3A_1092 : vector<1x16xf32> to vector<16xf32>
        %swap3A_1094 = vector.shape_cast %get3A_1089 : vector<16xf32> to vector<1x16xf32>
        tpu.vector_store %arg9[%swap3A_1090, %swap3A_1091], %swap3A_1094 {add = true, strides = array<i32>} : memref<200x128xf32, #tpu.memory_space<vmem>>, vector<1x16xf32>,
        %add3A_1095 = arith.constant 1 : i32
        %add3A_1096 = arith.addi %add3A_940, %add3A_1095 : i32
        %add3A_1097 = arith.constant 1 : i32
        %add3A_1098 = arith.addi %add3A_940, %add3A_1097 : i32
        %get3A_1099 = arith.index_cast %add3A_1098 : i32 to index
        %get3A_1100 = arith.constant 64 : index
        %get3A_1101 = tpu.vector_load %arg7[%get3A_1099, %get3A_1100] {strides = array<i32>} : memref<200x128xf32, #tpu.memory_space<vmem>>, vector<1x16xf32>,
        %get3A_1102 = vector.shape_cast %get3A_1101 : vector<1x16xf32> to vector<16xf32>
        %swap3A_1103 = arith.index_cast %add3A_1096 : i32 to index
        %swap3A_1104 = arith.constant 64 : index
        %swap3A_1105 = tpu.vector_load %arg9[%swap3A_1103, %swap3A_1104] {strides = array<i32>} : memref<200x128xf32, #tpu.memory_space<vmem>>, vector<1x16xf32>,
        %swap3A_1106 = vector.shape_cast %swap3A_1105 : vector<1x16xf32> to vector<16xf32>
        %swap3A_1107 = vector.shape_cast %get3A_1102 : vector<16xf32> to vector<1x16xf32>
        tpu.vector_store %arg9[%swap3A_1103, %swap3A_1104], %swap3A_1107 {add = true, strides = array<i32>} : memref<200x128xf32, #tpu.memory_space<vmem>>, vector<1x16xf32>,
        %add3A_1108 = arith.constant 1 : i32
        %add3A_1109 = arith.addi %add3A_940, %add3A_1108 : i32
        %add3A_1110 = arith.constant 1 : i32
        %add3A_1111 = arith.addi %add3A_940, %add3A_1110 : i32
        %get3A_1112 = arith.index_cast %add3A_1111 : i32 to index
        %get3A_1113 = arith.constant 80 : index
        %get3A_1114 = tpu.vector_load %arg7[%get3A_1112, %get3A_1113] {strides = array<i32>} : memref<200x128xf32, #tpu.memory_space<vmem>>, vector<1x16xf32>,
        %get3A_1115 = vector.shape_cast %get3A_1114 : vector<1x16xf32> to vector<16xf32>
        %swap3A_1116 = arith.index_cast %add3A_1109 : i32 to index
        %swap3A_1117 = arith.constant 80 : index
        %swap3A_1118 = tpu.vector_load %arg9[%swap3A_1116, %swap3A_1117] {strides = array<i32>} : memref<200x128xf32, #tpu.memory_space<vmem>>, vector<1x16xf32>,
        %swap3A_1119 = vector.shape_cast %swap3A_1118 : vector<1x16xf32> to vector<16xf32>
        %swap3A_1120 = vector.shape_cast %get3A_1115 : vector<16xf32> to vector<1x16xf32>
        tpu.vector_store %arg9[%swap3A_1116, %swap3A_1117], %swap3A_1120 {add = true, strides = array<i32>} : memref<200x128xf32, #tpu.memory_space<vmem>>, vector<1x16xf32>,
        %add3A_1121 = arith.constant 1 : i32
        %add3A_1122 = arith.addi %add3A_940, %add3A_1121 : i32
        %add3A_1123 = arith.constant 1 : i32
        %add3A_1124 = arith.addi %add3A_940, %add3A_1123 : i32
        %get3A_1125 = arith.index_cast %add3A_1124 : i32 to index
        %get3A_1126 = arith.constant 96 : index
        %get3A_1127 = tpu.vector_load %arg7[%get3A_1125, %get3A_1126] {strides = array<i32>} : memref<200x128xf32, #tpu.memory_space<vmem>>, vector<1x16xf32>,
        %get3A_1128 = vector.shape_cast %get3A_1127 : vector<1x16xf32> to vector<16xf32>
        %swap3A_1129 = arith.index_cast %add3A_1122 : i32 to index
        %swap3A_1130 = arith.constant 96 : index
        %swap3A_1131 = tpu.vector_load %arg9[%swap3A_1129, %swap3A_1130] {strides = array<i32>} : memref<200x128xf32, #tpu.memory_space<vmem>>, vector<1x16xf32>,
        %swap3A_1132 = vector.shape_cast %swap3A_1131 : vector<1x16xf32> to vector<16xf32>
        %swap3A_1133 = vector.shape_cast %get3A_1128 : vector<16xf32> to vector<1x16xf32>
        tpu.vector_store %arg9[%swap3A_1129, %swap3A_1130], %swap3A_1133 {add = true, strides = array<i32>} : memref<200x128xf32, #tpu.memory_space<vmem>>, vector<1x16xf32>,
        %add3A_1134 = arith.constant 1 : i32
        %add3A_1135 = arith.addi %add3A_940, %add3A_1134 : i32
        %add3A_1136 = arith.constant 1 : i32
        %add3A_1137 = arith.addi %add3A_940, %add3A_1136 : i32
        %get3A_1138 = arith.index_cast %add3A_1137 : i32 to index
        %get3A_1139 = arith.constant 112 : index
        %get3A_1140 = tpu.vector_load %arg7[%get3A_1138, %get3A_1139] {strides = array<i32>} : memref<200x128xf32, #tpu.memory_space<vmem>>, vector<1x16xf32>,
        %get3A_1141 = vector.shape_cast %get3A_1140 : vector<1x16xf32> to vector<16xf32>
        %swap3A_1142 = arith.index_cast %add3A_1135 : i32 to index
        %swap3A_1143 = arith.constant 112 : index
        %swap3A_1144 = tpu.vector_load %arg9[%swap3A_1142, %swap3A_1143] {strides = array<i32>} : memref<200x128xf32, #tpu.memory_space<vmem>>, vector<1x16xf32>,
        %swap3A_1145 = vector.shape_cast %swap3A_1144 : vector<1x16xf32> to vector<16xf32>
        %swap3A_1146 = vector.shape_cast %get3A_1141 : vector<16xf32> to vector<1x16xf32>
        tpu.vector_store %arg9[%swap3A_1142, %swap3A_1143], %swap3A_1146 {add = true, strides = array<i32>} : memref<200x128xf32, #tpu.memory_space<vmem>>, vector<1x16xf32>,
        %scan3A_1147 = arith.constant 0 : i32
        scf.yield %scan3A_1147 : i32
      }
      %scan3A_618 = arith.constant 48 : i32
      %sub3A = arith.constant 1 : i32
      %sub3A_619 = arith.subi %add3A_600, %sub3A : i32
      %mul3A_620 = arith.constant 200 : i32
      %mul3A_621 = arith.muli %sub3A_619, %mul3A_620 : i32
      %add3A_622 = arith.addi %mul3A_2, %mul3A_621 : i32
      %dma_wait3A_623 = arith.constant 0 : i32
      %dma_wait3A_624 = tpu.memref_slice %arg5[%add3A_622, %dma_wait3A_623] : memref<204800x128xf32, #tpu.memory_space<hbm>> -> memref<96x128xf32, #tpu.memory_space<hbm>>
      %dma_wait3A_625 = arith.constant 0 : i32
      %dma_wait3A_626 = arith.constant 0 : i32
      %dma_wait3A_627 = tpu.memref_slice %arg10[%arg1, %dma_wait3A_625, %dma_wait3A_626] : memref<16x96x128xf32, #tpu.memory_space<vmem_shared>> -> memref<1x96x128xf32, #tpu.memory_space<vmem_shared>>
      %dma_wait3A_628 = tpu.memref_squeeze %dma_wait3A_627 : memref<1x96x128xf32, #tpu.memory_space<vmem_shared>> -> memref<96x128xf32, #tpu.memory_space<vmem_shared>>
      tpu.wait_dma2 semaphore(%arg18 : memref<!tpu.dma_semaphore, #tpu.memory_space<semaphore_mem>>) src(%dma_wait3A_628 : memref<96x128xf32, #tpu.memory_space<vmem_shared>>) dst(%dma_wait3A_624 : memref<96x128xf32, #tpu.memory_space<hbm>>)
      %dma_start3A_629 = arith.constant 0 : i32
      %dma_start3A_630 = arith.constant 0 : i32
      %dma_start3A_631 = tpu.memref_slice %arg9[%dma_start3A_629, %dma_start3A_630] : memref<200x128xf32, #tpu.memory_space<vmem>> -> memref<96x128xf32, #tpu.memory_space<vmem>>
      %dma_start3A_632 = arith.constant 0 : i32
      %dma_start3A_633 = arith.constant 0 : i32
      %dma_start3A_634 = tpu.memref_slice %arg10[%arg1, %dma_start3A_632, %dma_start3A_633] : memref<16x96x128xf32, #tpu.memory_space<vmem_shared>> -> memref<1x96x128xf32, #tpu.memory_space<vmem_shared>>
      %dma_start3A_635 = tpu.memref_squeeze %dma_start3A_634 : memref<1x96x128xf32, #tpu.memory_space<vmem_shared>> -> memref<96x128xf32, #tpu.memory_space<vmem_shared>>
      %dma_start3A_636 = arith.constant 0 : i32
      %dma_start3A_637 = arith.constant 0 : i32
      %dma_start3A_638 = tpu.memref_slice %arg10[%arg1, %dma_start3A_636, %dma_start3A_637] : memref<16x96x128xf32, #tpu.memory_space<vmem_shared>> -> memref<1x96x128xf32, #tpu.memory_space<vmem_shared>>
      %dma_start3A_639 = tpu.memref_squeeze %dma_start3A_638 : memref<1x96x128xf32, #tpu.memory_space<vmem_shared>> -> memref<96x128xf32, #tpu.memory_space<vmem_shared>>
      %dma_start3A_640 = arith.constant 0 : i32
      %dma_start3A_641 = arith.constant 0 : i32
      %dma_start3A_642 = tpu.memref_slice %arg9[%dma_start3A_640, %dma_start3A_641] : memref<200x128xf32, #tpu.memory_space<vmem>> -> memref<96x128xf32, #tpu.memory_space<vmem>>
      tpu.enqueue_dma source(%dma_start3A_642 : memref<96x128xf32, #tpu.memory_space<vmem>>) target(%dma_start3A_639 : memref<96x128xf32, #tpu.memory_space<vmem_shared>>) target_semaphore(%arg16 : memref<!tpu.dma_semaphore, #tpu.memory_space<semaphore_mem>>)
      %mul3A_643 = arith.constant 2 : i32
      %mul3A_644 = arith.muli %mul3A_643, %add3A_600 : i32
      %add3A_645 = arith.constant 1 : i32
      %add3A_646 = arith.addi %mul3A_644, %add3A_645 : i32
      %dma_wait3A_647 = arith.constant 100 : i32
      %dma_wait3A_648 = arith.constant 0 : i32
      %dma_wait3A_649 = tpu.memref_slice %arg9[%dma_wait3A_647, %dma_wait3A_648] : memref<200x128xf32, #tpu.memory_space<vmem>> -> memref<100x128xf32, #tpu.memory_space<vmem>>
      %dma_wait3A_650 = arith.constant 0 : i32
      %dma_wait3A_651 = tpu.memref_slice %arg6[%add3A_646, %dma_wait3A_650] : memref<64x100xi32, #tpu.memory_space<vmem>> -> memref<1x100xi32, #tpu.memory_space<vmem>>
      %dma_wait3A_652 = tpu.memref_squeeze %dma_wait3A_651 : memref<1x100xi32, #tpu.memory_space<vmem>> -> memref<100xi32, #tpu.memory_space<vmem>>
      %dma_wait3A_653 = arith.constant 0 : i32
      %dma_wait3A_654 = arith.constant 0 : i32
      %dma_wait3A_655 = tpu.memref_slice %arg2[%dma_wait3A_653, %dma_wait3A_654] : memref<100000x128xf32, #tpu.memory_space<hbm>> -> memref<100000x128xf32, #tpu.memory_space<hbm>>
      tpu.wait_indirect_dma semaphore(%arg15 : memref<!tpu.dma_semaphore, #tpu.memory_space<semaphore_mem>>) src(%dma_wait3A_655 : memref<100000x128xf32, #tpu.memory_space<hbm>>) dst(%dma_wait3A_649 : memref<100x128xf32, #tpu.memory_space<vmem>>)
      %scan3A_656 = arith.constant 0 : i32
      %scan3A_657 = arith.constant 0 : i32
      %scan3A_658 = arith.constant 52 : i32
      %scan3A_659 = arith.addi %scan3A_657, %scan3A_658 : i32
      %scan3A_660 = arith.constant 1 : i32
      %scan3A_661 = scf.for %scan3A_935 = %scan3A_657 to %scan3A_659 step %scan3A_660 iter_args(%scan3A_936 = %scan3A_656) -> (i32)  : i32 {
        %mul3A_937 = arith.constant 2 : i32
        %mul3A_938 = arith.muli %mul3A_937, %scan3A_935 : i32
        %add3A_939 = arith.constant 96 : i32
        %add3A_940 = arith.addi %add3A_939, %mul3A_938 : i32
        %add3A_941 = arith.constant 0 : i32
        %add3A_942 = arith.addi %add3A_940, %add3A_941 : i32
        %add3A_943 = arith.constant 0 : i32
        %add3A_944 = arith.addi %add3A_940, %add3A_943 : i32
        %get3A = arith.index_cast %add3A_944 : i32 to index
        %get3A_945 = arith.constant 0 : index
        %get3A_946 = tpu.vector_load %arg7[%get3A, %get3A_945] {strides = array<i32>} : memref<200x128xf32, #tpu.memory_space<vmem>>, vector<1x16xf32>,
        %get3A_947 = vector.shape_cast %get3A_946 : vector<1x16xf32> to vector<16xf32>
        %swap3A = arith.index_cast %add3A_942 : i32 to index
        %swap3A_948 = arith.constant 0 : index
        %swap3A_949 = tpu.vector_load %arg9[%swap3A, %swap3A_948] {strides = array<i32>} : memref<200x128xf32, #tpu.memory_space<vmem>>, vector<1x16xf32>,
        %swap3A_950 = vector.shape_cast %swap3A_949 : vector<1x16xf32> to vector<16xf32>
        %swap3A_951 = vector.shape_cast %get3A_947 : vector<16xf32> to vector<1x16xf32>
        tpu.vector_store %arg9[%swap3A, %swap3A_948], %swap3A_951 {add = true, strides = array<i32>} : memref<200x128xf32, #tpu.memory_space<vmem>>, vector<1x16xf32>,
        %add3A_952 = arith.constant 0 : i32
        %add3A_953 = arith.addi %add3A_940, %add3A_952 : i32
        %add3A_954 = arith.constant 0 : i32
        %add3A_955 = arith.addi %add3A_940, %add3A_954 : i32
        %get3A_956 = arith.index_cast %add3A_955 : i32 to index
        %get3A_957 = arith.constant 16 : index
        %get3A_958 = tpu.vector_load %arg7[%get3A_956, %get3A_957] {strides = array<i32>} : memref<200x128xf32, #tpu.memory_space<vmem>>, vector<1x16xf32>,
        %get3A_959 = vector.shape_cast %get3A_958 : vector<1x16xf32> to vector<16xf32>
        %swap3A_960 = arith.index_cast %add3A_953 : i32 to index
        %swap3A_961 = arith.constant 16 : index
        %swap3A_962 = tpu.vector_load %arg9[%swap3A_960, %swap3A_961] {strides = array<i32>} : memref<200x128xf32, #tpu.memory_space<vmem>>, vector<1x16xf32>,
        %swap3A_963 = vector.shape_cast %swap3A_962 : vector<1x16xf32> to vector<16xf32>
        %swap3A_964 = vector.shape_cast %get3A_959 : vector<16xf32> to vector<1x16xf32>
        tpu.vector_store %arg9[%swap3A_960, %swap3A_961], %swap3A_964 {add = true, strides = array<i32>} : memref<200x128xf32, #tpu.memory_space<vmem>>, vector<1x16xf32>,
        %add3A_965 = arith.constant 0 : i32
        %add3A_966 = arith.addi %add3A_940, %add3A_965 : i32
        %add3A_967 = arith.constant 0 : i32
        %add3A_968 = arith.addi %add3A_940, %add3A_967 : i32
        %get3A_969 = arith.index_cast %add3A_968 : i32 to index
        %get3A_970 = arith.constant 32 : index
        %get3A_971 = tpu.vector_load %arg7[%get3A_969, %get3A_970] {strides = array<i32>} : memref<200x128xf32, #tpu.memory_space<vmem>>, vector<1x16xf32>,
        %get3A_972 = vector.shape_cast %get3A_971 : vector<1x16xf32> to vector<16xf32>
        %swap3A_973 = arith.index_cast %add3A_966 : i32 to index
        %swap3A_974 = arith.constant 32 : index
        %swap3A_975 = tpu.vector_load %arg9[%swap3A_973, %swap3A_974] {strides = array<i32>} : memref<200x128xf32, #tpu.memory_space<vmem>>, vector<1x16xf32>,
        %swap3A_976 = vector.shape_cast %swap3A_975 : vector<1x16xf32> to vector<16xf32>
        %swap3A_977 = vector.shape_cast %get3A_972 : vector<16xf32> to vector<1x16xf32>
        tpu.vector_store %arg9[%swap3A_973, %swap3A_974], %swap3A_977 {add = true, strides = array<i32>} : memref<200x128xf32, #tpu.memory_space<vmem>>, vector<1x16xf32>,
        %add3A_978 = arith.constant 0 : i32
        %add3A_979 = arith.addi %add3A_940, %add3A_978 : i32
        %add3A_980 = arith.constant 0 : i32
        %add3A_981 = arith.addi %add3A_940, %add3A_980 : i32
        %get3A_982 = arith.index_cast %add3A_981 : i32 to index
        %get3A_983 = arith.constant 48 : index
        %get3A_984 = tpu.vector_load %arg7[%get3A_982, %get3A_983] {strides = array<i32>} : memref<200x128xf32, #tpu.memory_space<vmem>>, vector<1x16xf32>,
        %get3A_985 = vector.shape_cast %get3A_984 : vector<1x16xf32> to vector<16xf32>
        %swap3A_986 = arith.index_cast %add3A_979 : i32 to index
        %swap3A_987 = arith.constant 48 : index
        %swap3A_988 = tpu.vector_load %arg9[%swap3A_986, %swap3A_987] {strides = array<i32>} : memref<200x128xf32, #tpu.memory_space<vmem>>, vector<1x16xf32>,
        %swap3A_989 = vector.shape_cast %swap3A_988 : vector<1x16xf32> to vector<16xf32>
        %swap3A_990 = vector.shape_cast %get3A_985 : vector<16xf32> to vector<1x16xf32>
        tpu.vector_store %arg9[%swap3A_986, %swap3A_987], %swap3A_990 {add = true, strides = array<i32>} : memref<200x128xf32, #tpu.memory_space<vmem>>, vector<1x16xf32>,
        %add3A_991 = arith.constant 0 : i32
        %add3A_992 = arith.addi %add3A_940, %add3A_991 : i32
        %add3A_993 = arith.constant 0 : i32
        %add3A_994 = arith.addi %add3A_940, %add3A_993 : i32
        %get3A_995 = arith.index_cast %add3A_994 : i32 to index
        %get3A_996 = arith.constant 64 : index
        %get3A_997 = tpu.vector_load %arg7[%get3A_995, %get3A_996] {strides = array<i32>} : memref<200x128xf32, #tpu.memory_space<vmem>>, vector<1x16xf32>,
        %get3A_998 = vector.shape_cast %get3A_997 : vector<1x16xf32> to vector<16xf32>
        %swap3A_999 = arith.index_cast %add3A_992 : i32 to index
        %swap3A_1000 = arith.constant 64 : index
        %swap3A_1001 = tpu.vector_load %arg9[%swap3A_999, %swap3A_1000] {strides = array<i32>} : memref<200x128xf32, #tpu.memory_space<vmem>>, vector<1x16xf32>,
        %swap3A_1002 = vector.shape_cast %swap3A_1001 : vector<1x16xf32> to vector<16xf32>
        %swap3A_1003 = vector.shape_cast %get3A_998 : vector<16xf32> to vector<1x16xf32>
        tpu.vector_store %arg9[%swap3A_999, %swap3A_1000], %swap3A_1003 {add = true, strides = array<i32>} : memref<200x128xf32, #tpu.memory_space<vmem>>, vector<1x16xf32>,
        %add3A_1004 = arith.constant 0 : i32
        %add3A_1005 = arith.addi %add3A_940, %add3A_1004 : i32
        %add3A_1006 = arith.constant 0 : i32
        %add3A_1007 = arith.addi %add3A_940, %add3A_1006 : i32
        %get3A_1008 = arith.index_cast %add3A_1007 : i32 to index
        %get3A_1009 = arith.constant 80 : index
        %get3A_1010 = tpu.vector_load %arg7[%get3A_1008, %get3A_1009] {strides = array<i32>} : memref<200x128xf32, #tpu.memory_space<vmem>>, vector<1x16xf32>,
        %get3A_1011 = vector.shape_cast %get3A_1010 : vector<1x16xf32> to vector<16xf32>
        %swap3A_1012 = arith.index_cast %add3A_1005 : i32 to index
        %swap3A_1013 = arith.constant 80 : index
        %swap3A_1014 = tpu.vector_load %arg9[%swap3A_1012, %swap3A_1013] {strides = array<i32>} : memref<200x128xf32, #tpu.memory_space<vmem>>, vector<1x16xf32>,
        %swap3A_1015 = vector.shape_cast %swap3A_1014 : vector<1x16xf32> to vector<16xf32>
        %swap3A_1016 = vector.shape_cast %get3A_1011 : vector<16xf32> to vector<1x16xf32>
        tpu.vector_store %arg9[%swap3A_1012, %swap3A_1013], %swap3A_1016 {add = true, strides = array<i32>} : memref<200x128xf32, #tpu.memory_space<vmem>>, vector<1x16xf32>,
        %add3A_1017 = arith.constant 0 : i32
        %add3A_1018 = arith.addi %add3A_940, %add3A_1017 : i32
        %add3A_1019 = arith.constant 0 : i32
        %add3A_1020 = arith.addi %add3A_940, %add3A_1019 : i32
        %get3A_1021 = arith.index_cast %add3A_1020 : i32 to index
        %get3A_1022 = arith.constant 96 : index
        %get3A_1023 = tpu.vector_load %arg7[%get3A_1021, %get3A_1022] {strides = array<i32>} : memref<200x128xf32, #tpu.memory_space<vmem>>, vector<1x16xf32>,
        %get3A_1024 = vector.shape_cast %get3A_1023 : vector<1x16xf32> to vector<16xf32>
        %swap3A_1025 = arith.index_cast %add3A_1018 : i32 to index
        %swap3A_1026 = arith.constant 96 : index
        %swap3A_1027 = tpu.vector_load %arg9[%swap3A_1025, %swap3A_1026] {strides = array<i32>} : memref<200x128xf32, #tpu.memory_space<vmem>>, vector<1x16xf32>,
        %swap3A_1028 = vector.shape_cast %swap3A_1027 : vector<1x16xf32> to vector<16xf32>
        %swap3A_1029 = vector.shape_cast %get3A_1024 : vector<16xf32> to vector<1x16xf32>
        tpu.vector_store %arg9[%swap3A_1025, %swap3A_1026], %swap3A_1029 {add = true, strides = array<i32>} : memref<200x128xf32, #tpu.memory_space<vmem>>, vector<1x16xf32>,
        %add3A_1030 = arith.constant 0 : i32
        %add3A_1031 = arith.addi %add3A_940, %add3A_1030 : i32
        %add3A_1032 = arith.constant 0 : i32
        %add3A_1033 = arith.addi %add3A_940, %add3A_1032 : i32
        %get3A_1034 = arith.index_cast %add3A_1033 : i32 to index
        %get3A_1035 = arith.constant 112 : index
        %get3A_1036 = tpu.vector_load %arg7[%get3A_1034, %get3A_1035] {strides = array<i32>} : memref<200x128xf32, #tpu.memory_space<vmem>>, vector<1x16xf32>,
        %get3A_1037 = vector.shape_cast %get3A_1036 : vector<1x16xf32> to vector<16xf32>
        %swap3A_1038 = arith.index_cast %add3A_1031 : i32 to index
        %swap3A_1039 = arith.constant 112 : index
        %swap3A_1040 = tpu.vector_load %arg9[%swap3A_1038, %swap3A_1039] {strides = array<i32>} : memref<200x128xf32, #tpu.memory_space<vmem>>, vector<1x16xf32>,
        %swap3A_1041 = vector.shape_cast %swap3A_1040 : vector<1x16xf32> to vector<16xf32>
        %swap3A_1042 = vector.shape_cast %get3A_1037 : vector<16xf32> to vector<1x16xf32>
        tpu.vector_store %arg9[%swap3A_1038, %swap3A_1039], %swap3A_1042 {add = true, strides = array<i32>} : memref<200x128xf32, #tpu.memory_space<vmem>>, vector<1x16xf32>,
        %add3A_1043 = arith.constant 1 : i32
        %add3A_1044 = arith.addi %add3A_940, %add3A_1043 : i32
        %add3A_1045 = arith.constant 1 : i32
        %add3A_1046 = arith.addi %add3A_940, %add3A_1045 : i32
        %get3A_1047 = arith.index_cast %add3A_1046 : i32 to index
        %get3A_1048 = arith.constant 0 : index
        %get3A_1049 = tpu.vector_load %arg7[%get3A_1047, %get3A_1048] {strides = array<i32>} : memref<200x128xf32, #tpu.memory_space<vmem>>, vector<1x16xf32>,
        %get3A_1050 = vector.shape_cast %get3A_1049 : vector<1x16xf32> to vector<16xf32>
        %swap3A_1051 = arith.index_cast %add3A_1044 : i32 to index
        %swap3A_1052 = arith.constant 0 : index
        %swap3A_1053 = tpu.vector_load %arg9[%swap3A_1051, %swap3A_1052] {strides = array<i32>} : memref<200x128xf32, #tpu.memory_space<vmem>>, vector<1x16xf32>,
        %swap3A_1054 = vector.shape_cast %swap3A_1053 : vector<1x16xf32> to vector<16xf32>
        %swap3A_1055 = vector.shape_cast %get3A_1050 : vector<16xf32> to vector<1x16xf32>
        tpu.vector_store %arg9[%swap3A_1051, %swap3A_1052], %swap3A_1055 {add = true, strides = array<i32>} : memref<200x128xf32, #tpu.memory_space<vmem>>, vector<1x16xf32>,
        %add3A_1056 = arith.constant 1 : i32
        %add3A_1057 = arith.addi %add3A_940, %add3A_1056 : i32
        %add3A_1058 = arith.constant 1 : i32
        %add3A_1059 = arith.addi %add3A_940, %add3A_1058 : i32
        %get3A_1060 = arith.index_cast %add3A_1059 : i32 to index
        %get3A_1061 = arith.constant 16 : index
        %get3A_1062 = tpu.vector_load %arg7[%get3A_1060, %get3A_1061] {strides = array<i32>} : memref<200x128xf32, #tpu.memory_space<vmem>>, vector<1x16xf32>,
        %get3A_1063 = vector.shape_cast %get3A_1062 : vector<1x16xf32> to vector<16xf32>
        %swap3A_1064 = arith.index_cast %add3A_1057 : i32 to index
        %swap3A_1065 = arith.constant 16 : index
        %swap3A_1066 = tpu.vector_load %arg9[%swap3A_1064, %swap3A_1065] {strides = array<i32>} : memref<200x128xf32, #tpu.memory_space<vmem>>, vector<1x16xf32>,
        %swap3A_1067 = vector.shape_cast %swap3A_1066 : vector<1x16xf32> to vector<16xf32>
        %swap3A_1068 = vector.shape_cast %get3A_1063 : vector<16xf32> to vector<1x16xf32>
        tpu.vector_store %arg9[%swap3A_1064, %swap3A_1065], %swap3A_1068 {add = true, strides = array<i32>} : memref<200x128xf32, #tpu.memory_space<vmem>>, vector<1x16xf32>,
        %add3A_1069 = arith.constant 1 : i32
        %add3A_1070 = arith.addi %add3A_940, %add3A_1069 : i32
        %add3A_1071 = arith.constant 1 : i32
        %add3A_1072 = arith.addi %add3A_940, %add3A_1071 : i32
        %get3A_1073 = arith.index_cast %add3A_1072 : i32 to index
        %get3A_1074 = arith.constant 32 : index
        %get3A_1075 = tpu.vector_load %arg7[%get3A_1073, %get3A_1074] {strides = array<i32>} : memref<200x128xf32, #tpu.memory_space<vmem>>, vector<1x16xf32>,
        %get3A_1076 = vector.shape_cast %get3A_1075 : vector<1x16xf32> to vector<16xf32>
        %swap3A_1077 = arith.index_cast %add3A_1070 : i32 to index
        %swap3A_1078 = arith.constant 32 : index
        %swap3A_1079 = tpu.vector_load %arg9[%swap3A_1077, %swap3A_1078] {strides = array<i32>} : memref<200x128xf32, #tpu.memory_space<vmem>>, vector<1x16xf32>,
        %swap3A_1080 = vector.shape_cast %swap3A_1079 : vector<1x16xf32> to vector<16xf32>
        %swap3A_1081 = vector.shape_cast %get3A_1076 : vector<16xf32> to vector<1x16xf32>
        tpu.vector_store %arg9[%swap3A_1077, %swap3A_1078], %swap3A_1081 {add = true, strides = array<i32>} : memref<200x128xf32, #tpu.memory_space<vmem>>, vector<1x16xf32>,
        %add3A_1082 = arith.constant 1 : i32
        %add3A_1083 = arith.addi %add3A_940, %add3A_1082 : i32
        %add3A_1084 = arith.constant 1 : i32
        %add3A_1085 = arith.addi %add3A_940, %add3A_1084 : i32
        %get3A_1086 = arith.index_cast %add3A_1085 : i32 to index
        %get3A_1087 = arith.constant 48 : index
        %get3A_1088 = tpu.vector_load %arg7[%get3A_1086, %get3A_1087] {strides = array<i32>} : memref<200x128xf32, #tpu.memory_space<vmem>>, vector<1x16xf32>,
        %get3A_1089 = vector.shape_cast %get3A_1088 : vector<1x16xf32> to vector<16xf32>
        %swap3A_1090 = arith.index_cast %add3A_1083 : i32 to index
        %swap3A_1091 = arith.constant 48 : index
        %swap3A_1092 = tpu.vector_load %arg9[%swap3A_1090, %swap3A_1091] {strides = array<i32>} : memref<200x128xf32, #tpu.memory_space<vmem>>, vector<1x16xf32>,
        %swap3A_1093 = vector.shape_cast %swap3A_1092 : vector<1x16xf32> to vector<16xf32>
        %swap3A_1094 = vector.shape_cast %get3A_1089 : vector<16xf32> to vector<1x16xf32>
        tpu.vector_store %arg9[%swap3A_1090, %swap3A_1091], %swap3A_1094 {add = true, strides = array<i32>} : memref<200x128xf32, #tpu.memory_space<vmem>>, vector<1x16xf32>,
        %add3A_1095 = arith.constant 1 : i32
        %add3A_1096 = arith.addi %add3A_940, %add3A_1095 : i32
        %add3A_1097 = arith.constant 1 : i32
        %add3A_1098 = arith.addi %add3A_940, %add3A_1097 : i32
        %get3A_1099 = arith.index_cast %add3A_1098 : i32 to index
        %get3A_1100 = arith.constant 64 : index
        %get3A_1101 = tpu.vector_load %arg7[%get3A_1099, %get3A_1100] {strides = array<i32>} : memref<200x128xf32, #tpu.memory_space<vmem>>, vector<1x16xf32>,
        %get3A_1102 = vector.shape_cast %get3A_1101 : vector<1x16xf32> to vector<16xf32>
        %swap3A_1103 = arith.index_cast %add3A_1096 : i32 to index
        %swap3A_1104 = arith.constant 64 : index
        %swap3A_1105 = tpu.vector_load %arg9[%swap3A_1103, %swap3A_1104] {strides = array<i32>} : memref<200x128xf32, #tpu.memory_space<vmem>>, vector<1x16xf32>,
        %swap3A_1106 = vector.shape_cast %swap3A_1105 : vector<1x16xf32> to vector<16xf32>
        %swap3A_1107 = vector.shape_cast %get3A_1102 : vector<16xf32> to vector<1x16xf32>
        tpu.vector_store %arg9[%swap3A_1103, %swap3A_1104], %swap3A_1107 {add = true, strides = array<i32>} : memref<200x128xf32, #tpu.memory_space<vmem>>, vector<1x16xf32>,
        %add3A_1108 = arith.constant 1 : i32
        %add3A_1109 = arith.addi %add3A_940, %add3A_1108 : i32
        %add3A_1110 = arith.constant 1 : i32
        %add3A_1111 = arith.addi %add3A_940, %add3A_1110 : i32
        %get3A_1112 = arith.index_cast %add3A_1111 : i32 to index
        %get3A_1113 = arith.constant 80 : index
        %get3A_1114 = tpu.vector_load %arg7[%get3A_1112, %get3A_1113] {strides = array<i32>} : memref<200x128xf32, #tpu.memory_space<vmem>>, vector<1x16xf32>,
        %get3A_1115 = vector.shape_cast %get3A_1114 : vector<1x16xf32> to vector<16xf32>
        %swap3A_1116 = arith.index_cast %add3A_1109 : i32 to index
        %swap3A_1117 = arith.constant 80 : index
        %swap3A_1118 = tpu.vector_load %arg9[%swap3A_1116, %swap3A_1117] {strides = array<i32>} : memref<200x128xf32, #tpu.memory_space<vmem>>, vector<1x16xf32>,
        %swap3A_1119 = vector.shape_cast %swap3A_1118 : vector<1x16xf32> to vector<16xf32>
        %swap3A_1120 = vector.shape_cast %get3A_1115 : vector<16xf32> to vector<1x16xf32>
        tpu.vector_store %arg9[%swap3A_1116, %swap3A_1117], %swap3A_1120 {add = true, strides = array<i32>} : memref<200x128xf32, #tpu.memory_space<vmem>>, vector<1x16xf32>,
        %add3A_1121 = arith.constant 1 : i32
        %add3A_1122 = arith.addi %add3A_940, %add3A_1121 : i32
        %add3A_1123 = arith.constant 1 : i32
        %add3A_1124 = arith.addi %add3A_940, %add3A_1123 : i32
        %get3A_1125 = arith.index_cast %add3A_1124 : i32 to index
        %get3A_1126 = arith.constant 96 : index
        %get3A_1127 = tpu.vector_load %arg7[%get3A_1125, %get3A_1126] {strides = array<i32>} : memref<200x128xf32, #tpu.memory_space<vmem>>, vector<1x16xf32>,
        %get3A_1128 = vector.shape_cast %get3A_1127 : vector<1x16xf32> to vector<16xf32>
        %swap3A_1129 = arith.index_cast %add3A_1122 : i32 to index
        %swap3A_1130 = arith.constant 96 : index
        %swap3A_1131 = tpu.vector_load %arg9[%swap3A_1129, %swap3A_1130] {strides = array<i32>} : memref<200x128xf32, #tpu.memory_space<vmem>>, vector<1x16xf32>,
        %swap3A_1132 = vector.shape_cast %swap3A_1131 : vector<1x16xf32> to vector<16xf32>
        %swap3A_1133 = vector.shape_cast %get3A_1128 : vector<16xf32> to vector<1x16xf32>
        tpu.vector_store %arg9[%swap3A_1129, %swap3A_1130], %swap3A_1133 {add = true, strides = array<i32>} : memref<200x128xf32, #tpu.memory_space<vmem>>, vector<1x16xf32>,
        %add3A_1134 = arith.constant 1 : i32
        %add3A_1135 = arith.addi %add3A_940, %add3A_1134 : i32
        %add3A_1136 = arith.constant 1 : i32
        %add3A_1137 = arith.addi %add3A_940, %add3A_1136 : i32
        %get3A_1138 = arith.index_cast %add3A_1137 : i32 to index
        %get3A_1139 = arith.constant 112 : index
        %get3A_1140 = tpu.vector_load %arg7[%get3A_1138, %get3A_1139] {strides = array<i32>} : memref<200x128xf32, #tpu.memory_space<vmem>>, vector<1x16xf32>,
        %get3A_1141 = vector.shape_cast %get3A_1140 : vector<1x16xf32> to vector<16xf32>
        %swap3A_1142 = arith.index_cast %add3A_1135 : i32 to index
        %swap3A_1143 = arith.constant 112 : index
        %swap3A_1144 = tpu.vector_load %arg9[%swap3A_1142, %swap3A_1143] {strides = array<i32>} : memref<200x128xf32, #tpu.memory_space<vmem>>, vector<1x16xf32>,
        %swap3A_1145 = vector.shape_cast %swap3A_1144 : vector<1x16xf32> to vector<16xf32>
        %swap3A_1146 = vector.shape_cast %get3A_1141 : vector<16xf32> to vector<1x16xf32>
        tpu.vector_store %arg9[%swap3A_1142, %swap3A_1143], %swap3A_1146 {add = true, strides = array<i32>} : memref<200x128xf32, #tpu.memory_space<vmem>>, vector<1x16xf32>,
        %scan3A_1147 = arith.constant 0 : i32
        scf.yield %scan3A_1147 : i32
      }
      %scan3A_662 = arith.constant 52 : i32
      %sub3A_663 = arith.constant 1 : i32
      %sub3A_664 = arith.subi %add3A_600, %sub3A_663 : i32
      %mul3A_665 = arith.constant 200 : i32
      %mul3A_666 = arith.muli %sub3A_664, %mul3A_665 : i32
      %add3A_667 = arith.addi %mul3A_2, %mul3A_666 : i32
      %add3A_668 = arith.constant 96 : i32
      %add3A_669 = arith.addi %add3A_667, %add3A_668 : i32
      %dma_wait3A_670 = arith.constant 0 : i32
      %dma_wait3A_671 = tpu.memref_slice %arg5[%add3A_669, %dma_wait3A_670] : memref<204800x128xf32, #tpu.memory_space<hbm>> -> memref<104x128xf32, #tpu.memory_space<hbm>>
      %dma_wait3A_672 = arith.constant 0 : i32
      %dma_wait3A_673 = arith.constant 0 : i32
      %dma_wait3A_674 = tpu.memref_slice %arg11[%arg1, %dma_wait3A_672, %dma_wait3A_673] : memref<16x104x128xf32, #tpu.memory_space<vmem_shared>> -> memref<1x104x128xf32, #tpu.memory_space<vmem_shared>>
      %dma_wait3A_675 = tpu.memref_squeeze %dma_wait3A_674 : memref<1x104x128xf32, #tpu.memory_space<vmem_shared>> -> memref<104x128xf32, #tpu.memory_space<vmem_shared>>
      tpu.wait_dma2 semaphore(%arg19 : memref<!tpu.dma_semaphore, #tpu.memory_space<semaphore_mem>>) src(%dma_wait3A_675 : memref<104x128xf32, #tpu.memory_space<vmem_shared>>) dst(%dma_wait3A_671 : memref<104x128xf32, #tpu.memory_space<hbm>>)
      %dma_start3A_676 = arith.constant 96 : i32
      %dma_start3A_677 = arith.constant 0 : i32
      %dma_start3A_678 = tpu.memref_slice %arg9[%dma_start3A_676, %dma_start3A_677] : memref<200x128xf32, #tpu.memory_space<vmem>> -> memref<104x128xf32, #tpu.memory_space<vmem>>
      %dma_start3A_679 = arith.constant 0 : i32
      %dma_start3A_680 = arith.constant 0 : i32
      %dma_start3A_681 = tpu.memref_slice %arg11[%arg1, %dma_start3A_679, %dma_start3A_680] : memref<16x104x128xf32, #tpu.memory_space<vmem_shared>> -> memref<1x104x128xf32, #tpu.memory_space<vmem_shared>>
      %dma_start3A_682 = tpu.memref_squeeze %dma_start3A_681 : memref<1x104x128xf32, #tpu.memory_space<vmem_shared>> -> memref<104x128xf32, #tpu.memory_space<vmem_shared>>
      %dma_start3A_683 = arith.constant 0 : i32
      %dma_start3A_684 = arith.constant 0 : i32
      %dma_start3A_685 = tpu.memref_slice %arg11[%arg1, %dma_start3A_683, %dma_start3A_684] : memref<16x104x128xf32, #tpu.memory_space<vmem_shared>> -> memref<1x104x128xf32, #tpu.memory_space<vmem_shared>>
      %dma_start3A_686 = tpu.memref_squeeze %dma_start3A_685 : memref<1x104x128xf32, #tpu.memory_space<vmem_shared>> -> memref<104x128xf32, #tpu.memory_space<vmem_shared>>
      %dma_start3A_687 = arith.constant 96 : i32
      %dma_start3A_688 = arith.constant 0 : i32
      %dma_start3A_689 = tpu.memref_slice %arg9[%dma_start3A_687, %dma_start3A_688] : memref<200x128xf32, #tpu.memory_space<vmem>> -> memref<104x128xf32, #tpu.memory_space<vmem>>
      tpu.enqueue_dma source(%dma_start3A_689 : memref<104x128xf32, #tpu.memory_space<vmem>>) target(%dma_start3A_686 : memref<104x128xf32, #tpu.memory_space<vmem_shared>>) target_semaphore(%arg17 : memref<!tpu.dma_semaphore, #tpu.memory_space<semaphore_mem>>)
      %dma_wait3A_690 = arith.constant 0 : i32
      %dma_wait3A_691 = arith.constant 0 : i32
      %dma_wait3A_692 = tpu.memref_slice %arg9[%dma_wait3A_690, %dma_wait3A_691] : memref<200x128xf32, #tpu.memory_space<vmem>> -> memref<96x128xf32, #tpu.memory_space<vmem>>
      %dma_wait3A_693 = arith.constant 0 : i32
      %dma_wait3A_694 = arith.constant 0 : i32
      %dma_wait3A_695 = tpu.memref_slice %arg10[%arg1, %dma_wait3A_693, %dma_wait3A_694] : memref<16x96x128xf32, #tpu.memory_space<vmem_shared>> -> memref<1x96x128xf32, #tpu.memory_space<vmem_shared>>
      %dma_wait3A_696 = tpu.memref_squeeze %dma_wait3A_695 : memref<1x96x128xf32, #tpu.memory_space<vmem_shared>> -> memref<96x128xf32, #tpu.memory_space<vmem_shared>>
      %dma_wait3A_697 = arith.constant 0 : i32
      %dma_wait3A_698 = arith.constant 0 : i32
      %dma_wait3A_699 = tpu.memref_slice %arg10[%arg1, %dma_wait3A_697, %dma_wait3A_698] : memref<16x96x128xf32, #tpu.memory_space<vmem_shared>> -> memref<1x96x128xf32, #tpu.memory_space<vmem_shared>>
      %dma_wait3A_700 = tpu.memref_squeeze %dma_wait3A_699 : memref<1x96x128xf32, #tpu.memory_space<vmem_shared>> -> memref<96x128xf32, #tpu.memory_space<vmem_shared>>
      %dma_wait3A_701 = arith.constant 0 : i32
      %dma_wait3A_702 = arith.constant 0 : i32
      %dma_wait3A_703 = tpu.memref_slice %arg9[%dma_wait3A_701, %dma_wait3A_702] : memref<200x128xf32, #tpu.memory_space<vmem>> -> memref<96x128xf32, #tpu.memory_space<vmem>>
      tpu.wait_dma2 semaphore(%arg16 : memref<!tpu.dma_semaphore, #tpu.memory_space<semaphore_mem>>) src(%dma_wait3A_703 : memref<96x128xf32, #tpu.memory_space<vmem>>) dst(%dma_wait3A_700 : memref<96x128xf32, #tpu.memory_space<vmem_shared>>)
      %mul3A_704 = arith.constant 200 : i32
      %mul3A_705 = arith.muli %add3A_600, %mul3A_704 : i32
      %add3A_706 = arith.addi %mul3A_2, %mul3A_705 : i32
      %dma_start3A_707 = arith.constant 0 : i32
      %dma_start3A_708 = tpu.memref_slice %arg5[%add3A_706, %dma_start3A_707] : memref<204800x128xf32, #tpu.memory_space<hbm>> -> memref<96x128xf32, #tpu.memory_space<hbm>>
      %dma_start3A_709 = arith.constant 0 : i32
      %dma_start3A_710 = arith.constant 0 : i32
      %dma_start3A_711 = tpu.memref_slice %arg10[%arg1, %dma_start3A_709, %dma_start3A_710] : memref<16x96x128xf32, #tpu.memory_space<vmem_shared>> -> memref<1x96x128xf32, #tpu.memory_space<vmem_shared>>
      %dma_start3A_712 = tpu.memref_squeeze %dma_start3A_711 : memref<1x96x128xf32, #tpu.memory_space<vmem_shared>> -> memref<96x128xf32, #tpu.memory_space<vmem_shared>>
      tpu.enqueue_dma source(%dma_start3A_712 : memref<96x128xf32, #tpu.memory_space<vmem_shared>>) target(%dma_start3A_708 : memref<96x128xf32, #tpu.memory_space<hbm>>) target_semaphore(%arg18 : memref<!tpu.dma_semaphore, #tpu.memory_space<semaphore_mem>>)
      %dma_wait3A_713 = arith.constant 96 : i32
      %dma_wait3A_714 = arith.constant 0 : i32
      %dma_wait3A_715 = tpu.memref_slice %arg9[%dma_wait3A_713, %dma_wait3A_714] : memref<200x128xf32, #tpu.memory_space<vmem>> -> memref<104x128xf32, #tpu.memory_space<vmem>>
      %dma_wait3A_716 = arith.constant 0 : i32
      %dma_wait3A_717 = arith.constant 0 : i32
      %dma_wait3A_718 = tpu.memref_slice %arg11[%arg1, %dma_wait3A_716, %dma_wait3A_717] : memref<16x104x128xf32, #tpu.memory_space<vmem_shared>> -> memref<1x104x128xf32, #tpu.memory_space<vmem_shared>>
      %dma_wait3A_719 = tpu.memref_squeeze %dma_wait3A_718 : memref<1x104x128xf32, #tpu.memory_space<vmem_shared>> -> memref<104x128xf32, #tpu.memory_space<vmem_shared>>
      %dma_wait3A_720 = arith.constant 0 : i32
      %dma_wait3A_721 = arith.constant 0 : i32
      %dma_wait3A_722 = tpu.memref_slice %arg11[%arg1, %dma_wait3A_720, %dma_wait3A_721] : memref<16x104x128xf32, #tpu.memory_space<vmem_shared>> -> memref<1x104x128xf32, #tpu.memory_space<vmem_shared>>
      %dma_wait3A_723 = tpu.memref_squeeze %dma_wait3A_722 : memref<1x104x128xf32, #tpu.memory_space<vmem_shared>> -> memref<104x128xf32, #tpu.memory_space<vmem_shared>>
      %dma_wait3A_724 = arith.constant 96 : i32
      %dma_wait3A_725 = arith.constant 0 : i32
      %dma_wait3A_726 = tpu.memref_slice %arg9[%dma_wait3A_724, %dma_wait3A_725] : memref<200x128xf32, #tpu.memory_space<vmem>> -> memref<104x128xf32, #tpu.memory_space<vmem>>
      tpu.wait_dma2 semaphore(%arg17 : memref<!tpu.dma_semaphore, #tpu.memory_space<semaphore_mem>>) src(%dma_wait3A_726 : memref<104x128xf32, #tpu.memory_space<vmem>>) dst(%dma_wait3A_723 : memref<104x128xf32, #tpu.memory_space<vmem_shared>>)
      %mul3A_727 = arith.constant 200 : i32
      %mul3A_728 = arith.muli %add3A_600, %mul3A_727 : i32
      %add3A_729 = arith.addi %mul3A_2, %mul3A_728 : i32
      %add3A_730 = arith.constant 96 : i32
      %add3A_731 = arith.addi %add3A_729, %add3A_730 : i32
      %dma_start3A_732 = arith.constant 0 : i32
      %dma_start3A_733 = tpu.memref_slice %arg5[%add3A_731, %dma_start3A_732] : memref<204800x128xf32, #tpu.memory_space<hbm>> -> memref<104x128xf32, #tpu.memory_space<hbm>>
      %dma_start3A_734 = arith.constant 0 : i32
      %dma_start3A_735 = arith.constant 0 : i32
      %dma_start3A_736 = tpu.memref_slice %arg11[%arg1, %dma_start3A_734, %dma_start3A_735] : memref<16x104x128xf32, #tpu.memory_space<vmem_shared>> -> memref<1x104x128xf32, #tpu.memory_space<vmem_shared>>
      %dma_start3A_737 = tpu.memref_squeeze %dma_start3A_736 : memref<1x104x128xf32, #tpu.memory_space<vmem_shared>> -> memref<104x128xf32, #tpu.memory_space<vmem_shared>>
      tpu.enqueue_dma source(%dma_start3A_737 : memref<104x128xf32, #tpu.memory_space<vmem_shared>>) target(%dma_start3A_733 : memref<104x128xf32, #tpu.memory_space<hbm>>) target_semaphore(%arg19 : memref<!tpu.dma_semaphore, #tpu.memory_space<semaphore_mem>>)
      %add3A_738 = arith.constant 2 : i32
      %add3A_739 = arith.addi %add3A_600, %add3A_738 : i32
      %mul3A_740 = arith.constant 2 : i32
      %mul3A_741 = arith.muli %mul3A_740, %add3A_739 : i32
      %dma_start3A_742 = arith.constant 0 : i32
      %dma_start3A_743 = arith.constant 0 : i32
      %dma_start3A_744 = tpu.memref_slice %arg9[%dma_start3A_742, %dma_start3A_743] : memref<200x128xf32, #tpu.memory_space<vmem>> -> memref<100x128xf32, #tpu.memory_space<vmem>>
      %dma_start3A_745 = arith.constant 0 : i32
      %dma_start3A_746 = tpu.memref_slice %arg6[%mul3A_741, %dma_start3A_745] : memref<64x100xi32, #tpu.memory_space<vmem>> -> memref<1x100xi32, #tpu.memory_space<vmem>>
      %dma_start3A_747 = tpu.memref_squeeze %dma_start3A_746 : memref<1x100xi32, #tpu.memory_space<vmem>> -> memref<100xi32, #tpu.memory_space<vmem>>
      %dma_start3A_748 = arith.constant 0 : i32
      %dma_start3A_749 = arith.constant 0 : i32
      %dma_start3A_750 = tpu.memref_slice %arg2[%dma_start3A_748, %dma_start3A_749] : memref<100000x128xf32, #tpu.memory_space<hbm>> -> memref<100000x128xf32, #tpu.memory_space<hbm>>
      tpu.enqueue_indirect_dma source(%dma_start3A_750 : memref<100000x128xf32, #tpu.memory_space<hbm>>) target(%dma_start3A_744 : memref<100x128xf32, #tpu.memory_space<vmem>>) offsets(%dma_start3A_747 : memref<100xi32, #tpu.memory_space<vmem>>) semaphore(%arg14 : memref<!tpu.dma_semaphore, #tpu.memory_space<semaphore_mem>>)
      %mul3A_751 = arith.constant 2 : i32
      %mul3A_752 = arith.muli %mul3A_751, %add3A_739 : i32
      %add3A_753 = arith.constant 1 : i32
      %add3A_754 = arith.addi %mul3A_752, %add3A_753 : i32
      %dma_start3A_755 = arith.constant 100 : i32
      %dma_start3A_756 = arith.constant 0 : i32
      %dma_start3A_757 = tpu.memref_slice %arg9[%dma_start3A_755, %dma_start3A_756] : memref<200x128xf32, #tpu.memory_space<vmem>> -> memref<100x128xf32, #tpu.memory_space<vmem>>
      %dma_start3A_758 = arith.constant 0 : i32
      %dma_start3A_759 = tpu.memref_slice %arg6[%add3A_754, %dma_start3A_758] : memref<64x100xi32, #tpu.memory_space<vmem>> -> memref<1x100xi32, #tpu.memory_space<vmem>>
      %dma_start3A_760 = tpu.memref_squeeze %dma_start3A_759 : memref<1x100xi32, #tpu.memory_space<vmem>> -> memref<100xi32, #tpu.memory_space<vmem>>
      %dma_start3A_761 = arith.constant 0 : i32
      %dma_start3A_762 = arith.constant 0 : i32
      %dma_start3A_763 = tpu.memref_slice %arg2[%dma_start3A_761, %dma_start3A_762] : memref<100000x128xf32, #tpu.memory_space<hbm>> -> memref<100000x128xf32, #tpu.memory_space<hbm>>
      tpu.enqueue_indirect_dma source(%dma_start3A_763 : memref<100000x128xf32, #tpu.memory_space<hbm>>) target(%dma_start3A_757 : memref<100x128xf32, #tpu.memory_space<vmem>>) offsets(%dma_start3A_760 : memref<100xi32, #tpu.memory_space<vmem>>) semaphore(%arg15 : memref<!tpu.dma_semaphore, #tpu.memory_space<semaphore_mem>>)
      %mul3A_764 = arith.constant 2 : i32
      %mul3A_765 = arith.muli %mul3A_764, %scan3A_593 : i32
      %add3A_766 = arith.constant 1 : i32
      %add3A_767 = arith.addi %add3A_766, %mul3A_765 : i32
      %add3A_768 = arith.constant 1 : i32
      %add3A_769 = arith.addi %add3A_767, %add3A_768 : i32
      %mul3A_770 = arith.constant 2 : i32
      %mul3A_771 = arith.muli %mul3A_770, %add3A_769 : i32
      %dma_wait3A_772 = arith.constant 0 : i32
      %dma_wait3A_773 = arith.constant 0 : i32
      %dma_wait3A_774 = tpu.memref_slice %arg8[%dma_wait3A_772, %dma_wait3A_773] : memref<200x128xf32, #tpu.memory_space<vmem>> -> memref<100x128xf32, #tpu.memory_space<vmem>>
      %dma_wait3A_775 = arith.constant 0 : i32
      %dma_wait3A_776 = tpu.memref_slice %arg6[%mul3A_771, %dma_wait3A_775] : memref<64x100xi32, #tpu.memory_space<vmem>> -> memref<1x100xi32, #tpu.memory_space<vmem>>
      %dma_wait3A_777 = tpu.memref_squeeze %dma_wait3A_776 : memref<1x100xi32, #tpu.memory_space<vmem>> -> memref<100xi32, #tpu.memory_space<vmem>>
      %dma_wait3A_778 = arith.constant 0 : i32
      %dma_wait3A_779 = arith.constant 0 : i32
      %dma_wait3A_780 = tpu.memref_slice %arg2[%dma_wait3A_778, %dma_wait3A_779] : memref<100000x128xf32, #tpu.memory_space<hbm>> -> memref<100000x128xf32, #tpu.memory_space<hbm>>
      tpu.wait_indirect_dma semaphore(%arg12 : memref<!tpu.dma_semaphore, #tpu.memory_space<semaphore_mem>>) src(%dma_wait3A_780 : memref<100000x128xf32, #tpu.memory_space<hbm>>) dst(%dma_wait3A_774 : memref<100x128xf32, #tpu.memory_space<vmem>>)
      %scan3A_781 = arith.constant 0 : i32
      %scan3A_782 = arith.constant 0 : i32
      %scan3A_783 = arith.constant 48 : i32
      %scan3A_784 = arith.addi %scan3A_782, %scan3A_783 : i32
      %scan3A_785 = arith.constant 1 : i32
      %scan3A_786 = scf.for %scan3A_935 = %scan3A_782 to %scan3A_784 step %scan3A_785 iter_args(%scan3A_936 = %scan3A_781) -> (i32)  : i32 {
        %mul3A_937 = arith.constant 2 : i32
        %mul3A_938 = arith.muli %mul3A_937, %scan3A_935 : i32
        %add3A_939 = arith.constant 0 : i32
        %add3A_940 = arith.addi %add3A_939, %mul3A_938 : i32
        %add3A_941 = arith.constant 0 : i32
        %add3A_942 = arith.addi %add3A_940, %add3A_941 : i32
        %add3A_943 = arith.constant 0 : i32
        %add3A_944 = arith.addi %add3A_940, %add3A_943 : i32
        %get3A = arith.index_cast %add3A_944 : i32 to index
        %get3A_945 = arith.constant 0 : index
        %get3A_946 = tpu.vector_load %arg7[%get3A, %get3A_945] {strides = array<i32>} : memref<200x128xf32, #tpu.memory_space<vmem>>, vector<1x16xf32>,
        %get3A_947 = vector.shape_cast %get3A_946 : vector<1x16xf32> to vector<16xf32>
        %swap3A = arith.index_cast %add3A_942 : i32 to index
        %swap3A_948 = arith.constant 0 : index
        %swap3A_949 = tpu.vector_load %arg8[%swap3A, %swap3A_948] {strides = array<i32>} : memref<200x128xf32, #tpu.memory_space<vmem>>, vector<1x16xf32>,
        %swap3A_950 = vector.shape_cast %swap3A_949 : vector<1x16xf32> to vector<16xf32>
        %swap3A_951 = vector.shape_cast %get3A_947 : vector<16xf32> to vector<1x16xf32>
        tpu.vector_store %arg8[%swap3A, %swap3A_948], %swap3A_951 {add = true, strides = array<i32>} : memref<200x128xf32, #tpu.memory_space<vmem>>, vector<1x16xf32>,
        %add3A_952 = arith.constant 0 : i32
        %add3A_953 = arith.addi %add3A_940, %add3A_952 : i32
        %add3A_954 = arith.constant 0 : i32
        %add3A_955 = arith.addi %add3A_940, %add3A_954 : i32
        %get3A_956 = arith.index_cast %add3A_955 : i32 to index
        %get3A_957 = arith.constant 16 : index
        %get3A_958 = tpu.vector_load %arg7[%get3A_956, %get3A_957] {strides = array<i32>} : memref<200x128xf32, #tpu.memory_space<vmem>>, vector<1x16xf32>,
        %get3A_959 = vector.shape_cast %get3A_958 : vector<1x16xf32> to vector<16xf32>
        %swap3A_960 = arith.index_cast %add3A_953 : i32 to index
        %swap3A_961 = arith.constant 16 : index
        %swap3A_962 = tpu.vector_load %arg8[%swap3A_960, %swap3A_961] {strides = array<i32>} : memref<200x128xf32, #tpu.memory_space<vmem>>, vector<1x16xf32>,
        %swap3A_963 = vector.shape_cast %swap3A_962 : vector<1x16xf32> to vector<16xf32>
        %swap3A_964 = vector.shape_cast %get3A_959 : vector<16xf32> to vector<1x16xf32>
        tpu.vector_store %arg8[%swap3A_960, %swap3A_961], %swap3A_964 {add = true, strides = array<i32>} : memref<200x128xf32, #tpu.memory_space<vmem>>, vector<1x16xf32>,
        %add3A_965 = arith.constant 0 : i32
        %add3A_966 = arith.addi %add3A_940, %add3A_965 : i32
        %add3A_967 = arith.constant 0 : i32
        %add3A_968 = arith.addi %add3A_940, %add3A_967 : i32
        %get3A_969 = arith.index_cast %add3A_968 : i32 to index
        %get3A_970 = arith.constant 32 : index
        %get3A_971 = tpu.vector_load %arg7[%get3A_969, %get3A_970] {strides = array<i32>} : memref<200x128xf32, #tpu.memory_space<vmem>>, vector<1x16xf32>,
        %get3A_972 = vector.shape_cast %get3A_971 : vector<1x16xf32> to vector<16xf32>
        %swap3A_973 = arith.index_cast %add3A_966 : i32 to index
        %swap3A_974 = arith.constant 32 : index
        %swap3A_975 = tpu.vector_load %arg8[%swap3A_973, %swap3A_974] {strides = array<i32>} : memref<200x128xf32, #tpu.memory_space<vmem>>, vector<1x16xf32>,
        %swap3A_976 = vector.shape_cast %swap3A_975 : vector<1x16xf32> to vector<16xf32>
        %swap3A_977 = vector.shape_cast %get3A_972 : vector<16xf32> to vector<1x16xf32>
        tpu.vector_store %arg8[%swap3A_973, %swap3A_974], %swap3A_977 {add = true, strides = array<i32>} : memref<200x128xf32, #tpu.memory_space<vmem>>, vector<1x16xf32>,
        %add3A_978 = arith.constant 0 : i32
        %add3A_979 = arith.addi %add3A_940, %add3A_978 : i32
        %add3A_980 = arith.constant 0 : i32
        %add3A_981 = arith.addi %add3A_940, %add3A_980 : i32
        %get3A_982 = arith.index_cast %add3A_981 : i32 to index
        %get3A_983 = arith.constant 48 : index
        %get3A_984 = tpu.vector_load %arg7[%get3A_982, %get3A_983] {strides = array<i32>} : memref<200x128xf32, #tpu.memory_space<vmem>>, vector<1x16xf32>,
        %get3A_985 = vector.shape_cast %get3A_984 : vector<1x16xf32> to vector<16xf32>
        %swap3A_986 = arith.index_cast %add3A_979 : i32 to index
        %swap3A_987 = arith.constant 48 : index
        %swap3A_988 = tpu.vector_load %arg8[%swap3A_986, %swap3A_987] {strides = array<i32>} : memref<200x128xf32, #tpu.memory_space<vmem>>, vector<1x16xf32>,
        %swap3A_989 = vector.shape_cast %swap3A_988 : vector<1x16xf32> to vector<16xf32>
        %swap3A_990 = vector.shape_cast %get3A_985 : vector<16xf32> to vector<1x16xf32>
        tpu.vector_store %arg8[%swap3A_986, %swap3A_987], %swap3A_990 {add = true, strides = array<i32>} : memref<200x128xf32, #tpu.memory_space<vmem>>, vector<1x16xf32>,
        %add3A_991 = arith.constant 0 : i32
        %add3A_992 = arith.addi %add3A_940, %add3A_991 : i32
        %add3A_993 = arith.constant 0 : i32
        %add3A_994 = arith.addi %add3A_940, %add3A_993 : i32
        %get3A_995 = arith.index_cast %add3A_994 : i32 to index
        %get3A_996 = arith.constant 64 : index
        %get3A_997 = tpu.vector_load %arg7[%get3A_995, %get3A_996] {strides = array<i32>} : memref<200x128xf32, #tpu.memory_space<vmem>>, vector<1x16xf32>,
        %get3A_998 = vector.shape_cast %get3A_997 : vector<1x16xf32> to vector<16xf32>
        %swap3A_999 = arith.index_cast %add3A_992 : i32 to index
        %swap3A_1000 = arith.constant 64 : index
        %swap3A_1001 = tpu.vector_load %arg8[%swap3A_999, %swap3A_1000] {strides = array<i32>} : memref<200x128xf32, #tpu.memory_space<vmem>>, vector<1x16xf32>,
        %swap3A_1002 = vector.shape_cast %swap3A_1001 : vector<1x16xf32> to vector<16xf32>
        %swap3A_1003 = vector.shape_cast %get3A_998 : vector<16xf32> to vector<1x16xf32>
        tpu.vector_store %arg8[%swap3A_999, %swap3A_1000], %swap3A_1003 {add = true, strides = array<i32>} : memref<200x128xf32, #tpu.memory_space<vmem>>, vector<1x16xf32>,
        %add3A_1004 = arith.constant 0 : i32
        %add3A_1005 = arith.addi %add3A_940, %add3A_1004 : i32
        %add3A_1006 = arith.constant 0 : i32
        %add3A_1007 = arith.addi %add3A_940, %add3A_1006 : i32
        %get3A_1008 = arith.index_cast %add3A_1007 : i32 to index
        %get3A_1009 = arith.constant 80 : index
        %get3A_1010 = tpu.vector_load %arg7[%get3A_1008, %get3A_1009] {strides = array<i32>} : memref<200x128xf32, #tpu.memory_space<vmem>>, vector<1x16xf32>,
        %get3A_1011 = vector.shape_cast %get3A_1010 : vector<1x16xf32> to vector<16xf32>
        %swap3A_1012 = arith.index_cast %add3A_1005 : i32 to index
        %swap3A_1013 = arith.constant 80 : index
        %swap3A_1014 = tpu.vector_load %arg8[%swap3A_1012, %swap3A_1013] {strides = array<i32>} : memref<200x128xf32, #tpu.memory_space<vmem>>, vector<1x16xf32>,
        %swap3A_1015 = vector.shape_cast %swap3A_1014 : vector<1x16xf32> to vector<16xf32>
        %swap3A_1016 = vector.shape_cast %get3A_1011 : vector<16xf32> to vector<1x16xf32>
        tpu.vector_store %arg8[%swap3A_1012, %swap3A_1013], %swap3A_1016 {add = true, strides = array<i32>} : memref<200x128xf32, #tpu.memory_space<vmem>>, vector<1x16xf32>,
        %add3A_1017 = arith.constant 0 : i32
        %add3A_1018 = arith.addi %add3A_940, %add3A_1017 : i32
        %add3A_1019 = arith.constant 0 : i32
        %add3A_1020 = arith.addi %add3A_940, %add3A_1019 : i32
        %get3A_1021 = arith.index_cast %add3A_1020 : i32 to index
        %get3A_1022 = arith.constant 96 : index
        %get3A_1023 = tpu.vector_load %arg7[%get3A_1021, %get3A_1022] {strides = array<i32>} : memref<200x128xf32, #tpu.memory_space<vmem>>, vector<1x16xf32>,
        %get3A_1024 = vector.shape_cast %get3A_1023 : vector<1x16xf32> to vector<16xf32>
        %swap3A_1025 = arith.index_cast %add3A_1018 : i32 to index
        %swap3A_1026 = arith.constant 96 : index
        %swap3A_1027 = tpu.vector_load %arg8[%swap3A_1025, %swap3A_1026] {strides = array<i32>} : memref<200x128xf32, #tpu.memory_space<vmem>>, vector<1x16xf32>,
        %swap3A_1028 = vector.shape_cast %swap3A_1027 : vector<1x16xf32> to vector<16xf32>
        %swap3A_1029 = vector.shape_cast %get3A_1024 : vector<16xf32> to vector<1x16xf32>
        tpu.vector_store %arg8[%swap3A_1025, %swap3A_1026], %swap3A_1029 {add = true, strides = array<i32>} : memref<200x128xf32, #tpu.memory_space<vmem>>, vector<1x16xf32>,
        %add3A_1030 = arith.constant 0 : i32
        %add3A_1031 = arith.addi %add3A_940, %add3A_1030 : i32
        %add3A_1032 = arith.constant 0 : i32
        %add3A_1033 = arith.addi %add3A_940, %add3A_1032 : i32
        %get3A_1034 = arith.index_cast %add3A_1033 : i32 to index
        %get3A_1035 = arith.constant 112 : index
        %get3A_1036 = tpu.vector_load %arg7[%get3A_1034, %get3A_1035] {strides = array<i32>} : memref<200x128xf32, #tpu.memory_space<vmem>>, vector<1x16xf32>,
        %get3A_1037 = vector.shape_cast %get3A_1036 : vector<1x16xf32> to vector<16xf32>
        %swap3A_1038 = arith.index_cast %add3A_1031 : i32 to index
        %swap3A_1039 = arith.constant 112 : index
        %swap3A_1040 = tpu.vector_load %arg8[%swap3A_1038, %swap3A_1039] {strides = array<i32>} : memref<200x128xf32, #tpu.memory_space<vmem>>, vector<1x16xf32>,
        %swap3A_1041 = vector.shape_cast %swap3A_1040 : vector<1x16xf32> to vector<16xf32>
        %swap3A_1042 = vector.shape_cast %get3A_1037 : vector<16xf32> to vector<1x16xf32>
        tpu.vector_store %arg8[%swap3A_1038, %swap3A_1039], %swap3A_1042 {add = true, strides = array<i32>} : memref<200x128xf32, #tpu.memory_space<vmem>>, vector<1x16xf32>,
        %add3A_1043 = arith.constant 1 : i32
        %add3A_1044 = arith.addi %add3A_940, %add3A_1043 : i32
        %add3A_1045 = arith.constant 1 : i32
        %add3A_1046 = arith.addi %add3A_940, %add3A_1045 : i32
        %get3A_1047 = arith.index_cast %add3A_1046 : i32 to index
        %get3A_1048 = arith.constant 0 : index
        %get3A_1049 = tpu.vector_load %arg7[%get3A_1047, %get3A_1048] {strides = array<i32>} : memref<200x128xf32, #tpu.memory_space<vmem>>, vector<1x16xf32>,
        %get3A_1050 = vector.shape_cast %get3A_1049 : vector<1x16xf32> to vector<16xf32>
        %swap3A_1051 = arith.index_cast %add3A_1044 : i32 to index
        %swap3A_1052 = arith.constant 0 : index
        %swap3A_1053 = tpu.vector_load %arg8[%swap3A_1051, %swap3A_1052] {strides = array<i32>} : memref<200x128xf32, #tpu.memory_space<vmem>>, vector<1x16xf32>,
        %swap3A_1054 = vector.shape_cast %swap3A_1053 : vector<1x16xf32> to vector<16xf32>
        %swap3A_1055 = vector.shape_cast %get3A_1050 : vector<16xf32> to vector<1x16xf32>
        tpu.vector_store %arg8[%swap3A_1051, %swap3A_1052], %swap3A_1055 {add = true, strides = array<i32>} : memref<200x128xf32, #tpu.memory_space<vmem>>, vector<1x16xf32>,
        %add3A_1056 = arith.constant 1 : i32
        %add3A_1057 = arith.addi %add3A_940, %add3A_1056 : i32
        %add3A_1058 = arith.constant 1 : i32
        %add3A_1059 = arith.addi %add3A_940, %add3A_1058 : i32
        %get3A_1060 = arith.index_cast %add3A_1059 : i32 to index
        %get3A_1061 = arith.constant 16 : index
        %get3A_1062 = tpu.vector_load %arg7[%get3A_1060, %get3A_1061] {strides = array<i32>} : memref<200x128xf32, #tpu.memory_space<vmem>>, vector<1x16xf32>,
        %get3A_1063 = vector.shape_cast %get3A_1062 : vector<1x16xf32> to vector<16xf32>
        %swap3A_1064 = arith.index_cast %add3A_1057 : i32 to index
        %swap3A_1065 = arith.constant 16 : index
        %swap3A_1066 = tpu.vector_load %arg8[%swap3A_1064, %swap3A_1065] {strides = array<i32>} : memref<200x128xf32, #tpu.memory_space<vmem>>, vector<1x16xf32>,
        %swap3A_1067 = vector.shape_cast %swap3A_1066 : vector<1x16xf32> to vector<16xf32>
        %swap3A_1068 = vector.shape_cast %get3A_1063 : vector<16xf32> to vector<1x16xf32>
        tpu.vector_store %arg8[%swap3A_1064, %swap3A_1065], %swap3A_1068 {add = true, strides = array<i32>} : memref<200x128xf32, #tpu.memory_space<vmem>>, vector<1x16xf32>,
        %add3A_1069 = arith.constant 1 : i32
        %add3A_1070 = arith.addi %add3A_940, %add3A_1069 : i32
        %add3A_1071 = arith.constant 1 : i32
        %add3A_1072 = arith.addi %add3A_940, %add3A_1071 : i32
        %get3A_1073 = arith.index_cast %add3A_1072 : i32 to index
        %get3A_1074 = arith.constant 32 : index
        %get3A_1075 = tpu.vector_load %arg7[%get3A_1073, %get3A_1074] {strides = array<i32>} : memref<200x128xf32, #tpu.memory_space<vmem>>, vector<1x16xf32>,
        %get3A_1076 = vector.shape_cast %get3A_1075 : vector<1x16xf32> to vector<16xf32>
        %swap3A_1077 = arith.index_cast %add3A_1070 : i32 to index
        %swap3A_1078 = arith.constant 32 : index
        %swap3A_1079 = tpu.vector_load %arg8[%swap3A_1077, %swap3A_1078] {strides = array<i32>} : memref<200x128xf32, #tpu.memory_space<vmem>>, vector<1x16xf32>,
        %swap3A_1080 = vector.shape_cast %swap3A_1079 : vector<1x16xf32> to vector<16xf32>
        %swap3A_1081 = vector.shape_cast %get3A_1076 : vector<16xf32> to vector<1x16xf32>
        tpu.vector_store %arg8[%swap3A_1077, %swap3A_1078], %swap3A_1081 {add = true, strides = array<i32>} : memref<200x128xf32, #tpu.memory_space<vmem>>, vector<1x16xf32>,
        %add3A_1082 = arith.constant 1 : i32
        %add3A_1083 = arith.addi %add3A_940, %add3A_1082 : i32
        %add3A_1084 = arith.constant 1 : i32
        %add3A_1085 = arith.addi %add3A_940, %add3A_1084 : i32
        %get3A_1086 = arith.index_cast %add3A_1085 : i32 to index
        %get3A_1087 = arith.constant 48 : index
        %get3A_1088 = tpu.vector_load %arg7[%get3A_1086, %get3A_1087] {strides = array<i32>} : memref<200x128xf32, #tpu.memory_space<vmem>>, vector<1x16xf32>,
        %get3A_1089 = vector.shape_cast %get3A_1088 : vector<1x16xf32> to vector<16xf32>
        %swap3A_1090 = arith.index_cast %add3A_1083 : i32 to index
        %swap3A_1091 = arith.constant 48 : index
        %swap3A_1092 = tpu.vector_load %arg8[%swap3A_1090, %swap3A_1091] {strides = array<i32>} : memref<200x128xf32, #tpu.memory_space<vmem>>, vector<1x16xf32>,
        %swap3A_1093 = vector.shape_cast %swap3A_1092 : vector<1x16xf32> to vector<16xf32>
        %swap3A_1094 = vector.shape_cast %get3A_1089 : vector<16xf32> to vector<1x16xf32>
        tpu.vector_store %arg8[%swap3A_1090, %swap3A_1091], %swap3A_1094 {add = true, strides = array<i32>} : memref<200x128xf32, #tpu.memory_space<vmem>>, vector<1x16xf32>,
        %add3A_1095 = arith.constant 1 : i32
        %add3A_1096 = arith.addi %add3A_940, %add3A_1095 : i32
        %add3A_1097 = arith.constant 1 : i32
        %add3A_1098 = arith.addi %add3A_940, %add3A_1097 : i32
        %get3A_1099 = arith.index_cast %add3A_1098 : i32 to index
        %get3A_1100 = arith.constant 64 : index
        %get3A_1101 = tpu.vector_load %arg7[%get3A_1099, %get3A_1100] {strides = array<i32>} : memref<200x128xf32, #tpu.memory_space<vmem>>, vector<1x16xf32>,
        %get3A_1102 = vector.shape_cast %get3A_1101 : vector<1x16xf32> to vector<16xf32>
        %swap3A_1103 = arith.index_cast %add3A_1096 : i32 to index
        %swap3A_1104 = arith.constant 64 : index
        %swap3A_1105 = tpu.vector_load %arg8[%swap3A_1103, %swap3A_1104] {strides = array<i32>} : memref<200x128xf32, #tpu.memory_space<vmem>>, vector<1x16xf32>,
        %swap3A_1106 = vector.shape_cast %swap3A_1105 : vector<1x16xf32> to vector<16xf32>
        %swap3A_1107 = vector.shape_cast %get3A_1102 : vector<16xf32> to vector<1x16xf32>
        tpu.vector_store %arg8[%swap3A_1103, %swap3A_1104], %swap3A_1107 {add = true, strides = array<i32>} : memref<200x128xf32, #tpu.memory_space<vmem>>, vector<1x16xf32>,
        %add3A_1108 = arith.constant 1 : i32
        %add3A_1109 = arith.addi %add3A_940, %add3A_1108 : i32
        %add3A_1110 = arith.constant 1 : i32
        %add3A_1111 = arith.addi %add3A_940, %add3A_1110 : i32
        %get3A_1112 = arith.index_cast %add3A_1111 : i32 to index
        %get3A_1113 = arith.constant 80 : index
        %get3A_1114 = tpu.vector_load %arg7[%get3A_1112, %get3A_1113] {strides = array<i32>} : memref<200x128xf32, #tpu.memory_space<vmem>>, vector<1x16xf32>,
        %get3A_1115 = vector.shape_cast %get3A_1114 : vector<1x16xf32> to vector<16xf32>
        %swap3A_1116 = arith.index_cast %add3A_1109 : i32 to index
        %swap3A_1117 = arith.constant 80 : index
        %swap3A_1118 = tpu.vector_load %arg8[%swap3A_1116, %swap3A_1117] {strides = array<i32>} : memref<200x128xf32, #tpu.memory_space<vmem>>, vector<1x16xf32>,
        %swap3A_1119 = vector.shape_cast %swap3A_1118 : vector<1x16xf32> to vector<16xf32>
        %swap3A_1120 = vector.shape_cast %get3A_1115 : vector<16xf32> to vector<1x16xf32>
        tpu.vector_store %arg8[%swap3A_1116, %swap3A_1117], %swap3A_1120 {add = true, strides = array<i32>} : memref<200x128xf32, #tpu.memory_space<vmem>>, vector<1x16xf32>,
        %add3A_1121 = arith.constant 1 : i32
        %add3A_1122 = arith.addi %add3A_940, %add3A_1121 : i32
        %add3A_1123 = arith.constant 1 : i32
        %add3A_1124 = arith.addi %add3A_940, %add3A_1123 : i32
        %get3A_1125 = arith.index_cast %add3A_1124 : i32 to index
        %get3A_1126 = arith.constant 96 : index
        %get3A_1127 = tpu.vector_load %arg7[%get3A_1125, %get3A_1126] {strides = array<i32>} : memref<200x128xf32, #tpu.memory_space<vmem>>, vector<1x16xf32>,
        %get3A_1128 = vector.shape_cast %get3A_1127 : vector<1x16xf32> to vector<16xf32>
        %swap3A_1129 = arith.index_cast %add3A_1122 : i32 to index
        %swap3A_1130 = arith.constant 96 : index
        %swap3A_1131 = tpu.vector_load %arg8[%swap3A_1129, %swap3A_1130] {strides = array<i32>} : memref<200x128xf32, #tpu.memory_space<vmem>>, vector<1x16xf32>,
        %swap3A_1132 = vector.shape_cast %swap3A_1131 : vector<1x16xf32> to vector<16xf32>
        %swap3A_1133 = vector.shape_cast %get3A_1128 : vector<16xf32> to vector<1x16xf32>
        tpu.vector_store %arg8[%swap3A_1129, %swap3A_1130], %swap3A_1133 {add = true, strides = array<i32>} : memref<200x128xf32, #tpu.memory_space<vmem>>, vector<1x16xf32>,
        %add3A_1134 = arith.constant 1 : i32
        %add3A_1135 = arith.addi %add3A_940, %add3A_1134 : i32
        %add3A_1136 = arith.constant 1 : i32
        %add3A_1137 = arith.addi %add3A_940, %add3A_1136 : i32
        %get3A_1138 = arith.index_cast %add3A_1137 : i32 to index
        %get3A_1139 = arith.constant 112 : index
        %get3A_1140 = tpu.vector_load %arg7[%get3A_1138, %get3A_1139] {strides = array<i32>} : memref<200x128xf32, #tpu.memory_space<vmem>>, vector<1x16xf32>,
        %get3A_1141 = vector.shape_cast %get3A_1140 : vector<1x16xf32> to vector<16xf32>
        %swap3A_1142 = arith.index_cast %add3A_1135 : i32 to index
        %swap3A_1143 = arith.constant 112 : index
        %swap3A_1144 = tpu.vector_load %arg8[%swap3A_1142, %swap3A_1143] {strides = array<i32>} : memref<200x128xf32, #tpu.memory_space<vmem>>, vector<1x16xf32>,
        %swap3A_1145 = vector.shape_cast %swap3A_1144 : vector<1x16xf32> to vector<16xf32>
        %swap3A_1146 = vector.shape_cast %get3A_1141 : vector<16xf32> to vector<1x16xf32>
        tpu.vector_store %arg8[%swap3A_1142, %swap3A_1143], %swap3A_1146 {add = true, strides = array<i32>} : memref<200x128xf32, #tpu.memory_space<vmem>>, vector<1x16xf32>,
        %scan3A_1147 = arith.constant 0 : i32
        scf.yield %scan3A_1147 : i32
      }
      %scan3A_787 = arith.constant 48 : i32
      %sub3A_788 = arith.constant 1 : i32
      %sub3A_789 = arith.subi %add3A_769, %sub3A_788 : i32
      %mul3A_790 = arith.constant 200 : i32
      %mul3A_791 = arith.muli %sub3A_789, %mul3A_790 : i32
      %add3A_792 = arith.addi %mul3A_2, %mul3A_791 : i32
      %dma_wait3A_793 = arith.constant 0 : i32
      %dma_wait3A_794 = tpu.memref_slice %arg5[%add3A_792, %dma_wait3A_793] : memref<204800x128xf32, #tpu.memory_space<hbm>> -> memref<96x128xf32, #tpu.memory_space<hbm>>
      %dma_wait3A_795 = arith.constant 0 : i32
      %dma_wait3A_796 = arith.constant 0 : i32
      %dma_wait3A_797 = tpu.memref_slice %arg10[%arg1, %dma_wait3A_795, %dma_wait3A_796] : memref<16x96x128xf32, #tpu.memory_space<vmem_shared>> -> memref<1x96x128xf32, #tpu.memory_space<vmem_shared>>
      %dma_wait3A_798 = tpu.memref_squeeze %dma_wait3A_797 : memref<1x96x128xf32, #tpu.memory_space<vmem_shared>> -> memref<96x128xf32, #tpu.memory_space<vmem_shared>>
      tpu.wait_dma2 semaphore(%arg18 : memref<!tpu.dma_semaphore, #tpu.memory_space<semaphore_mem>>) src(%dma_wait3A_798 : memref<96x128xf32, #tpu.memory_space<vmem_shared>>) dst(%dma_wait3A_794 : memref<96x128xf32, #tpu.memory_space<hbm>>)
      %dma_start3A_799 = arith.constant 0 : i32
      %dma_start3A_800 = arith.constant 0 : i32
      %dma_start3A_801 = tpu.memref_slice %arg8[%dma_start3A_799, %dma_start3A_800] : memref<200x128xf32, #tpu.memory_space<vmem>> -> memref<96x128xf32, #tpu.memory_space<vmem>>
      %dma_start3A_802 = arith.constant 0 : i32
      %dma_start3A_803 = arith.constant 0 : i32
      %dma_start3A_804 = tpu.memref_slice %arg10[%arg1, %dma_start3A_802, %dma_start3A_803] : memref<16x96x128xf32, #tpu.memory_space<vmem_shared>> -> memref<1x96x128xf32, #tpu.memory_space<vmem_shared>>
      %dma_start3A_805 = tpu.memref_squeeze %dma_start3A_804 : memref<1x96x128xf32, #tpu.memory_space<vmem_shared>> -> memref<96x128xf32, #tpu.memory_space<vmem_shared>>
      %dma_start3A_806 = arith.constant 0 : i32
      %dma_start3A_807 = arith.constant 0 : i32
      %dma_start3A_808 = tpu.memref_slice %arg10[%arg1, %dma_start3A_806, %dma_start3A_807] : memref<16x96x128xf32, #tpu.memory_space<vmem_shared>> -> memref<1x96x128xf32, #tpu.memory_space<vmem_shared>>
      %dma_start3A_809 = tpu.memref_squeeze %dma_start3A_808 : memref<1x96x128xf32, #tpu.memory_space<vmem_shared>> -> memref<96x128xf32, #tpu.memory_space<vmem_shared>>
      %dma_start3A_810 = arith.constant 0 : i32
      %dma_start3A_811 = arith.constant 0 : i32
      %dma_start3A_812 = tpu.memref_slice %arg8[%dma_start3A_810, %dma_start3A_811] : memref<200x128xf32, #tpu.memory_space<vmem>> -> memref<96x128xf32, #tpu.memory_space<vmem>>
      tpu.enqueue_dma source(%dma_start3A_812 : memref<96x128xf32, #tpu.memory_space<vmem>>) target(%dma_start3A_809 : memref<96x128xf32, #tpu.memory_space<vmem_shared>>) target_semaphore(%arg16 : memref<!tpu.dma_semaphore, #tpu.memory_space<semaphore_mem>>)
      %mul3A_813 = arith.constant 2 : i32
      %mul3A_814 = arith.muli %mul3A_813, %add3A_769 : i32
      %add3A_815 = arith.constant 1 : i32
      %add3A_816 = arith.addi %mul3A_814, %add3A_815 : i32
      %dma_wait3A_817 = arith.constant 100 : i32
      %dma_wait3A_818 = arith.constant 0 : i32
      %dma_wait3A_819 = tpu.memref_slice %arg8[%dma_wait3A_817, %dma_wait3A_818] : memref<200x128xf32, #tpu.memory_space<vmem>> -> memref<100x128xf32, #tpu.memory_space<vmem>>
      %dma_wait3A_820 = arith.constant 0 : i32
      %dma_wait3A_821 = tpu.memref_slice %arg6[%add3A_816, %dma_wait3A_820] : memref<64x100xi32, #tpu.memory_space<vmem>> -> memref<1x100xi32, #tpu.memory_space<vmem>>
      %dma_wait3A_822 = tpu.memref_squeeze %dma_wait3A_821 : memref<1x100xi32, #tpu.memory_space<vmem>> -> memref<100xi32, #tpu.memory_space<vmem>>
      %dma_wait3A_823 = arith.constant 0 : i32
      %dma_wait3A_824 = arith.constant 0 : i32
      %dma_wait3A_825 = tpu.memref_slice %arg2[%dma_wait3A_823, %dma_wait3A_824] : memref<100000x128xf32, #tpu.memory_space<hbm>> -> memref<100000x128xf32, #tpu.memory_space<hbm>>
      tpu.wait_indirect_dma semaphore(%arg13 : memref<!tpu.dma_semaphore, #tpu.memory_space<semaphore_mem>>) src(%dma_wait3A_825 : memref<100000x128xf32, #tpu.memory_space<hbm>>) dst(%dma_wait3A_819 : memref<100x128xf32, #tpu.memory_space<vmem>>)
      %scan3A_826 = arith.constant 0 : i32
      %scan3A_827 = arith.constant 0 : i32
      %scan3A_828 = arith.constant 52 : i32
      %scan3A_829 = arith.addi %scan3A_827, %scan3A_828 : i32
      %scan3A_830 = arith.constant 1 : i32
      %scan3A_831 = scf.for %scan3A_935 = %scan3A_827 to %scan3A_829 step %scan3A_830 iter_args(%scan3A_936 = %scan3A_826) -> (i32)  : i32 {
        %mul3A_937 = arith.constant 2 : i32
        %mul3A_938 = arith.muli %mul3A_937, %scan3A_935 : i32
        %add3A_939 = arith.constant 96 : i32
        %add3A_940 = arith.addi %add3A_939, %mul3A_938 : i32
        %add3A_941 = arith.constant 0 : i32
        %add3A_942 = arith.addi %add3A_940, %add3A_941 : i32
        %add3A_943 = arith.constant 0 : i32
        %add3A_944 = arith.addi %add3A_940, %add3A_943 : i32
        %get3A = arith.index_cast %add3A_944 : i32 to index
        %get3A_945 = arith.constant 0 : index
        %get3A_946 = tpu.vector_load %arg7[%get3A, %get3A_945] {strides = array<i32>} : memref<200x128xf32, #tpu.memory_space<vmem>>, vector<1x16xf32>,
        %get3A_947 = vector.shape_cast %get3A_946 : vector<1x16xf32> to vector<16xf32>
        %swap3A = arith.index_cast %add3A_942 : i32 to index
        %swap3A_948 = arith.constant 0 : index
        %swap3A_949 = tpu.vector_load %arg8[%swap3A, %swap3A_948] {strides = array<i32>} : memref<200x128xf32, #tpu.memory_space<vmem>>, vector<1x16xf32>,
        %swap3A_950 = vector.shape_cast %swap3A_949 : vector<1x16xf32> to vector<16xf32>
        %swap3A_951 = vector.shape_cast %get3A_947 : vector<16xf32> to vector<1x16xf32>
        tpu.vector_store %arg8[%swap3A, %swap3A_948], %swap3A_951 {add = true, strides = array<i32>} : memref<200x128xf32, #tpu.memory_space<vmem>>, vector<1x16xf32>,
        %add3A_952 = arith.constant 0 : i32
        %add3A_953 = arith.addi %add3A_940, %add3A_952 : i32
        %add3A_954 = arith.constant 0 : i32
        %add3A_955 = arith.addi %add3A_940, %add3A_954 : i32
        %get3A_956 = arith.index_cast %add3A_955 : i32 to index
        %get3A_957 = arith.constant 16 : index
        %get3A_958 = tpu.vector_load %arg7[%get3A_956, %get3A_957] {strides = array<i32>} : memref<200x128xf32, #tpu.memory_space<vmem>>, vector<1x16xf32>,
        %get3A_959 = vector.shape_cast %get3A_958 : vector<1x16xf32> to vector<16xf32>
        %swap3A_960 = arith.index_cast %add3A_953 : i32 to index
        %swap3A_961 = arith.constant 16 : index
        %swap3A_962 = tpu.vector_load %arg8[%swap3A_960, %swap3A_961] {strides = array<i32>} : memref<200x128xf32, #tpu.memory_space<vmem>>, vector<1x16xf32>,
        %swap3A_963 = vector.shape_cast %swap3A_962 : vector<1x16xf32> to vector<16xf32>
        %swap3A_964 = vector.shape_cast %get3A_959 : vector<16xf32> to vector<1x16xf32>
        tpu.vector_store %arg8[%swap3A_960, %swap3A_961], %swap3A_964 {add = true, strides = array<i32>} : memref<200x128xf32, #tpu.memory_space<vmem>>, vector<1x16xf32>,
        %add3A_965 = arith.constant 0 : i32
        %add3A_966 = arith.addi %add3A_940, %add3A_965 : i32
        %add3A_967 = arith.constant 0 : i32
        %add3A_968 = arith.addi %add3A_940, %add3A_967 : i32
        %get3A_969 = arith.index_cast %add3A_968 : i32 to index
        %get3A_970 = arith.constant 32 : index
        %get3A_971 = tpu.vector_load %arg7[%get3A_969, %get3A_970] {strides = array<i32>} : memref<200x128xf32, #tpu.memory_space<vmem>>, vector<1x16xf32>,
        %get3A_972 = vector.shape_cast %get3A_971 : vector<1x16xf32> to vector<16xf32>
        %swap3A_973 = arith.index_cast %add3A_966 : i32 to index
        %swap3A_974 = arith.constant 32 : index
        %swap3A_975 = tpu.vector_load %arg8[%swap3A_973, %swap3A_974] {strides = array<i32>} : memref<200x128xf32, #tpu.memory_space<vmem>>, vector<1x16xf32>,
        %swap3A_976 = vector.shape_cast %swap3A_975 : vector<1x16xf32> to vector<16xf32>
        %swap3A_977 = vector.shape_cast %get3A_972 : vector<16xf32> to vector<1x16xf32>
        tpu.vector_store %arg8[%swap3A_973, %swap3A_974], %swap3A_977 {add = true, strides = array<i32>} : memref<200x128xf32, #tpu.memory_space<vmem>>, vector<1x16xf32>,
        %add3A_978 = arith.constant 0 : i32
        %add3A_979 = arith.addi %add3A_940, %add3A_978 : i32
        %add3A_980 = arith.constant 0 : i32
        %add3A_981 = arith.addi %add3A_940, %add3A_980 : i32
        %get3A_982 = arith.index_cast %add3A_981 : i32 to index
        %get3A_983 = arith.constant 48 : index
        %get3A_984 = tpu.vector_load %arg7[%get3A_982, %get3A_983] {strides = array<i32>} : memref<200x128xf32, #tpu.memory_space<vmem>>, vector<1x16xf32>,
        %get3A_985 = vector.shape_cast %get3A_984 : vector<1x16xf32> to vector<16xf32>
        %swap3A_986 = arith.index_cast %add3A_979 : i32 to index
        %swap3A_987 = arith.constant 48 : index
        %swap3A_988 = tpu.vector_load %arg8[%swap3A_986, %swap3A_987] {strides = array<i32>} : memref<200x128xf32, #tpu.memory_space<vmem>>, vector<1x16xf32>,
        %swap3A_989 = vector.shape_cast %swap3A_988 : vector<1x16xf32> to vector<16xf32>
        %swap3A_990 = vector.shape_cast %get3A_985 : vector<16xf32> to vector<1x16xf32>
        tpu.vector_store %arg8[%swap3A_986, %swap3A_987], %swap3A_990 {add = true, strides = array<i32>} : memref<200x128xf32, #tpu.memory_space<vmem>>, vector<1x16xf32>,
        %add3A_991 = arith.constant 0 : i32
        %add3A_992 = arith.addi %add3A_940, %add3A_991 : i32
        %add3A_993 = arith.constant 0 : i32
        %add3A_994 = arith.addi %add3A_940, %add3A_993 : i32
        %get3A_995 = arith.index_cast %add3A_994 : i32 to index
        %get3A_996 = arith.constant 64 : index
        %get3A_997 = tpu.vector_load %arg7[%get3A_995, %get3A_996] {strides = array<i32>} : memref<200x128xf32, #tpu.memory_space<vmem>>, vector<1x16xf32>,
        %get3A_998 = vector.shape_cast %get3A_997 : vector<1x16xf32> to vector<16xf32>
        %swap3A_999 = arith.index_cast %add3A_992 : i32 to index
        %swap3A_1000 = arith.constant 64 : index
        %swap3A_1001 = tpu.vector_load %arg8[%swap3A_999, %swap3A_1000] {strides = array<i32>} : memref<200x128xf32, #tpu.memory_space<vmem>>, vector<1x16xf32>,
        %swap3A_1002 = vector.shape_cast %swap3A_1001 : vector<1x16xf32> to vector<16xf32>
        %swap3A_1003 = vector.shape_cast %get3A_998 : vector<16xf32> to vector<1x16xf32>
        tpu.vector_store %arg8[%swap3A_999, %swap3A_1000], %swap3A_1003 {add = true, strides = array<i32>} : memref<200x128xf32, #tpu.memory_space<vmem>>, vector<1x16xf32>,
        %add3A_1004 = arith.constant 0 : i32
        %add3A_1005 = arith.addi %add3A_940, %add3A_1004 : i32
        %add3A_1006 = arith.constant 0 : i32
        %add3A_1007 = arith.addi %add3A_940, %add3A_1006 : i32
        %get3A_1008 = arith.index_cast %add3A_1007 : i32 to index
        %get3A_1009 = arith.constant 80 : index
        %get3A_1010 = tpu.vector_load %arg7[%get3A_1008, %get3A_1009] {strides = array<i32>} : memref<200x128xf32, #tpu.memory_space<vmem>>, vector<1x16xf32>,
        %get3A_1011 = vector.shape_cast %get3A_1010 : vector<1x16xf32> to vector<16xf32>
        %swap3A_1012 = arith.index_cast %add3A_1005 : i32 to index
        %swap3A_1013 = arith.constant 80 : index
        %swap3A_1014 = tpu.vector_load %arg8[%swap3A_1012, %swap3A_1013] {strides = array<i32>} : memref<200x128xf32, #tpu.memory_space<vmem>>, vector<1x16xf32>,
        %swap3A_1015 = vector.shape_cast %swap3A_1014 : vector<1x16xf32> to vector<16xf32>
        %swap3A_1016 = vector.shape_cast %get3A_1011 : vector<16xf32> to vector<1x16xf32>
        tpu.vector_store %arg8[%swap3A_1012, %swap3A_1013], %swap3A_1016 {add = true, strides = array<i32>} : memref<200x128xf32, #tpu.memory_space<vmem>>, vector<1x16xf32>,
        %add3A_1017 = arith.constant 0 : i32
        %add3A_1018 = arith.addi %add3A_940, %add3A_1017 : i32
        %add3A_1019 = arith.constant 0 : i32
        %add3A_1020 = arith.addi %add3A_940, %add3A_1019 : i32
        %get3A_1021 = arith.index_cast %add3A_1020 : i32 to index
        %get3A_1022 = arith.constant 96 : index
        %get3A_1023 = tpu.vector_load %arg7[%get3A_1021, %get3A_1022] {strides = array<i32>} : memref<200x128xf32, #tpu.memory_space<vmem>>, vector<1x16xf32>,
        %get3A_1024 = vector.shape_cast %get3A_1023 : vector<1x16xf32> to vector<16xf32>
        %swap3A_1025 = arith.index_cast %add3A_1018 : i32 to index
        %swap3A_1026 = arith.constant 96 : index
        %swap3A_1027 = tpu.vector_load %arg8[%swap3A_1025, %swap3A_1026] {strides = array<i32>} : memref<200x128xf32, #tpu.memory_space<vmem>>, vector<1x16xf32>,
        %swap3A_1028 = vector.shape_cast %swap3A_1027 : vector<1x16xf32> to vector<16xf32>
        %swap3A_1029 = vector.shape_cast %get3A_1024 : vector<16xf32> to vector<1x16xf32>
        tpu.vector_store %arg8[%swap3A_1025, %swap3A_1026], %swap3A_1029 {add = true, strides = array<i32>} : memref<200x128xf32, #tpu.memory_space<vmem>>, vector<1x16xf32>,
        %add3A_1030 = arith.constant 0 : i32
        %add3A_1031 = arith.addi %add3A_940, %add3A_1030 : i32
        %add3A_1032 = arith.constant 0 : i32
        %add3A_1033 = arith.addi %add3A_940, %add3A_1032 : i32
        %get3A_1034 = arith.index_cast %add3A_1033 : i32 to index
        %get3A_1035 = arith.constant 112 : index
        %get3A_1036 = tpu.vector_load %arg7[%get3A_1034, %get3A_1035] {strides = array<i32>} : memref<200x128xf32, #tpu.memory_space<vmem>>, vector<1x16xf32>,
        %get3A_1037 = vector.shape_cast %get3A_1036 : vector<1x16xf32> to vector<16xf32>
        %swap3A_1038 = arith.index_cast %add3A_1031 : i32 to index
        %swap3A_1039 = arith.constant 112 : index
        %swap3A_1040 = tpu.vector_load %arg8[%swap3A_1038, %swap3A_1039] {strides = array<i32>} : memref<200x128xf32, #tpu.memory_space<vmem>>, vector<1x16xf32>,
        %swap3A_1041 = vector.shape_cast %swap3A_1040 : vector<1x16xf32> to vector<16xf32>
        %swap3A_1042 = vector.shape_cast %get3A_1037 : vector<16xf32> to vector<1x16xf32>
        tpu.vector_store %arg8[%swap3A_1038, %swap3A_1039], %swap3A_1042 {add = true, strides = array<i32>} : memref<200x128xf32, #tpu.memory_space<vmem>>, vector<1x16xf32>,
        %add3A_1043 = arith.constant 1 : i32
        %add3A_1044 = arith.addi %add3A_940, %add3A_1043 : i32
        %add3A_1045 = arith.constant 1 : i32
        %add3A_1046 = arith.addi %add3A_940, %add3A_1045 : i32
        %get3A_1047 = arith.index_cast %add3A_1046 : i32 to index
        %get3A_1048 = arith.constant 0 : index
        %get3A_1049 = tpu.vector_load %arg7[%get3A_1047, %get3A_1048] {strides = array<i32>} : memref<200x128xf32, #tpu.memory_space<vmem>>, vector<1x16xf32>,
        %get3A_1050 = vector.shape_cast %get3A_1049 : vector<1x16xf32> to vector<16xf32>
        %swap3A_1051 = arith.index_cast %add3A_1044 : i32 to index
        %swap3A_1052 = arith.constant 0 : index
        %swap3A_1053 = tpu.vector_load %arg8[%swap3A_1051, %swap3A_1052] {strides = array<i32>} : memref<200x128xf32, #tpu.memory_space<vmem>>, vector<1x16xf32>,
        %swap3A_1054 = vector.shape_cast %swap3A_1053 : vector<1x16xf32> to vector<16xf32>
        %swap3A_1055 = vector.shape_cast %get3A_1050 : vector<16xf32> to vector<1x16xf32>
        tpu.vector_store %arg8[%swap3A_1051, %swap3A_1052], %swap3A_1055 {add = true, strides = array<i32>} : memref<200x128xf32, #tpu.memory_space<vmem>>, vector<1x16xf32>,
        %add3A_1056 = arith.constant 1 : i32
        %add3A_1057 = arith.addi %add3A_940, %add3A_1056 : i32
        %add3A_1058 = arith.constant 1 : i32
        %add3A_1059 = arith.addi %add3A_940, %add3A_1058 : i32
        %get3A_1060 = arith.index_cast %add3A_1059 : i32 to index
        %get3A_1061 = arith.constant 16 : index
        %get3A_1062 = tpu.vector_load %arg7[%get3A_1060, %get3A_1061] {strides = array<i32>} : memref<200x128xf32, #tpu.memory_space<vmem>>, vector<1x16xf32>,
        %get3A_1063 = vector.shape_cast %get3A_1062 : vector<1x16xf32> to vector<16xf32>
        %swap3A_1064 = arith.index_cast %add3A_1057 : i32 to index
        %swap3A_1065 = arith.constant 16 : index
        %swap3A_1066 = tpu.vector_load %arg8[%swap3A_1064, %swap3A_1065] {strides = array<i32>} : memref<200x128xf32, #tpu.memory_space<vmem>>, vector<1x16xf32>,
        %swap3A_1067 = vector.shape_cast %swap3A_1066 : vector<1x16xf32> to vector<16xf32>
        %swap3A_1068 = vector.shape_cast %get3A_1063 : vector<16xf32> to vector<1x16xf32>
        tpu.vector_store %arg8[%swap3A_1064, %swap3A_1065], %swap3A_1068 {add = true, strides = array<i32>} : memref<200x128xf32, #tpu.memory_space<vmem>>, vector<1x16xf32>,
        %add3A_1069 = arith.constant 1 : i32
        %add3A_1070 = arith.addi %add3A_940, %add3A_1069 : i32
        %add3A_1071 = arith.constant 1 : i32
        %add3A_1072 = arith.addi %add3A_940, %add3A_1071 : i32
        %get3A_1073 = arith.index_cast %add3A_1072 : i32 to index
        %get3A_1074 = arith.constant 32 : index
        %get3A_1075 = tpu.vector_load %arg7[%get3A_1073, %get3A_1074] {strides = array<i32>} : memref<200x128xf32, #tpu.memory_space<vmem>>, vector<1x16xf32>,
        %get3A_1076 = vector.shape_cast %get3A_1075 : vector<1x16xf32> to vector<16xf32>
        %swap3A_1077 = arith.index_cast %add3A_1070 : i32 to index
        %swap3A_1078 = arith.constant 32 : index
        %swap3A_1079 = tpu.vector_load %arg8[%swap3A_1077, %swap3A_1078] {strides = array<i32>} : memref<200x128xf32, #tpu.memory_space<vmem>>, vector<1x16xf32>,
        %swap3A_1080 = vector.shape_cast %swap3A_1079 : vector<1x16xf32> to vector<16xf32>
        %swap3A_1081 = vector.shape_cast %get3A_1076 : vector<16xf32> to vector<1x16xf32>
        tpu.vector_store %arg8[%swap3A_1077, %swap3A_1078], %swap3A_1081 {add = true, strides = array<i32>} : memref<200x128xf32, #tpu.memory_space<vmem>>, vector<1x16xf32>,
        %add3A_1082 = arith.constant 1 : i32
        %add3A_1083 = arith.addi %add3A_940, %add3A_1082 : i32
        %add3A_1084 = arith.constant 1 : i32
        %add3A_1085 = arith.addi %add3A_940, %add3A_1084 : i32
        %get3A_1086 = arith.index_cast %add3A_1085 : i32 to index
        %get3A_1087 = arith.constant 48 : index
        %get3A_1088 = tpu.vector_load %arg7[%get3A_1086, %get3A_1087] {strides = array<i32>} : memref<200x128xf32, #tpu.memory_space<vmem>>, vector<1x16xf32>,
        %get3A_1089 = vector.shape_cast %get3A_1088 : vector<1x16xf32> to vector<16xf32>
        %swap3A_1090 = arith.index_cast %add3A_1083 : i32 to index
        %swap3A_1091 = arith.constant 48 : index
        %swap3A_1092 = tpu.vector_load %arg8[%swap3A_1090, %swap3A_1091] {strides = array<i32>} : memref<200x128xf32, #tpu.memory_space<vmem>>, vector<1x16xf32>,
        %swap3A_1093 = vector.shape_cast %swap3A_1092 : vector<1x16xf32> to vector<16xf32>
        %swap3A_1094 = vector.shape_cast %get3A_1089 : vector<16xf32> to vector<1x16xf32>
        tpu.vector_store %arg8[%swap3A_1090, %swap3A_1091], %swap3A_1094 {add = true, strides = array<i32>} : memref<200x128xf32, #tpu.memory_space<vmem>>, vector<1x16xf32>,
        %add3A_1095 = arith.constant 1 : i32
        %add3A_1096 = arith.addi %add3A_940, %add3A_1095 : i32
        %add3A_1097 = arith.constant 1 : i32
        %add3A_1098 = arith.addi %add3A_940, %add3A_1097 : i32
        %get3A_1099 = arith.index_cast %add3A_1098 : i32 to index
        %get3A_1100 = arith.constant 64 : index
        %get3A_1101 = tpu.vector_load %arg7[%get3A_1099, %get3A_1100] {strides = array<i32>} : memref<200x128xf32, #tpu.memory_space<vmem>>, vector<1x16xf32>,
        %get3A_1102 = vector.shape_cast %get3A_1101 : vector<1x16xf32> to vector<16xf32>
        %swap3A_1103 = arith.index_cast %add3A_1096 : i32 to index
        %swap3A_1104 = arith.constant 64 : index
        %swap3A_1105 = tpu.vector_load %arg8[%swap3A_1103, %swap3A_1104] {strides = array<i32>} : memref<200x128xf32, #tpu.memory_space<vmem>>, vector<1x16xf32>,
        %swap3A_1106 = vector.shape_cast %swap3A_1105 : vector<1x16xf32> to vector<16xf32>
        %swap3A_1107 = vector.shape_cast %get3A_1102 : vector<16xf32> to vector<1x16xf32>
        tpu.vector_store %arg8[%swap3A_1103, %swap3A_1104], %swap3A_1107 {add = true, strides = array<i32>} : memref<200x128xf32, #tpu.memory_space<vmem>>, vector<1x16xf32>,
        %add3A_1108 = arith.constant 1 : i32
        %add3A_1109 = arith.addi %add3A_940, %add3A_1108 : i32
        %add3A_1110 = arith.constant 1 : i32
        %add3A_1111 = arith.addi %add3A_940, %add3A_1110 : i32
        %get3A_1112 = arith.index_cast %add3A_1111 : i32 to index
        %get3A_1113 = arith.constant 80 : index
        %get3A_1114 = tpu.vector_load %arg7[%get3A_1112, %get3A_1113] {strides = array<i32>} : memref<200x128xf32, #tpu.memory_space<vmem>>, vector<1x16xf32>,
        %get3A_1115 = vector.shape_cast %get3A_1114 : vector<1x16xf32> to vector<16xf32>
        %swap3A_1116 = arith.index_cast %add3A_1109 : i32 to index
        %swap3A_1117 = arith.constant 80 : index
        %swap3A_1118 = tpu.vector_load %arg8[%swap3A_1116, %swap3A_1117] {strides = array<i32>} : memref<200x128xf32, #tpu.memory_space<vmem>>, vector<1x16xf32>,
        %swap3A_1119 = vector.shape_cast %swap3A_1118 : vector<1x16xf32> to vector<16xf32>
        %swap3A_1120 = vector.shape_cast %get3A_1115 : vector<16xf32> to vector<1x16xf32>
        tpu.vector_store %arg8[%swap3A_1116, %swap3A_1117], %swap3A_1120 {add = true, strides = array<i32>} : memref<200x128xf32, #tpu.memory_space<vmem>>, vector<1x16xf32>,
        %add3A_1121 = arith.constant 1 : i32
        %add3A_1122 = arith.addi %add3A_940, %add3A_1121 : i32
        %add3A_1123 = arith.constant 1 : i32
        %add3A_1124 = arith.addi %add3A_940, %add3A_1123 : i32
        %get3A_1125 = arith.index_cast %add3A_1124 : i32 to index
        %get3A_1126 = arith.constant 96 : index
        %get3A_1127 = tpu.vector_load %arg7[%get3A_1125, %get3A_1126] {strides = array<i32>} : memref<200x128xf32, #tpu.memory_space<vmem>>, vector<1x16xf32>,
        %get3A_1128 = vector.shape_cast %get3A_1127 : vector<1x16xf32> to vector<16xf32>
        %swap3A_1129 = arith.index_cast %add3A_1122 : i32 to index
        %swap3A_1130 = arith.constant 96 : index
        %swap3A_1131 = tpu.vector_load %arg8[%swap3A_1129, %swap3A_1130] {strides = array<i32>} : memref<200x128xf32, #tpu.memory_space<vmem>>, vector<1x16xf32>,
        %swap3A_1132 = vector.shape_cast %swap3A_1131 : vector<1x16xf32> to vector<16xf32>
        %swap3A_1133 = vector.shape_cast %get3A_1128 : vector<16xf32> to vector<1x16xf32>
        tpu.vector_store %arg8[%swap3A_1129, %swap3A_1130], %swap3A_1133 {add = true, strides = array<i32>} : memref<200x128xf32, #tpu.memory_space<vmem>>, vector<1x16xf32>,
        %add3A_1134 = arith.constant 1 : i32
        %add3A_1135 = arith.addi %add3A_940, %add3A_1134 : i32
        %add3A_1136 = arith.constant 1 : i32
        %add3A_1137 = arith.addi %add3A_940, %add3A_1136 : i32
        %get3A_1138 = arith.index_cast %add3A_1137 : i32 to index
        %get3A_1139 = arith.constant 112 : index
        %get3A_1140 = tpu.vector_load %arg7[%get3A_1138, %get3A_1139] {strides = array<i32>} : memref<200x128xf32, #tpu.memory_space<vmem>>, vector<1x16xf32>,
        %get3A_1141 = vector.shape_cast %get3A_1140 : vector<1x16xf32> to vector<16xf32>
        %swap3A_1142 = arith.index_cast %add3A_1135 : i32 to index
        %swap3A_1143 = arith.constant 112 : index
        %swap3A_1144 = tpu.vector_load %arg8[%swap3A_1142, %swap3A_1143] {strides = array<i32>} : memref<200x128xf32, #tpu.memory_space<vmem>>, vector<1x16xf32>,
        %swap3A_1145 = vector.shape_cast %swap3A_1144 : vector<1x16xf32> to vector<16xf32>
        %swap3A_1146 = vector.shape_cast %get3A_1141 : vector<16xf32> to vector<1x16xf32>
        tpu.vector_store %arg8[%swap3A_1142, %swap3A_1143], %swap3A_1146 {add = true, strides = array<i32>} : memref<200x128xf32, #tpu.memory_space<vmem>>, vector<1x16xf32>,
        %scan3A_1147 = arith.constant 0 : i32
        scf.yield %scan3A_1147 : i32
      }
      %scan3A_832 = arith.constant 52 : i32
      %sub3A_833 = arith.constant 1 : i32
      %sub3A_834 = arith.subi %add3A_769, %sub3A_833 : i32
      %mul3A_835 = arith.constant 200 : i32
      %mul3A_836 = arith.muli %sub3A_834, %mul3A_835 : i32
      %add3A_837 = arith.addi %mul3A_2, %mul3A_836 : i32
      %add3A_838 = arith.constant 96 : i32
      %add3A_839 = arith.addi %add3A_837, %add3A_838 : i32
      %dma_wait3A_840 = arith.constant 0 : i32
      %dma_wait3A_841 = tpu.memref_slice %arg5[%add3A_839, %dma_wait3A_840] : memref<204800x128xf32, #tpu.memory_space<hbm>> -> memref<104x128xf32, #tpu.memory_space<hbm>>
      %dma_wait3A_842 = arith.constant 0 : i32
      %dma_wait3A_843 = arith.constant 0 : i32
      %dma_wait3A_844 = tpu.memref_slice %arg11[%arg1, %dma_wait3A_842, %dma_wait3A_843] : memref<16x104x128xf32, #tpu.memory_space<vmem_shared>> -> memref<1x104x128xf32, #tpu.memory_space<vmem_shared>>
      %dma_wait3A_845 = tpu.memref_squeeze %dma_wait3A_844 : memref<1x104x128xf32, #tpu.memory_space<vmem_shared>> -> memref<104x128xf32, #tpu.memory_space<vmem_shared>>
      tpu.wait_dma2 semaphore(%arg19 : memref<!tpu.dma_semaphore, #tpu.memory_space<semaphore_mem>>) src(%dma_wait3A_845 : memref<104x128xf32, #tpu.memory_space<vmem_shared>>) dst(%dma_wait3A_841 : memref<104x128xf32, #tpu.memory_space<hbm>>)
      %dma_start3A_846 = arith.constant 96 : i32
      %dma_start3A_847 = arith.constant 0 : i32
      %dma_start3A_848 = tpu.memref_slice %arg8[%dma_start3A_846, %dma_start3A_847] : memref<200x128xf32, #tpu.memory_space<vmem>> -> memref<104x128xf32, #tpu.memory_space<vmem>>
      %dma_start3A_849 = arith.constant 0 : i32
      %dma_start3A_850 = arith.constant 0 : i32
      %dma_start3A_851 = tpu.memref_slice %arg11[%arg1, %dma_start3A_849, %dma_start3A_850] : memref<16x104x128xf32, #tpu.memory_space<vmem_shared>> -> memref<1x104x128xf32, #tpu.memory_space<vmem_shared>>
      %dma_start3A_852 = tpu.memref_squeeze %dma_start3A_851 : memref<1x104x128xf32, #tpu.memory_space<vmem_shared>> -> memref<104x128xf32, #tpu.memory_space<vmem_shared>>
      %dma_start3A_853 = arith.constant 0 : i32
      %dma_start3A_854 = arith.constant 0 : i32
      %dma_start3A_855 = tpu.memref_slice %arg11[%arg1, %dma_start3A_853, %dma_start3A_854] : memref<16x104x128xf32, #tpu.memory_space<vmem_shared>> -> memref<1x104x128xf32, #tpu.memory_space<vmem_shared>>
      %dma_start3A_856 = tpu.memref_squeeze %dma_start3A_855 : memref<1x104x128xf32, #tpu.memory_space<vmem_shared>> -> memref<104x128xf32, #tpu.memory_space<vmem_shared>>
      %dma_start3A_857 = arith.constant 96 : i32
      %dma_start3A_858 = arith.constant 0 : i32
      %dma_start3A_859 = tpu.memref_slice %arg8[%dma_start3A_857, %dma_start3A_858] : memref<200x128xf32, #tpu.memory_space<vmem>> -> memref<104x128xf32, #tpu.memory_space<vmem>>
      tpu.enqueue_dma source(%dma_start3A_859 : memref<104x128xf32, #tpu.memory_space<vmem>>) target(%dma_start3A_856 : memref<104x128xf32, #tpu.memory_space<vmem_shared>>) target_semaphore(%arg17 : memref<!tpu.dma_semaphore, #tpu.memory_space<semaphore_mem>>)
      %dma_wait3A_860 = arith.constant 0 : i32
      %dma_wait3A_861 = arith.constant 0 : i32
      %dma_wait3A_862 = tpu.memref_slice %arg8[%dma_wait3A_860, %dma_wait3A_861] : memref<200x128xf32, #tpu.memory_space<vmem>> -> memref<96x128xf32, #tpu.memory_space<vmem>>
      %dma_wait3A_863 = arith.constant 0 : i32
      %dma_wait3A_864 = arith.constant 0 : i32
      %dma_wait3A_865 = tpu.memref_slice %arg10[%arg1, %dma_wait3A_863, %dma_wait3A_864] : memref<16x96x128xf32, #tpu.memory_space<vmem_shared>> -> memref<1x96x128xf32, #tpu.memory_space<vmem_shared>>
      %dma_wait3A_866 = tpu.memref_squeeze %dma_wait3A_865 : memref<1x96x128xf32, #tpu.memory_space<vmem_shared>> -> memref<96x128xf32, #tpu.memory_space<vmem_shared>>
      %dma_wait3A_867 = arith.constant 0 : i32
      %dma_wait3A_868 = arith.constant 0 : i32
      %dma_wait3A_869 = tpu.memref_slice %arg10[%arg1, %dma_wait3A_867, %dma_wait3A_868] : memref<16x96x128xf32, #tpu.memory_space<vmem_shared>> -> memref<1x96x128xf32, #tpu.memory_space<vmem_shared>>
      %dma_wait3A_870 = tpu.memref_squeeze %dma_wait3A_869 : memref<1x96x128xf32, #tpu.memory_space<vmem_shared>> -> memref<96x128xf32, #tpu.memory_space<vmem_shared>>
      %dma_wait3A_871 = arith.constant 0 : i32
      %dma_wait3A_872 = arith.constant 0 : i32
      %dma_wait3A_873 = tpu.memref_slice %arg8[%dma_wait3A_871, %dma_wait3A_872] : memref<200x128xf32, #tpu.memory_space<vmem>> -> memref<96x128xf32, #tpu.memory_space<vmem>>
      tpu.wait_dma2 semaphore(%arg16 : memref<!tpu.dma_semaphore, #tpu.memory_space<semaphore_mem>>) src(%dma_wait3A_873 : memref<96x128xf32, #tpu.memory_space<vmem>>) dst(%dma_wait3A_870 : memref<96x128xf32, #tpu.memory_space<vmem_shared>>)
      %mul3A_874 = arith.constant 200 : i32
      %mul3A_875 = arith.muli %add3A_769, %mul3A_874 : i32
      %add3A_876 = arith.addi %mul3A_2, %mul3A_875 : i32
      %dma_start3A_877 = arith.constant 0 : i32
      %dma_start3A_878 = tpu.memref_slice %arg5[%add3A_876, %dma_start3A_877] : memref<204800x128xf32, #tpu.memory_space<hbm>> -> memref<96x128xf32, #tpu.memory_space<hbm>>
      %dma_start3A_879 = arith.constant 0 : i32
      %dma_start3A_880 = arith.constant 0 : i32
      %dma_start3A_881 = tpu.memref_slice %arg10[%arg1, %dma_start3A_879, %dma_start3A_880] : memref<16x96x128xf32, #tpu.memory_space<vmem_shared>> -> memref<1x96x128xf32, #tpu.memory_space<vmem_shared>>
      %dma_start3A_882 = tpu.memref_squeeze %dma_start3A_881 : memref<1x96x128xf32, #tpu.memory_space<vmem_shared>> -> memref<96x128xf32, #tpu.memory_space<vmem_shared>>
      tpu.enqueue_dma source(%dma_start3A_882 : memref<96x128xf32, #tpu.memory_space<vmem_shared>>) target(%dma_start3A_878 : memref<96x128xf32, #tpu.memory_space<hbm>>) target_semaphore(%arg18 : memref<!tpu.dma_semaphore, #tpu.memory_space<semaphore_mem>>)
      %dma_wait3A_883 = arith.constant 96 : i32
      %dma_wait3A_884 = arith.constant 0 : i32
      %dma_wait3A_885 = tpu.memref_slice %arg8[%dma_wait3A_883, %dma_wait3A_884] : memref<200x128xf32, #tpu.memory_space<vmem>> -> memref<104x128xf32, #tpu.memory_space<vmem>>
      %dma_wait3A_886 = arith.constant 0 : i32
      %dma_wait3A_887 = arith.constant 0 : i32
      %dma_wait3A_888 = tpu.memref_slice %arg11[%arg1, %dma_wait3A_886, %dma_wait3A_887] : memref<16x104x128xf32, #tpu.memory_space<vmem_shared>> -> memref<1x104x128xf32, #tpu.memory_space<vmem_shared>>
      %dma_wait3A_889 = tpu.memref_squeeze %dma_wait3A_888 : memref<1x104x128xf32, #tpu.memory_space<vmem_shared>> -> memref<104x128xf32, #tpu.memory_space<vmem_shared>>
      %dma_wait3A_890 = arith.constant 0 : i32
      %dma_wait3A_891 = arith.constant 0 : i32
      %dma_wait3A_892 = tpu.memref_slice %arg11[%arg1, %dma_wait3A_890, %dma_wait3A_891] : memref<16x104x128xf32, #tpu.memory_space<vmem_shared>> -> memref<1x104x128xf32, #tpu.memory_space<vmem_shared>>
      %dma_wait3A_893 = tpu.memref_squeeze %dma_wait3A_892 : memref<1x104x128xf32, #tpu.memory_space<vmem_shared>> -> memref<104x128xf32, #tpu.memory_space<vmem_shared>>
      %dma_wait3A_894 = arith.constant 96 : i32
      %dma_wait3A_895 = arith.constant 0 : i32
      %dma_wait3A_896 = tpu.memref_slice %arg8[%dma_wait3A_894, %dma_wait3A_895] : memref<200x128xf32, #tpu.memory_space<vmem>> -> memref<104x128xf32, #tpu.memory_space<vmem>>
      tpu.wait_dma2 semaphore(%arg17 : memref<!tpu.dma_semaphore, #tpu.memory_space<semaphore_mem>>) src(%dma_wait3A_896 : memref<104x128xf32, #tpu.memory_space<vmem>>) dst(%dma_wait3A_893 : memref<104x128xf32, #tpu.memory_space<vmem_shared>>)
      %mul3A_897 = arith.constant 200 : i32
      %mul3A_898 = arith.muli %add3A_769, %mul3A_897 : i32
      %add3A_899 = arith.addi %mul3A_2, %mul3A_898 : i32
      %add3A_900 = arith.constant 96 : i32
      %add3A_901 = arith.addi %add3A_899, %add3A_900 : i32
      %dma_start3A_902 = arith.constant 0 : i32
      %dma_start3A_903 = tpu.memref_slice %arg5[%add3A_901, %dma_start3A_902] : memref<204800x128xf32, #tpu.memory_space<hbm>> -> memref<104x128xf32, #tpu.memory_space<hbm>>
      %dma_start3A_904 = arith.constant 0 : i32
      %dma_start3A_905 = arith.constant 0 : i32
      %dma_start3A_906 = tpu.memref_slice %arg11[%arg1, %dma_start3A_904, %dma_start3A_905] : memref<16x104x128xf32, #tpu.memory_space<vmem_shared>> -> memref<1x104x128xf32, #tpu.memory_space<vmem_shared>>
      %dma_start3A_907 = tpu.memref_squeeze %dma_start3A_906 : memref<1x104x128xf32, #tpu.memory_space<vmem_shared>> -> memref<104x128xf32, #tpu.memory_space<vmem_shared>>
      tpu.enqueue_dma source(%dma_start3A_907 : memref<104x128xf32, #tpu.memory_space<vmem_shared>>) target(%dma_start3A_903 : memref<104x128xf32, #tpu.memory_space<hbm>>) target_semaphore(%arg19 : memref<!tpu.dma_semaphore, #tpu.memory_space<semaphore_mem>>)
      %add3A_908 = arith.constant 2 : i32
      %add3A_909 = arith.addi %add3A_769, %add3A_908 : i32
      %mul3A_910 = arith.constant 2 : i32
      %mul3A_911 = arith.muli %mul3A_910, %add3A_909 : i32
      %dma_start3A_912 = arith.constant 0 : i32
      %dma_start3A_913 = arith.constant 0 : i32
      %dma_start3A_914 = tpu.memref_slice %arg8[%dma_start3A_912, %dma_start3A_913] : memref<200x128xf32, #tpu.memory_space<vmem>> -> memref<100x128xf32, #tpu.memory_space<vmem>>
      %dma_start3A_915 = arith.constant 0 : i32
      %dma_start3A_916 = tpu.memref_slice %arg6[%mul3A_911, %dma_start3A_915] : memref<64x100xi32, #tpu.memory_space<vmem>> -> memref<1x100xi32, #tpu.memory_space<vmem>>
      %dma_start3A_917 = tpu.memref_squeeze %dma_start3A_916 : memref<1x100xi32, #tpu.memory_space<vmem>> -> memref<100xi32, #tpu.memory_space<vmem>>
      %dma_start3A_918 = arith.constant 0 : i32
      %dma_start3A_919 = arith.constant 0 : i32
      %dma_start3A_920 = tpu.memref_slice %arg2[%dma_start3A_918, %dma_start3A_919] : memref<100000x128xf32, #tpu.memory_space<hbm>> -> memref<100000x128xf32, #tpu.memory_space<hbm>>
      tpu.enqueue_indirect_dma source(%dma_start3A_920 : memref<100000x128xf32, #tpu.memory_space<hbm>>) target(%dma_start3A_914 : memref<100x128xf32, #tpu.memory_space<vmem>>) offsets(%dma_start3A_917 : memref<100xi32, #tpu.memory_space<vmem>>) semaphore(%arg12 : memref<!tpu.dma_semaphore, #tpu.memory_space<semaphore_mem>>)
      %mul3A_921 = arith.constant 2 : i32
      %mul3A_922 = arith.muli %mul3A_921, %add3A_909 : i32
      %add3A_923 = arith.constant 1 : i32
      %add3A_924 = arith.addi %mul3A_922, %add3A_923 : i32
      %dma_start3A_925 = arith.constant 100 : i32
      %dma_start3A_926 = arith.constant 0 : i32
      %dma_start3A_927 = tpu.memref_slice %arg8[%dma_start3A_925, %dma_start3A_926] : memref<200x128xf32, #tpu.memory_space<vmem>> -> memref<100x128xf32, #tpu.memory_space<vmem>>
      %dma_start3A_928 = arith.constant 0 : i32
      %dma_start3A_929 = tpu.memref_slice %arg6[%add3A_924, %dma_start3A_928] : memref<64x100xi32, #tpu.memory_space<vmem>> -> memref<1x100xi32, #tpu.memory_space<vmem>>
      %dma_start3A_930 = tpu.memref_squeeze %dma_start3A_929 : memref<1x100xi32, #tpu.memory_space<vmem>> -> memref<100xi32, #tpu.memory_space<vmem>>
      %dma_start3A_931 = arith.constant 0 : i32
      %dma_start3A_932 = arith.constant 0 : i32
      %dma_start3A_933 = tpu.memref_slice %arg2[%dma_start3A_931, %dma_start3A_932] : memref<100000x128xf32, #tpu.memory_space<hbm>> -> memref<100000x128xf32, #tpu.memory_space<hbm>>
      tpu.enqueue_indirect_dma source(%dma_start3A_933 : memref<100000x128xf32, #tpu.memory_space<hbm>>) target(%dma_start3A_927 : memref<100x128xf32, #tpu.memory_space<vmem>>) offsets(%dma_start3A_930 : memref<100xi32, #tpu.memory_space<vmem>>) semaphore(%arg13 : memref<!tpu.dma_semaphore, #tpu.memory_space<semaphore_mem>>)
      %scan3A_934 = arith.constant 0 : i32
      scf.yield %scan3A_934 : i32
    }
    %scan3A_176 = arith.constant 14 : i32
    %dma_wait3A_177 = arith.constant 58 : i32
    %dma_wait3A_178 = arith.constant 0 : i32
    %dma_wait3A_179 = arith.constant 0 : i32
    %dma_wait3A_180 = tpu.memref_slice %arg9[%dma_wait3A_178, %dma_wait3A_179] : memref<200x128xf32, #tpu.memory_space<vmem>> -> memref<100x128xf32, #tpu.memory_space<vmem>>
    %dma_wait3A_181 = arith.constant 0 : i32
    %dma_wait3A_182 = tpu.memref_slice %arg6[%dma_wait3A_177, %dma_wait3A_181] : memref<64x100xi32, #tpu.memory_space<vmem>> -> memref<1x100xi32, #tpu.memory_space<vmem>>
    %dma_wait3A_183 = tpu.memref_squeeze %dma_wait3A_182 : memref<1x100xi32, #tpu.memory_space<vmem>> -> memref<100xi32, #tpu.memory_space<vmem>>
    %dma_wait3A_184 = arith.constant 0 : i32
    %dma_wait3A_185 = arith.constant 0 : i32
    %dma_wait3A_186 = tpu.memref_slice %arg2[%dma_wait3A_184, %dma_wait3A_185] : memref<100000x128xf32, #tpu.memory_space<hbm>> -> memref<100000x128xf32, #tpu.memory_space<hbm>>
    tpu.wait_indirect_dma semaphore(%arg14 : memref<!tpu.dma_semaphore, #tpu.memory_space<semaphore_mem>>) src(%dma_wait3A_186 : memref<100000x128xf32, #tpu.memory_space<hbm>>) dst(%dma_wait3A_180 : memref<100x128xf32, #tpu.memory_space<vmem>>)
    %scan3A_187 = arith.constant 0 : i32
    %scan3A_188 = arith.constant 0 : i32
    %scan3A_189 = arith.constant 48 : i32
    %scan3A_190 = arith.addi %scan3A_188, %scan3A_189 : i32
    %scan3A_191 = arith.constant 1 : i32
    %scan3A_192 = scf.for %scan3A_593 = %scan3A_188 to %scan3A_190 step %scan3A_191 iter_args(%scan3A_594 = %scan3A_187) -> (i32)  : i32 {
      %mul3A_595 = arith.constant 2 : i32
      %mul3A_596 = arith.muli %mul3A_595, %scan3A_593 : i32
      %add3A_597 = arith.constant 0 : i32
      %add3A_598 = arith.addi %add3A_597, %mul3A_596 : i32
      %add3A_599 = arith.constant 0 : i32
      %add3A_600 = arith.addi %add3A_598, %add3A_599 : i32
      %add3A_601 = arith.constant 0 : i32
      %add3A_602 = arith.addi %add3A_598, %add3A_601 : i32
      %get3A = arith.index_cast %add3A_602 : i32 to index
      %get3A_603 = arith.constant 0 : index
      %get3A_604 = tpu.vector_load %arg7[%get3A, %get3A_603] {strides = array<i32>} : memref<200x128xf32, #tpu.memory_space<vmem>>, vector<1x16xf32>,
      %get3A_605 = vector.shape_cast %get3A_604 : vector<1x16xf32> to vector<16xf32>
      %swap3A = arith.index_cast %add3A_600 : i32 to index
      %swap3A_606 = arith.constant 0 : index
      %swap3A_607 = tpu.vector_load %arg9[%swap3A, %swap3A_606] {strides = array<i32>} : memref<200x128xf32, #tpu.memory_space<vmem>>, vector<1x16xf32>,
      %swap3A_608 = vector.shape_cast %swap3A_607 : vector<1x16xf32> to vector<16xf32>
      %swap3A_609 = vector.shape_cast %get3A_605 : vector<16xf32> to vector<1x16xf32>
      tpu.vector_store %arg9[%swap3A, %swap3A_606], %swap3A_609 {add = true, strides = array<i32>} : memref<200x128xf32, #tpu.memory_space<vmem>>, vector<1x16xf32>,
      %add3A_610 = arith.constant 0 : i32
      %add3A_611 = arith.addi %add3A_598, %add3A_610 : i32
      %add3A_612 = arith.constant 0 : i32
      %add3A_613 = arith.addi %add3A_598, %add3A_612 : i32
      %get3A_614 = arith.index_cast %add3A_613 : i32 to index
      %get3A_615 = arith.constant 16 : index
      %get3A_616 = tpu.vector_load %arg7[%get3A_614, %get3A_615] {strides = array<i32>} : memref<200x128xf32, #tpu.memory_space<vmem>>, vector<1x16xf32>,
      %get3A_617 = vector.shape_cast %get3A_616 : vector<1x16xf32> to vector<16xf32>
      %swap3A_618 = arith.index_cast %add3A_611 : i32 to index
      %swap3A_619 = arith.constant 16 : index
      %swap3A_620 = tpu.vector_load %arg9[%swap3A_618, %swap3A_619] {strides = array<i32>} : memref<200x128xf32, #tpu.memory_space<vmem>>, vector<1x16xf32>,
      %swap3A_621 = vector.shape_cast %swap3A_620 : vector<1x16xf32> to vector<16xf32>
      %swap3A_622 = vector.shape_cast %get3A_617 : vector<16xf32> to vector<1x16xf32>
      tpu.vector_store %arg9[%swap3A_618, %swap3A_619], %swap3A_622 {add = true, strides = array<i32>} : memref<200x128xf32, #tpu.memory_space<vmem>>, vector<1x16xf32>,
      %add3A_623 = arith.constant 0 : i32
      %add3A_624 = arith.addi %add3A_598, %add3A_623 : i32
      %add3A_625 = arith.constant 0 : i32
      %add3A_626 = arith.addi %add3A_598, %add3A_625 : i32
      %get3A_627 = arith.index_cast %add3A_626 : i32 to index
      %get3A_628 = arith.constant 32 : index
      %get3A_629 = tpu.vector_load %arg7[%get3A_627, %get3A_628] {strides = array<i32>} : memref<200x128xf32, #tpu.memory_space<vmem>>, vector<1x16xf32>,
      %get3A_630 = vector.shape_cast %get3A_629 : vector<1x16xf32> to vector<16xf32>
      %swap3A_631 = arith.index_cast %add3A_624 : i32 to index
      %swap3A_632 = arith.constant 32 : index
      %swap3A_633 = tpu.vector_load %arg9[%swap3A_631, %swap3A_632] {strides = array<i32>} : memref<200x128xf32, #tpu.memory_space<vmem>>, vector<1x16xf32>,
      %swap3A_634 = vector.shape_cast %swap3A_633 : vector<1x16xf32> to vector<16xf32>
      %swap3A_635 = vector.shape_cast %get3A_630 : vector<16xf32> to vector<1x16xf32>
      tpu.vector_store %arg9[%swap3A_631, %swap3A_632], %swap3A_635 {add = true, strides = array<i32>} : memref<200x128xf32, #tpu.memory_space<vmem>>, vector<1x16xf32>,
      %add3A_636 = arith.constant 0 : i32
      %add3A_637 = arith.addi %add3A_598, %add3A_636 : i32
      %add3A_638 = arith.constant 0 : i32
      %add3A_639 = arith.addi %add3A_598, %add3A_638 : i32
      %get3A_640 = arith.index_cast %add3A_639 : i32 to index
      %get3A_641 = arith.constant 48 : index
      %get3A_642 = tpu.vector_load %arg7[%get3A_640, %get3A_641] {strides = array<i32>} : memref<200x128xf32, #tpu.memory_space<vmem>>, vector<1x16xf32>,
      %get3A_643 = vector.shape_cast %get3A_642 : vector<1x16xf32> to vector<16xf32>
      %swap3A_644 = arith.index_cast %add3A_637 : i32 to index
      %swap3A_645 = arith.constant 48 : index
      %swap3A_646 = tpu.vector_load %arg9[%swap3A_644, %swap3A_645] {strides = array<i32>} : memref<200x128xf32, #tpu.memory_space<vmem>>, vector<1x16xf32>,
      %swap3A_647 = vector.shape_cast %swap3A_646 : vector<1x16xf32> to vector<16xf32>
      %swap3A_648 = vector.shape_cast %get3A_643 : vector<16xf32> to vector<1x16xf32>
      tpu.vector_store %arg9[%swap3A_644, %swap3A_645], %swap3A_648 {add = true, strides = array<i32>} : memref<200x128xf32, #tpu.memory_space<vmem>>, vector<1x16xf32>,
      %add3A_649 = arith.constant 0 : i32
      %add3A_650 = arith.addi %add3A_598, %add3A_649 : i32
      %add3A_651 = arith.constant 0 : i32
      %add3A_652 = arith.addi %add3A_598, %add3A_651 : i32
      %get3A_653 = arith.index_cast %add3A_652 : i32 to index
      %get3A_654 = arith.constant 64 : index
      %get3A_655 = tpu.vector_load %arg7[%get3A_653, %get3A_654] {strides = array<i32>} : memref<200x128xf32, #tpu.memory_space<vmem>>, vector<1x16xf32>,
      %get3A_656 = vector.shape_cast %get3A_655 : vector<1x16xf32> to vector<16xf32>
      %swap3A_657 = arith.index_cast %add3A_650 : i32 to index
      %swap3A_658 = arith.constant 64 : index
      %swap3A_659 = tpu.vector_load %arg9[%swap3A_657, %swap3A_658] {strides = array<i32>} : memref<200x128xf32, #tpu.memory_space<vmem>>, vector<1x16xf32>,
      %swap3A_660 = vector.shape_cast %swap3A_659 : vector<1x16xf32> to vector<16xf32>
      %swap3A_661 = vector.shape_cast %get3A_656 : vector<16xf32> to vector<1x16xf32>
      tpu.vector_store %arg9[%swap3A_657, %swap3A_658], %swap3A_661 {add = true, strides = array<i32>} : memref<200x128xf32, #tpu.memory_space<vmem>>, vector<1x16xf32>,
      %add3A_662 = arith.constant 0 : i32
      %add3A_663 = arith.addi %add3A_598, %add3A_662 : i32
      %add3A_664 = arith.constant 0 : i32
      %add3A_665 = arith.addi %add3A_598, %add3A_664 : i32
      %get3A_666 = arith.index_cast %add3A_665 : i32 to index
      %get3A_667 = arith.constant 80 : index
      %get3A_668 = tpu.vector_load %arg7[%get3A_666, %get3A_667] {strides = array<i32>} : memref<200x128xf32, #tpu.memory_space<vmem>>, vector<1x16xf32>,
      %get3A_669 = vector.shape_cast %get3A_668 : vector<1x16xf32> to vector<16xf32>
      %swap3A_670 = arith.index_cast %add3A_663 : i32 to index
      %swap3A_671 = arith.constant 80 : index
      %swap3A_672 = tpu.vector_load %arg9[%swap3A_670, %swap3A_671] {strides = array<i32>} : memref<200x128xf32, #tpu.memory_space<vmem>>, vector<1x16xf32>,
      %swap3A_673 = vector.shape_cast %swap3A_672 : vector<1x16xf32> to vector<16xf32>
      %swap3A_674 = vector.shape_cast %get3A_669 : vector<16xf32> to vector<1x16xf32>
      tpu.vector_store %arg9[%swap3A_670, %swap3A_671], %swap3A_674 {add = true, strides = array<i32>} : memref<200x128xf32, #tpu.memory_space<vmem>>, vector<1x16xf32>,
      %add3A_675 = arith.constant 0 : i32
      %add3A_676 = arith.addi %add3A_598, %add3A_675 : i32
      %add3A_677 = arith.constant 0 : i32
      %add3A_678 = arith.addi %add3A_598, %add3A_677 : i32
      %get3A_679 = arith.index_cast %add3A_678 : i32 to index
      %get3A_680 = arith.constant 96 : index
      %get3A_681 = tpu.vector_load %arg7[%get3A_679, %get3A_680] {strides = array<i32>} : memref<200x128xf32, #tpu.memory_space<vmem>>, vector<1x16xf32>,
      %get3A_682 = vector.shape_cast %get3A_681 : vector<1x16xf32> to vector<16xf32>
      %swap3A_683 = arith.index_cast %add3A_676 : i32 to index
      %swap3A_684 = arith.constant 96 : index
      %swap3A_685 = tpu.vector_load %arg9[%swap3A_683, %swap3A_684] {strides = array<i32>} : memref<200x128xf32, #tpu.memory_space<vmem>>, vector<1x16xf32>,
      %swap3A_686 = vector.shape_cast %swap3A_685 : vector<1x16xf32> to vector<16xf32>
      %swap3A_687 = vector.shape_cast %get3A_682 : vector<16xf32> to vector<1x16xf32>
      tpu.vector_store %arg9[%swap3A_683, %swap3A_684], %swap3A_687 {add = true, strides = array<i32>} : memref<200x128xf32, #tpu.memory_space<vmem>>, vector<1x16xf32>,
      %add3A_688 = arith.constant 0 : i32
      %add3A_689 = arith.addi %add3A_598, %add3A_688 : i32
      %add3A_690 = arith.constant 0 : i32
      %add3A_691 = arith.addi %add3A_598, %add3A_690 : i32
      %get3A_692 = arith.index_cast %add3A_691 : i32 to index
      %get3A_693 = arith.constant 112 : index
      %get3A_694 = tpu.vector_load %arg7[%get3A_692, %get3A_693] {strides = array<i32>} : memref<200x128xf32, #tpu.memory_space<vmem>>, vector<1x16xf32>,
      %get3A_695 = vector.shape_cast %get3A_694 : vector<1x16xf32> to vector<16xf32>
      %swap3A_696 = arith.index_cast %add3A_689 : i32 to index
      %swap3A_697 = arith.constant 112 : index
      %swap3A_698 = tpu.vector_load %arg9[%swap3A_696, %swap3A_697] {strides = array<i32>} : memref<200x128xf32, #tpu.memory_space<vmem>>, vector<1x16xf32>,
      %swap3A_699 = vector.shape_cast %swap3A_698 : vector<1x16xf32> to vector<16xf32>
      %swap3A_700 = vector.shape_cast %get3A_695 : vector<16xf32> to vector<1x16xf32>
      tpu.vector_store %arg9[%swap3A_696, %swap3A_697], %swap3A_700 {add = true, strides = array<i32>} : memref<200x128xf32, #tpu.memory_space<vmem>>, vector<1x16xf32>,
      %add3A_701 = arith.constant 1 : i32
      %add3A_702 = arith.addi %add3A_598, %add3A_701 : i32
      %add3A_703 = arith.constant 1 : i32
      %add3A_704 = arith.addi %add3A_598, %add3A_703 : i32
      %get3A_705 = arith.index_cast %add3A_704 : i32 to index
      %get3A_706 = arith.constant 0 : index
      %get3A_707 = tpu.vector_load %arg7[%get3A_705, %get3A_706] {strides = array<i32>} : memref<200x128xf32, #tpu.memory_space<vmem>>, vector<1x16xf32>,
      %get3A_708 = vector.shape_cast %get3A_707 : vector<1x16xf32> to vector<16xf32>
      %swap3A_709 = arith.index_cast %add3A_702 : i32 to index
      %swap3A_710 = arith.constant 0 : index
      %swap3A_711 = tpu.vector_load %arg9[%swap3A_709, %swap3A_710] {strides = array<i32>} : memref<200x128xf32, #tpu.memory_space<vmem>>, vector<1x16xf32>,
      %swap3A_712 = vector.shape_cast %swap3A_711 : vector<1x16xf32> to vector<16xf32>
      %swap3A_713 = vector.shape_cast %get3A_708 : vector<16xf32> to vector<1x16xf32>
      tpu.vector_store %arg9[%swap3A_709, %swap3A_710], %swap3A_713 {add = true, strides = array<i32>} : memref<200x128xf32, #tpu.memory_space<vmem>>, vector<1x16xf32>,
      %add3A_714 = arith.constant 1 : i32
      %add3A_715 = arith.addi %add3A_598, %add3A_714 : i32
      %add3A_716 = arith.constant 1 : i32
      %add3A_717 = arith.addi %add3A_598, %add3A_716 : i32
      %get3A_718 = arith.index_cast %add3A_717 : i32 to index
      %get3A_719 = arith.constant 16 : index
      %get3A_720 = tpu.vector_load %arg7[%get3A_718, %get3A_719] {strides = array<i32>} : memref<200x128xf32, #tpu.memory_space<vmem>>, vector<1x16xf32>,
      %get3A_721 = vector.shape_cast %get3A_720 : vector<1x16xf32> to vector<16xf32>
      %swap3A_722 = arith.index_cast %add3A_715 : i32 to index
      %swap3A_723 = arith.constant 16 : index
      %swap3A_724 = tpu.vector_load %arg9[%swap3A_722, %swap3A_723] {strides = array<i32>} : memref<200x128xf32, #tpu.memory_space<vmem>>, vector<1x16xf32>,
      %swap3A_725 = vector.shape_cast %swap3A_724 : vector<1x16xf32> to vector<16xf32>
      %swap3A_726 = vector.shape_cast %get3A_721 : vector<16xf32> to vector<1x16xf32>
      tpu.vector_store %arg9[%swap3A_722, %swap3A_723], %swap3A_726 {add = true, strides = array<i32>} : memref<200x128xf32, #tpu.memory_space<vmem>>, vector<1x16xf32>,
      %add3A_727 = arith.constant 1 : i32
      %add3A_728 = arith.addi %add3A_598, %add3A_727 : i32
      %add3A_729 = arith.constant 1 : i32
      %add3A_730 = arith.addi %add3A_598, %add3A_729 : i32
      %get3A_731 = arith.index_cast %add3A_730 : i32 to index
      %get3A_732 = arith.constant 32 : index
      %get3A_733 = tpu.vector_load %arg7[%get3A_731, %get3A_732] {strides = array<i32>} : memref<200x128xf32, #tpu.memory_space<vmem>>, vector<1x16xf32>,
      %get3A_734 = vector.shape_cast %get3A_733 : vector<1x16xf32> to vector<16xf32>
      %swap3A_735 = arith.index_cast %add3A_728 : i32 to index
      %swap3A_736 = arith.constant 32 : index
      %swap3A_737 = tpu.vector_load %arg9[%swap3A_735, %swap3A_736] {strides = array<i32>} : memref<200x128xf32, #tpu.memory_space<vmem>>, vector<1x16xf32>,
      %swap3A_738 = vector.shape_cast %swap3A_737 : vector<1x16xf32> to vector<16xf32>
      %swap3A_739 = vector.shape_cast %get3A_734 : vector<16xf32> to vector<1x16xf32>
      tpu.vector_store %arg9[%swap3A_735, %swap3A_736], %swap3A_739 {add = true, strides = array<i32>} : memref<200x128xf32, #tpu.memory_space<vmem>>, vector<1x16xf32>,
      %add3A_740 = arith.constant 1 : i32
      %add3A_741 = arith.addi %add3A_598, %add3A_740 : i32
      %add3A_742 = arith.constant 1 : i32
      %add3A_743 = arith.addi %add3A_598, %add3A_742 : i32
      %get3A_744 = arith.index_cast %add3A_743 : i32 to index
      %get3A_745 = arith.constant 48 : index
      %get3A_746 = tpu.vector_load %arg7[%get3A_744, %get3A_745] {strides = array<i32>} : memref<200x128xf32, #tpu.memory_space<vmem>>, vector<1x16xf32>,
      %get3A_747 = vector.shape_cast %get3A_746 : vector<1x16xf32> to vector<16xf32>
      %swap3A_748 = arith.index_cast %add3A_741 : i32 to index
      %swap3A_749 = arith.constant 48 : index
      %swap3A_750 = tpu.vector_load %arg9[%swap3A_748, %swap3A_749] {strides = array<i32>} : memref<200x128xf32, #tpu.memory_space<vmem>>, vector<1x16xf32>,
      %swap3A_751 = vector.shape_cast %swap3A_750 : vector<1x16xf32> to vector<16xf32>
      %swap3A_752 = vector.shape_cast %get3A_747 : vector<16xf32> to vector<1x16xf32>
      tpu.vector_store %arg9[%swap3A_748, %swap3A_749], %swap3A_752 {add = true, strides = array<i32>} : memref<200x128xf32, #tpu.memory_space<vmem>>, vector<1x16xf32>,
      %add3A_753 = arith.constant 1 : i32
      %add3A_754 = arith.addi %add3A_598, %add3A_753 : i32
      %add3A_755 = arith.constant 1 : i32
      %add3A_756 = arith.addi %add3A_598, %add3A_755 : i32
      %get3A_757 = arith.index_cast %add3A_756 : i32 to index
      %get3A_758 = arith.constant 64 : index
      %get3A_759 = tpu.vector_load %arg7[%get3A_757, %get3A_758] {strides = array<i32>} : memref<200x128xf32, #tpu.memory_space<vmem>>, vector<1x16xf32>,
      %get3A_760 = vector.shape_cast %get3A_759 : vector<1x16xf32> to vector<16xf32>
      %swap3A_761 = arith.index_cast %add3A_754 : i32 to index
      %swap3A_762 = arith.constant 64 : index
      %swap3A_763 = tpu.vector_load %arg9[%swap3A_761, %swap3A_762] {strides = array<i32>} : memref<200x128xf32, #tpu.memory_space<vmem>>, vector<1x16xf32>,
      %swap3A_764 = vector.shape_cast %swap3A_763 : vector<1x16xf32> to vector<16xf32>
      %swap3A_765 = vector.shape_cast %get3A_760 : vector<16xf32> to vector<1x16xf32>
      tpu.vector_store %arg9[%swap3A_761, %swap3A_762], %swap3A_765 {add = true, strides = array<i32>} : memref<200x128xf32, #tpu.memory_space<vmem>>, vector<1x16xf32>,
      %add3A_766 = arith.constant 1 : i32
      %add3A_767 = arith.addi %add3A_598, %add3A_766 : i32
      %add3A_768 = arith.constant 1 : i32
      %add3A_769 = arith.addi %add3A_598, %add3A_768 : i32
      %get3A_770 = arith.index_cast %add3A_769 : i32 to index
      %get3A_771 = arith.constant 80 : index
      %get3A_772 = tpu.vector_load %arg7[%get3A_770, %get3A_771] {strides = array<i32>} : memref<200x128xf32, #tpu.memory_space<vmem>>, vector<1x16xf32>,
      %get3A_773 = vector.shape_cast %get3A_772 : vector<1x16xf32> to vector<16xf32>
      %swap3A_774 = arith.index_cast %add3A_767 : i32 to index
      %swap3A_775 = arith.constant 80 : index
      %swap3A_776 = tpu.vector_load %arg9[%swap3A_774, %swap3A_775] {strides = array<i32>} : memref<200x128xf32, #tpu.memory_space<vmem>>, vector<1x16xf32>,
      %swap3A_777 = vector.shape_cast %swap3A_776 : vector<1x16xf32> to vector<16xf32>
      %swap3A_778 = vector.shape_cast %get3A_773 : vector<16xf32> to vector<1x16xf32>
      tpu.vector_store %arg9[%swap3A_774, %swap3A_775], %swap3A_778 {add = true, strides = array<i32>} : memref<200x128xf32, #tpu.memory_space<vmem>>, vector<1x16xf32>,
      %add3A_779 = arith.constant 1 : i32
      %add3A_780 = arith.addi %add3A_598, %add3A_779 : i32
      %add3A_781 = arith.constant 1 : i32
      %add3A_782 = arith.addi %add3A_598, %add3A_781 : i32
      %get3A_783 = arith.index_cast %add3A_782 : i32 to index
      %get3A_784 = arith.constant 96 : index
      %get3A_785 = tpu.vector_load %arg7[%get3A_783, %get3A_784] {strides = array<i32>} : memref<200x128xf32, #tpu.memory_space<vmem>>, vector<1x16xf32>,
      %get3A_786 = vector.shape_cast %get3A_785 : vector<1x16xf32> to vector<16xf32>
      %swap3A_787 = arith.index_cast %add3A_780 : i32 to index
      %swap3A_788 = arith.constant 96 : index
      %swap3A_789 = tpu.vector_load %arg9[%swap3A_787, %swap3A_788] {strides = array<i32>} : memref<200x128xf32, #tpu.memory_space<vmem>>, vector<1x16xf32>,
      %swap3A_790 = vector.shape_cast %swap3A_789 : vector<1x16xf32> to vector<16xf32>
      %swap3A_791 = vector.shape_cast %get3A_786 : vector<16xf32> to vector<1x16xf32>
      tpu.vector_store %arg9[%swap3A_787, %swap3A_788], %swap3A_791 {add = true, strides = array<i32>} : memref<200x128xf32, #tpu.memory_space<vmem>>, vector<1x16xf32>,
      %add3A_792 = arith.constant 1 : i32
      %add3A_793 = arith.addi %add3A_598, %add3A_792 : i32
      %add3A_794 = arith.constant 1 : i32
      %add3A_795 = arith.addi %add3A_598, %add3A_794 : i32
      %get3A_796 = arith.index_cast %add3A_795 : i32 to index
      %get3A_797 = arith.constant 112 : index
      %get3A_798 = tpu.vector_load %arg7[%get3A_796, %get3A_797] {strides = array<i32>} : memref<200x128xf32, #tpu.memory_space<vmem>>, vector<1x16xf32>,
      %get3A_799 = vector.shape_cast %get3A_798 : vector<1x16xf32> to vector<16xf32>
      %swap3A_800 = arith.index_cast %add3A_793 : i32 to index
      %swap3A_801 = arith.constant 112 : index
      %swap3A_802 = tpu.vector_load %arg9[%swap3A_800, %swap3A_801] {strides = array<i32>} : memref<200x128xf32, #tpu.memory_space<vmem>>, vector<1x16xf32>,
      %swap3A_803 = vector.shape_cast %swap3A_802 : vector<1x16xf32> to vector<16xf32>
      %swap3A_804 = vector.shape_cast %get3A_799 : vector<16xf32> to vector<1x16xf32>
      tpu.vector_store %arg9[%swap3A_800, %swap3A_801], %swap3A_804 {add = true, strides = array<i32>} : memref<200x128xf32, #tpu.memory_space<vmem>>, vector<1x16xf32>,
      %scan3A_805 = arith.constant 0 : i32
      scf.yield %scan3A_805 : i32
    }
    %scan3A_193 = arith.constant 48 : i32
    %add3A_194 = arith.constant 5600 : i32
    %add3A_195 = arith.addi %mul3A_2, %add3A_194 : i32
    %dma_wait3A_196 = arith.constant 0 : i32
    %dma_wait3A_197 = tpu.memref_slice %arg5[%add3A_195, %dma_wait3A_196] : memref<204800x128xf32, #tpu.memory_space<hbm>> -> memref<96x128xf32, #tpu.memory_space<hbm>>
    %dma_wait3A_198 = arith.constant 0 : i32
    %dma_wait3A_199 = arith.constant 0 : i32
    %dma_wait3A_200 = tpu.memref_slice %arg10[%arg1, %dma_wait3A_198, %dma_wait3A_199] : memref<16x96x128xf32, #tpu.memory_space<vmem_shared>> -> memref<1x96x128xf32, #tpu.memory_space<vmem_shared>>
    %dma_wait3A_201 = tpu.memref_squeeze %dma_wait3A_200 : memref<1x96x128xf32, #tpu.memory_space<vmem_shared>> -> memref<96x128xf32, #tpu.memory_space<vmem_shared>>
    tpu.wait_dma2 semaphore(%arg18 : memref<!tpu.dma_semaphore, #tpu.memory_space<semaphore_mem>>) src(%dma_wait3A_201 : memref<96x128xf32, #tpu.memory_space<vmem_shared>>) dst(%dma_wait3A_197 : memref<96x128xf32, #tpu.memory_space<hbm>>)
    %dma_start3A_202 = arith.constant 0 : i32
    %dma_start3A_203 = arith.constant 0 : i32
    %dma_start3A_204 = tpu.memref_slice %arg9[%dma_start3A_202, %dma_start3A_203] : memref<200x128xf32, #tpu.memory_space<vmem>> -> memref<96x128xf32, #tpu.memory_space<vmem>>
    %dma_start3A_205 = arith.constant 0 : i32
    %dma_start3A_206 = arith.constant 0 : i32
    %dma_start3A_207 = tpu.memref_slice %arg10[%arg1, %dma_start3A_205, %dma_start3A_206] : memref<16x96x128xf32, #tpu.memory_space<vmem_shared>> -> memref<1x96x128xf32, #tpu.memory_space<vmem_shared>>
    %dma_start3A_208 = tpu.memref_squeeze %dma_start3A_207 : memref<1x96x128xf32, #tpu.memory_space<vmem_shared>> -> memref<96x128xf32, #tpu.memory_space<vmem_shared>>
    %dma_start3A_209 = arith.constant 0 : i32
    %dma_start3A_210 = arith.constant 0 : i32
    %dma_start3A_211 = tpu.memref_slice %arg10[%arg1, %dma_start3A_209, %dma_start3A_210] : memref<16x96x128xf32, #tpu.memory_space<vmem_shared>> -> memref<1x96x128xf32, #tpu.memory_space<vmem_shared>>
    %dma_start3A_212 = tpu.memref_squeeze %dma_start3A_211 : memref<1x96x128xf32, #tpu.memory_space<vmem_shared>> -> memref<96x128xf32, #tpu.memory_space<vmem_shared>>
    %dma_start3A_213 = arith.constant 0 : i32
    %dma_start3A_214 = arith.constant 0 : i32
    %dma_start3A_215 = tpu.memref_slice %arg9[%dma_start3A_213, %dma_start3A_214] : memref<200x128xf32, #tpu.memory_space<vmem>> -> memref<96x128xf32, #tpu.memory_space<vmem>>
    tpu.enqueue_dma source(%dma_start3A_215 : memref<96x128xf32, #tpu.memory_space<vmem>>) target(%dma_start3A_212 : memref<96x128xf32, #tpu.memory_space<vmem_shared>>) target_semaphore(%arg16 : memref<!tpu.dma_semaphore, #tpu.memory_space<semaphore_mem>>)
    %dma_wait3A_216 = arith.constant 59 : i32
    %dma_wait3A_217 = arith.constant 100 : i32
    %dma_wait3A_218 = arith.constant 0 : i32
    %dma_wait3A_219 = tpu.memref_slice %arg9[%dma_wait3A_217, %dma_wait3A_218] : memref<200x128xf32, #tpu.memory_space<vmem>> -> memref<100x128xf32, #tpu.memory_space<vmem>>
    %dma_wait3A_220 = arith.constant 0 : i32
    %dma_wait3A_221 = tpu.memref_slice %arg6[%dma_wait3A_216, %dma_wait3A_220] : memref<64x100xi32, #tpu.memory_space<vmem>> -> memref<1x100xi32, #tpu.memory_space<vmem>>
    %dma_wait3A_222 = tpu.memref_squeeze %dma_wait3A_221 : memref<1x100xi32, #tpu.memory_space<vmem>> -> memref<100xi32, #tpu.memory_space<vmem>>
    %dma_wait3A_223 = arith.constant 0 : i32
    %dma_wait3A_224 = arith.constant 0 : i32
    %dma_wait3A_225 = tpu.memref_slice %arg2[%dma_wait3A_223, %dma_wait3A_224] : memref<100000x128xf32, #tpu.memory_space<hbm>> -> memref<100000x128xf32, #tpu.memory_space<hbm>>
    tpu.wait_indirect_dma semaphore(%arg15 : memref<!tpu.dma_semaphore, #tpu.memory_space<semaphore_mem>>) src(%dma_wait3A_225 : memref<100000x128xf32, #tpu.memory_space<hbm>>) dst(%dma_wait3A_219 : memref<100x128xf32, #tpu.memory_space<vmem>>)
    %scan3A_226 = arith.constant 0 : i32
    %scan3A_227 = arith.constant 0 : i32
    %scan3A_228 = arith.constant 52 : i32
    %scan3A_229 = arith.addi %scan3A_227, %scan3A_228 : i32
    %scan3A_230 = arith.constant 1 : i32
    %scan3A_231 = scf.for %scan3A_593 = %scan3A_227 to %scan3A_229 step %scan3A_230 iter_args(%scan3A_594 = %scan3A_226) -> (i32)  : i32 {
      %mul3A_595 = arith.constant 2 : i32
      %mul3A_596 = arith.muli %mul3A_595, %scan3A_593 : i32
      %add3A_597 = arith.constant 96 : i32
      %add3A_598 = arith.addi %add3A_597, %mul3A_596 : i32
      %add3A_599 = arith.constant 0 : i32
      %add3A_600 = arith.addi %add3A_598, %add3A_599 : i32
      %add3A_601 = arith.constant 0 : i32
      %add3A_602 = arith.addi %add3A_598, %add3A_601 : i32
      %get3A = arith.index_cast %add3A_602 : i32 to index
      %get3A_603 = arith.constant 0 : index
      %get3A_604 = tpu.vector_load %arg7[%get3A, %get3A_603] {strides = array<i32>} : memref<200x128xf32, #tpu.memory_space<vmem>>, vector<1x16xf32>,
      %get3A_605 = vector.shape_cast %get3A_604 : vector<1x16xf32> to vector<16xf32>
      %swap3A = arith.index_cast %add3A_600 : i32 to index
      %swap3A_606 = arith.constant 0 : index
      %swap3A_607 = tpu.vector_load %arg9[%swap3A, %swap3A_606] {strides = array<i32>} : memref<200x128xf32, #tpu.memory_space<vmem>>, vector<1x16xf32>,
      %swap3A_608 = vector.shape_cast %swap3A_607 : vector<1x16xf32> to vector<16xf32>
      %swap3A_609 = vector.shape_cast %get3A_605 : vector<16xf32> to vector<1x16xf32>
      tpu.vector_store %arg9[%swap3A, %swap3A_606], %swap3A_609 {add = true, strides = array<i32>} : memref<200x128xf32, #tpu.memory_space<vmem>>, vector<1x16xf32>,
      %add3A_610 = arith.constant 0 : i32
      %add3A_611 = arith.addi %add3A_598, %add3A_610 : i32
      %add3A_612 = arith.constant 0 : i32
      %add3A_613 = arith.addi %add3A_598, %add3A_612 : i32
      %get3A_614 = arith.index_cast %add3A_613 : i32 to index
      %get3A_615 = arith.constant 16 : index
      %get3A_616 = tpu.vector_load %arg7[%get3A_614, %get3A_615] {strides = array<i32>} : memref<200x128xf32, #tpu.memory_space<vmem>>, vector<1x16xf32>,
      %get3A_617 = vector.shape_cast %get3A_616 : vector<1x16xf32> to vector<16xf32>
      %swap3A_618 = arith.index_cast %add3A_611 : i32 to index
      %swap3A_619 = arith.constant 16 : index
      %swap3A_620 = tpu.vector_load %arg9[%swap3A_618, %swap3A_619] {strides = array<i32>} : memref<200x128xf32, #tpu.memory_space<vmem>>, vector<1x16xf32>,
      %swap3A_621 = vector.shape_cast %swap3A_620 : vector<1x16xf32> to vector<16xf32>
      %swap3A_622 = vector.shape_cast %get3A_617 : vector<16xf32> to vector<1x16xf32>
      tpu.vector_store %arg9[%swap3A_618, %swap3A_619], %swap3A_622 {add = true, strides = array<i32>} : memref<200x128xf32, #tpu.memory_space<vmem>>, vector<1x16xf32>,
      %add3A_623 = arith.constant 0 : i32
      %add3A_624 = arith.addi %add3A_598, %add3A_623 : i32
      %add3A_625 = arith.constant 0 : i32
      %add3A_626 = arith.addi %add3A_598, %add3A_625 : i32
      %get3A_627 = arith.index_cast %add3A_626 : i32 to index
      %get3A_628 = arith.constant 32 : index
      %get3A_629 = tpu.vector_load %arg7[%get3A_627, %get3A_628] {strides = array<i32>} : memref<200x128xf32, #tpu.memory_space<vmem>>, vector<1x16xf32>,
      %get3A_630 = vector.shape_cast %get3A_629 : vector<1x16xf32> to vector<16xf32>
      %swap3A_631 = arith.index_cast %add3A_624 : i32 to index
      %swap3A_632 = arith.constant 32 : index
      %swap3A_633 = tpu.vector_load %arg9[%swap3A_631, %swap3A_632] {strides = array<i32>} : memref<200x128xf32, #tpu.memory_space<vmem>>, vector<1x16xf32>,
      %swap3A_634 = vector.shape_cast %swap3A_633 : vector<1x16xf32> to vector<16xf32>
      %swap3A_635 = vector.shape_cast %get3A_630 : vector<16xf32> to vector<1x16xf32>
      tpu.vector_store %arg9[%swap3A_631, %swap3A_632], %swap3A_635 {add = true, strides = array<i32>} : memref<200x128xf32, #tpu.memory_space<vmem>>, vector<1x16xf32>,
      %add3A_636 = arith.constant 0 : i32
      %add3A_637 = arith.addi %add3A_598, %add3A_636 : i32
      %add3A_638 = arith.constant 0 : i32
      %add3A_639 = arith.addi %add3A_598, %add3A_638 : i32
      %get3A_640 = arith.index_cast %add3A_639 : i32 to index
      %get3A_641 = arith.constant 48 : index
      %get3A_642 = tpu.vector_load %arg7[%get3A_640, %get3A_641] {strides = array<i32>} : memref<200x128xf32, #tpu.memory_space<vmem>>, vector<1x16xf32>,
      %get3A_643 = vector.shape_cast %get3A_642 : vector<1x16xf32> to vector<16xf32>
      %swap3A_644 = arith.index_cast %add3A_637 : i32 to index
      %swap3A_645 = arith.constant 48 : index
      %swap3A_646 = tpu.vector_load %arg9[%swap3A_644, %swap3A_645] {strides = array<i32>} : memref<200x128xf32, #tpu.memory_space<vmem>>, vector<1x16xf32>,
      %swap3A_647 = vector.shape_cast %swap3A_646 : vector<1x16xf32> to vector<16xf32>
      %swap3A_648 = vector.shape_cast %get3A_643 : vector<16xf32> to vector<1x16xf32>
      tpu.vector_store %arg9[%swap3A_644, %swap3A_645], %swap3A_648 {add = true, strides = array<i32>} : memref<200x128xf32, #tpu.memory_space<vmem>>, vector<1x16xf32>,
      %add3A_649 = arith.constant 0 : i32
      %add3A_650 = arith.addi %add3A_598, %add3A_649 : i32
      %add3A_651 = arith.constant 0 : i32
      %add3A_652 = arith.addi %add3A_598, %add3A_651 : i32
      %get3A_653 = arith.index_cast %add3A_652 : i32 to index
      %get3A_654 = arith.constant 64 : index
      %get3A_655 = tpu.vector_load %arg7[%get3A_653, %get3A_654] {strides = array<i32>} : memref<200x128xf32, #tpu.memory_space<vmem>>, vector<1x16xf32>,
      %get3A_656 = vector.shape_cast %get3A_655 : vector<1x16xf32> to vector<16xf32>
      %swap3A_657 = arith.index_cast %add3A_650 : i32 to index
      %swap3A_658 = arith.constant 64 : index
      %swap3A_659 = tpu.vector_load %arg9[%swap3A_657, %swap3A_658] {strides = array<i32>} : memref<200x128xf32, #tpu.memory_space<vmem>>, vector<1x16xf32>,
      %swap3A_660 = vector.shape_cast %swap3A_659 : vector<1x16xf32> to vector<16xf32>
      %swap3A_661 = vector.shape_cast %get3A_656 : vector<16xf32> to vector<1x16xf32>
      tpu.vector_store %arg9[%swap3A_657, %swap3A_658], %swap3A_661 {add = true, strides = array<i32>} : memref<200x128xf32, #tpu.memory_space<vmem>>, vector<1x16xf32>,
      %add3A_662 = arith.constant 0 : i32
      %add3A_663 = arith.addi %add3A_598, %add3A_662 : i32
      %add3A_664 = arith.constant 0 : i32
      %add3A_665 = arith.addi %add3A_598, %add3A_664 : i32
      %get3A_666 = arith.index_cast %add3A_665 : i32 to index
      %get3A_667 = arith.constant 80 : index
      %get3A_668 = tpu.vector_load %arg7[%get3A_666, %get3A_667] {strides = array<i32>} : memref<200x128xf32, #tpu.memory_space<vmem>>, vector<1x16xf32>,
      %get3A_669 = vector.shape_cast %get3A_668 : vector<1x16xf32> to vector<16xf32>
      %swap3A_670 = arith.index_cast %add3A_663 : i32 to index
      %swap3A_671 = arith.constant 80 : index
      %swap3A_672 = tpu.vector_load %arg9[%swap3A_670, %swap3A_671] {strides = array<i32>} : memref<200x128xf32, #tpu.memory_space<vmem>>, vector<1x16xf32>,
      %swap3A_673 = vector.shape_cast %swap3A_672 : vector<1x16xf32> to vector<16xf32>
      %swap3A_674 = vector.shape_cast %get3A_669 : vector<16xf32> to vector<1x16xf32>
      tpu.vector_store %arg9[%swap3A_670, %swap3A_671], %swap3A_674 {add = true, strides = array<i32>} : memref<200x128xf32, #tpu.memory_space<vmem>>, vector<1x16xf32>,
      %add3A_675 = arith.constant 0 : i32
      %add3A_676 = arith.addi %add3A_598, %add3A_675 : i32
      %add3A_677 = arith.constant 0 : i32
      %add3A_678 = arith.addi %add3A_598, %add3A_677 : i32
      %get3A_679 = arith.index_cast %add3A_678 : i32 to index
      %get3A_680 = arith.constant 96 : index
      %get3A_681 = tpu.vector_load %arg7[%get3A_679, %get3A_680] {strides = array<i32>} : memref<200x128xf32, #tpu.memory_space<vmem>>, vector<1x16xf32>,
      %get3A_682 = vector.shape_cast %get3A_681 : vector<1x16xf32> to vector<16xf32>
      %swap3A_683 = arith.index_cast %add3A_676 : i32 to index
      %swap3A_684 = arith.constant 96 : index
      %swap3A_685 = tpu.vector_load %arg9[%swap3A_683, %swap3A_684] {strides = array<i32>} : memref<200x128xf32, #tpu.memory_space<vmem>>, vector<1x16xf32>,
      %swap3A_686 = vector.shape_cast %swap3A_685 : vector<1x16xf32> to vector<16xf32>
      %swap3A_687 = vector.shape_cast %get3A_682 : vector<16xf32> to vector<1x16xf32>
      tpu.vector_store %arg9[%swap3A_683, %swap3A_684], %swap3A_687 {add = true, strides = array<i32>} : memref<200x128xf32, #tpu.memory_space<vmem>>, vector<1x16xf32>,
      %add3A_688 = arith.constant 0 : i32
      %add3A_689 = arith.addi %add3A_598, %add3A_688 : i32
      %add3A_690 = arith.constant 0 : i32
      %add3A_691 = arith.addi %add3A_598, %add3A_690 : i32
      %get3A_692 = arith.index_cast %add3A_691 : i32 to index
      %get3A_693 = arith.constant 112 : index
      %get3A_694 = tpu.vector_load %arg7[%get3A_692, %get3A_693] {strides = array<i32>} : memref<200x128xf32, #tpu.memory_space<vmem>>, vector<1x16xf32>,
      %get3A_695 = vector.shape_cast %get3A_694 : vector<1x16xf32> to vector<16xf32>
      %swap3A_696 = arith.index_cast %add3A_689 : i32 to index
      %swap3A_697 = arith.constant 112 : index
      %swap3A_698 = tpu.vector_load %arg9[%swap3A_696, %swap3A_697] {strides = array<i32>} : memref<200x128xf32, #tpu.memory_space<vmem>>, vector<1x16xf32>,
      %swap3A_699 = vector.shape_cast %swap3A_698 : vector<1x16xf32> to vector<16xf32>
      %swap3A_700 = vector.shape_cast %get3A_695 : vector<16xf32> to vector<1x16xf32>
      tpu.vector_store %arg9[%swap3A_696, %swap3A_697], %swap3A_700 {add = true, strides = array<i32>} : memref<200x128xf32, #tpu.memory_space<vmem>>, vector<1x16xf32>,
      %add3A_701 = arith.constant 1 : i32
      %add3A_702 = arith.addi %add3A_598, %add3A_701 : i32
      %add3A_703 = arith.constant 1 : i32
      %add3A_704 = arith.addi %add3A_598, %add3A_703 : i32
      %get3A_705 = arith.index_cast %add3A_704 : i32 to index
      %get3A_706 = arith.constant 0 : index
      %get3A_707 = tpu.vector_load %arg7[%get3A_705, %get3A_706] {strides = array<i32>} : memref<200x128xf32, #tpu.memory_space<vmem>>, vector<1x16xf32>,
      %get3A_708 = vector.shape_cast %get3A_707 : vector<1x16xf32> to vector<16xf32>
      %swap3A_709 = arith.index_cast %add3A_702 : i32 to index
      %swap3A_710 = arith.constant 0 : index
      %swap3A_711 = tpu.vector_load %arg9[%swap3A_709, %swap3A_710] {strides = array<i32>} : memref<200x128xf32, #tpu.memory_space<vmem>>, vector<1x16xf32>,
      %swap3A_712 = vector.shape_cast %swap3A_711 : vector<1x16xf32> to vector<16xf32>
      %swap3A_713 = vector.shape_cast %get3A_708 : vector<16xf32> to vector<1x16xf32>
      tpu.vector_store %arg9[%swap3A_709, %swap3A_710], %swap3A_713 {add = true, strides = array<i32>} : memref<200x128xf32, #tpu.memory_space<vmem>>, vector<1x16xf32>,
      %add3A_714 = arith.constant 1 : i32
      %add3A_715 = arith.addi %add3A_598, %add3A_714 : i32
      %add3A_716 = arith.constant 1 : i32
      %add3A_717 = arith.addi %add3A_598, %add3A_716 : i32
      %get3A_718 = arith.index_cast %add3A_717 : i32 to index
      %get3A_719 = arith.constant 16 : index
      %get3A_720 = tpu.vector_load %arg7[%get3A_718, %get3A_719] {strides = array<i32>} : memref<200x128xf32, #tpu.memory_space<vmem>>, vector<1x16xf32>,
      %get3A_721 = vector.shape_cast %get3A_720 : vector<1x16xf32> to vector<16xf32>
      %swap3A_722 = arith.index_cast %add3A_715 : i32 to index
      %swap3A_723 = arith.constant 16 : index
      %swap3A_724 = tpu.vector_load %arg9[%swap3A_722, %swap3A_723] {strides = array<i32>} : memref<200x128xf32, #tpu.memory_space<vmem>>, vector<1x16xf32>,
      %swap3A_725 = vector.shape_cast %swap3A_724 : vector<1x16xf32> to vector<16xf32>
      %swap3A_726 = vector.shape_cast %get3A_721 : vector<16xf32> to vector<1x16xf32>
      tpu.vector_store %arg9[%swap3A_722, %swap3A_723], %swap3A_726 {add = true, strides = array<i32>} : memref<200x128xf32, #tpu.memory_space<vmem>>, vector<1x16xf32>,
      %add3A_727 = arith.constant 1 : i32
      %add3A_728 = arith.addi %add3A_598, %add3A_727 : i32
      %add3A_729 = arith.constant 1 : i32
      %add3A_730 = arith.addi %add3A_598, %add3A_729 : i32
      %get3A_731 = arith.index_cast %add3A_730 : i32 to index
      %get3A_732 = arith.constant 32 : index
      %get3A_733 = tpu.vector_load %arg7[%get3A_731, %get3A_732] {strides = array<i32>} : memref<200x128xf32, #tpu.memory_space<vmem>>, vector<1x16xf32>,
      %get3A_734 = vector.shape_cast %get3A_733 : vector<1x16xf32> to vector<16xf32>
      %swap3A_735 = arith.index_cast %add3A_728 : i32 to index
      %swap3A_736 = arith.constant 32 : index
      %swap3A_737 = tpu.vector_load %arg9[%swap3A_735, %swap3A_736] {strides = array<i32>} : memref<200x128xf32, #tpu.memory_space<vmem>>, vector<1x16xf32>,
      %swap3A_738 = vector.shape_cast %swap3A_737 : vector<1x16xf32> to vector<16xf32>
      %swap3A_739 = vector.shape_cast %get3A_734 : vector<16xf32> to vector<1x16xf32>
      tpu.vector_store %arg9[%swap3A_735, %swap3A_736], %swap3A_739 {add = true, strides = array<i32>} : memref<200x128xf32, #tpu.memory_space<vmem>>, vector<1x16xf32>,
      %add3A_740 = arith.constant 1 : i32
      %add3A_741 = arith.addi %add3A_598, %add3A_740 : i32
      %add3A_742 = arith.constant 1 : i32
      %add3A_743 = arith.addi %add3A_598, %add3A_742 : i32
      %get3A_744 = arith.index_cast %add3A_743 : i32 to index
      %get3A_745 = arith.constant 48 : index
      %get3A_746 = tpu.vector_load %arg7[%get3A_744, %get3A_745] {strides = array<i32>} : memref<200x128xf32, #tpu.memory_space<vmem>>, vector<1x16xf32>,
      %get3A_747 = vector.shape_cast %get3A_746 : vector<1x16xf32> to vector<16xf32>
      %swap3A_748 = arith.index_cast %add3A_741 : i32 to index
      %swap3A_749 = arith.constant 48 : index
      %swap3A_750 = tpu.vector_load %arg9[%swap3A_748, %swap3A_749] {strides = array<i32>} : memref<200x128xf32, #tpu.memory_space<vmem>>, vector<1x16xf32>,
      %swap3A_751 = vector.shape_cast %swap3A_750 : vector<1x16xf32> to vector<16xf32>
      %swap3A_752 = vector.shape_cast %get3A_747 : vector<16xf32> to vector<1x16xf32>
      tpu.vector_store %arg9[%swap3A_748, %swap3A_749], %swap3A_752 {add = true, strides = array<i32>} : memref<200x128xf32, #tpu.memory_space<vmem>>, vector<1x16xf32>,
      %add3A_753 = arith.constant 1 : i32
      %add3A_754 = arith.addi %add3A_598, %add3A_753 : i32
      %add3A_755 = arith.constant 1 : i32
      %add3A_756 = arith.addi %add3A_598, %add3A_755 : i32
      %get3A_757 = arith.index_cast %add3A_756 : i32 to index
      %get3A_758 = arith.constant 64 : index
      %get3A_759 = tpu.vector_load %arg7[%get3A_757, %get3A_758] {strides = array<i32>} : memref<200x128xf32, #tpu.memory_space<vmem>>, vector<1x16xf32>,
      %get3A_760 = vector.shape_cast %get3A_759 : vector<1x16xf32> to vector<16xf32>
      %swap3A_761 = arith.index_cast %add3A_754 : i32 to index
      %swap3A_762 = arith.constant 64 : index
      %swap3A_763 = tpu.vector_load %arg9[%swap3A_761, %swap3A_762] {strides = array<i32>} : memref<200x128xf32, #tpu.memory_space<vmem>>, vector<1x16xf32>,
      %swap3A_764 = vector.shape_cast %swap3A_763 : vector<1x16xf32> to vector<16xf32>
      %swap3A_765 = vector.shape_cast %get3A_760 : vector<16xf32> to vector<1x16xf32>
      tpu.vector_store %arg9[%swap3A_761, %swap3A_762], %swap3A_765 {add = true, strides = array<i32>} : memref<200x128xf32, #tpu.memory_space<vmem>>, vector<1x16xf32>,
      %add3A_766 = arith.constant 1 : i32
      %add3A_767 = arith.addi %add3A_598, %add3A_766 : i32
      %add3A_768 = arith.constant 1 : i32
      %add3A_769 = arith.addi %add3A_598, %add3A_768 : i32
      %get3A_770 = arith.index_cast %add3A_769 : i32 to index
      %get3A_771 = arith.constant 80 : index
      %get3A_772 = tpu.vector_load %arg7[%get3A_770, %get3A_771] {strides = array<i32>} : memref<200x128xf32, #tpu.memory_space<vmem>>, vector<1x16xf32>,
      %get3A_773 = vector.shape_cast %get3A_772 : vector<1x16xf32> to vector<16xf32>
      %swap3A_774 = arith.index_cast %add3A_767 : i32 to index
      %swap3A_775 = arith.constant 80 : index
      %swap3A_776 = tpu.vector_load %arg9[%swap3A_774, %swap3A_775] {strides = array<i32>} : memref<200x128xf32, #tpu.memory_space<vmem>>, vector<1x16xf32>,
      %swap3A_777 = vector.shape_cast %swap3A_776 : vector<1x16xf32> to vector<16xf32>
      %swap3A_778 = vector.shape_cast %get3A_773 : vector<16xf32> to vector<1x16xf32>
      tpu.vector_store %arg9[%swap3A_774, %swap3A_775], %swap3A_778 {add = true, strides = array<i32>} : memref<200x128xf32, #tpu.memory_space<vmem>>, vector<1x16xf32>,
      %add3A_779 = arith.constant 1 : i32
      %add3A_780 = arith.addi %add3A_598, %add3A_779 : i32
      %add3A_781 = arith.constant 1 : i32
      %add3A_782 = arith.addi %add3A_598, %add3A_781 : i32
      %get3A_783 = arith.index_cast %add3A_782 : i32 to index
      %get3A_784 = arith.constant 96 : index
      %get3A_785 = tpu.vector_load %arg7[%get3A_783, %get3A_784] {strides = array<i32>} : memref<200x128xf32, #tpu.memory_space<vmem>>, vector<1x16xf32>,
      %get3A_786 = vector.shape_cast %get3A_785 : vector<1x16xf32> to vector<16xf32>
      %swap3A_787 = arith.index_cast %add3A_780 : i32 to index
      %swap3A_788 = arith.constant 96 : index
      %swap3A_789 = tpu.vector_load %arg9[%swap3A_787, %swap3A_788] {strides = array<i32>} : memref<200x128xf32, #tpu.memory_space<vmem>>, vector<1x16xf32>,
      %swap3A_790 = vector.shape_cast %swap3A_789 : vector<1x16xf32> to vector<16xf32>
      %swap3A_791 = vector.shape_cast %get3A_786 : vector<16xf32> to vector<1x16xf32>
      tpu.vector_store %arg9[%swap3A_787, %swap3A_788], %swap3A_791 {add = true, strides = array<i32>} : memref<200x128xf32, #tpu.memory_space<vmem>>, vector<1x16xf32>,
      %add3A_792 = arith.constant 1 : i32
      %add3A_793 = arith.addi %add3A_598, %add3A_792 : i32
      %add3A_794 = arith.constant 1 : i32
      %add3A_795 = arith.addi %add3A_598, %add3A_794 : i32
      %get3A_796 = arith.index_cast %add3A_795 : i32 to index
      %get3A_797 = arith.constant 112 : index
      %get3A_798 = tpu.vector_load %arg7[%get3A_796, %get3A_797] {strides = array<i32>} : memref<200x128xf32, #tpu.memory_space<vmem>>, vector<1x16xf32>,
      %get3A_799 = vector.shape_cast %get3A_798 : vector<1x16xf32> to vector<16xf32>
      %swap3A_800 = arith.index_cast %add3A_793 : i32 to index
      %swap3A_801 = arith.constant 112 : index
      %swap3A_802 = tpu.vector_load %arg9[%swap3A_800, %swap3A_801] {strides = array<i32>} : memref<200x128xf32, #tpu.memory_space<vmem>>, vector<1x16xf32>,
      %swap3A_803 = vector.shape_cast %swap3A_802 : vector<1x16xf32> to vector<16xf32>
      %swap3A_804 = vector.shape_cast %get3A_799 : vector<16xf32> to vector<1x16xf32>
      tpu.vector_store %arg9[%swap3A_800, %swap3A_801], %swap3A_804 {add = true, strides = array<i32>} : memref<200x128xf32, #tpu.memory_space<vmem>>, vector<1x16xf32>,
      %scan3A_805 = arith.constant 0 : i32
      scf.yield %scan3A_805 : i32
    }
    %scan3A_232 = arith.constant 52 : i32
    %add3A_233 = arith.constant 5600 : i32
    %add3A_234 = arith.addi %mul3A_2, %add3A_233 : i32
    %add3A_235 = arith.constant 96 : i32
    %add3A_236 = arith.addi %add3A_234, %add3A_235 : i32
    %dma_wait3A_237 = arith.constant 0 : i32
    %dma_wait3A_238 = tpu.memref_slice %arg5[%add3A_236, %dma_wait3A_237] : memref<204800x128xf32, #tpu.memory_space<hbm>> -> memref<104x128xf32, #tpu.memory_space<hbm>>
    %dma_wait3A_239 = arith.constant 0 : i32
    %dma_wait3A_240 = arith.constant 0 : i32
    %dma_wait3A_241 = tpu.memref_slice %arg11[%arg1, %dma_wait3A_239, %dma_wait3A_240] : memref<16x104x128xf32, #tpu.memory_space<vmem_shared>> -> memref<1x104x128xf32, #tpu.memory_space<vmem_shared>>
    %dma_wait3A_242 = tpu.memref_squeeze %dma_wait3A_241 : memref<1x104x128xf32, #tpu.memory_space<vmem_shared>> -> memref<104x128xf32, #tpu.memory_space<vmem_shared>>
    tpu.wait_dma2 semaphore(%arg19 : memref<!tpu.dma_semaphore, #tpu.memory_space<semaphore_mem>>) src(%dma_wait3A_242 : memref<104x128xf32, #tpu.memory_space<vmem_shared>>) dst(%dma_wait3A_238 : memref<104x128xf32, #tpu.memory_space<hbm>>)
    %dma_start3A_243 = arith.constant 96 : i32
    %dma_start3A_244 = arith.constant 0 : i32
    %dma_start3A_245 = tpu.memref_slice %arg9[%dma_start3A_243, %dma_start3A_244] : memref<200x128xf32, #tpu.memory_space<vmem>> -> memref<104x128xf32, #tpu.memory_space<vmem>>
    %dma_start3A_246 = arith.constant 0 : i32
    %dma_start3A_247 = arith.constant 0 : i32
    %dma_start3A_248 = tpu.memref_slice %arg11[%arg1, %dma_start3A_246, %dma_start3A_247] : memref<16x104x128xf32, #tpu.memory_space<vmem_shared>> -> memref<1x104x128xf32, #tpu.memory_space<vmem_shared>>
    %dma_start3A_249 = tpu.memref_squeeze %dma_start3A_248 : memref<1x104x128xf32, #tpu.memory_space<vmem_shared>> -> memref<104x128xf32, #tpu.memory_space<vmem_shared>>
    %dma_start3A_250 = arith.constant 0 : i32
    %dma_start3A_251 = arith.constant 0 : i32
    %dma_start3A_252 = tpu.memref_slice %arg11[%arg1, %dma_start3A_250, %dma_start3A_251] : memref<16x104x128xf32, #tpu.memory_space<vmem_shared>> -> memref<1x104x128xf32, #tpu.memory_space<vmem_shared>>
    %dma_start3A_253 = tpu.memref_squeeze %dma_start3A_252 : memref<1x104x128xf32, #tpu.memory_space<vmem_shared>> -> memref<104x128xf32, #tpu.memory_space<vmem_shared>>
    %dma_start3A_254 = arith.constant 96 : i32
    %dma_start3A_255 = arith.constant 0 : i32
    %dma_start3A_256 = tpu.memref_slice %arg9[%dma_start3A_254, %dma_start3A_255] : memref<200x128xf32, #tpu.memory_space<vmem>> -> memref<104x128xf32, #tpu.memory_space<vmem>>
    tpu.enqueue_dma source(%dma_start3A_256 : memref<104x128xf32, #tpu.memory_space<vmem>>) target(%dma_start3A_253 : memref<104x128xf32, #tpu.memory_space<vmem_shared>>) target_semaphore(%arg17 : memref<!tpu.dma_semaphore, #tpu.memory_space<semaphore_mem>>)
    %dma_wait3A_257 = arith.constant 0 : i32
    %dma_wait3A_258 = arith.constant 0 : i32
    %dma_wait3A_259 = tpu.memref_slice %arg9[%dma_wait3A_257, %dma_wait3A_258] : memref<200x128xf32, #tpu.memory_space<vmem>> -> memref<96x128xf32, #tpu.memory_space<vmem>>
    %dma_wait3A_260 = arith.constant 0 : i32
    %dma_wait3A_261 = arith.constant 0 : i32
    %dma_wait3A_262 = tpu.memref_slice %arg10[%arg1, %dma_wait3A_260, %dma_wait3A_261] : memref<16x96x128xf32, #tpu.memory_space<vmem_shared>> -> memref<1x96x128xf32, #tpu.memory_space<vmem_shared>>
    %dma_wait3A_263 = tpu.memref_squeeze %dma_wait3A_262 : memref<1x96x128xf32, #tpu.memory_space<vmem_shared>> -> memref<96x128xf32, #tpu.memory_space<vmem_shared>>
    %dma_wait3A_264 = arith.constant 0 : i32
    %dma_wait3A_265 = arith.constant 0 : i32
    %dma_wait3A_266 = tpu.memref_slice %arg10[%arg1, %dma_wait3A_264, %dma_wait3A_265] : memref<16x96x128xf32, #tpu.memory_space<vmem_shared>> -> memref<1x96x128xf32, #tpu.memory_space<vmem_shared>>
    %dma_wait3A_267 = tpu.memref_squeeze %dma_wait3A_266 : memref<1x96x128xf32, #tpu.memory_space<vmem_shared>> -> memref<96x128xf32, #tpu.memory_space<vmem_shared>>
    %dma_wait3A_268 = arith.constant 0 : i32
    %dma_wait3A_269 = arith.constant 0 : i32
    %dma_wait3A_270 = tpu.memref_slice %arg9[%dma_wait3A_268, %dma_wait3A_269] : memref<200x128xf32, #tpu.memory_space<vmem>> -> memref<96x128xf32, #tpu.memory_space<vmem>>
    tpu.wait_dma2 semaphore(%arg16 : memref<!tpu.dma_semaphore, #tpu.memory_space<semaphore_mem>>) src(%dma_wait3A_270 : memref<96x128xf32, #tpu.memory_space<vmem>>) dst(%dma_wait3A_267 : memref<96x128xf32, #tpu.memory_space<vmem_shared>>)
    %add3A_271 = arith.constant 5800 : i32
    %add3A_272 = arith.addi %mul3A_2, %add3A_271 : i32
    %dma_start3A_273 = arith.constant 0 : i32
    %dma_start3A_274 = tpu.memref_slice %arg5[%add3A_272, %dma_start3A_273] : memref<204800x128xf32, #tpu.memory_space<hbm>> -> memref<96x128xf32, #tpu.memory_space<hbm>>
    %dma_start3A_275 = arith.constant 0 : i32
    %dma_start3A_276 = arith.constant 0 : i32
    %dma_start3A_277 = tpu.memref_slice %arg10[%arg1, %dma_start3A_275, %dma_start3A_276] : memref<16x96x128xf32, #tpu.memory_space<vmem_shared>> -> memref<1x96x128xf32, #tpu.memory_space<vmem_shared>>
    %dma_start3A_278 = tpu.memref_squeeze %dma_start3A_277 : memref<1x96x128xf32, #tpu.memory_space<vmem_shared>> -> memref<96x128xf32, #tpu.memory_space<vmem_shared>>
    tpu.enqueue_dma source(%dma_start3A_278 : memref<96x128xf32, #tpu.memory_space<vmem_shared>>) target(%dma_start3A_274 : memref<96x128xf32, #tpu.memory_space<hbm>>) target_semaphore(%arg18 : memref<!tpu.dma_semaphore, #tpu.memory_space<semaphore_mem>>)
    %dma_wait3A_279 = arith.constant 96 : i32
    %dma_wait3A_280 = arith.constant 0 : i32
    %dma_wait3A_281 = tpu.memref_slice %arg9[%dma_wait3A_279, %dma_wait3A_280] : memref<200x128xf32, #tpu.memory_space<vmem>> -> memref<104x128xf32, #tpu.memory_space<vmem>>
    %dma_wait3A_282 = arith.constant 0 : i32
    %dma_wait3A_283 = arith.constant 0 : i32
    %dma_wait3A_284 = tpu.memref_slice %arg11[%arg1, %dma_wait3A_282, %dma_wait3A_283] : memref<16x104x128xf32, #tpu.memory_space<vmem_shared>> -> memref<1x104x128xf32, #tpu.memory_space<vmem_shared>>
    %dma_wait3A_285 = tpu.memref_squeeze %dma_wait3A_284 : memref<1x104x128xf32, #tpu.memory_space<vmem_shared>> -> memref<104x128xf32, #tpu.memory_space<vmem_shared>>
    %dma_wait3A_286 = arith.constant 0 : i32
    %dma_wait3A_287 = arith.constant 0 : i32
    %dma_wait3A_288 = tpu.memref_slice %arg11[%arg1, %dma_wait3A_286, %dma_wait3A_287] : memref<16x104x128xf32, #tpu.memory_space<vmem_shared>> -> memref<1x104x128xf32, #tpu.memory_space<vmem_shared>>
    %dma_wait3A_289 = tpu.memref_squeeze %dma_wait3A_288 : memref<1x104x128xf32, #tpu.memory_space<vmem_shared>> -> memref<104x128xf32, #tpu.memory_space<vmem_shared>>
    %dma_wait3A_290 = arith.constant 96 : i32
    %dma_wait3A_291 = arith.constant 0 : i32
    %dma_wait3A_292 = tpu.memref_slice %arg9[%dma_wait3A_290, %dma_wait3A_291] : memref<200x128xf32, #tpu.memory_space<vmem>> -> memref<104x128xf32, #tpu.memory_space<vmem>>
    tpu.wait_dma2 semaphore(%arg17 : memref<!tpu.dma_semaphore, #tpu.memory_space<semaphore_mem>>) src(%dma_wait3A_292 : memref<104x128xf32, #tpu.memory_space<vmem>>) dst(%dma_wait3A_289 : memref<104x128xf32, #tpu.memory_space<vmem_shared>>)
    %add3A_293 = arith.constant 5800 : i32
    %add3A_294 = arith.addi %mul3A_2, %add3A_293 : i32
    %add3A_295 = arith.constant 96 : i32
    %add3A_296 = arith.addi %add3A_294, %add3A_295 : i32
    %dma_start3A_297 = arith.constant 0 : i32
    %dma_start3A_298 = tpu.memref_slice %arg5[%add3A_296, %dma_start3A_297] : memref<204800x128xf32, #tpu.memory_space<hbm>> -> memref<104x128xf32, #tpu.memory_space<hbm>>
    %dma_start3A_299 = arith.constant 0 : i32
    %dma_start3A_300 = arith.constant 0 : i32
    %dma_start3A_301 = tpu.memref_slice %arg11[%arg1, %dma_start3A_299, %dma_start3A_300] : memref<16x104x128xf32, #tpu.memory_space<vmem_shared>> -> memref<1x104x128xf32, #tpu.memory_space<vmem_shared>>
    %dma_start3A_302 = tpu.memref_squeeze %dma_start3A_301 : memref<1x104x128xf32, #tpu.memory_space<vmem_shared>> -> memref<104x128xf32, #tpu.memory_space<vmem_shared>>
    tpu.enqueue_dma source(%dma_start3A_302 : memref<104x128xf32, #tpu.memory_space<vmem_shared>>) target(%dma_start3A_298 : memref<104x128xf32, #tpu.memory_space<hbm>>) target_semaphore(%arg19 : memref<!tpu.dma_semaphore, #tpu.memory_space<semaphore_mem>>)
    %dma_start3A_303 = arith.constant 62 : i32
    %dma_start3A_304 = arith.constant 0 : i32
    %dma_start3A_305 = arith.constant 0 : i32
    %dma_start3A_306 = tpu.memref_slice %arg9[%dma_start3A_304, %dma_start3A_305] : memref<200x128xf32, #tpu.memory_space<vmem>> -> memref<100x128xf32, #tpu.memory_space<vmem>>
    %dma_start3A_307 = arith.constant 0 : i32
    %dma_start3A_308 = tpu.memref_slice %arg6[%dma_start3A_303, %dma_start3A_307] : memref<64x100xi32, #tpu.memory_space<vmem>> -> memref<1x100xi32, #tpu.memory_space<vmem>>
    %dma_start3A_309 = tpu.memref_squeeze %dma_start3A_308 : memref<1x100xi32, #tpu.memory_space<vmem>> -> memref<100xi32, #tpu.memory_space<vmem>>
    %dma_start3A_310 = arith.constant 0 : i32
    %dma_start3A_311 = arith.constant 0 : i32
    %dma_start3A_312 = tpu.memref_slice %arg2[%dma_start3A_310, %dma_start3A_311] : memref<100000x128xf32, #tpu.memory_space<hbm>> -> memref<100000x128xf32, #tpu.memory_space<hbm>>
    tpu.enqueue_indirect_dma source(%dma_start3A_312 : memref<100000x128xf32, #tpu.memory_space<hbm>>) target(%dma_start3A_306 : memref<100x128xf32, #tpu.memory_space<vmem>>) offsets(%dma_start3A_309 : memref<100xi32, #tpu.memory_space<vmem>>) semaphore(%arg14 : memref<!tpu.dma_semaphore, #tpu.memory_space<semaphore_mem>>)
    %dma_start3A_313 = arith.constant 63 : i32
    %dma_start3A_314 = arith.constant 100 : i32
    %dma_start3A_315 = arith.constant 0 : i32
    %dma_start3A_316 = tpu.memref_slice %arg9[%dma_start3A_314, %dma_start3A_315] : memref<200x128xf32, #tpu.memory_space<vmem>> -> memref<100x128xf32, #tpu.memory_space<vmem>>
    %dma_start3A_317 = arith.constant 0 : i32
    %dma_start3A_318 = tpu.memref_slice %arg6[%dma_start3A_313, %dma_start3A_317] : memref<64x100xi32, #tpu.memory_space<vmem>> -> memref<1x100xi32, #tpu.memory_space<vmem>>
    %dma_start3A_319 = tpu.memref_squeeze %dma_start3A_318 : memref<1x100xi32, #tpu.memory_space<vmem>> -> memref<100xi32, #tpu.memory_space<vmem>>
    %dma_start3A_320 = arith.constant 0 : i32
    %dma_start3A_321 = arith.constant 0 : i32
    %dma_start3A_322 = tpu.memref_slice %arg2[%dma_start3A_320, %dma_start3A_321] : memref<100000x128xf32, #tpu.memory_space<hbm>> -> memref<100000x128xf32, #tpu.memory_space<hbm>>
    tpu.enqueue_indirect_dma source(%dma_start3A_322 : memref<100000x128xf32, #tpu.memory_space<hbm>>) target(%dma_start3A_316 : memref<100x128xf32, #tpu.memory_space<vmem>>) offsets(%dma_start3A_319 : memref<100xi32, #tpu.memory_space<vmem>>) semaphore(%arg15 : memref<!tpu.dma_semaphore, #tpu.memory_space<semaphore_mem>>)
    %dma_wait3A_323 = arith.constant 60 : i32
    %dma_wait3A_324 = arith.constant 0 : i32
    %dma_wait3A_325 = arith.constant 0 : i32
    %dma_wait3A_326 = tpu.memref_slice %arg8[%dma_wait3A_324, %dma_wait3A_325] : memref<200x128xf32, #tpu.memory_space<vmem>> -> memref<100x128xf32, #tpu.memory_space<vmem>>
    %dma_wait3A_327 = arith.constant 0 : i32
    %dma_wait3A_328 = tpu.memref_slice %arg6[%dma_wait3A_323, %dma_wait3A_327] : memref<64x100xi32, #tpu.memory_space<vmem>> -> memref<1x100xi32, #tpu.memory_space<vmem>>
    %dma_wait3A_329 = tpu.memref_squeeze %dma_wait3A_328 : memref<1x100xi32, #tpu.memory_space<vmem>> -> memref<100xi32, #tpu.memory_space<vmem>>
    %dma_wait3A_330 = arith.constant 0 : i32
    %dma_wait3A_331 = arith.constant 0 : i32
    %dma_wait3A_332 = tpu.memref_slice %arg2[%dma_wait3A_330, %dma_wait3A_331] : memref<100000x128xf32, #tpu.memory_space<hbm>> -> memref<100000x128xf32, #tpu.memory_space<hbm>>
    tpu.wait_indirect_dma semaphore(%arg12 : memref<!tpu.dma_semaphore, #tpu.memory_space<semaphore_mem>>) src(%dma_wait3A_332 : memref<100000x128xf32, #tpu.memory_space<hbm>>) dst(%dma_wait3A_326 : memref<100x128xf32, #tpu.memory_space<vmem>>)
    %scan3A_333 = arith.constant 0 : i32
    %scan3A_334 = arith.constant 0 : i32
    %scan3A_335 = arith.constant 48 : i32
    %scan3A_336 = arith.addi %scan3A_334, %scan3A_335 : i32
    %scan3A_337 = arith.constant 1 : i32
    %scan3A_338 = scf.for %scan3A_593 = %scan3A_334 to %scan3A_336 step %scan3A_337 iter_args(%scan3A_594 = %scan3A_333) -> (i32)  : i32 {
      %mul3A_595 = arith.constant 2 : i32
      %mul3A_596 = arith.muli %mul3A_595, %scan3A_593 : i32
      %add3A_597 = arith.constant 0 : i32
      %add3A_598 = arith.addi %add3A_597, %mul3A_596 : i32
      %add3A_599 = arith.constant 0 : i32
      %add3A_600 = arith.addi %add3A_598, %add3A_599 : i32
      %add3A_601 = arith.constant 0 : i32
      %add3A_602 = arith.addi %add3A_598, %add3A_601 : i32
      %get3A = arith.index_cast %add3A_602 : i32 to index
      %get3A_603 = arith.constant 0 : index
      %get3A_604 = tpu.vector_load %arg7[%get3A, %get3A_603] {strides = array<i32>} : memref<200x128xf32, #tpu.memory_space<vmem>>, vector<1x16xf32>,
      %get3A_605 = vector.shape_cast %get3A_604 : vector<1x16xf32> to vector<16xf32>
      %swap3A = arith.index_cast %add3A_600 : i32 to index
      %swap3A_606 = arith.constant 0 : index
      %swap3A_607 = tpu.vector_load %arg8[%swap3A, %swap3A_606] {strides = array<i32>} : memref<200x128xf32, #tpu.memory_space<vmem>>, vector<1x16xf32>,
      %swap3A_608 = vector.shape_cast %swap3A_607 : vector<1x16xf32> to vector<16xf32>
      %swap3A_609 = vector.shape_cast %get3A_605 : vector<16xf32> to vector<1x16xf32>
      tpu.vector_store %arg8[%swap3A, %swap3A_606], %swap3A_609 {add = true, strides = array<i32>} : memref<200x128xf32, #tpu.memory_space<vmem>>, vector<1x16xf32>,
      %add3A_610 = arith.constant 0 : i32
      %add3A_611 = arith.addi %add3A_598, %add3A_610 : i32
      %add3A_612 = arith.constant 0 : i32
      %add3A_613 = arith.addi %add3A_598, %add3A_612 : i32
      %get3A_614 = arith.index_cast %add3A_613 : i32 to index
      %get3A_615 = arith.constant 16 : index
      %get3A_616 = tpu.vector_load %arg7[%get3A_614, %get3A_615] {strides = array<i32>} : memref<200x128xf32, #tpu.memory_space<vmem>>, vector<1x16xf32>,
      %get3A_617 = vector.shape_cast %get3A_616 : vector<1x16xf32> to vector<16xf32>
      %swap3A_618 = arith.index_cast %add3A_611 : i32 to index
      %swap3A_619 = arith.constant 16 : index
      %swap3A_620 = tpu.vector_load %arg8[%swap3A_618, %swap3A_619] {strides = array<i32>} : memref<200x128xf32, #tpu.memory_space<vmem>>, vector<1x16xf32>,
      %swap3A_621 = vector.shape_cast %swap3A_620 : vector<1x16xf32> to vector<16xf32>
      %swap3A_622 = vector.shape_cast %get3A_617 : vector<16xf32> to vector<1x16xf32>
      tpu.vector_store %arg8[%swap3A_618, %swap3A_619], %swap3A_622 {add = true, strides = array<i32>} : memref<200x128xf32, #tpu.memory_space<vmem>>, vector<1x16xf32>,
      %add3A_623 = arith.constant 0 : i32
      %add3A_624 = arith.addi %add3A_598, %add3A_623 : i32
      %add3A_625 = arith.constant 0 : i32
      %add3A_626 = arith.addi %add3A_598, %add3A_625 : i32
      %get3A_627 = arith.index_cast %add3A_626 : i32 to index
      %get3A_628 = arith.constant 32 : index
      %get3A_629 = tpu.vector_load %arg7[%get3A_627, %get3A_628] {strides = array<i32>} : memref<200x128xf32, #tpu.memory_space<vmem>>, vector<1x16xf32>,
      %get3A_630 = vector.shape_cast %get3A_629 : vector<1x16xf32> to vector<16xf32>
      %swap3A_631 = arith.index_cast %add3A_624 : i32 to index
      %swap3A_632 = arith.constant 32 : index
      %swap3A_633 = tpu.vector_load %arg8[%swap3A_631, %swap3A_632] {strides = array<i32>} : memref<200x128xf32, #tpu.memory_space<vmem>>, vector<1x16xf32>,
      %swap3A_634 = vector.shape_cast %swap3A_633 : vector<1x16xf32> to vector<16xf32>
      %swap3A_635 = vector.shape_cast %get3A_630 : vector<16xf32> to vector<1x16xf32>
      tpu.vector_store %arg8[%swap3A_631, %swap3A_632], %swap3A_635 {add = true, strides = array<i32>} : memref<200x128xf32, #tpu.memory_space<vmem>>, vector<1x16xf32>,
      %add3A_636 = arith.constant 0 : i32
      %add3A_637 = arith.addi %add3A_598, %add3A_636 : i32
      %add3A_638 = arith.constant 0 : i32
      %add3A_639 = arith.addi %add3A_598, %add3A_638 : i32
      %get3A_640 = arith.index_cast %add3A_639 : i32 to index
      %get3A_641 = arith.constant 48 : index
      %get3A_642 = tpu.vector_load %arg7[%get3A_640, %get3A_641] {strides = array<i32>} : memref<200x128xf32, #tpu.memory_space<vmem>>, vector<1x16xf32>,
      %get3A_643 = vector.shape_cast %get3A_642 : vector<1x16xf32> to vector<16xf32>
      %swap3A_644 = arith.index_cast %add3A_637 : i32 to index
      %swap3A_645 = arith.constant 48 : index
      %swap3A_646 = tpu.vector_load %arg8[%swap3A_644, %swap3A_645] {strides = array<i32>} : memref<200x128xf32, #tpu.memory_space<vmem>>, vector<1x16xf32>,
      %swap3A_647 = vector.shape_cast %swap3A_646 : vector<1x16xf32> to vector<16xf32>
      %swap3A_648 = vector.shape_cast %get3A_643 : vector<16xf32> to vector<1x16xf32>
      tpu.vector_store %arg8[%swap3A_644, %swap3A_645], %swap3A_648 {add = true, strides = array<i32>} : memref<200x128xf32, #tpu.memory_space<vmem>>, vector<1x16xf32>,
      %add3A_649 = arith.constant 0 : i32
      %add3A_650 = arith.addi %add3A_598, %add3A_649 : i32
      %add3A_651 = arith.constant 0 : i32
      %add3A_652 = arith.addi %add3A_598, %add3A_651 : i32
      %get3A_653 = arith.index_cast %add3A_652 : i32 to index
      %get3A_654 = arith.constant 64 : index
      %get3A_655 = tpu.vector_load %arg7[%get3A_653, %get3A_654] {strides = array<i32>} : memref<200x128xf32, #tpu.memory_space<vmem>>, vector<1x16xf32>,
      %get3A_656 = vector.shape_cast %get3A_655 : vector<1x16xf32> to vector<16xf32>
      %swap3A_657 = arith.index_cast %add3A_650 : i32 to index
      %swap3A_658 = arith.constant 64 : index
      %swap3A_659 = tpu.vector_load %arg8[%swap3A_657, %swap3A_658] {strides = array<i32>} : memref<200x128xf32, #tpu.memory_space<vmem>>, vector<1x16xf32>,
      %swap3A_660 = vector.shape_cast %swap3A_659 : vector<1x16xf32> to vector<16xf32>
      %swap3A_661 = vector.shape_cast %get3A_656 : vector<16xf32> to vector<1x16xf32>
      tpu.vector_store %arg8[%swap3A_657, %swap3A_658], %swap3A_661 {add = true, strides = array<i32>} : memref<200x128xf32, #tpu.memory_space<vmem>>, vector<1x16xf32>,
      %add3A_662 = arith.constant 0 : i32
      %add3A_663 = arith.addi %add3A_598, %add3A_662 : i32
      %add3A_664 = arith.constant 0 : i32
      %add3A_665 = arith.addi %add3A_598, %add3A_664 : i32
      %get3A_666 = arith.index_cast %add3A_665 : i32 to index
      %get3A_667 = arith.constant 80 : index
      %get3A_668 = tpu.vector_load %arg7[%get3A_666, %get3A_667] {strides = array<i32>} : memref<200x128xf32, #tpu.memory_space<vmem>>, vector<1x16xf32>,
      %get3A_669 = vector.shape_cast %get3A_668 : vector<1x16xf32> to vector<16xf32>
      %swap3A_670 = arith.index_cast %add3A_663 : i32 to index
      %swap3A_671 = arith.constant 80 : index
      %swap3A_672 = tpu.vector_load %arg8[%swap3A_670, %swap3A_671] {strides = array<i32>} : memref<200x128xf32, #tpu.memory_space<vmem>>, vector<1x16xf32>,
      %swap3A_673 = vector.shape_cast %swap3A_672 : vector<1x16xf32> to vector<16xf32>
      %swap3A_674 = vector.shape_cast %get3A_669 : vector<16xf32> to vector<1x16xf32>
      tpu.vector_store %arg8[%swap3A_670, %swap3A_671], %swap3A_674 {add = true, strides = array<i32>} : memref<200x128xf32, #tpu.memory_space<vmem>>, vector<1x16xf32>,
      %add3A_675 = arith.constant 0 : i32
      %add3A_676 = arith.addi %add3A_598, %add3A_675 : i32
      %add3A_677 = arith.constant 0 : i32
      %add3A_678 = arith.addi %add3A_598, %add3A_677 : i32
      %get3A_679 = arith.index_cast %add3A_678 : i32 to index
      %get3A_680 = arith.constant 96 : index
      %get3A_681 = tpu.vector_load %arg7[%get3A_679, %get3A_680] {strides = array<i32>} : memref<200x128xf32, #tpu.memory_space<vmem>>, vector<1x16xf32>,
      %get3A_682 = vector.shape_cast %get3A_681 : vector<1x16xf32> to vector<16xf32>
      %swap3A_683 = arith.index_cast %add3A_676 : i32 to index
      %swap3A_684 = arith.constant 96 : index
      %swap3A_685 = tpu.vector_load %arg8[%swap3A_683, %swap3A_684] {strides = array<i32>} : memref<200x128xf32, #tpu.memory_space<vmem>>, vector<1x16xf32>,
      %swap3A_686 = vector.shape_cast %swap3A_685 : vector<1x16xf32> to vector<16xf32>
      %swap3A_687 = vector.shape_cast %get3A_682 : vector<16xf32> to vector<1x16xf32>
      tpu.vector_store %arg8[%swap3A_683, %swap3A_684], %swap3A_687 {add = true, strides = array<i32>} : memref<200x128xf32, #tpu.memory_space<vmem>>, vector<1x16xf32>,
      %add3A_688 = arith.constant 0 : i32
      %add3A_689 = arith.addi %add3A_598, %add3A_688 : i32
      %add3A_690 = arith.constant 0 : i32
      %add3A_691 = arith.addi %add3A_598, %add3A_690 : i32
      %get3A_692 = arith.index_cast %add3A_691 : i32 to index
      %get3A_693 = arith.constant 112 : index
      %get3A_694 = tpu.vector_load %arg7[%get3A_692, %get3A_693] {strides = array<i32>} : memref<200x128xf32, #tpu.memory_space<vmem>>, vector<1x16xf32>,
      %get3A_695 = vector.shape_cast %get3A_694 : vector<1x16xf32> to vector<16xf32>
      %swap3A_696 = arith.index_cast %add3A_689 : i32 to index
      %swap3A_697 = arith.constant 112 : index
      %swap3A_698 = tpu.vector_load %arg8[%swap3A_696, %swap3A_697] {strides = array<i32>} : memref<200x128xf32, #tpu.memory_space<vmem>>, vector<1x16xf32>,
      %swap3A_699 = vector.shape_cast %swap3A_698 : vector<1x16xf32> to vector<16xf32>
      %swap3A_700 = vector.shape_cast %get3A_695 : vector<16xf32> to vector<1x16xf32>
      tpu.vector_store %arg8[%swap3A_696, %swap3A_697], %swap3A_700 {add = true, strides = array<i32>} : memref<200x128xf32, #tpu.memory_space<vmem>>, vector<1x16xf32>,
      %add3A_701 = arith.constant 1 : i32
      %add3A_702 = arith.addi %add3A_598, %add3A_701 : i32
      %add3A_703 = arith.constant 1 : i32
      %add3A_704 = arith.addi %add3A_598, %add3A_703 : i32
      %get3A_705 = arith.index_cast %add3A_704 : i32 to index
      %get3A_706 = arith.constant 0 : index
      %get3A_707 = tpu.vector_load %arg7[%get3A_705, %get3A_706] {strides = array<i32>} : memref<200x128xf32, #tpu.memory_space<vmem>>, vector<1x16xf32>,
      %get3A_708 = vector.shape_cast %get3A_707 : vector<1x16xf32> to vector<16xf32>
      %swap3A_709 = arith.index_cast %add3A_702 : i32 to index
      %swap3A_710 = arith.constant 0 : index
      %swap3A_711 = tpu.vector_load %arg8[%swap3A_709, %swap3A_710] {strides = array<i32>} : memref<200x128xf32, #tpu.memory_space<vmem>>, vector<1x16xf32>,
      %swap3A_712 = vector.shape_cast %swap3A_711 : vector<1x16xf32> to vector<16xf32>
      %swap3A_713 = vector.shape_cast %get3A_708 : vector<16xf32> to vector<1x16xf32>
      tpu.vector_store %arg8[%swap3A_709, %swap3A_710], %swap3A_713 {add = true, strides = array<i32>} : memref<200x128xf32, #tpu.memory_space<vmem>>, vector<1x16xf32>,
      %add3A_714 = arith.constant 1 : i32
      %add3A_715 = arith.addi %add3A_598, %add3A_714 : i32
      %add3A_716 = arith.constant 1 : i32
      %add3A_717 = arith.addi %add3A_598, %add3A_716 : i32
      %get3A_718 = arith.index_cast %add3A_717 : i32 to index
      %get3A_719 = arith.constant 16 : index
      %get3A_720 = tpu.vector_load %arg7[%get3A_718, %get3A_719] {strides = array<i32>} : memref<200x128xf32, #tpu.memory_space<vmem>>, vector<1x16xf32>,
      %get3A_721 = vector.shape_cast %get3A_720 : vector<1x16xf32> to vector<16xf32>
      %swap3A_722 = arith.index_cast %add3A_715 : i32 to index
      %swap3A_723 = arith.constant 16 : index
      %swap3A_724 = tpu.vector_load %arg8[%swap3A_722, %swap3A_723] {strides = array<i32>} : memref<200x128xf32, #tpu.memory_space<vmem>>, vector<1x16xf32>,
      %swap3A_725 = vector.shape_cast %swap3A_724 : vector<1x16xf32> to vector<16xf32>
      %swap3A_726 = vector.shape_cast %get3A_721 : vector<16xf32> to vector<1x16xf32>
      tpu.vector_store %arg8[%swap3A_722, %swap3A_723], %swap3A_726 {add = true, strides = array<i32>} : memref<200x128xf32, #tpu.memory_space<vmem>>, vector<1x16xf32>,
      %add3A_727 = arith.constant 1 : i32
      %add3A_728 = arith.addi %add3A_598, %add3A_727 : i32
      %add3A_729 = arith.constant 1 : i32
      %add3A_730 = arith.addi %add3A_598, %add3A_729 : i32
      %get3A_731 = arith.index_cast %add3A_730 : i32 to index
      %get3A_732 = arith.constant 32 : index
      %get3A_733 = tpu.vector_load %arg7[%get3A_731, %get3A_732] {strides = array<i32>} : memref<200x128xf32, #tpu.memory_space<vmem>>, vector<1x16xf32>,
      %get3A_734 = vector.shape_cast %get3A_733 : vector<1x16xf32> to vector<16xf32>
      %swap3A_735 = arith.index_cast %add3A_728 : i32 to index
      %swap3A_736 = arith.constant 32 : index
      %swap3A_737 = tpu.vector_load %arg8[%swap3A_735, %swap3A_736] {strides = array<i32>} : memref<200x128xf32, #tpu.memory_space<vmem>>, vector<1x16xf32>,
      %swap3A_738 = vector.shape_cast %swap3A_737 : vector<1x16xf32> to vector<16xf32>
      %swap3A_739 = vector.shape_cast %get3A_734 : vector<16xf32> to vector<1x16xf32>
      tpu.vector_store %arg8[%swap3A_735, %swap3A_736], %swap3A_739 {add = true, strides = array<i32>} : memref<200x128xf32, #tpu.memory_space<vmem>>, vector<1x16xf32>,
      %add3A_740 = arith.constant 1 : i32
      %add3A_741 = arith.addi %add3A_598, %add3A_740 : i32
      %add3A_742 = arith.constant 1 : i32
      %add3A_743 = arith.addi %add3A_598, %add3A_742 : i32
      %get3A_744 = arith.index_cast %add3A_743 : i32 to index
      %get3A_745 = arith.constant 48 : index
      %get3A_746 = tpu.vector_load %arg7[%get3A_744, %get3A_745] {strides = array<i32>} : memref<200x128xf32, #tpu.memory_space<vmem>>, vector<1x16xf32>,
      %get3A_747 = vector.shape_cast %get3A_746 : vector<1x16xf32> to vector<16xf32>
      %swap3A_748 = arith.index_cast %add3A_741 : i32 to index
      %swap3A_749 = arith.constant 48 : index
      %swap3A_750 = tpu.vector_load %arg8[%swap3A_748, %swap3A_749] {strides = array<i32>} : memref<200x128xf32, #tpu.memory_space<vmem>>, vector<1x16xf32>,
      %swap3A_751 = vector.shape_cast %swap3A_750 : vector<1x16xf32> to vector<16xf32>
      %swap3A_752 = vector.shape_cast %get3A_747 : vector<16xf32> to vector<1x16xf32>
      tpu.vector_store %arg8[%swap3A_748, %swap3A_749], %swap3A_752 {add = true, strides = array<i32>} : memref<200x128xf32, #tpu.memory_space<vmem>>, vector<1x16xf32>,
      %add3A_753 = arith.constant 1 : i32
      %add3A_754 = arith.addi %add3A_598, %add3A_753 : i32
      %add3A_755 = arith.constant 1 : i32
      %add3A_756 = arith.addi %add3A_598, %add3A_755 : i32
      %get3A_757 = arith.index_cast %add3A_756 : i32 to index
      %get3A_758 = arith.constant 64 : index
      %get3A_759 = tpu.vector_load %arg7[%get3A_757, %get3A_758] {strides = array<i32>} : memref<200x128xf32, #tpu.memory_space<vmem>>, vector<1x16xf32>,
      %get3A_760 = vector.shape_cast %get3A_759 : vector<1x16xf32> to vector<16xf32>
      %swap3A_761 = arith.index_cast %add3A_754 : i32 to index
      %swap3A_762 = arith.constant 64 : index
      %swap3A_763 = tpu.vector_load %arg8[%swap3A_761, %swap3A_762] {strides = array<i32>} : memref<200x128xf32, #tpu.memory_space<vmem>>, vector<1x16xf32>,
      %swap3A_764 = vector.shape_cast %swap3A_763 : vector<1x16xf32> to vector<16xf32>
      %swap3A_765 = vector.shape_cast %get3A_760 : vector<16xf32> to vector<1x16xf32>
      tpu.vector_store %arg8[%swap3A_761, %swap3A_762], %swap3A_765 {add = true, strides = array<i32>} : memref<200x128xf32, #tpu.memory_space<vmem>>, vector<1x16xf32>,
      %add3A_766 = arith.constant 1 : i32
      %add3A_767 = arith.addi %add3A_598, %add3A_766 : i32
      %add3A_768 = arith.constant 1 : i32
      %add3A_769 = arith.addi %add3A_598, %add3A_768 : i32
      %get3A_770 = arith.index_cast %add3A_769 : i32 to index
      %get3A_771 = arith.constant 80 : index
      %get3A_772 = tpu.vector_load %arg7[%get3A_770, %get3A_771] {strides = array<i32>} : memref<200x128xf32, #tpu.memory_space<vmem>>, vector<1x16xf32>,
      %get3A_773 = vector.shape_cast %get3A_772 : vector<1x16xf32> to vector<16xf32>
      %swap3A_774 = arith.index_cast %add3A_767 : i32 to index
      %swap3A_775 = arith.constant 80 : index
      %swap3A_776 = tpu.vector_load %arg8[%swap3A_774, %swap3A_775] {strides = array<i32>} : memref<200x128xf32, #tpu.memory_space<vmem>>, vector<1x16xf32>,
      %swap3A_777 = vector.shape_cast %swap3A_776 : vector<1x16xf32> to vector<16xf32>
      %swap3A_778 = vector.shape_cast %get3A_773 : vector<16xf32> to vector<1x16xf32>
      tpu.vector_store %arg8[%swap3A_774, %swap3A_775], %swap3A_778 {add = true, strides = array<i32>} : memref<200x128xf32, #tpu.memory_space<vmem>>, vector<1x16xf32>,
      %add3A_779 = arith.constant 1 : i32
      %add3A_780 = arith.addi %add3A_598, %add3A_779 : i32
      %add3A_781 = arith.constant 1 : i32
      %add3A_782 = arith.addi %add3A_598, %add3A_781 : i32
      %get3A_783 = arith.index_cast %add3A_782 : i32 to index
      %get3A_784 = arith.constant 96 : index
      %get3A_785 = tpu.vector_load %arg7[%get3A_783, %get3A_784] {strides = array<i32>} : memref<200x128xf32, #tpu.memory_space<vmem>>, vector<1x16xf32>,
      %get3A_786 = vector.shape_cast %get3A_785 : vector<1x16xf32> to vector<16xf32>
      %swap3A_787 = arith.index_cast %add3A_780 : i32 to index
      %swap3A_788 = arith.constant 96 : index
      %swap3A_789 = tpu.vector_load %arg8[%swap3A_787, %swap3A_788] {strides = array<i32>} : memref<200x128xf32, #tpu.memory_space<vmem>>, vector<1x16xf32>,
      %swap3A_790 = vector.shape_cast %swap3A_789 : vector<1x16xf32> to vector<16xf32>
      %swap3A_791 = vector.shape_cast %get3A_786 : vector<16xf32> to vector<1x16xf32>
      tpu.vector_store %arg8[%swap3A_787, %swap3A_788], %swap3A_791 {add = true, strides = array<i32>} : memref<200x128xf32, #tpu.memory_space<vmem>>, vector<1x16xf32>,
      %add3A_792 = arith.constant 1 : i32
      %add3A_793 = arith.addi %add3A_598, %add3A_792 : i32
      %add3A_794 = arith.constant 1 : i32
      %add3A_795 = arith.addi %add3A_598, %add3A_794 : i32
      %get3A_796 = arith.index_cast %add3A_795 : i32 to index
      %get3A_797 = arith.constant 112 : index
      %get3A_798 = tpu.vector_load %arg7[%get3A_796, %get3A_797] {strides = array<i32>} : memref<200x128xf32, #tpu.memory_space<vmem>>, vector<1x16xf32>,
      %get3A_799 = vector.shape_cast %get3A_798 : vector<1x16xf32> to vector<16xf32>
      %swap3A_800 = arith.index_cast %add3A_793 : i32 to index
      %swap3A_801 = arith.constant 112 : index
      %swap3A_802 = tpu.vector_load %arg8[%swap3A_800, %swap3A_801] {strides = array<i32>} : memref<200x128xf32, #tpu.memory_space<vmem>>, vector<1x16xf32>,
      %swap3A_803 = vector.shape_cast %swap3A_802 : vector<1x16xf32> to vector<16xf32>
      %swap3A_804 = vector.shape_cast %get3A_799 : vector<16xf32> to vector<1x16xf32>
      tpu.vector_store %arg8[%swap3A_800, %swap3A_801], %swap3A_804 {add = true, strides = array<i32>} : memref<200x128xf32, #tpu.memory_space<vmem>>, vector<1x16xf32>,
      %scan3A_805 = arith.constant 0 : i32
      scf.yield %scan3A_805 : i32
    }
    %scan3A_339 = arith.constant 48 : i32
    %add3A_340 = arith.constant 5800 : i32
    %add3A_341 = arith.addi %mul3A_2, %add3A_340 : i32
    %dma_wait3A_342 = arith.constant 0 : i32
    %dma_wait3A_343 = tpu.memref_slice %arg5[%add3A_341, %dma_wait3A_342] : memref<204800x128xf32, #tpu.memory_space<hbm>> -> memref<96x128xf32, #tpu.memory_space<hbm>>
    %dma_wait3A_344 = arith.constant 0 : i32
    %dma_wait3A_345 = arith.constant 0 : i32
    %dma_wait3A_346 = tpu.memref_slice %arg10[%arg1, %dma_wait3A_344, %dma_wait3A_345] : memref<16x96x128xf32, #tpu.memory_space<vmem_shared>> -> memref<1x96x128xf32, #tpu.memory_space<vmem_shared>>
    %dma_wait3A_347 = tpu.memref_squeeze %dma_wait3A_346 : memref<1x96x128xf32, #tpu.memory_space<vmem_shared>> -> memref<96x128xf32, #tpu.memory_space<vmem_shared>>
    tpu.wait_dma2 semaphore(%arg18 : memref<!tpu.dma_semaphore, #tpu.memory_space<semaphore_mem>>) src(%dma_wait3A_347 : memref<96x128xf32, #tpu.memory_space<vmem_shared>>) dst(%dma_wait3A_343 : memref<96x128xf32, #tpu.memory_space<hbm>>)
    %dma_start3A_348 = arith.constant 0 : i32
    %dma_start3A_349 = arith.constant 0 : i32
    %dma_start3A_350 = tpu.memref_slice %arg8[%dma_start3A_348, %dma_start3A_349] : memref<200x128xf32, #tpu.memory_space<vmem>> -> memref<96x128xf32, #tpu.memory_space<vmem>>
    %dma_start3A_351 = arith.constant 0 : i32
    %dma_start3A_352 = arith.constant 0 : i32
    %dma_start3A_353 = tpu.memref_slice %arg10[%arg1, %dma_start3A_351, %dma_start3A_352] : memref<16x96x128xf32, #tpu.memory_space<vmem_shared>> -> memref<1x96x128xf32, #tpu.memory_space<vmem_shared>>
    %dma_start3A_354 = tpu.memref_squeeze %dma_start3A_353 : memref<1x96x128xf32, #tpu.memory_space<vmem_shared>> -> memref<96x128xf32, #tpu.memory_space<vmem_shared>>
    %dma_start3A_355 = arith.constant 0 : i32
    %dma_start3A_356 = arith.constant 0 : i32
    %dma_start3A_357 = tpu.memref_slice %arg10[%arg1, %dma_start3A_355, %dma_start3A_356] : memref<16x96x128xf32, #tpu.memory_space<vmem_shared>> -> memref<1x96x128xf32, #tpu.memory_space<vmem_shared>>
    %dma_start3A_358 = tpu.memref_squeeze %dma_start3A_357 : memref<1x96x128xf32, #tpu.memory_space<vmem_shared>> -> memref<96x128xf32, #tpu.memory_space<vmem_shared>>
    %dma_start3A_359 = arith.constant 0 : i32
    %dma_start3A_360 = arith.constant 0 : i32
    %dma_start3A_361 = tpu.memref_slice %arg8[%dma_start3A_359, %dma_start3A_360] : memref<200x128xf32, #tpu.memory_space<vmem>> -> memref<96x128xf32, #tpu.memory_space<vmem>>
    tpu.enqueue_dma source(%dma_start3A_361 : memref<96x128xf32, #tpu.memory_space<vmem>>) target(%dma_start3A_358 : memref<96x128xf32, #tpu.memory_space<vmem_shared>>) target_semaphore(%arg16 : memref<!tpu.dma_semaphore, #tpu.memory_space<semaphore_mem>>)
    %dma_wait3A_362 = arith.constant 61 : i32
    %dma_wait3A_363 = arith.constant 100 : i32
    %dma_wait3A_364 = arith.constant 0 : i32
    %dma_wait3A_365 = tpu.memref_slice %arg8[%dma_wait3A_363, %dma_wait3A_364] : memref<200x128xf32, #tpu.memory_space<vmem>> -> memref<100x128xf32, #tpu.memory_space<vmem>>
    %dma_wait3A_366 = arith.constant 0 : i32
    %dma_wait3A_367 = tpu.memref_slice %arg6[%dma_wait3A_362, %dma_wait3A_366] : memref<64x100xi32, #tpu.memory_space<vmem>> -> memref<1x100xi32, #tpu.memory_space<vmem>>
    %dma_wait3A_368 = tpu.memref_squeeze %dma_wait3A_367 : memref<1x100xi32, #tpu.memory_space<vmem>> -> memref<100xi32, #tpu.memory_space<vmem>>
    %dma_wait3A_369 = arith.constant 0 : i32
    %dma_wait3A_370 = arith.constant 0 : i32
    %dma_wait3A_371 = tpu.memref_slice %arg2[%dma_wait3A_369, %dma_wait3A_370] : memref<100000x128xf32, #tpu.memory_space<hbm>> -> memref<100000x128xf32, #tpu.memory_space<hbm>>
    tpu.wait_indirect_dma semaphore(%arg13 : memref<!tpu.dma_semaphore, #tpu.memory_space<semaphore_mem>>) src(%dma_wait3A_371 : memref<100000x128xf32, #tpu.memory_space<hbm>>) dst(%dma_wait3A_365 : memref<100x128xf32, #tpu.memory_space<vmem>>)
    %scan3A_372 = arith.constant 0 : i32
    %scan3A_373 = arith.constant 0 : i32
    %scan3A_374 = arith.constant 52 : i32
    %scan3A_375 = arith.addi %scan3A_373, %scan3A_374 : i32
    %scan3A_376 = arith.constant 1 : i32
    %scan3A_377 = scf.for %scan3A_593 = %scan3A_373 to %scan3A_375 step %scan3A_376 iter_args(%scan3A_594 = %scan3A_372) -> (i32)  : i32 {
      %mul3A_595 = arith.constant 2 : i32
      %mul3A_596 = arith.muli %mul3A_595, %scan3A_593 : i32
      %add3A_597 = arith.constant 96 : i32
      %add3A_598 = arith.addi %add3A_597, %mul3A_596 : i32
      %add3A_599 = arith.constant 0 : i32
      %add3A_600 = arith.addi %add3A_598, %add3A_599 : i32
      %add3A_601 = arith.constant 0 : i32
      %add3A_602 = arith.addi %add3A_598, %add3A_601 : i32
      %get3A = arith.index_cast %add3A_602 : i32 to index
      %get3A_603 = arith.constant 0 : index
      %get3A_604 = tpu.vector_load %arg7[%get3A, %get3A_603] {strides = array<i32>} : memref<200x128xf32, #tpu.memory_space<vmem>>, vector<1x16xf32>,
      %get3A_605 = vector.shape_cast %get3A_604 : vector<1x16xf32> to vector<16xf32>
      %swap3A = arith.index_cast %add3A_600 : i32 to index
      %swap3A_606 = arith.constant 0 : index
      %swap3A_607 = tpu.vector_load %arg8[%swap3A, %swap3A_606] {strides = array<i32>} : memref<200x128xf32, #tpu.memory_space<vmem>>, vector<1x16xf32>,
      %swap3A_608 = vector.shape_cast %swap3A_607 : vector<1x16xf32> to vector<16xf32>
      %swap3A_609 = vector.shape_cast %get3A_605 : vector<16xf32> to vector<1x16xf32>
      tpu.vector_store %arg8[%swap3A, %swap3A_606], %swap3A_609 {add = true, strides = array<i32>} : memref<200x128xf32, #tpu.memory_space<vmem>>, vector<1x16xf32>,
      %add3A_610 = arith.constant 0 : i32
      %add3A_611 = arith.addi %add3A_598, %add3A_610 : i32
      %add3A_612 = arith.constant 0 : i32
      %add3A_613 = arith.addi %add3A_598, %add3A_612 : i32
      %get3A_614 = arith.index_cast %add3A_613 : i32 to index
      %get3A_615 = arith.constant 16 : index
      %get3A_616 = tpu.vector_load %arg7[%get3A_614, %get3A_615] {strides = array<i32>} : memref<200x128xf32, #tpu.memory_space<vmem>>, vector<1x16xf32>,
      %get3A_617 = vector.shape_cast %get3A_616 : vector<1x16xf32> to vector<16xf32>
      %swap3A_618 = arith.index_cast %add3A_611 : i32 to index
      %swap3A_619 = arith.constant 16 : index
      %swap3A_620 = tpu.vector_load %arg8[%swap3A_618, %swap3A_619] {strides = array<i32>} : memref<200x128xf32, #tpu.memory_space<vmem>>, vector<1x16xf32>,
      %swap3A_621 = vector.shape_cast %swap3A_620 : vector<1x16xf32> to vector<16xf32>
      %swap3A_622 = vector.shape_cast %get3A_617 : vector<16xf32> to vector<1x16xf32>
      tpu.vector_store %arg8[%swap3A_618, %swap3A_619], %swap3A_622 {add = true, strides = array<i32>} : memref<200x128xf32, #tpu.memory_space<vmem>>, vector<1x16xf32>,
      %add3A_623 = arith.constant 0 : i32
      %add3A_624 = arith.addi %add3A_598, %add3A_623 : i32
      %add3A_625 = arith.constant 0 : i32
      %add3A_626 = arith.addi %add3A_598, %add3A_625 : i32
      %get3A_627 = arith.index_cast %add3A_626 : i32 to index
      %get3A_628 = arith.constant 32 : index
      %get3A_629 = tpu.vector_load %arg7[%get3A_627, %get3A_628] {strides = array<i32>} : memref<200x128xf32, #tpu.memory_space<vmem>>, vector<1x16xf32>,
      %get3A_630 = vector.shape_cast %get3A_629 : vector<1x16xf32> to vector<16xf32>
      %swap3A_631 = arith.index_cast %add3A_624 : i32 to index
      %swap3A_632 = arith.constant 32 : index
      %swap3A_633 = tpu.vector_load %arg8[%swap3A_631, %swap3A_632] {strides = array<i32>} : memref<200x128xf32, #tpu.memory_space<vmem>>, vector<1x16xf32>,
      %swap3A_634 = vector.shape_cast %swap3A_633 : vector<1x16xf32> to vector<16xf32>
      %swap3A_635 = vector.shape_cast %get3A_630 : vector<16xf32> to vector<1x16xf32>
      tpu.vector_store %arg8[%swap3A_631, %swap3A_632], %swap3A_635 {add = true, strides = array<i32>} : memref<200x128xf32, #tpu.memory_space<vmem>>, vector<1x16xf32>,
      %add3A_636 = arith.constant 0 : i32
      %add3A_637 = arith.addi %add3A_598, %add3A_636 : i32
      %add3A_638 = arith.constant 0 : i32
      %add3A_639 = arith.addi %add3A_598, %add3A_638 : i32
      %get3A_640 = arith.index_cast %add3A_639 : i32 to index
      %get3A_641 = arith.constant 48 : index
      %get3A_642 = tpu.vector_load %arg7[%get3A_640, %get3A_641] {strides = array<i32>} : memref<200x128xf32, #tpu.memory_space<vmem>>, vector<1x16xf32>,
      %get3A_643 = vector.shape_cast %get3A_642 : vector<1x16xf32> to vector<16xf32>
      %swap3A_644 = arith.index_cast %add3A_637 : i32 to index
      %swap3A_645 = arith.constant 48 : index
      %swap3A_646 = tpu.vector_load %arg8[%swap3A_644, %swap3A_645] {strides = array<i32>} : memref<200x128xf32, #tpu.memory_space<vmem>>, vector<1x16xf32>,
      %swap3A_647 = vector.shape_cast %swap3A_646 : vector<1x16xf32> to vector<16xf32>
      %swap3A_648 = vector.shape_cast %get3A_643 : vector<16xf32> to vector<1x16xf32>
      tpu.vector_store %arg8[%swap3A_644, %swap3A_645], %swap3A_648 {add = true, strides = array<i32>} : memref<200x128xf32, #tpu.memory_space<vmem>>, vector<1x16xf32>,
      %add3A_649 = arith.constant 0 : i32
      %add3A_650 = arith.addi %add3A_598, %add3A_649 : i32
      %add3A_651 = arith.constant 0 : i32
      %add3A_652 = arith.addi %add3A_598, %add3A_651 : i32
      %get3A_653 = arith.index_cast %add3A_652 : i32 to index
      %get3A_654 = arith.constant 64 : index
      %get3A_655 = tpu.vector_load %arg7[%get3A_653, %get3A_654] {strides = array<i32>} : memref<200x128xf32, #tpu.memory_space<vmem>>, vector<1x16xf32>,
      %get3A_656 = vector.shape_cast %get3A_655 : vector<1x16xf32> to vector<16xf32>
      %swap3A_657 = arith.index_cast %add3A_650 : i32 to index
      %swap3A_658 = arith.constant 64 : index
      %swap3A_659 = tpu.vector_load %arg8[%swap3A_657, %swap3A_658] {strides = array<i32>} : memref<200x128xf32, #tpu.memory_space<vmem>>, vector<1x16xf32>,
      %swap3A_660 = vector.shape_cast %swap3A_659 : vector<1x16xf32> to vector<16xf32>
      %swap3A_661 = vector.shape_cast %get3A_656 : vector<16xf32> to vector<1x16xf32>
      tpu.vector_store %arg8[%swap3A_657, %swap3A_658], %swap3A_661 {add = true, strides = array<i32>} : memref<200x128xf32, #tpu.memory_space<vmem>>, vector<1x16xf32>,
      %add3A_662 = arith.constant 0 : i32
      %add3A_663 = arith.addi %add3A_598, %add3A_662 : i32
      %add3A_664 = arith.constant 0 : i32
      %add3A_665 = arith.addi %add3A_598, %add3A_664 : i32
      %get3A_666 = arith.index_cast %add3A_665 : i32 to index
      %get3A_667 = arith.constant 80 : index
      %get3A_668 = tpu.vector_load %arg7[%get3A_666, %get3A_667] {strides = array<i32>} : memref<200x128xf32, #tpu.memory_space<vmem>>, vector<1x16xf32>,
      %get3A_669 = vector.shape_cast %get3A_668 : vector<1x16xf32> to vector<16xf32>
      %swap3A_670 = arith.index_cast %add3A_663 : i32 to index
      %swap3A_671 = arith.constant 80 : index
      %swap3A_672 = tpu.vector_load %arg8[%swap3A_670, %swap3A_671] {strides = array<i32>} : memref<200x128xf32, #tpu.memory_space<vmem>>, vector<1x16xf32>,
      %swap3A_673 = vector.shape_cast %swap3A_672 : vector<1x16xf32> to vector<16xf32>
      %swap3A_674 = vector.shape_cast %get3A_669 : vector<16xf32> to vector<1x16xf32>
      tpu.vector_store %arg8[%swap3A_670, %swap3A_671], %swap3A_674 {add = true, strides = array<i32>} : memref<200x128xf32, #tpu.memory_space<vmem>>, vector<1x16xf32>,
      %add3A_675 = arith.constant 0 : i32
      %add3A_676 = arith.addi %add3A_598, %add3A_675 : i32
      %add3A_677 = arith.constant 0 : i32
      %add3A_678 = arith.addi %add3A_598, %add3A_677 : i32
      %get3A_679 = arith.index_cast %add3A_678 : i32 to index
      %get3A_680 = arith.constant 96 : index
      %get3A_681 = tpu.vector_load %arg7[%get3A_679, %get3A_680] {strides = array<i32>} : memref<200x128xf32, #tpu.memory_space<vmem>>, vector<1x16xf32>,
      %get3A_682 = vector.shape_cast %get3A_681 : vector<1x16xf32> to vector<16xf32>
      %swap3A_683 = arith.index_cast %add3A_676 : i32 to index
      %swap3A_684 = arith.constant 96 : index
      %swap3A_685 = tpu.vector_load %arg8[%swap3A_683, %swap3A_684] {strides = array<i32>} : memref<200x128xf32, #tpu.memory_space<vmem>>, vector<1x16xf32>,
      %swap3A_686 = vector.shape_cast %swap3A_685 : vector<1x16xf32> to vector<16xf32>
      %swap3A_687 = vector.shape_cast %get3A_682 : vector<16xf32> to vector<1x16xf32>
      tpu.vector_store %arg8[%swap3A_683, %swap3A_684], %swap3A_687 {add = true, strides = array<i32>} : memref<200x128xf32, #tpu.memory_space<vmem>>, vector<1x16xf32>,
      %add3A_688 = arith.constant 0 : i32
      %add3A_689 = arith.addi %add3A_598, %add3A_688 : i32
      %add3A_690 = arith.constant 0 : i32
      %add3A_691 = arith.addi %add3A_598, %add3A_690 : i32
      %get3A_692 = arith.index_cast %add3A_691 : i32 to index
      %get3A_693 = arith.constant 112 : index
      %get3A_694 = tpu.vector_load %arg7[%get3A_692, %get3A_693] {strides = array<i32>} : memref<200x128xf32, #tpu.memory_space<vmem>>, vector<1x16xf32>,
      %get3A_695 = vector.shape_cast %get3A_694 : vector<1x16xf32> to vector<16xf32>
      %swap3A_696 = arith.index_cast %add3A_689 : i32 to index
      %swap3A_697 = arith.constant 112 : index
      %swap3A_698 = tpu.vector_load %arg8[%swap3A_696, %swap3A_697] {strides = array<i32>} : memref<200x128xf32, #tpu.memory_space<vmem>>, vector<1x16xf32>,
      %swap3A_699 = vector.shape_cast %swap3A_698 : vector<1x16xf32> to vector<16xf32>
      %swap3A_700 = vector.shape_cast %get3A_695 : vector<16xf32> to vector<1x16xf32>
      tpu.vector_store %arg8[%swap3A_696, %swap3A_697], %swap3A_700 {add = true, strides = array<i32>} : memref<200x128xf32, #tpu.memory_space<vmem>>, vector<1x16xf32>,
      %add3A_701 = arith.constant 1 : i32
      %add3A_702 = arith.addi %add3A_598, %add3A_701 : i32
      %add3A_703 = arith.constant 1 : i32
      %add3A_704 = arith.addi %add3A_598, %add3A_703 : i32
      %get3A_705 = arith.index_cast %add3A_704 : i32 to index
      %get3A_706 = arith.constant 0 : index
      %get3A_707 = tpu.vector_load %arg7[%get3A_705, %get3A_706] {strides = array<i32>} : memref<200x128xf32, #tpu.memory_space<vmem>>, vector<1x16xf32>,
      %get3A_708 = vector.shape_cast %get3A_707 : vector<1x16xf32> to vector<16xf32>
      %swap3A_709 = arith.index_cast %add3A_702 : i32 to index
      %swap3A_710 = arith.constant 0 : index
      %swap3A_711 = tpu.vector_load %arg8[%swap3A_709, %swap3A_710] {strides = array<i32>} : memref<200x128xf32, #tpu.memory_space<vmem>>, vector<1x16xf32>,
      %swap3A_712 = vector.shape_cast %swap3A_711 : vector<1x16xf32> to vector<16xf32>
      %swap3A_713 = vector.shape_cast %get3A_708 : vector<16xf32> to vector<1x16xf32>
      tpu.vector_store %arg8[%swap3A_709, %swap3A_710], %swap3A_713 {add = true, strides = array<i32>} : memref<200x128xf32, #tpu.memory_space<vmem>>, vector<1x16xf32>,
      %add3A_714 = arith.constant 1 : i32
      %add3A_715 = arith.addi %add3A_598, %add3A_714 : i32
      %add3A_716 = arith.constant 1 : i32
      %add3A_717 = arith.addi %add3A_598, %add3A_716 : i32
      %get3A_718 = arith.index_cast %add3A_717 : i32 to index
      %get3A_719 = arith.constant 16 : index
      %get3A_720 = tpu.vector_load %arg7[%get3A_718, %get3A_719] {strides = array<i32>} : memref<200x128xf32, #tpu.memory_space<vmem>>, vector<1x16xf32>,
      %get3A_721 = vector.shape_cast %get3A_720 : vector<1x16xf32> to vector<16xf32>
      %swap3A_722 = arith.index_cast %add3A_715 : i32 to index
      %swap3A_723 = arith.constant 16 : index
      %swap3A_724 = tpu.vector_load %arg8[%swap3A_722, %swap3A_723] {strides = array<i32>} : memref<200x128xf32, #tpu.memory_space<vmem>>, vector<1x16xf32>,
      %swap3A_725 = vector.shape_cast %swap3A_724 : vector<1x16xf32> to vector<16xf32>
      %swap3A_726 = vector.shape_cast %get3A_721 : vector<16xf32> to vector<1x16xf32>
      tpu.vector_store %arg8[%swap3A_722, %swap3A_723], %swap3A_726 {add = true, strides = array<i32>} : memref<200x128xf32, #tpu.memory_space<vmem>>, vector<1x16xf32>,
      %add3A_727 = arith.constant 1 : i32
      %add3A_728 = arith.addi %add3A_598, %add3A_727 : i32
      %add3A_729 = arith.constant 1 : i32
      %add3A_730 = arith.addi %add3A_598, %add3A_729 : i32
      %get3A_731 = arith.index_cast %add3A_730 : i32 to index
      %get3A_732 = arith.constant 32 : index
      %get3A_733 = tpu.vector_load %arg7[%get3A_731, %get3A_732] {strides = array<i32>} : memref<200x128xf32, #tpu.memory_space<vmem>>, vector<1x16xf32>,
      %get3A_734 = vector.shape_cast %get3A_733 : vector<1x16xf32> to vector<16xf32>
      %swap3A_735 = arith.index_cast %add3A_728 : i32 to index
      %swap3A_736 = arith.constant 32 : index
      %swap3A_737 = tpu.vector_load %arg8[%swap3A_735, %swap3A_736] {strides = array<i32>} : memref<200x128xf32, #tpu.memory_space<vmem>>, vector<1x16xf32>,
      %swap3A_738 = vector.shape_cast %swap3A_737 : vector<1x16xf32> to vector<16xf32>
      %swap3A_739 = vector.shape_cast %get3A_734 : vector<16xf32> to vector<1x16xf32>
      tpu.vector_store %arg8[%swap3A_735, %swap3A_736], %swap3A_739 {add = true, strides = array<i32>} : memref<200x128xf32, #tpu.memory_space<vmem>>, vector<1x16xf32>,
      %add3A_740 = arith.constant 1 : i32
      %add3A_741 = arith.addi %add3A_598, %add3A_740 : i32
      %add3A_742 = arith.constant 1 : i32
      %add3A_743 = arith.addi %add3A_598, %add3A_742 : i32
      %get3A_744 = arith.index_cast %add3A_743 : i32 to index
      %get3A_745 = arith.constant 48 : index
      %get3A_746 = tpu.vector_load %arg7[%get3A_744, %get3A_745] {strides = array<i32>} : memref<200x128xf32, #tpu.memory_space<vmem>>, vector<1x16xf32>,
      %get3A_747 = vector.shape_cast %get3A_746 : vector<1x16xf32> to vector<16xf32>
      %swap3A_748 = arith.index_cast %add3A_741 : i32 to index
      %swap3A_749 = arith.constant 48 : index
      %swap3A_750 = tpu.vector_load %arg8[%swap3A_748, %swap3A_749] {strides = array<i32>} : memref<200x128xf32, #tpu.memory_space<vmem>>, vector<1x16xf32>,
      %swap3A_751 = vector.shape_cast %swap3A_750 : vector<1x16xf32> to vector<16xf32>
      %swap3A_752 = vector.shape_cast %get3A_747 : vector<16xf32> to vector<1x16xf32>
      tpu.vector_store %arg8[%swap3A_748, %swap3A_749], %swap3A_752 {add = true, strides = array<i32>} : memref<200x128xf32, #tpu.memory_space<vmem>>, vector<1x16xf32>,
      %add3A_753 = arith.constant 1 : i32
      %add3A_754 = arith.addi %add3A_598, %add3A_753 : i32
      %add3A_755 = arith.constant 1 : i32
      %add3A_756 = arith.addi %add3A_598, %add3A_755 : i32
      %get3A_757 = arith.index_cast %add3A_756 : i32 to index
      %get3A_758 = arith.constant 64 : index
      %get3A_759 = tpu.vector_load %arg7[%get3A_757, %get3A_758] {strides = array<i32>} : memref<200x128xf32, #tpu.memory_space<vmem>>, vector<1x16xf32>,
      %get3A_760 = vector.shape_cast %get3A_759 : vector<1x16xf32> to vector<16xf32>
      %swap3A_761 = arith.index_cast %add3A_754 : i32 to index
      %swap3A_762 = arith.constant 64 : index
      %swap3A_763 = tpu.vector_load %arg8[%swap3A_761, %swap3A_762] {strides = array<i32>} : memref<200x128xf32, #tpu.memory_space<vmem>>, vector<1x16xf32>,
      %swap3A_764 = vector.shape_cast %swap3A_763 : vector<1x16xf32> to vector<16xf32>
      %swap3A_765 = vector.shape_cast %get3A_760 : vector<16xf32> to vector<1x16xf32>
      tpu.vector_store %arg8[%swap3A_761, %swap3A_762], %swap3A_765 {add = true, strides = array<i32>} : memref<200x128xf32, #tpu.memory_space<vmem>>, vector<1x16xf32>,
      %add3A_766 = arith.constant 1 : i32
      %add3A_767 = arith.addi %add3A_598, %add3A_766 : i32
      %add3A_768 = arith.constant 1 : i32
      %add3A_769 = arith.addi %add3A_598, %add3A_768 : i32
      %get3A_770 = arith.index_cast %add3A_769 : i32 to index
      %get3A_771 = arith.constant 80 : index
      %get3A_772 = tpu.vector_load %arg7[%get3A_770, %get3A_771] {strides = array<i32>} : memref<200x128xf32, #tpu.memory_space<vmem>>, vector<1x16xf32>,
      %get3A_773 = vector.shape_cast %get3A_772 : vector<1x16xf32> to vector<16xf32>
      %swap3A_774 = arith.index_cast %add3A_767 : i32 to index
      %swap3A_775 = arith.constant 80 : index
      %swap3A_776 = tpu.vector_load %arg8[%swap3A_774, %swap3A_775] {strides = array<i32>} : memref<200x128xf32, #tpu.memory_space<vmem>>, vector<1x16xf32>,
      %swap3A_777 = vector.shape_cast %swap3A_776 : vector<1x16xf32> to vector<16xf32>
      %swap3A_778 = vector.shape_cast %get3A_773 : vector<16xf32> to vector<1x16xf32>
      tpu.vector_store %arg8[%swap3A_774, %swap3A_775], %swap3A_778 {add = true, strides = array<i32>} : memref<200x128xf32, #tpu.memory_space<vmem>>, vector<1x16xf32>,
      %add3A_779 = arith.constant 1 : i32
      %add3A_780 = arith.addi %add3A_598, %add3A_779 : i32
      %add3A_781 = arith.constant 1 : i32
      %add3A_782 = arith.addi %add3A_598, %add3A_781 : i32
      %get3A_783 = arith.index_cast %add3A_782 : i32 to index
      %get3A_784 = arith.constant 96 : index
      %get3A_785 = tpu.vector_load %arg7[%get3A_783, %get3A_784] {strides = array<i32>} : memref<200x128xf32, #tpu.memory_space<vmem>>, vector<1x16xf32>,
      %get3A_786 = vector.shape_cast %get3A_785 : vector<1x16xf32> to vector<16xf32>
      %swap3A_787 = arith.index_cast %add3A_780 : i32 to index
      %swap3A_788 = arith.constant 96 : index
      %swap3A_789 = tpu.vector_load %arg8[%swap3A_787, %swap3A_788] {strides = array<i32>} : memref<200x128xf32, #tpu.memory_space<vmem>>, vector<1x16xf32>,
      %swap3A_790 = vector.shape_cast %swap3A_789 : vector<1x16xf32> to vector<16xf32>
      %swap3A_791 = vector.shape_cast %get3A_786 : vector<16xf32> to vector<1x16xf32>
      tpu.vector_store %arg8[%swap3A_787, %swap3A_788], %swap3A_791 {add = true, strides = array<i32>} : memref<200x128xf32, #tpu.memory_space<vmem>>, vector<1x16xf32>,
      %add3A_792 = arith.constant 1 : i32
      %add3A_793 = arith.addi %add3A_598, %add3A_792 : i32
      %add3A_794 = arith.constant 1 : i32
      %add3A_795 = arith.addi %add3A_598, %add3A_794 : i32
      %get3A_796 = arith.index_cast %add3A_795 : i32 to index
      %get3A_797 = arith.constant 112 : index
      %get3A_798 = tpu.vector_load %arg7[%get3A_796, %get3A_797] {strides = array<i32>} : memref<200x128xf32, #tpu.memory_space<vmem>>, vector<1x16xf32>,
      %get3A_799 = vector.shape_cast %get3A_798 : vector<1x16xf32> to vector<16xf32>
      %swap3A_800 = arith.index_cast %add3A_793 : i32 to index
      %swap3A_801 = arith.constant 112 : index
      %swap3A_802 = tpu.vector_load %arg8[%swap3A_800, %swap3A_801] {strides = array<i32>} : memref<200x128xf32, #tpu.memory_space<vmem>>, vector<1x16xf32>,
      %swap3A_803 = vector.shape_cast %swap3A_802 : vector<1x16xf32> to vector<16xf32>
      %swap3A_804 = vector.shape_cast %get3A_799 : vector<16xf32> to vector<1x16xf32>
      tpu.vector_store %arg8[%swap3A_800, %swap3A_801], %swap3A_804 {add = true, strides = array<i32>} : memref<200x128xf32, #tpu.memory_space<vmem>>, vector<1x16xf32>,
      %scan3A_805 = arith.constant 0 : i32
      scf.yield %scan3A_805 : i32
    }
    %scan3A_378 = arith.constant 52 : i32
    %add3A_379 = arith.constant 5800 : i32
    %add3A_380 = arith.addi %mul3A_2, %add3A_379 : i32
    %add3A_381 = arith.constant 96 : i32
    %add3A_382 = arith.addi %add3A_380, %add3A_381 : i32
    %dma_wait3A_383 = arith.constant 0 : i32
    %dma_wait3A_384 = tpu.memref_slice %arg5[%add3A_382, %dma_wait3A_383] : memref<204800x128xf32, #tpu.memory_space<hbm>> -> memref<104x128xf32, #tpu.memory_space<hbm>>
    %dma_wait3A_385 = arith.constant 0 : i32
    %dma_wait3A_386 = arith.constant 0 : i32
    %dma_wait3A_387 = tpu.memref_slice %arg11[%arg1, %dma_wait3A_385, %dma_wait3A_386] : memref<16x104x128xf32, #tpu.memory_space<vmem_shared>> -> memref<1x104x128xf32, #tpu.memory_space<vmem_shared>>
    %dma_wait3A_388 = tpu.memref_squeeze %dma_wait3A_387 : memref<1x104x128xf32, #tpu.memory_space<vmem_shared>> -> memref<104x128xf32, #tpu.memory_space<vmem_shared>>
    tpu.wait_dma2 semaphore(%arg19 : memref<!tpu.dma_semaphore, #tpu.memory_space<semaphore_mem>>) src(%dma_wait3A_388 : memref<104x128xf32, #tpu.memory_space<vmem_shared>>) dst(%dma_wait3A_384 : memref<104x128xf32, #tpu.memory_space<hbm>>)
    %dma_start3A_389 = arith.constant 96 : i32
    %dma_start3A_390 = arith.constant 0 : i32
    %dma_start3A_391 = tpu.memref_slice %arg8[%dma_start3A_389, %dma_start3A_390] : memref<200x128xf32, #tpu.memory_space<vmem>> -> memref<104x128xf32, #tpu.memory_space<vmem>>
    %dma_start3A_392 = arith.constant 0 : i32
    %dma_start3A_393 = arith.constant 0 : i32
    %dma_start3A_394 = tpu.memref_slice %arg11[%arg1, %dma_start3A_392, %dma_start3A_393] : memref<16x104x128xf32, #tpu.memory_space<vmem_shared>> -> memref<1x104x128xf32, #tpu.memory_space<vmem_shared>>
    %dma_start3A_395 = tpu.memref_squeeze %dma_start3A_394 : memref<1x104x128xf32, #tpu.memory_space<vmem_shared>> -> memref<104x128xf32, #tpu.memory_space<vmem_shared>>
    %dma_start3A_396 = arith.constant 0 : i32
    %dma_start3A_397 = arith.constant 0 : i32
    %dma_start3A_398 = tpu.memref_slice %arg11[%arg1, %dma_start3A_396, %dma_start3A_397] : memref<16x104x128xf32, #tpu.memory_space<vmem_shared>> -> memref<1x104x128xf32, #tpu.memory_space<vmem_shared>>
    %dma_start3A_399 = tpu.memref_squeeze %dma_start3A_398 : memref<1x104x128xf32, #tpu.memory_space<vmem_shared>> -> memref<104x128xf32, #tpu.memory_space<vmem_shared>>
    %dma_start3A_400 = arith.constant 96 : i32
    %dma_start3A_401 = arith.constant 0 : i32
    %dma_start3A_402 = tpu.memref_slice %arg8[%dma_start3A_400, %dma_start3A_401] : memref<200x128xf32, #tpu.memory_space<vmem>> -> memref<104x128xf32, #tpu.memory_space<vmem>>
    tpu.enqueue_dma source(%dma_start3A_402 : memref<104x128xf32, #tpu.memory_space<vmem>>) target(%dma_start3A_399 : memref<104x128xf32, #tpu.memory_space<vmem_shared>>) target_semaphore(%arg17 : memref<!tpu.dma_semaphore, #tpu.memory_space<semaphore_mem>>)
    %dma_wait3A_403 = arith.constant 0 : i32
    %dma_wait3A_404 = arith.constant 0 : i32
    %dma_wait3A_405 = tpu.memref_slice %arg8[%dma_wait3A_403, %dma_wait3A_404] : memref<200x128xf32, #tpu.memory_space<vmem>> -> memref<96x128xf32, #tpu.memory_space<vmem>>
    %dma_wait3A_406 = arith.constant 0 : i32
    %dma_wait3A_407 = arith.constant 0 : i32
    %dma_wait3A_408 = tpu.memref_slice %arg10[%arg1, %dma_wait3A_406, %dma_wait3A_407] : memref<16x96x128xf32, #tpu.memory_space<vmem_shared>> -> memref<1x96x128xf32, #tpu.memory_space<vmem_shared>>
    %dma_wait3A_409 = tpu.memref_squeeze %dma_wait3A_408 : memref<1x96x128xf32, #tpu.memory_space<vmem_shared>> -> memref<96x128xf32, #tpu.memory_space<vmem_shared>>
    %dma_wait3A_410 = arith.constant 0 : i32
    %dma_wait3A_411 = arith.constant 0 : i32
    %dma_wait3A_412 = tpu.memref_slice %arg10[%arg1, %dma_wait3A_410, %dma_wait3A_411] : memref<16x96x128xf32, #tpu.memory_space<vmem_shared>> -> memref<1x96x128xf32, #tpu.memory_space<vmem_shared>>
    %dma_wait3A_413 = tpu.memref_squeeze %dma_wait3A_412 : memref<1x96x128xf32, #tpu.memory_space<vmem_shared>> -> memref<96x128xf32, #tpu.memory_space<vmem_shared>>
    %dma_wait3A_414 = arith.constant 0 : i32
    %dma_wait3A_415 = arith.constant 0 : i32
    %dma_wait3A_416 = tpu.memref_slice %arg8[%dma_wait3A_414, %dma_wait3A_415] : memref<200x128xf32, #tpu.memory_space<vmem>> -> memref<96x128xf32, #tpu.memory_space<vmem>>
    tpu.wait_dma2 semaphore(%arg16 : memref<!tpu.dma_semaphore, #tpu.memory_space<semaphore_mem>>) src(%dma_wait3A_416 : memref<96x128xf32, #tpu.memory_space<vmem>>) dst(%dma_wait3A_413 : memref<96x128xf32, #tpu.memory_space<vmem_shared>>)
    %add3A_417 = arith.constant 6000 : i32
    %add3A_418 = arith.addi %mul3A_2, %add3A_417 : i32
    %dma_start3A_419 = arith.constant 0 : i32
    %dma_start3A_420 = tpu.memref_slice %arg5[%add3A_418, %dma_start3A_419] : memref<204800x128xf32, #tpu.memory_space<hbm>> -> memref<96x128xf32, #tpu.memory_space<hbm>>
    %dma_start3A_421 = arith.constant 0 : i32
    %dma_start3A_422 = arith.constant 0 : i32
    %dma_start3A_423 = tpu.memref_slice %arg10[%arg1, %dma_start3A_421, %dma_start3A_422] : memref<16x96x128xf32, #tpu.memory_space<vmem_shared>> -> memref<1x96x128xf32, #tpu.memory_space<vmem_shared>>
    %dma_start3A_424 = tpu.memref_squeeze %dma_start3A_423 : memref<1x96x128xf32, #tpu.memory_space<vmem_shared>> -> memref<96x128xf32, #tpu.memory_space<vmem_shared>>
    tpu.enqueue_dma source(%dma_start3A_424 : memref<96x128xf32, #tpu.memory_space<vmem_shared>>) target(%dma_start3A_420 : memref<96x128xf32, #tpu.memory_space<hbm>>) target_semaphore(%arg18 : memref<!tpu.dma_semaphore, #tpu.memory_space<semaphore_mem>>)
    %dma_wait3A_425 = arith.constant 96 : i32
    %dma_wait3A_426 = arith.constant 0 : i32
    %dma_wait3A_427 = tpu.memref_slice %arg8[%dma_wait3A_425, %dma_wait3A_426] : memref<200x128xf32, #tpu.memory_space<vmem>> -> memref<104x128xf32, #tpu.memory_space<vmem>>
    %dma_wait3A_428 = arith.constant 0 : i32
    %dma_wait3A_429 = arith.constant 0 : i32
    %dma_wait3A_430 = tpu.memref_slice %arg11[%arg1, %dma_wait3A_428, %dma_wait3A_429] : memref<16x104x128xf32, #tpu.memory_space<vmem_shared>> -> memref<1x104x128xf32, #tpu.memory_space<vmem_shared>>
    %dma_wait3A_431 = tpu.memref_squeeze %dma_wait3A_430 : memref<1x104x128xf32, #tpu.memory_space<vmem_shared>> -> memref<104x128xf32, #tpu.memory_space<vmem_shared>>
    %dma_wait3A_432 = arith.constant 0 : i32
    %dma_wait3A_433 = arith.constant 0 : i32
    %dma_wait3A_434 = tpu.memref_slice %arg11[%arg1, %dma_wait3A_432, %dma_wait3A_433] : memref<16x104x128xf32, #tpu.memory_space<vmem_shared>> -> memref<1x104x128xf32, #tpu.memory_space<vmem_shared>>
    %dma_wait3A_435 = tpu.memref_squeeze %dma_wait3A_434 : memref<1x104x128xf32, #tpu.memory_space<vmem_shared>> -> memref<104x128xf32, #tpu.memory_space<vmem_shared>>
    %dma_wait3A_436 = arith.constant 96 : i32
    %dma_wait3A_437 = arith.constant 0 : i32
    %dma_wait3A_438 = tpu.memref_slice %arg8[%dma_wait3A_436, %dma_wait3A_437] : memref<200x128xf32, #tpu.memory_space<vmem>> -> memref<104x128xf32, #tpu.memory_space<vmem>>
    tpu.wait_dma2 semaphore(%arg17 : memref<!tpu.dma_semaphore, #tpu.memory_space<semaphore_mem>>) src(%dma_wait3A_438 : memref<104x128xf32, #tpu.memory_space<vmem>>) dst(%dma_wait3A_435 : memref<104x128xf32, #tpu.memory_space<vmem_shared>>)
    %add3A_439 = arith.constant 6000 : i32
    %add3A_440 = arith.addi %mul3A_2, %add3A_439 : i32
    %add3A_441 = arith.constant 96 : i32
    %add3A_442 = arith.addi %add3A_440, %add3A_441 : i32
    %dma_start3A_443 = arith.constant 0 : i32
    %dma_start3A_444 = tpu.memref_slice %arg5[%add3A_442, %dma_start3A_443] : memref<204800x128xf32, #tpu.memory_space<hbm>> -> memref<104x128xf32, #tpu.memory_space<hbm>>
    %dma_start3A_445 = arith.constant 0 : i32
    %dma_start3A_446 = arith.constant 0 : i32
    %dma_start3A_447 = tpu.memref_slice %arg11[%arg1, %dma_start3A_445, %dma_start3A_446] : memref<16x104x128xf32, #tpu.memory_space<vmem_shared>> -> memref<1x104x128xf32, #tpu.memory_space<vmem_shared>>
    %dma_start3A_448 = tpu.memref_squeeze %dma_start3A_447 : memref<1x104x128xf32, #tpu.memory_space<vmem_shared>> -> memref<104x128xf32, #tpu.memory_space<vmem_shared>>
    tpu.enqueue_dma source(%dma_start3A_448 : memref<104x128xf32, #tpu.memory_space<vmem_shared>>) target(%dma_start3A_444 : memref<104x128xf32, #tpu.memory_space<hbm>>) target_semaphore(%arg19 : memref<!tpu.dma_semaphore, #tpu.memory_space<semaphore_mem>>)
    %dma_wait3A_449 = arith.constant 62 : i32
    %dma_wait3A_450 = arith.constant 0 : i32
    %dma_wait3A_451 = arith.constant 0 : i32
    %dma_wait3A_452 = tpu.memref_slice %arg9[%dma_wait3A_450, %dma_wait3A_451] : memref<200x128xf32, #tpu.memory_space<vmem>> -> memref<100x128xf32, #tpu.memory_space<vmem>>
    %dma_wait3A_453 = arith.constant 0 : i32
    %dma_wait3A_454 = tpu.memref_slice %arg6[%dma_wait3A_449, %dma_wait3A_453] : memref<64x100xi32, #tpu.memory_space<vmem>> -> memref<1x100xi32, #tpu.memory_space<vmem>>
    %dma_wait3A_455 = tpu.memref_squeeze %dma_wait3A_454 : memref<1x100xi32, #tpu.memory_space<vmem>> -> memref<100xi32, #tpu.memory_space<vmem>>
    %dma_wait3A_456 = arith.constant 0 : i32
    %dma_wait3A_457 = arith.constant 0 : i32
    %dma_wait3A_458 = tpu.memref_slice %arg2[%dma_wait3A_456, %dma_wait3A_457] : memref<100000x128xf32, #tpu.memory_space<hbm>> -> memref<100000x128xf32, #tpu.memory_space<hbm>>
    tpu.wait_indirect_dma semaphore(%arg14 : memref<!tpu.dma_semaphore, #tpu.memory_space<semaphore_mem>>) src(%dma_wait3A_458 : memref<100000x128xf32, #tpu.memory_space<hbm>>) dst(%dma_wait3A_452 : memref<100x128xf32, #tpu.memory_space<vmem>>)
    %scan3A_459 = arith.constant 0 : i32
    %scan3A_460 = arith.constant 0 : i32
    %scan3A_461 = arith.constant 48 : i32
    %scan3A_462 = arith.addi %scan3A_460, %scan3A_461 : i32
    %scan3A_463 = arith.constant 1 : i32
    %scan3A_464 = scf.for %scan3A_593 = %scan3A_460 to %scan3A_462 step %scan3A_463 iter_args(%scan3A_594 = %scan3A_459) -> (i32)  : i32 {
      %mul3A_595 = arith.constant 2 : i32
      %mul3A_596 = arith.muli %mul3A_595, %scan3A_593 : i32
      %add3A_597 = arith.constant 0 : i32
      %add3A_598 = arith.addi %add3A_597, %mul3A_596 : i32
      %add3A_599 = arith.constant 0 : i32
      %add3A_600 = arith.addi %add3A_598, %add3A_599 : i32
      %add3A_601 = arith.constant 0 : i32
      %add3A_602 = arith.addi %add3A_598, %add3A_601 : i32
      %get3A = arith.index_cast %add3A_602 : i32 to index
      %get3A_603 = arith.constant 0 : index
      %get3A_604 = tpu.vector_load %arg7[%get3A, %get3A_603] {strides = array<i32>} : memref<200x128xf32, #tpu.memory_space<vmem>>, vector<1x16xf32>,
      %get3A_605 = vector.shape_cast %get3A_604 : vector<1x16xf32> to vector<16xf32>
      %swap3A = arith.index_cast %add3A_600 : i32 to index
      %swap3A_606 = arith.constant 0 : index
      %swap3A_607 = tpu.vector_load %arg9[%swap3A, %swap3A_606] {strides = array<i32>} : memref<200x128xf32, #tpu.memory_space<vmem>>, vector<1x16xf32>,
      %swap3A_608 = vector.shape_cast %swap3A_607 : vector<1x16xf32> to vector<16xf32>
      %swap3A_609 = vector.shape_cast %get3A_605 : vector<16xf32> to vector<1x16xf32>
      tpu.vector_store %arg9[%swap3A, %swap3A_606], %swap3A_609 {add = true, strides = array<i32>} : memref<200x128xf32, #tpu.memory_space<vmem>>, vector<1x16xf32>,
      %add3A_610 = arith.constant 0 : i32
      %add3A_611 = arith.addi %add3A_598, %add3A_610 : i32
      %add3A_612 = arith.constant 0 : i32
      %add3A_613 = arith.addi %add3A_598, %add3A_612 : i32
      %get3A_614 = arith.index_cast %add3A_613 : i32 to index
      %get3A_615 = arith.constant 16 : index
      %get3A_616 = tpu.vector_load %arg7[%get3A_614, %get3A_615] {strides = array<i32>} : memref<200x128xf32, #tpu.memory_space<vmem>>, vector<1x16xf32>,
      %get3A_617 = vector.shape_cast %get3A_616 : vector<1x16xf32> to vector<16xf32>
      %swap3A_618 = arith.index_cast %add3A_611 : i32 to index
      %swap3A_619 = arith.constant 16 : index
      %swap3A_620 = tpu.vector_load %arg9[%swap3A_618, %swap3A_619] {strides = array<i32>} : memref<200x128xf32, #tpu.memory_space<vmem>>, vector<1x16xf32>,
      %swap3A_621 = vector.shape_cast %swap3A_620 : vector<1x16xf32> to vector<16xf32>
      %swap3A_622 = vector.shape_cast %get3A_617 : vector<16xf32> to vector<1x16xf32>
      tpu.vector_store %arg9[%swap3A_618, %swap3A_619], %swap3A_622 {add = true, strides = array<i32>} : memref<200x128xf32, #tpu.memory_space<vmem>>, vector<1x16xf32>,
      %add3A_623 = arith.constant 0 : i32
      %add3A_624 = arith.addi %add3A_598, %add3A_623 : i32
      %add3A_625 = arith.constant 0 : i32
      %add3A_626 = arith.addi %add3A_598, %add3A_625 : i32
      %get3A_627 = arith.index_cast %add3A_626 : i32 to index
      %get3A_628 = arith.constant 32 : index
      %get3A_629 = tpu.vector_load %arg7[%get3A_627, %get3A_628] {strides = array<i32>} : memref<200x128xf32, #tpu.memory_space<vmem>>, vector<1x16xf32>,
      %get3A_630 = vector.shape_cast %get3A_629 : vector<1x16xf32> to vector<16xf32>
      %swap3A_631 = arith.index_cast %add3A_624 : i32 to index
      %swap3A_632 = arith.constant 32 : index
      %swap3A_633 = tpu.vector_load %arg9[%swap3A_631, %swap3A_632] {strides = array<i32>} : memref<200x128xf32, #tpu.memory_space<vmem>>, vector<1x16xf32>,
      %swap3A_634 = vector.shape_cast %swap3A_633 : vector<1x16xf32> to vector<16xf32>
      %swap3A_635 = vector.shape_cast %get3A_630 : vector<16xf32> to vector<1x16xf32>
      tpu.vector_store %arg9[%swap3A_631, %swap3A_632], %swap3A_635 {add = true, strides = array<i32>} : memref<200x128xf32, #tpu.memory_space<vmem>>, vector<1x16xf32>,
      %add3A_636 = arith.constant 0 : i32
      %add3A_637 = arith.addi %add3A_598, %add3A_636 : i32
      %add3A_638 = arith.constant 0 : i32
      %add3A_639 = arith.addi %add3A_598, %add3A_638 : i32
      %get3A_640 = arith.index_cast %add3A_639 : i32 to index
      %get3A_641 = arith.constant 48 : index
      %get3A_642 = tpu.vector_load %arg7[%get3A_640, %get3A_641] {strides = array<i32>} : memref<200x128xf32, #tpu.memory_space<vmem>>, vector<1x16xf32>,
      %get3A_643 = vector.shape_cast %get3A_642 : vector<1x16xf32> to vector<16xf32>
      %swap3A_644 = arith.index_cast %add3A_637 : i32 to index
      %swap3A_645 = arith.constant 48 : index
      %swap3A_646 = tpu.vector_load %arg9[%swap3A_644, %swap3A_645] {strides = array<i32>} : memref<200x128xf32, #tpu.memory_space<vmem>>, vector<1x16xf32>,
      %swap3A_647 = vector.shape_cast %swap3A_646 : vector<1x16xf32> to vector<16xf32>
      %swap3A_648 = vector.shape_cast %get3A_643 : vector<16xf32> to vector<1x16xf32>
      tpu.vector_store %arg9[%swap3A_644, %swap3A_645], %swap3A_648 {add = true, strides = array<i32>} : memref<200x128xf32, #tpu.memory_space<vmem>>, vector<1x16xf32>,
      %add3A_649 = arith.constant 0 : i32
      %add3A_650 = arith.addi %add3A_598, %add3A_649 : i32
      %add3A_651 = arith.constant 0 : i32
      %add3A_652 = arith.addi %add3A_598, %add3A_651 : i32
      %get3A_653 = arith.index_cast %add3A_652 : i32 to index
      %get3A_654 = arith.constant 64 : index
      %get3A_655 = tpu.vector_load %arg7[%get3A_653, %get3A_654] {strides = array<i32>} : memref<200x128xf32, #tpu.memory_space<vmem>>, vector<1x16xf32>,
      %get3A_656 = vector.shape_cast %get3A_655 : vector<1x16xf32> to vector<16xf32>
      %swap3A_657 = arith.index_cast %add3A_650 : i32 to index
      %swap3A_658 = arith.constant 64 : index
      %swap3A_659 = tpu.vector_load %arg9[%swap3A_657, %swap3A_658] {strides = array<i32>} : memref<200x128xf32, #tpu.memory_space<vmem>>, vector<1x16xf32>,
      %swap3A_660 = vector.shape_cast %swap3A_659 : vector<1x16xf32> to vector<16xf32>
      %swap3A_661 = vector.shape_cast %get3A_656 : vector<16xf32> to vector<1x16xf32>
      tpu.vector_store %arg9[%swap3A_657, %swap3A_658], %swap3A_661 {add = true, strides = array<i32>} : memref<200x128xf32, #tpu.memory_space<vmem>>, vector<1x16xf32>,
      %add3A_662 = arith.constant 0 : i32
      %add3A_663 = arith.addi %add3A_598, %add3A_662 : i32
      %add3A_664 = arith.constant 0 : i32
      %add3A_665 = arith.addi %add3A_598, %add3A_664 : i32
      %get3A_666 = arith.index_cast %add3A_665 : i32 to index
      %get3A_667 = arith.constant 80 : index
      %get3A_668 = tpu.vector_load %arg7[%get3A_666, %get3A_667] {strides = array<i32>} : memref<200x128xf32, #tpu.memory_space<vmem>>, vector<1x16xf32>,
      %get3A_669 = vector.shape_cast %get3A_668 : vector<1x16xf32> to vector<16xf32>
      %swap3A_670 = arith.index_cast %add3A_663 : i32 to index
      %swap3A_671 = arith.constant 80 : index
      %swap3A_672 = tpu.vector_load %arg9[%swap3A_670, %swap3A_671] {strides = array<i32>} : memref<200x128xf32, #tpu.memory_space<vmem>>, vector<1x16xf32>,
      %swap3A_673 = vector.shape_cast %swap3A_672 : vector<1x16xf32> to vector<16xf32>
      %swap3A_674 = vector.shape_cast %get3A_669 : vector<16xf32> to vector<1x16xf32>
      tpu.vector_store %arg9[%swap3A_670, %swap3A_671], %swap3A_674 {add = true, strides = array<i32>} : memref<200x128xf32, #tpu.memory_space<vmem>>, vector<1x16xf32>,
      %add3A_675 = arith.constant 0 : i32
      %add3A_676 = arith.addi %add3A_598, %add3A_675 : i32
      %add3A_677 = arith.constant 0 : i32
      %add3A_678 = arith.addi %add3A_598, %add3A_677 : i32
      %get3A_679 = arith.index_cast %add3A_678 : i32 to index
      %get3A_680 = arith.constant 96 : index
      %get3A_681 = tpu.vector_load %arg7[%get3A_679, %get3A_680] {strides = array<i32>} : memref<200x128xf32, #tpu.memory_space<vmem>>, vector<1x16xf32>,
      %get3A_682 = vector.shape_cast %get3A_681 : vector<1x16xf32> to vector<16xf32>
      %swap3A_683 = arith.index_cast %add3A_676 : i32 to index
      %swap3A_684 = arith.constant 96 : index
      %swap3A_685 = tpu.vector_load %arg9[%swap3A_683, %swap3A_684] {strides = array<i32>} : memref<200x128xf32, #tpu.memory_space<vmem>>, vector<1x16xf32>,
      %swap3A_686 = vector.shape_cast %swap3A_685 : vector<1x16xf32> to vector<16xf32>
      %swap3A_687 = vector.shape_cast %get3A_682 : vector<16xf32> to vector<1x16xf32>
      tpu.vector_store %arg9[%swap3A_683, %swap3A_684], %swap3A_687 {add = true, strides = array<i32>} : memref<200x128xf32, #tpu.memory_space<vmem>>, vector<1x16xf32>,
      %add3A_688 = arith.constant 0 : i32
      %add3A_689 = arith.addi %add3A_598, %add3A_688 : i32
      %add3A_690 = arith.constant 0 : i32
      %add3A_691 = arith.addi %add3A_598, %add3A_690 : i32
      %get3A_692 = arith.index_cast %add3A_691 : i32 to index
      %get3A_693 = arith.constant 112 : index
      %get3A_694 = tpu.vector_load %arg7[%get3A_692, %get3A_693] {strides = array<i32>} : memref<200x128xf32, #tpu.memory_space<vmem>>, vector<1x16xf32>,
      %get3A_695 = vector.shape_cast %get3A_694 : vector<1x16xf32> to vector<16xf32>
      %swap3A_696 = arith.index_cast %add3A_689 : i32 to index
      %swap3A_697 = arith.constant 112 : index
      %swap3A_698 = tpu.vector_load %arg9[%swap3A_696, %swap3A_697] {strides = array<i32>} : memref<200x128xf32, #tpu.memory_space<vmem>>, vector<1x16xf32>,
      %swap3A_699 = vector.shape_cast %swap3A_698 : vector<1x16xf32> to vector<16xf32>
      %swap3A_700 = vector.shape_cast %get3A_695 : vector<16xf32> to vector<1x16xf32>
      tpu.vector_store %arg9[%swap3A_696, %swap3A_697], %swap3A_700 {add = true, strides = array<i32>} : memref<200x128xf32, #tpu.memory_space<vmem>>, vector<1x16xf32>,
      %add3A_701 = arith.constant 1 : i32
      %add3A_702 = arith.addi %add3A_598, %add3A_701 : i32
      %add3A_703 = arith.constant 1 : i32
      %add3A_704 = arith.addi %add3A_598, %add3A_703 : i32
      %get3A_705 = arith.index_cast %add3A_704 : i32 to index
      %get3A_706 = arith.constant 0 : index
      %get3A_707 = tpu.vector_load %arg7[%get3A_705, %get3A_706] {strides = array<i32>} : memref<200x128xf32, #tpu.memory_space<vmem>>, vector<1x16xf32>,
      %get3A_708 = vector.shape_cast %get3A_707 : vector<1x16xf32> to vector<16xf32>
      %swap3A_709 = arith.index_cast %add3A_702 : i32 to index
      %swap3A_710 = arith.constant 0 : index
      %swap3A_711 = tpu.vector_load %arg9[%swap3A_709, %swap3A_710] {strides = array<i32>} : memref<200x128xf32, #tpu.memory_space<vmem>>, vector<1x16xf32>,
      %swap3A_712 = vector.shape_cast %swap3A_711 : vector<1x16xf32> to vector<16xf32>
      %swap3A_713 = vector.shape_cast %get3A_708 : vector<16xf32> to vector<1x16xf32>
      tpu.vector_store %arg9[%swap3A_709, %swap3A_710], %swap3A_713 {add = true, strides = array<i32>} : memref<200x128xf32, #tpu.memory_space<vmem>>, vector<1x16xf32>,
      %add3A_714 = arith.constant 1 : i32
      %add3A_715 = arith.addi %add3A_598, %add3A_714 : i32
      %add3A_716 = arith.constant 1 : i32
      %add3A_717 = arith.addi %add3A_598, %add3A_716 : i32
      %get3A_718 = arith.index_cast %add3A_717 : i32 to index
      %get3A_719 = arith.constant 16 : index
      %get3A_720 = tpu.vector_load %arg7[%get3A_718, %get3A_719] {strides = array<i32>} : memref<200x128xf32, #tpu.memory_space<vmem>>, vector<1x16xf32>,
      %get3A_721 = vector.shape_cast %get3A_720 : vector<1x16xf32> to vector<16xf32>
      %swap3A_722 = arith.index_cast %add3A_715 : i32 to index
      %swap3A_723 = arith.constant 16 : index
      %swap3A_724 = tpu.vector_load %arg9[%swap3A_722, %swap3A_723] {strides = array<i32>} : memref<200x128xf32, #tpu.memory_space<vmem>>, vector<1x16xf32>,
      %swap3A_725 = vector.shape_cast %swap3A_724 : vector<1x16xf32> to vector<16xf32>
      %swap3A_726 = vector.shape_cast %get3A_721 : vector<16xf32> to vector<1x16xf32>
      tpu.vector_store %arg9[%swap3A_722, %swap3A_723], %swap3A_726 {add = true, strides = array<i32>} : memref<200x128xf32, #tpu.memory_space<vmem>>, vector<1x16xf32>,
      %add3A_727 = arith.constant 1 : i32
      %add3A_728 = arith.addi %add3A_598, %add3A_727 : i32
      %add3A_729 = arith.constant 1 : i32
      %add3A_730 = arith.addi %add3A_598, %add3A_729 : i32
      %get3A_731 = arith.index_cast %add3A_730 : i32 to index
      %get3A_732 = arith.constant 32 : index
      %get3A_733 = tpu.vector_load %arg7[%get3A_731, %get3A_732] {strides = array<i32>} : memref<200x128xf32, #tpu.memory_space<vmem>>, vector<1x16xf32>,
      %get3A_734 = vector.shape_cast %get3A_733 : vector<1x16xf32> to vector<16xf32>
      %swap3A_735 = arith.index_cast %add3A_728 : i32 to index
      %swap3A_736 = arith.constant 32 : index
      %swap3A_737 = tpu.vector_load %arg9[%swap3A_735, %swap3A_736] {strides = array<i32>} : memref<200x128xf32, #tpu.memory_space<vmem>>, vector<1x16xf32>,
      %swap3A_738 = vector.shape_cast %swap3A_737 : vector<1x16xf32> to vector<16xf32>
      %swap3A_739 = vector.shape_cast %get3A_734 : vector<16xf32> to vector<1x16xf32>
      tpu.vector_store %arg9[%swap3A_735, %swap3A_736], %swap3A_739 {add = true, strides = array<i32>} : memref<200x128xf32, #tpu.memory_space<vmem>>, vector<1x16xf32>,
      %add3A_740 = arith.constant 1 : i32
      %add3A_741 = arith.addi %add3A_598, %add3A_740 : i32
      %add3A_742 = arith.constant 1 : i32
      %add3A_743 = arith.addi %add3A_598, %add3A_742 : i32
      %get3A_744 = arith.index_cast %add3A_743 : i32 to index
      %get3A_745 = arith.constant 48 : index
      %get3A_746 = tpu.vector_load %arg7[%get3A_744, %get3A_745] {strides = array<i32>} : memref<200x128xf32, #tpu.memory_space<vmem>>, vector<1x16xf32>,
      %get3A_747 = vector.shape_cast %get3A_746 : vector<1x16xf32> to vector<16xf32>
      %swap3A_748 = arith.index_cast %add3A_741 : i32 to index
      %swap3A_749 = arith.constant 48 : index
      %swap3A_750 = tpu.vector_load %arg9[%swap3A_748, %swap3A_749] {strides = array<i32>} : memref<200x128xf32, #tpu.memory_space<vmem>>, vector<1x16xf32>,
      %swap3A_751 = vector.shape_cast %swap3A_750 : vector<1x16xf32> to vector<16xf32>
      %swap3A_752 = vector.shape_cast %get3A_747 : vector<16xf32> to vector<1x16xf32>
      tpu.vector_store %arg9[%swap3A_748, %swap3A_749], %swap3A_752 {add = true, strides = array<i32>} : memref<200x128xf32, #tpu.memory_space<vmem>>, vector<1x16xf32>,
      %add3A_753 = arith.constant 1 : i32
      %add3A_754 = arith.addi %add3A_598, %add3A_753 : i32
      %add3A_755 = arith.constant 1 : i32
      %add3A_756 = arith.addi %add3A_598, %add3A_755 : i32
      %get3A_757 = arith.index_cast %add3A_756 : i32 to index
      %get3A_758 = arith.constant 64 : index
      %get3A_759 = tpu.vector_load %arg7[%get3A_757, %get3A_758] {strides = array<i32>} : memref<200x128xf32, #tpu.memory_space<vmem>>, vector<1x16xf32>,
      %get3A_760 = vector.shape_cast %get3A_759 : vector<1x16xf32> to vector<16xf32>
      %swap3A_761 = arith.index_cast %add3A_754 : i32 to index
      %swap3A_762 = arith.constant 64 : index
      %swap3A_763 = tpu.vector_load %arg9[%swap3A_761, %swap3A_762] {strides = array<i32>} : memref<200x128xf32, #tpu.memory_space<vmem>>, vector<1x16xf32>,
      %swap3A_764 = vector.shape_cast %swap3A_763 : vector<1x16xf32> to vector<16xf32>
      %swap3A_765 = vector.shape_cast %get3A_760 : vector<16xf32> to vector<1x16xf32>
      tpu.vector_store %arg9[%swap3A_761, %swap3A_762], %swap3A_765 {add = true, strides = array<i32>} : memref<200x128xf32, #tpu.memory_space<vmem>>, vector<1x16xf32>,
      %add3A_766 = arith.constant 1 : i32
      %add3A_767 = arith.addi %add3A_598, %add3A_766 : i32
      %add3A_768 = arith.constant 1 : i32
      %add3A_769 = arith.addi %add3A_598, %add3A_768 : i32
      %get3A_770 = arith.index_cast %add3A_769 : i32 to index
      %get3A_771 = arith.constant 80 : index
      %get3A_772 = tpu.vector_load %arg7[%get3A_770, %get3A_771] {strides = array<i32>} : memref<200x128xf32, #tpu.memory_space<vmem>>, vector<1x16xf32>,
      %get3A_773 = vector.shape_cast %get3A_772 : vector<1x16xf32> to vector<16xf32>
      %swap3A_774 = arith.index_cast %add3A_767 : i32 to index
      %swap3A_775 = arith.constant 80 : index
      %swap3A_776 = tpu.vector_load %arg9[%swap3A_774, %swap3A_775] {strides = array<i32>} : memref<200x128xf32, #tpu.memory_space<vmem>>, vector<1x16xf32>,
      %swap3A_777 = vector.shape_cast %swap3A_776 : vector<1x16xf32> to vector<16xf32>
      %swap3A_778 = vector.shape_cast %get3A_773 : vector<16xf32> to vector<1x16xf32>
      tpu.vector_store %arg9[%swap3A_774, %swap3A_775], %swap3A_778 {add = true, strides = array<i32>} : memref<200x128xf32, #tpu.memory_space<vmem>>, vector<1x16xf32>,
      %add3A_779 = arith.constant 1 : i32
      %add3A_780 = arith.addi %add3A_598, %add3A_779 : i32
      %add3A_781 = arith.constant 1 : i32
      %add3A_782 = arith.addi %add3A_598, %add3A_781 : i32
      %get3A_783 = arith.index_cast %add3A_782 : i32 to index
      %get3A_784 = arith.constant 96 : index
      %get3A_785 = tpu.vector_load %arg7[%get3A_783, %get3A_784] {strides = array<i32>} : memref<200x128xf32, #tpu.memory_space<vmem>>, vector<1x16xf32>,
      %get3A_786 = vector.shape_cast %get3A_785 : vector<1x16xf32> to vector<16xf32>
      %swap3A_787 = arith.index_cast %add3A_780 : i32 to index
      %swap3A_788 = arith.constant 96 : index
      %swap3A_789 = tpu.vector_load %arg9[%swap3A_787, %swap3A_788] {strides = array<i32>} : memref<200x128xf32, #tpu.memory_space<vmem>>, vector<1x16xf32>,
      %swap3A_790 = vector.shape_cast %swap3A_789 : vector<1x16xf32> to vector<16xf32>
      %swap3A_791 = vector.shape_cast %get3A_786 : vector<16xf32> to vector<1x16xf32>
      tpu.vector_store %arg9[%swap3A_787, %swap3A_788], %swap3A_791 {add = true, strides = array<i32>} : memref<200x128xf32, #tpu.memory_space<vmem>>, vector<1x16xf32>,
      %add3A_792 = arith.constant 1 : i32
      %add3A_793 = arith.addi %add3A_598, %add3A_792 : i32
      %add3A_794 = arith.constant 1 : i32
      %add3A_795 = arith.addi %add3A_598, %add3A_794 : i32
      %get3A_796 = arith.index_cast %add3A_795 : i32 to index
      %get3A_797 = arith.constant 112 : index
      %get3A_798 = tpu.vector_load %arg7[%get3A_796, %get3A_797] {strides = array<i32>} : memref<200x128xf32, #tpu.memory_space<vmem>>, vector<1x16xf32>,
      %get3A_799 = vector.shape_cast %get3A_798 : vector<1x16xf32> to vector<16xf32>
      %swap3A_800 = arith.index_cast %add3A_793 : i32 to index
      %swap3A_801 = arith.constant 112 : index
      %swap3A_802 = tpu.vector_load %arg9[%swap3A_800, %swap3A_801] {strides = array<i32>} : memref<200x128xf32, #tpu.memory_space<vmem>>, vector<1x16xf32>,
      %swap3A_803 = vector.shape_cast %swap3A_802 : vector<1x16xf32> to vector<16xf32>
      %swap3A_804 = vector.shape_cast %get3A_799 : vector<16xf32> to vector<1x16xf32>
      tpu.vector_store %arg9[%swap3A_800, %swap3A_801], %swap3A_804 {add = true, strides = array<i32>} : memref<200x128xf32, #tpu.memory_space<vmem>>, vector<1x16xf32>,
      %scan3A_805 = arith.constant 0 : i32
      scf.yield %scan3A_805 : i32
    }
    %scan3A_465 = arith.constant 48 : i32
    %add3A_466 = arith.constant 6000 : i32
    %add3A_467 = arith.addi %mul3A_2, %add3A_466 : i32
    %dma_wait3A_468 = arith.constant 0 : i32
    %dma_wait3A_469 = tpu.memref_slice %arg5[%add3A_467, %dma_wait3A_468] : memref<204800x128xf32, #tpu.memory_space<hbm>> -> memref<96x128xf32, #tpu.memory_space<hbm>>
    %dma_wait3A_470 = arith.constant 0 : i32
    %dma_wait3A_471 = arith.constant 0 : i32
    %dma_wait3A_472 = tpu.memref_slice %arg10[%arg1, %dma_wait3A_470, %dma_wait3A_471] : memref<16x96x128xf32, #tpu.memory_space<vmem_shared>> -> memref<1x96x128xf32, #tpu.memory_space<vmem_shared>>
    %dma_wait3A_473 = tpu.memref_squeeze %dma_wait3A_472 : memref<1x96x128xf32, #tpu.memory_space<vmem_shared>> -> memref<96x128xf32, #tpu.memory_space<vmem_shared>>
    tpu.wait_dma2 semaphore(%arg18 : memref<!tpu.dma_semaphore, #tpu.memory_space<semaphore_mem>>) src(%dma_wait3A_473 : memref<96x128xf32, #tpu.memory_space<vmem_shared>>) dst(%dma_wait3A_469 : memref<96x128xf32, #tpu.memory_space<hbm>>)
    %dma_start3A_474 = arith.constant 0 : i32
    %dma_start3A_475 = arith.constant 0 : i32
    %dma_start3A_476 = tpu.memref_slice %arg9[%dma_start3A_474, %dma_start3A_475] : memref<200x128xf32, #tpu.memory_space<vmem>> -> memref<96x128xf32, #tpu.memory_space<vmem>>
    %dma_start3A_477 = arith.constant 0 : i32
    %dma_start3A_478 = arith.constant 0 : i32
    %dma_start3A_479 = tpu.memref_slice %arg10[%arg1, %dma_start3A_477, %dma_start3A_478] : memref<16x96x128xf32, #tpu.memory_space<vmem_shared>> -> memref<1x96x128xf32, #tpu.memory_space<vmem_shared>>
    %dma_start3A_480 = tpu.memref_squeeze %dma_start3A_479 : memref<1x96x128xf32, #tpu.memory_space<vmem_shared>> -> memref<96x128xf32, #tpu.memory_space<vmem_shared>>
    %dma_start3A_481 = arith.constant 0 : i32
    %dma_start3A_482 = arith.constant 0 : i32
    %dma_start3A_483 = tpu.memref_slice %arg10[%arg1, %dma_start3A_481, %dma_start3A_482] : memref<16x96x128xf32, #tpu.memory_space<vmem_shared>> -> memref<1x96x128xf32, #tpu.memory_space<vmem_shared>>
    %dma_start3A_484 = tpu.memref_squeeze %dma_start3A_483 : memref<1x96x128xf32, #tpu.memory_space<vmem_shared>> -> memref<96x128xf32, #tpu.memory_space<vmem_shared>>
    %dma_start3A_485 = arith.constant 0 : i32
    %dma_start3A_486 = arith.constant 0 : i32
    %dma_start3A_487 = tpu.memref_slice %arg9[%dma_start3A_485, %dma_start3A_486] : memref<200x128xf32, #tpu.memory_space<vmem>> -> memref<96x128xf32, #tpu.memory_space<vmem>>
    tpu.enqueue_dma source(%dma_start3A_487 : memref<96x128xf32, #tpu.memory_space<vmem>>) target(%dma_start3A_484 : memref<96x128xf32, #tpu.memory_space<vmem_shared>>) target_semaphore(%arg16 : memref<!tpu.dma_semaphore, #tpu.memory_space<semaphore_mem>>)
    %dma_wait3A_488 = arith.constant 63 : i32
    %dma_wait3A_489 = arith.constant 100 : i32
    %dma_wait3A_490 = arith.constant 0 : i32
    %dma_wait3A_491 = tpu.memref_slice %arg9[%dma_wait3A_489, %dma_wait3A_490] : memref<200x128xf32, #tpu.memory_space<vmem>> -> memref<100x128xf32, #tpu.memory_space<vmem>>
    %dma_wait3A_492 = arith.constant 0 : i32
    %dma_wait3A_493 = tpu.memref_slice %arg6[%dma_wait3A_488, %dma_wait3A_492] : memref<64x100xi32, #tpu.memory_space<vmem>> -> memref<1x100xi32, #tpu.memory_space<vmem>>
    %dma_wait3A_494 = tpu.memref_squeeze %dma_wait3A_493 : memref<1x100xi32, #tpu.memory_space<vmem>> -> memref<100xi32, #tpu.memory_space<vmem>>
    %dma_wait3A_495 = arith.constant 0 : i32
    %dma_wait3A_496 = arith.constant 0 : i32
    %dma_wait3A_497 = tpu.memref_slice %arg2[%dma_wait3A_495, %dma_wait3A_496] : memref<100000x128xf32, #tpu.memory_space<hbm>> -> memref<100000x128xf32, #tpu.memory_space<hbm>>
    tpu.wait_indirect_dma semaphore(%arg15 : memref<!tpu.dma_semaphore, #tpu.memory_space<semaphore_mem>>) src(%dma_wait3A_497 : memref<100000x128xf32, #tpu.memory_space<hbm>>) dst(%dma_wait3A_491 : memref<100x128xf32, #tpu.memory_space<vmem>>)
    %scan3A_498 = arith.constant 0 : i32
    %scan3A_499 = arith.constant 0 : i32
    %scan3A_500 = arith.constant 52 : i32
    %scan3A_501 = arith.addi %scan3A_499, %scan3A_500 : i32
    %scan3A_502 = arith.constant 1 : i32
    %scan3A_503 = scf.for %scan3A_593 = %scan3A_499 to %scan3A_501 step %scan3A_502 iter_args(%scan3A_594 = %scan3A_498) -> (i32)  : i32 {
      %mul3A_595 = arith.constant 2 : i32
      %mul3A_596 = arith.muli %mul3A_595, %scan3A_593 : i32
      %add3A_597 = arith.constant 96 : i32
      %add3A_598 = arith.addi %add3A_597, %mul3A_596 : i32
      %add3A_599 = arith.constant 0 : i32
      %add3A_600 = arith.addi %add3A_598, %add3A_599 : i32
      %add3A_601 = arith.constant 0 : i32
      %add3A_602 = arith.addi %add3A_598, %add3A_601 : i32
      %get3A = arith.index_cast %add3A_602 : i32 to index
      %get3A_603 = arith.constant 0 : index
      %get3A_604 = tpu.vector_load %arg7[%get3A, %get3A_603] {strides = array<i32>} : memref<200x128xf32, #tpu.memory_space<vmem>>, vector<1x16xf32>,
      %get3A_605 = vector.shape_cast %get3A_604 : vector<1x16xf32> to vector<16xf32>
      %swap3A = arith.index_cast %add3A_600 : i32 to index
      %swap3A_606 = arith.constant 0 : index
      %swap3A_607 = tpu.vector_load %arg9[%swap3A, %swap3A_606] {strides = array<i32>} : memref<200x128xf32, #tpu.memory_space<vmem>>, vector<1x16xf32>,
      %swap3A_608 = vector.shape_cast %swap3A_607 : vector<1x16xf32> to vector<16xf32>
      %swap3A_609 = vector.shape_cast %get3A_605 : vector<16xf32> to vector<1x16xf32>
      tpu.vector_store %arg9[%swap3A, %swap3A_606], %swap3A_609 {add = true, strides = array<i32>} : memref<200x128xf32, #tpu.memory_space<vmem>>, vector<1x16xf32>,
      %add3A_610 = arith.constant 0 : i32
      %add3A_611 = arith.addi %add3A_598, %add3A_610 : i32
      %add3A_612 = arith.constant 0 : i32
      %add3A_613 = arith.addi %add3A_598, %add3A_612 : i32
      %get3A_614 = arith.index_cast %add3A_613 : i32 to index
      %get3A_615 = arith.constant 16 : index
      %get3A_616 = tpu.vector_load %arg7[%get3A_614, %get3A_615] {strides = array<i32>} : memref<200x128xf32, #tpu.memory_space<vmem>>, vector<1x16xf32>,
      %get3A_617 = vector.shape_cast %get3A_616 : vector<1x16xf32> to vector<16xf32>
      %swap3A_618 = arith.index_cast %add3A_611 : i32 to index
      %swap3A_619 = arith.constant 16 : index
      %swap3A_620 = tpu.vector_load %arg9[%swap3A_618, %swap3A_619] {strides = array<i32>} : memref<200x128xf32, #tpu.memory_space<vmem>>, vector<1x16xf32>,
      %swap3A_621 = vector.shape_cast %swap3A_620 : vector<1x16xf32> to vector<16xf32>
      %swap3A_622 = vector.shape_cast %get3A_617 : vector<16xf32> to vector<1x16xf32>
      tpu.vector_store %arg9[%swap3A_618, %swap3A_619], %swap3A_622 {add = true, strides = array<i32>} : memref<200x128xf32, #tpu.memory_space<vmem>>, vector<1x16xf32>,
      %add3A_623 = arith.constant 0 : i32
      %add3A_624 = arith.addi %add3A_598, %add3A_623 : i32
      %add3A_625 = arith.constant 0 : i32
      %add3A_626 = arith.addi %add3A_598, %add3A_625 : i32
      %get3A_627 = arith.index_cast %add3A_626 : i32 to index
      %get3A_628 = arith.constant 32 : index
      %get3A_629 = tpu.vector_load %arg7[%get3A_627, %get3A_628] {strides = array<i32>} : memref<200x128xf32, #tpu.memory_space<vmem>>, vector<1x16xf32>,
      %get3A_630 = vector.shape_cast %get3A_629 : vector<1x16xf32> to vector<16xf32>
      %swap3A_631 = arith.index_cast %add3A_624 : i32 to index
      %swap3A_632 = arith.constant 32 : index
      %swap3A_633 = tpu.vector_load %arg9[%swap3A_631, %swap3A_632] {strides = array<i32>} : memref<200x128xf32, #tpu.memory_space<vmem>>, vector<1x16xf32>,
      %swap3A_634 = vector.shape_cast %swap3A_633 : vector<1x16xf32> to vector<16xf32>
      %swap3A_635 = vector.shape_cast %get3A_630 : vector<16xf32> to vector<1x16xf32>
      tpu.vector_store %arg9[%swap3A_631, %swap3A_632], %swap3A_635 {add = true, strides = array<i32>} : memref<200x128xf32, #tpu.memory_space<vmem>>, vector<1x16xf32>,
      %add3A_636 = arith.constant 0 : i32
      %add3A_637 = arith.addi %add3A_598, %add3A_636 : i32
      %add3A_638 = arith.constant 0 : i32
      %add3A_639 = arith.addi %add3A_598, %add3A_638 : i32
      %get3A_640 = arith.index_cast %add3A_639 : i32 to index
      %get3A_641 = arith.constant 48 : index
      %get3A_642 = tpu.vector_load %arg7[%get3A_640, %get3A_641] {strides = array<i32>} : memref<200x128xf32, #tpu.memory_space<vmem>>, vector<1x16xf32>,
      %get3A_643 = vector.shape_cast %get3A_642 : vector<1x16xf32> to vector<16xf32>
      %swap3A_644 = arith.index_cast %add3A_637 : i32 to index
      %swap3A_645 = arith.constant 48 : index
      %swap3A_646 = tpu.vector_load %arg9[%swap3A_644, %swap3A_645] {strides = array<i32>} : memref<200x128xf32, #tpu.memory_space<vmem>>, vector<1x16xf32>,
      %swap3A_647 = vector.shape_cast %swap3A_646 : vector<1x16xf32> to vector<16xf32>
      %swap3A_648 = vector.shape_cast %get3A_643 : vector<16xf32> to vector<1x16xf32>
      tpu.vector_store %arg9[%swap3A_644, %swap3A_645], %swap3A_648 {add = true, strides = array<i32>} : memref<200x128xf32, #tpu.memory_space<vmem>>, vector<1x16xf32>,
      %add3A_649 = arith.constant 0 : i32
      %add3A_650 = arith.addi %add3A_598, %add3A_649 : i32
      %add3A_651 = arith.constant 0 : i32
      %add3A_652 = arith.addi %add3A_598, %add3A_651 : i32
      %get3A_653 = arith.index_cast %add3A_652 : i32 to index
      %get3A_654 = arith.constant 64 : index
      %get3A_655 = tpu.vector_load %arg7[%get3A_653, %get3A_654] {strides = array<i32>} : memref<200x128xf32, #tpu.memory_space<vmem>>, vector<1x16xf32>,
      %get3A_656 = vector.shape_cast %get3A_655 : vector<1x16xf32> to vector<16xf32>
      %swap3A_657 = arith.index_cast %add3A_650 : i32 to index
      %swap3A_658 = arith.constant 64 : index
      %swap3A_659 = tpu.vector_load %arg9[%swap3A_657, %swap3A_658] {strides = array<i32>} : memref<200x128xf32, #tpu.memory_space<vmem>>, vector<1x16xf32>,
      %swap3A_660 = vector.shape_cast %swap3A_659 : vector<1x16xf32> to vector<16xf32>
      %swap3A_661 = vector.shape_cast %get3A_656 : vector<16xf32> to vector<1x16xf32>
      tpu.vector_store %arg9[%swap3A_657, %swap3A_658], %swap3A_661 {add = true, strides = array<i32>} : memref<200x128xf32, #tpu.memory_space<vmem>>, vector<1x16xf32>,
      %add3A_662 = arith.constant 0 : i32
      %add3A_663 = arith.addi %add3A_598, %add3A_662 : i32
      %add3A_664 = arith.constant 0 : i32
      %add3A_665 = arith.addi %add3A_598, %add3A_664 : i32
      %get3A_666 = arith.index_cast %add3A_665 : i32 to index
      %get3A_667 = arith.constant 80 : index
      %get3A_668 = tpu.vector_load %arg7[%get3A_666, %get3A_667] {strides = array<i32>} : memref<200x128xf32, #tpu.memory_space<vmem>>, vector<1x16xf32>,
      %get3A_669 = vector.shape_cast %get3A_668 : vector<1x16xf32> to vector<16xf32>
      %swap3A_670 = arith.index_cast %add3A_663 : i32 to index
      %swap3A_671 = arith.constant 80 : index
      %swap3A_672 = tpu.vector_load %arg9[%swap3A_670, %swap3A_671] {strides = array<i32>} : memref<200x128xf32, #tpu.memory_space<vmem>>, vector<1x16xf32>,
      %swap3A_673 = vector.shape_cast %swap3A_672 : vector<1x16xf32> to vector<16xf32>
      %swap3A_674 = vector.shape_cast %get3A_669 : vector<16xf32> to vector<1x16xf32>
      tpu.vector_store %arg9[%swap3A_670, %swap3A_671], %swap3A_674 {add = true, strides = array<i32>} : memref<200x128xf32, #tpu.memory_space<vmem>>, vector<1x16xf32>,
      %add3A_675 = arith.constant 0 : i32
      %add3A_676 = arith.addi %add3A_598, %add3A_675 : i32
      %add3A_677 = arith.constant 0 : i32
      %add3A_678 = arith.addi %add3A_598, %add3A_677 : i32
      %get3A_679 = arith.index_cast %add3A_678 : i32 to index
      %get3A_680 = arith.constant 96 : index
      %get3A_681 = tpu.vector_load %arg7[%get3A_679, %get3A_680] {strides = array<i32>} : memref<200x128xf32, #tpu.memory_space<vmem>>, vector<1x16xf32>,
      %get3A_682 = vector.shape_cast %get3A_681 : vector<1x16xf32> to vector<16xf32>
      %swap3A_683 = arith.index_cast %add3A_676 : i32 to index
      %swap3A_684 = arith.constant 96 : index
      %swap3A_685 = tpu.vector_load %arg9[%swap3A_683, %swap3A_684] {strides = array<i32>} : memref<200x128xf32, #tpu.memory_space<vmem>>, vector<1x16xf32>,
      %swap3A_686 = vector.shape_cast %swap3A_685 : vector<1x16xf32> to vector<16xf32>
      %swap3A_687 = vector.shape_cast %get3A_682 : vector<16xf32> to vector<1x16xf32>
      tpu.vector_store %arg9[%swap3A_683, %swap3A_684], %swap3A_687 {add = true, strides = array<i32>} : memref<200x128xf32, #tpu.memory_space<vmem>>, vector<1x16xf32>,
      %add3A_688 = arith.constant 0 : i32
      %add3A_689 = arith.addi %add3A_598, %add3A_688 : i32
      %add3A_690 = arith.constant 0 : i32
      %add3A_691 = arith.addi %add3A_598, %add3A_690 : i32
      %get3A_692 = arith.index_cast %add3A_691 : i32 to index
      %get3A_693 = arith.constant 112 : index
      %get3A_694 = tpu.vector_load %arg7[%get3A_692, %get3A_693] {strides = array<i32>} : memref<200x128xf32, #tpu.memory_space<vmem>>, vector<1x16xf32>,
      %get3A_695 = vector.shape_cast %get3A_694 : vector<1x16xf32> to vector<16xf32>
      %swap3A_696 = arith.index_cast %add3A_689 : i32 to index
      %swap3A_697 = arith.constant 112 : index
      %swap3A_698 = tpu.vector_load %arg9[%swap3A_696, %swap3A_697] {strides = array<i32>} : memref<200x128xf32, #tpu.memory_space<vmem>>, vector<1x16xf32>,
      %swap3A_699 = vector.shape_cast %swap3A_698 : vector<1x16xf32> to vector<16xf32>
      %swap3A_700 = vector.shape_cast %get3A_695 : vector<16xf32> to vector<1x16xf32>
      tpu.vector_store %arg9[%swap3A_696, %swap3A_697], %swap3A_700 {add = true, strides = array<i32>} : memref<200x128xf32, #tpu.memory_space<vmem>>, vector<1x16xf32>,
      %add3A_701 = arith.constant 1 : i32
      %add3A_702 = arith.addi %add3A_598, %add3A_701 : i32
      %add3A_703 = arith.constant 1 : i32
      %add3A_704 = arith.addi %add3A_598, %add3A_703 : i32
      %get3A_705 = arith.index_cast %add3A_704 : i32 to index
      %get3A_706 = arith.constant 0 : index
      %get3A_707 = tpu.vector_load %arg7[%get3A_705, %get3A_706] {strides = array<i32>} : memref<200x128xf32, #tpu.memory_space<vmem>>, vector<1x16xf32>,
      %get3A_708 = vector.shape_cast %get3A_707 : vector<1x16xf32> to vector<16xf32>
      %swap3A_709 = arith.index_cast %add3A_702 : i32 to index
      %swap3A_710 = arith.constant 0 : index
      %swap3A_711 = tpu.vector_load %arg9[%swap3A_709, %swap3A_710] {strides = array<i32>} : memref<200x128xf32, #tpu.memory_space<vmem>>, vector<1x16xf32>,
      %swap3A_712 = vector.shape_cast %swap3A_711 : vector<1x16xf32> to vector<16xf32>
      %swap3A_713 = vector.shape_cast %get3A_708 : vector<16xf32> to vector<1x16xf32>
      tpu.vector_store %arg9[%swap3A_709, %swap3A_710], %swap3A_713 {add = true, strides = array<i32>} : memref<200x128xf32, #tpu.memory_space<vmem>>, vector<1x16xf32>,
      %add3A_714 = arith.constant 1 : i32
      %add3A_715 = arith.addi %add3A_598, %add3A_714 : i32
      %add3A_716 = arith.constant 1 : i32
      %add3A_717 = arith.addi %add3A_598, %add3A_716 : i32
      %get3A_718 = arith.index_cast %add3A_717 : i32 to index
      %get3A_719 = arith.constant 16 : index
      %get3A_720 = tpu.vector_load %arg7[%get3A_718, %get3A_719] {strides = array<i32>} : memref<200x128xf32, #tpu.memory_space<vmem>>, vector<1x16xf32>,
      %get3A_721 = vector.shape_cast %get3A_720 : vector<1x16xf32> to vector<16xf32>
      %swap3A_722 = arith.index_cast %add3A_715 : i32 to index
      %swap3A_723 = arith.constant 16 : index
      %swap3A_724 = tpu.vector_load %arg9[%swap3A_722, %swap3A_723] {strides = array<i32>} : memref<200x128xf32, #tpu.memory_space<vmem>>, vector<1x16xf32>,
      %swap3A_725 = vector.shape_cast %swap3A_724 : vector<1x16xf32> to vector<16xf32>
      %swap3A_726 = vector.shape_cast %get3A_721 : vector<16xf32> to vector<1x16xf32>
      tpu.vector_store %arg9[%swap3A_722, %swap3A_723], %swap3A_726 {add = true, strides = array<i32>} : memref<200x128xf32, #tpu.memory_space<vmem>>, vector<1x16xf32>,
      %add3A_727 = arith.constant 1 : i32
      %add3A_728 = arith.addi %add3A_598, %add3A_727 : i32
      %add3A_729 = arith.constant 1 : i32
      %add3A_730 = arith.addi %add3A_598, %add3A_729 : i32
      %get3A_731 = arith.index_cast %add3A_730 : i32 to index
      %get3A_732 = arith.constant 32 : index
      %get3A_733 = tpu.vector_load %arg7[%get3A_731, %get3A_732] {strides = array<i32>} : memref<200x128xf32, #tpu.memory_space<vmem>>, vector<1x16xf32>,
      %get3A_734 = vector.shape_cast %get3A_733 : vector<1x16xf32> to vector<16xf32>
      %swap3A_735 = arith.index_cast %add3A_728 : i32 to index
      %swap3A_736 = arith.constant 32 : index
      %swap3A_737 = tpu.vector_load %arg9[%swap3A_735, %swap3A_736] {strides = array<i32>} : memref<200x128xf32, #tpu.memory_space<vmem>>, vector<1x16xf32>,
      %swap3A_738 = vector.shape_cast %swap3A_737 : vector<1x16xf32> to vector<16xf32>
      %swap3A_739 = vector.shape_cast %get3A_734 : vector<16xf32> to vector<1x16xf32>
      tpu.vector_store %arg9[%swap3A_735, %swap3A_736], %swap3A_739 {add = true, strides = array<i32>} : memref<200x128xf32, #tpu.memory_space<vmem>>, vector<1x16xf32>,
      %add3A_740 = arith.constant 1 : i32
      %add3A_741 = arith.addi %add3A_598, %add3A_740 : i32
      %add3A_742 = arith.constant 1 : i32
      %add3A_743 = arith.addi %add3A_598, %add3A_742 : i32
      %get3A_744 = arith.index_cast %add3A_743 : i32 to index
      %get3A_745 = arith.constant 48 : index
      %get3A_746 = tpu.vector_load %arg7[%get3A_744, %get3A_745] {strides = array<i32>} : memref<200x128xf32, #tpu.memory_space<vmem>>, vector<1x16xf32>,
      %get3A_747 = vector.shape_cast %get3A_746 : vector<1x16xf32> to vector<16xf32>
      %swap3A_748 = arith.index_cast %add3A_741 : i32 to index
      %swap3A_749 = arith.constant 48 : index
      %swap3A_750 = tpu.vector_load %arg9[%swap3A_748, %swap3A_749] {strides = array<i32>} : memref<200x128xf32, #tpu.memory_space<vmem>>, vector<1x16xf32>,
      %swap3A_751 = vector.shape_cast %swap3A_750 : vector<1x16xf32> to vector<16xf32>
      %swap3A_752 = vector.shape_cast %get3A_747 : vector<16xf32> to vector<1x16xf32>
      tpu.vector_store %arg9[%swap3A_748, %swap3A_749], %swap3A_752 {add = true, strides = array<i32>} : memref<200x128xf32, #tpu.memory_space<vmem>>, vector<1x16xf32>,
      %add3A_753 = arith.constant 1 : i32
      %add3A_754 = arith.addi %add3A_598, %add3A_753 : i32
      %add3A_755 = arith.constant 1 : i32
      %add3A_756 = arith.addi %add3A_598, %add3A_755 : i32
      %get3A_757 = arith.index_cast %add3A_756 : i32 to index
      %get3A_758 = arith.constant 64 : index
      %get3A_759 = tpu.vector_load %arg7[%get3A_757, %get3A_758] {strides = array<i32>} : memref<200x128xf32, #tpu.memory_space<vmem>>, vector<1x16xf32>,
      %get3A_760 = vector.shape_cast %get3A_759 : vector<1x16xf32> to vector<16xf32>
      %swap3A_761 = arith.index_cast %add3A_754 : i32 to index
      %swap3A_762 = arith.constant 64 : index
      %swap3A_763 = tpu.vector_load %arg9[%swap3A_761, %swap3A_762] {strides = array<i32>} : memref<200x128xf32, #tpu.memory_space<vmem>>, vector<1x16xf32>,
      %swap3A_764 = vector.shape_cast %swap3A_763 : vector<1x16xf32> to vector<16xf32>
      %swap3A_765 = vector.shape_cast %get3A_760 : vector<16xf32> to vector<1x16xf32>
      tpu.vector_store %arg9[%swap3A_761, %swap3A_762], %swap3A_765 {add = true, strides = array<i32>} : memref<200x128xf32, #tpu.memory_space<vmem>>, vector<1x16xf32>,
      %add3A_766 = arith.constant 1 : i32
      %add3A_767 = arith.addi %add3A_598, %add3A_766 : i32
      %add3A_768 = arith.constant 1 : i32
      %add3A_769 = arith.addi %add3A_598, %add3A_768 : i32
      %get3A_770 = arith.index_cast %add3A_769 : i32 to index
      %get3A_771 = arith.constant 80 : index
      %get3A_772 = tpu.vector_load %arg7[%get3A_770, %get3A_771] {strides = array<i32>} : memref<200x128xf32, #tpu.memory_space<vmem>>, vector<1x16xf32>,
      %get3A_773 = vector.shape_cast %get3A_772 : vector<1x16xf32> to vector<16xf32>
      %swap3A_774 = arith.index_cast %add3A_767 : i32 to index
      %swap3A_775 = arith.constant 80 : index
      %swap3A_776 = tpu.vector_load %arg9[%swap3A_774, %swap3A_775] {strides = array<i32>} : memref<200x128xf32, #tpu.memory_space<vmem>>, vector<1x16xf32>,
      %swap3A_777 = vector.shape_cast %swap3A_776 : vector<1x16xf32> to vector<16xf32>
      %swap3A_778 = vector.shape_cast %get3A_773 : vector<16xf32> to vector<1x16xf32>
      tpu.vector_store %arg9[%swap3A_774, %swap3A_775], %swap3A_778 {add = true, strides = array<i32>} : memref<200x128xf32, #tpu.memory_space<vmem>>, vector<1x16xf32>,
      %add3A_779 = arith.constant 1 : i32
      %add3A_780 = arith.addi %add3A_598, %add3A_779 : i32
      %add3A_781 = arith.constant 1 : i32
      %add3A_782 = arith.addi %add3A_598, %add3A_781 : i32
      %get3A_783 = arith.index_cast %add3A_782 : i32 to index
      %get3A_784 = arith.constant 96 : index
      %get3A_785 = tpu.vector_load %arg7[%get3A_783, %get3A_784] {strides = array<i32>} : memref<200x128xf32, #tpu.memory_space<vmem>>, vector<1x16xf32>,
      %get3A_786 = vector.shape_cast %get3A_785 : vector<1x16xf32> to vector<16xf32>
      %swap3A_787 = arith.index_cast %add3A_780 : i32 to index
      %swap3A_788 = arith.constant 96 : index
      %swap3A_789 = tpu.vector_load %arg9[%swap3A_787, %swap3A_788] {strides = array<i32>} : memref<200x128xf32, #tpu.memory_space<vmem>>, vector<1x16xf32>,
      %swap3A_790 = vector.shape_cast %swap3A_789 : vector<1x16xf32> to vector<16xf32>
      %swap3A_791 = vector.shape_cast %get3A_786 : vector<16xf32> to vector<1x16xf32>
      tpu.vector_store %arg9[%swap3A_787, %swap3A_788], %swap3A_791 {add = true, strides = array<i32>} : memref<200x128xf32, #tpu.memory_space<vmem>>, vector<1x16xf32>,
      %add3A_792 = arith.constant 1 : i32
      %add3A_793 = arith.addi %add3A_598, %add3A_792 : i32
      %add3A_794 = arith.constant 1 : i32
      %add3A_795 = arith.addi %add3A_598, %add3A_794 : i32
      %get3A_796 = arith.index_cast %add3A_795 : i32 to index
      %get3A_797 = arith.constant 112 : index
      %get3A_798 = tpu.vector_load %arg7[%get3A_796, %get3A_797] {strides = array<i32>} : memref<200x128xf32, #tpu.memory_space<vmem>>, vector<1x16xf32>,
      %get3A_799 = vector.shape_cast %get3A_798 : vector<1x16xf32> to vector<16xf32>
      %swap3A_800 = arith.index_cast %add3A_793 : i32 to index
      %swap3A_801 = arith.constant 112 : index
      %swap3A_802 = tpu.vector_load %arg9[%swap3A_800, %swap3A_801] {strides = array<i32>} : memref<200x128xf32, #tpu.memory_space<vmem>>, vector<1x16xf32>,
      %swap3A_803 = vector.shape_cast %swap3A_802 : vector<1x16xf32> to vector<16xf32>
      %swap3A_804 = vector.shape_cast %get3A_799 : vector<16xf32> to vector<1x16xf32>
      tpu.vector_store %arg9[%swap3A_800, %swap3A_801], %swap3A_804 {add = true, strides = array<i32>} : memref<200x128xf32, #tpu.memory_space<vmem>>, vector<1x16xf32>,
      %scan3A_805 = arith.constant 0 : i32
      scf.yield %scan3A_805 : i32
    }
    %scan3A_504 = arith.constant 52 : i32
    %add3A_505 = arith.constant 6000 : i32
    %add3A_506 = arith.addi %mul3A_2, %add3A_505 : i32
    %add3A_507 = arith.constant 96 : i32
    %add3A_508 = arith.addi %add3A_506, %add3A_507 : i32
    %dma_wait3A_509 = arith.constant 0 : i32
    %dma_wait3A_510 = tpu.memref_slice %arg5[%add3A_508, %dma_wait3A_509] : memref<204800x128xf32, #tpu.memory_space<hbm>> -> memref<104x128xf32, #tpu.memory_space<hbm>>
    %dma_wait3A_511 = arith.constant 0 : i32
    %dma_wait3A_512 = arith.constant 0 : i32
    %dma_wait3A_513 = tpu.memref_slice %arg11[%arg1, %dma_wait3A_511, %dma_wait3A_512] : memref<16x104x128xf32, #tpu.memory_space<vmem_shared>> -> memref<1x104x128xf32, #tpu.memory_space<vmem_shared>>
    %dma_wait3A_514 = tpu.memref_squeeze %dma_wait3A_513 : memref<1x104x128xf32, #tpu.memory_space<vmem_shared>> -> memref<104x128xf32, #tpu.memory_space<vmem_shared>>
    tpu.wait_dma2 semaphore(%arg19 : memref<!tpu.dma_semaphore, #tpu.memory_space<semaphore_mem>>) src(%dma_wait3A_514 : memref<104x128xf32, #tpu.memory_space<vmem_shared>>) dst(%dma_wait3A_510 : memref<104x128xf32, #tpu.memory_space<hbm>>)
    %dma_start3A_515 = arith.constant 96 : i32
    %dma_start3A_516 = arith.constant 0 : i32
    %dma_start3A_517 = tpu.memref_slice %arg9[%dma_start3A_515, %dma_start3A_516] : memref<200x128xf32, #tpu.memory_space<vmem>> -> memref<104x128xf32, #tpu.memory_space<vmem>>
    %dma_start3A_518 = arith.constant 0 : i32
    %dma_start3A_519 = arith.constant 0 : i32
    %dma_start3A_520 = tpu.memref_slice %arg11[%arg1, %dma_start3A_518, %dma_start3A_519] : memref<16x104x128xf32, #tpu.memory_space<vmem_shared>> -> memref<1x104x128xf32, #tpu.memory_space<vmem_shared>>
    %dma_start3A_521 = tpu.memref_squeeze %dma_start3A_520 : memref<1x104x128xf32, #tpu.memory_space<vmem_shared>> -> memref<104x128xf32, #tpu.memory_space<vmem_shared>>
    %dma_start3A_522 = arith.constant 0 : i32
    %dma_start3A_523 = arith.constant 0 : i32
    %dma_start3A_524 = tpu.memref_slice %arg11[%arg1, %dma_start3A_522, %dma_start3A_523] : memref<16x104x128xf32, #tpu.memory_space<vmem_shared>> -> memref<1x104x128xf32, #tpu.memory_space<vmem_shared>>
    %dma_start3A_525 = tpu.memref_squeeze %dma_start3A_524 : memref<1x104x128xf32, #tpu.memory_space<vmem_shared>> -> memref<104x128xf32, #tpu.memory_space<vmem_shared>>
    %dma_start3A_526 = arith.constant 96 : i32
    %dma_start3A_527 = arith.constant 0 : i32
    %dma_start3A_528 = tpu.memref_slice %arg9[%dma_start3A_526, %dma_start3A_527] : memref<200x128xf32, #tpu.memory_space<vmem>> -> memref<104x128xf32, #tpu.memory_space<vmem>>
    tpu.enqueue_dma source(%dma_start3A_528 : memref<104x128xf32, #tpu.memory_space<vmem>>) target(%dma_start3A_525 : memref<104x128xf32, #tpu.memory_space<vmem_shared>>) target_semaphore(%arg17 : memref<!tpu.dma_semaphore, #tpu.memory_space<semaphore_mem>>)
    %dma_wait3A_529 = arith.constant 0 : i32
    %dma_wait3A_530 = arith.constant 0 : i32
    %dma_wait3A_531 = tpu.memref_slice %arg9[%dma_wait3A_529, %dma_wait3A_530] : memref<200x128xf32, #tpu.memory_space<vmem>> -> memref<96x128xf32, #tpu.memory_space<vmem>>
    %dma_wait3A_532 = arith.constant 0 : i32
    %dma_wait3A_533 = arith.constant 0 : i32
    %dma_wait3A_534 = tpu.memref_slice %arg10[%arg1, %dma_wait3A_532, %dma_wait3A_533] : memref<16x96x128xf32, #tpu.memory_space<vmem_shared>> -> memref<1x96x128xf32, #tpu.memory_space<vmem_shared>>
    %dma_wait3A_535 = tpu.memref_squeeze %dma_wait3A_534 : memref<1x96x128xf32, #tpu.memory_space<vmem_shared>> -> memref<96x128xf32, #tpu.memory_space<vmem_shared>>
    %dma_wait3A_536 = arith.constant 0 : i32
    %dma_wait3A_537 = arith.constant 0 : i32
    %dma_wait3A_538 = tpu.memref_slice %arg10[%arg1, %dma_wait3A_536, %dma_wait3A_537] : memref<16x96x128xf32, #tpu.memory_space<vmem_shared>> -> memref<1x96x128xf32, #tpu.memory_space<vmem_shared>>
    %dma_wait3A_539 = tpu.memref_squeeze %dma_wait3A_538 : memref<1x96x128xf32, #tpu.memory_space<vmem_shared>> -> memref<96x128xf32, #tpu.memory_space<vmem_shared>>
    %dma_wait3A_540 = arith.constant 0 : i32
    %dma_wait3A_541 = arith.constant 0 : i32
    %dma_wait3A_542 = tpu.memref_slice %arg9[%dma_wait3A_540, %dma_wait3A_541] : memref<200x128xf32, #tpu.memory_space<vmem>> -> memref<96x128xf32, #tpu.memory_space<vmem>>
    tpu.wait_dma2 semaphore(%arg16 : memref<!tpu.dma_semaphore, #tpu.memory_space<semaphore_mem>>) src(%dma_wait3A_542 : memref<96x128xf32, #tpu.memory_space<vmem>>) dst(%dma_wait3A_539 : memref<96x128xf32, #tpu.memory_space<vmem_shared>>)
    %add3A_543 = arith.constant 6200 : i32
    %add3A_544 = arith.addi %mul3A_2, %add3A_543 : i32
    %dma_start3A_545 = arith.constant 0 : i32
    %dma_start3A_546 = tpu.memref_slice %arg5[%add3A_544, %dma_start3A_545] : memref<204800x128xf32, #tpu.memory_space<hbm>> -> memref<96x128xf32, #tpu.memory_space<hbm>>
    %dma_start3A_547 = arith.constant 0 : i32
    %dma_start3A_548 = arith.constant 0 : i32
    %dma_start3A_549 = tpu.memref_slice %arg10[%arg1, %dma_start3A_547, %dma_start3A_548] : memref<16x96x128xf32, #tpu.memory_space<vmem_shared>> -> memref<1x96x128xf32, #tpu.memory_space<vmem_shared>>
    %dma_start3A_550 = tpu.memref_squeeze %dma_start3A_549 : memref<1x96x128xf32, #tpu.memory_space<vmem_shared>> -> memref<96x128xf32, #tpu.memory_space<vmem_shared>>
    tpu.enqueue_dma source(%dma_start3A_550 : memref<96x128xf32, #tpu.memory_space<vmem_shared>>) target(%dma_start3A_546 : memref<96x128xf32, #tpu.memory_space<hbm>>) target_semaphore(%arg18 : memref<!tpu.dma_semaphore, #tpu.memory_space<semaphore_mem>>)
    %dma_wait3A_551 = arith.constant 96 : i32
    %dma_wait3A_552 = arith.constant 0 : i32
    %dma_wait3A_553 = tpu.memref_slice %arg9[%dma_wait3A_551, %dma_wait3A_552] : memref<200x128xf32, #tpu.memory_space<vmem>> -> memref<104x128xf32, #tpu.memory_space<vmem>>
    %dma_wait3A_554 = arith.constant 0 : i32
    %dma_wait3A_555 = arith.constant 0 : i32
    %dma_wait3A_556 = tpu.memref_slice %arg11[%arg1, %dma_wait3A_554, %dma_wait3A_555] : memref<16x104x128xf32, #tpu.memory_space<vmem_shared>> -> memref<1x104x128xf32, #tpu.memory_space<vmem_shared>>
    %dma_wait3A_557 = tpu.memref_squeeze %dma_wait3A_556 : memref<1x104x128xf32, #tpu.memory_space<vmem_shared>> -> memref<104x128xf32, #tpu.memory_space<vmem_shared>>
    %dma_wait3A_558 = arith.constant 0 : i32
    %dma_wait3A_559 = arith.constant 0 : i32
    %dma_wait3A_560 = tpu.memref_slice %arg11[%arg1, %dma_wait3A_558, %dma_wait3A_559] : memref<16x104x128xf32, #tpu.memory_space<vmem_shared>> -> memref<1x104x128xf32, #tpu.memory_space<vmem_shared>>
    %dma_wait3A_561 = tpu.memref_squeeze %dma_wait3A_560 : memref<1x104x128xf32, #tpu.memory_space<vmem_shared>> -> memref<104x128xf32, #tpu.memory_space<vmem_shared>>
    %dma_wait3A_562 = arith.constant 96 : i32
    %dma_wait3A_563 = arith.constant 0 : i32
    %dma_wait3A_564 = tpu.memref_slice %arg9[%dma_wait3A_562, %dma_wait3A_563] : memref<200x128xf32, #tpu.memory_space<vmem>> -> memref<104x128xf32, #tpu.memory_space<vmem>>
    tpu.wait_dma2 semaphore(%arg17 : memref<!tpu.dma_semaphore, #tpu.memory_space<semaphore_mem>>) src(%dma_wait3A_564 : memref<104x128xf32, #tpu.memory_space<vmem>>) dst(%dma_wait3A_561 : memref<104x128xf32, #tpu.memory_space<vmem_shared>>)
    %add3A_565 = arith.constant 6200 : i32
    %add3A_566 = arith.addi %mul3A_2, %add3A_565 : i32
    %add3A_567 = arith.constant 96 : i32
    %add3A_568 = arith.addi %add3A_566, %add3A_567 : i32
    %dma_start3A_569 = arith.constant 0 : i32
    %dma_start3A_570 = tpu.memref_slice %arg5[%add3A_568, %dma_start3A_569] : memref<204800x128xf32, #tpu.memory_space<hbm>> -> memref<104x128xf32, #tpu.memory_space<hbm>>
    %dma_start3A_571 = arith.constant 0 : i32
    %dma_start3A_572 = arith.constant 0 : i32
    %dma_start3A_573 = tpu.memref_slice %arg11[%arg1, %dma_start3A_571, %dma_start3A_572] : memref<16x104x128xf32, #tpu.memory_space<vmem_shared>> -> memref<1x104x128xf32, #tpu.memory_space<vmem_shared>>
    %dma_start3A_574 = tpu.memref_squeeze %dma_start3A_573 : memref<1x104x128xf32, #tpu.memory_space<vmem_shared>> -> memref<104x128xf32, #tpu.memory_space<vmem_shared>>
    tpu.enqueue_dma source(%dma_start3A_574 : memref<104x128xf32, #tpu.memory_space<vmem_shared>>) target(%dma_start3A_570 : memref<104x128xf32, #tpu.memory_space<hbm>>) target_semaphore(%arg19 : memref<!tpu.dma_semaphore, #tpu.memory_space<semaphore_mem>>)
    %add3A_575 = arith.constant 6200 : i32
    %add3A_576 = arith.addi %mul3A_2, %add3A_575 : i32
    %dma_wait3A_577 = arith.constant 0 : i32
    %dma_wait3A_578 = tpu.memref_slice %arg5[%add3A_576, %dma_wait3A_577] : memref<204800x128xf32, #tpu.memory_space<hbm>> -> memref<96x128xf32, #tpu.memory_space<hbm>>
    %dma_wait3A_579 = arith.constant 0 : i32
    %dma_wait3A_580 = arith.constant 0 : i32
    %dma_wait3A_581 = tpu.memref_slice %arg10[%arg1, %dma_wait3A_579, %dma_wait3A_580] : memref<16x96x128xf32, #tpu.memory_space<vmem_shared>> -> memref<1x96x128xf32, #tpu.memory_space<vmem_shared>>
    %dma_wait3A_582 = tpu.memref_squeeze %dma_wait3A_581 : memref<1x96x128xf32, #tpu.memory_space<vmem_shared>> -> memref<96x128xf32, #tpu.memory_space<vmem_shared>>
    tpu.wait_dma2 semaphore(%arg18 : memref<!tpu.dma_semaphore, #tpu.memory_space<semaphore_mem>>) src(%dma_wait3A_582 : memref<96x128xf32, #tpu.memory_space<vmem_shared>>) dst(%dma_wait3A_578 : memref<96x128xf32, #tpu.memory_space<hbm>>)
    %add3A_583 = arith.constant 6200 : i32
    %add3A_584 = arith.addi %mul3A_2, %add3A_583 : i32
    %add3A_585 = arith.constant 96 : i32
    %add3A_586 = arith.addi %add3A_584, %add3A_585 : i32
    %dma_wait3A_587 = arith.constant 0 : i32
    %dma_wait3A_588 = tpu.memref_slice %arg5[%add3A_586, %dma_wait3A_587] : memref<204800x128xf32, #tpu.memory_space<hbm>> -> memref<104x128xf32, #tpu.memory_space<hbm>>
    %dma_wait3A_589 = arith.constant 0 : i32
    %dma_wait3A_590 = arith.constant 0 : i32
    %dma_wait3A_591 = tpu.memref_slice %arg11[%arg1, %dma_wait3A_589, %dma_wait3A_590] : memref<16x104x128xf32, #tpu.memory_space<vmem_shared>> -> memref<1x104x128xf32, #tpu.memory_space<vmem_shared>>
    %dma_wait3A_592 = tpu.memref_squeeze %dma_wait3A_591 : memref<1x104x128xf32, #tpu.memory_space<vmem_shared>> -> memref<104x128xf32, #tpu.memory_space<vmem_shared>>
    tpu.wait_dma2 semaphore(%arg19 : memref<!tpu.dma_semaphore, #tpu.memory_space<semaphore_mem>>) src(%dma_wait3A_592 : memref<104x128xf32, #tpu.memory_space<vmem_shared>>) dst(%dma_wait3A_588 : memref<104x128xf32, #tpu.memory_space<hbm>>)
    return
  }
}

</mosaic_0001>

<sc_bundles>
// kernel: _run.3.cloned.1.call-start
scs
__scs_entry_jumppad:
0x0: {  	(pc) =	sbr.rel $0x88, $3  }
0x1: {  	(tag) =	ssettag $0x0;
	lr =	simm.s32 $0x1  }
0x2: {  	[smem:$0x3F9E] =	sst lr;
	_ =	strace $0xD0000000  }
0x3: {  	_ = 	snop  }
0x4: {  	_ = 	snop  }
0x5: {  	_ = 	snop  }
0x6: {  	_ = 	snop  }
0x7: {  	_ = 	snop  }
__scs_overlays_trampoline_lowered:
0x8: {  	[smem:$0x3FAD] =	sst s0  }
0x9: {  	[smem:$0x3FAE] =	sst s1  }
0xa: {  	[smem:$0x3FAF] =	sst s2  }
0xb: {  	[smem:$0x3FB0] =	sst s3  }
0xc: {  	[smem:$0x3FB1] =	sst s4  }
0xd: {  	[smem:$0x3FB2] =	sst s5  }
0xe: {  	[smem:$0x3FB3] =	sst s6  }
0xf: {  	[smem:$0x3FB4] =	sst s7  }
0x10: {  	[smem:$0x3FB5] =	sst s8  }
0x11: {  	[smem:$0x3FB6] =	sst s9;
	s0 =	simm.s32 @!p0 $0x0  }
0x12: {  	s1 =	sld [smem:$0x3F9C];
	s0 =	simm.s32 @p0 $0x1  }
0x13: {  	[smem:$0x3FB7] =	sst s0;
	s0 =	simm.s32 @!p1 $0x0  }
0x14: {  	s2 =	sld [smem:$0x3F9B];
	s0 =	simm.s32 @p1 $0x1  }
0x15: {  	[smem:$0x3FB8] =	sst s0;
	s0 =	simm.s32 @!p2 $0x0  }
0x16: {  	s3 =	sld [smem:$0x3FDB];
	s0 =	simm.s32 @p2 $0x1  }
0x17: {  	s4 =	simm.s32 $0x1BF5;
	[smem:$0x3FBA] =	sst s0  }
0x18: {  	s0 =	sld [smem:$0x3F9D];
	_ =	swait.ge [sflag:s4], $0x0  }
0x19: {  	s7 =	sld [smem:$0x3F9E]  }
0x1a: {  	s8 =	sadd.s32 $0xFFFFE003, lr  }
0x1b: {  	s9 =	sadd.s32 $0xFFFFFEF7, lr;
	s5 =	simm.s32 $0xFFFFFFFF;
	p2 =	slt.u32 s8, $0xFFFFF086  }
0x1c: {  	p1 =	slt.u32 s9, $0xF7A;
	s5 =	simm.s32 @!p2 $0x0  }
0x1d: {  	s5 =	simm.s32 @p1 $0x1;
	p0 =	seq.s32 s7, s2  }
0x1e: {  	s7 =	smul.u32 @!p0 $0xF7A, s2;
	p2 =	seq.s32 @!p0 s5, $0x0  }
0x1f: {  	s9 =	smul.u32 $0xF7A, s1;
	s8 =	simm.s32 @!p0 $0x1BF5;
	p2 =	por !p2, p0  }
0x20: {  	[sflag:s8] =	ssyncset.s32 @!p0 $0xFFFFF086;
	s6 =	sadd.s32 @!p0 s3, s7;
	s7 =	simm.s32 @!p0 $0x108  }
0x21: {  	s3 =	sadd.s32 s3, s9;
	s6 =	sadd.s32 @!p0 $0x88, s6;
	s7 =	simm.s32 @p2 $0x1082  }
0x22: {  	[simem:s7], [sflag:s8] =	dma.local @!p0 [hbm:s6], $0xF7A  }
0x23: {  	s9 =	sor.u32 $0xD0000000, s2;
	s6 =	simm.s32 $0x108;
	_ =	swait.ge @!p0 [sflag:s8], $0x0  }
0x24: {  	s3 =	sadd.s32 $0x88, s3;
	s6 =	simm.s32 @!p1 $0x1082;
	[sflag:s4] =	ssyncset.s32 $0xFFFFF086  }
0x25: {  	[simem:s6], [sflag:s4] =	dma.local [hbm:s3], $0xF7A  }
0x26: {  	[smem:$0x3F9E] =	sst s1;
	(tag) =	ssettag s2;
	_ =	strace s9  }
0x27: {  	s1 =	sld [smem:$0x3FAE]  }
0x28: {  	s2 =	sld [smem:$0x3FAF]  }
0x29: {  	s4 =	sld [smem:$0x3FB1]  }
0x2a: {  	p0 =	seq.s32 s5, $0x0;
	s5 =	sld [smem:$0x3FB2]  }
0x2b: {  	s6 =	sld [smem:$0x3FB3]  }
0x2c: {  	s7 =	sld [smem:$0x3FB4]  }
0x2d: {  	s3 =	simm.s32 $0x108;
	s8 =	sld [smem:$0x3FB5]  }
0x2e: {  	s3 =	simm.s32 @!p0 $0x1082;
	s9 =	sld [smem:$0x3FB6]  }
0x2f: {  	lr =	sadd.s32 s0, s3;
	s0 =	sld [smem:$0x3FAD]  }
0x30: {  	s3 =	sld [smem:$0x3FB0]  }
0x31: {  	[smem:$0x3FB9] =	sst s10  }
0x32: {  	s10 =	sld [smem:$0x3FB7];
	_ =	sdelay $0x3  }
0x33: {  	p0 =	seq.s32 s10, $0x1;
	s10 =	sld [smem:$0x3FB9];
	_ =	sdelay $0x3  }
0x34: {  	[smem:$0x3FB9] =	sst s10  }
0x35: {  	s10 =	sld [smem:$0x3FB8];
	_ =	sdelay $0x3  }
0x36: {  	p1 =	seq.s32 s10, $0x1;
	s10 =	sld [smem:$0x3FB9];
	_ =	sdelay $0x3  }
0x37: {  	[smem:$0x3FB9] =	sst s10  }
0x38: {  	s10 =	sld [smem:$0x3FBA]  }
0x39: {  	_ = 	snop;
	(pc) =	sbr.ind lr, $3  }
0x3a: {  	_ = 	snop  }
0x3b: {  	_ = 	snop  }
0x3c: {  	p2 =	seq.s32 s10, $0x1;
	s10 =	sld [smem:$0x3FB9]  }
0x3d: {  	_ =	shalt  }
0x3e: {  	_ =	shalt  }
0x3f: {  	_ =	shalt  }
0x40: {  	_ =	shalt  }
0x41: {  	_ =	shalt  }
0x42: {  	_ =	shalt  }
0x43: {  	_ =	shalt  }
0x44: {  	_ =	shalt  }
0x45: {  	_ =	shalt  }
0x46: {  	_ =	shalt  }
0x47: {  	_ =	shalt  }
0x48: {  	_ =	shalt  }
0x49: {  	_ =	shalt  }
0x4a: {  	_ =	shalt  }
0x4b: {  	_ =	shalt  }
0x4c: {  	_ =	shalt  }
0x4d: {  	_ =	shalt  }
0x4e: {  	_ =	shalt  }
0x4f: {  	_ =	shalt  }
0x50: {  	_ =	shalt  }
0x51: {  	_ =	shalt  }
0x52: {  	_ =	shalt  }
0x53: {  	_ =	shalt  }
0x54: {  	_ =	shalt  }
0x55: {  	_ =	shalt  }
0x56: {  	_ =	shalt  }
0x57: {  	_ =	shalt  }
0x58: {  	_ =	shalt  }
0x59: {  	_ =	shalt  }
0x5a: {  	_ =	shalt  }
0x5b: {  	_ =	shalt  }
0x5c: {  	_ =	shalt  }
0x5d: {  	_ =	shalt  }
0x5e: {  	_ =	shalt  }
0x5f: {  	_ =	shalt  }
0x60: {  	_ =	shalt  }
0x61: {  	_ =	shalt  }
0x62: {  	_ =	shalt  }
0x63: {  	_ =	shalt  }
0x64: {  	_ =	shalt  }
0x65: {  	_ =	shalt  }
0x66: {  	_ =	shalt  }
0x67: {  	_ =	shalt  }
0x68: {  	_ =	shalt  }
0x69: {  	_ =	shalt  }
0x6a: {  	_ =	shalt  }
0x6b: {  	_ =	shalt  }
0x6c: {  	_ =	shalt  }
0x6d: {  	_ =	shalt  }
0x6e: {  	_ =	shalt  }
0x6f: {  	_ =	shalt  }
0x70: {  	_ =	shalt  }
0x71: {  	_ =	shalt  }
0x72: {  	_ =	shalt  }
0x73: {  	_ =	shalt  }
0x74: {  	_ =	shalt  }
0x75: {  	_ =	shalt  }
0x76: {  	_ =	shalt  }
0x77: {  	_ =	shalt  }
0x78: {  	_ =	shalt  }
0x79: {  	_ =	shalt  }
0x7a: {  	_ =	shalt  }
0x7b: {  	_ =	shalt  }
0x7c: {  	_ =	shalt  }
0x7d: {  	_ =	shalt  }
0x7e: {  	_ =	shalt  }
0x7f: {  	_ =	shalt  }
0x80: {  	_ =	shalt  }
0x81: {  	_ =	shalt  }
0x82: {  	_ =	shalt  }
0x83: {  	_ =	shalt  }
0x84: {  	_ =	shalt  }
0x85: {  	_ =	shalt  }
0x86: {  	_ =	shalt  }
0x87: {  	_ =	shalt  }
.Lfunc_end0:
.L_simem_size_0:
called_computation_lowered:
.L_overlay_start_0:
0x88: {  	s2 =	sld [smem:$0x3FD9]  }
0x89: {  	s3 =	sld [smem:$0x3FFE];
	_ =	sdelay $0x1  }
0x8a: {  	s1 =	srdreg.scid  }
0x8b: {  	s0 =	sand.u32 $0x1, s1  }
0x8c: {  	s17 =	sshll.u32 s0, $0xA;
	s2 =	sadd.s32 s3, s2  }
0x8d: {  	s2 =	sadd.s32 s2, s17  }
0x8e: {  	[smem:$0x3FC5] =	sst s2  }
0x8f: {  	_ = 	snop  }
0x90: {  	s2 =	sld [smem:$0x3FC8]  }
0x91: {  	s18 =	sld [smem:$0x3FC7]  }
0x92: {  	s4 =	sld [smem:$0x3FD0];
	(tm) =	ssettm $0x1  }
0x93: {  	s5 =	sld [smem:$0x3FFB];
	_ =	sdelay $0x3  }
0x94: {  	_ =	strace s5  }
0x95: {  	s5 =	sld [smem:$0x3FFC];
	_ =	sdelay $0x3  }
0x96: {  	_ =	strace s5  }
0x97: {  	s5 =	sld [smem:$0x3FFD];
	_ =	sdelay $0x3  }
0x98: {  	_ =	strace s5  }
0x99: {  	_ =	strace $0x8FFFFFFF  }
0x9a: {  	s19 =	sld [smem:$0x3FDB];
	_ =	sdelay $0x1  }
0x9b: {  	s6 =	simm.s32 $_scs_section_size  }
0x9c: {  	s7 =	simm.s32 $_size__tile_overlayer_lowered;
	s8 =	simm.s32 $_tile_overlayer_lowered  }
0x9d: {  	s22 =	simm.s32 $0x1BFF;
	s21 =	sshll.u32 s8, $0x1;
	s5 =	sadd.s32 s6, s19  }
0x9e: {  	s9 =	simm.s32 $0x0;
	s20 =	sshll.u32 s7, $0x1;
	s7 =	sadd.s32 s21, s5  }
0x9f: {  	[timem:s9], [sflag:s22] =	dma.local [hbm:s7], s20  }
0xa0: {  	_ =	swait.ge [sflag:s22], s20  }
0xa1: {  	s6 =	ssub.s32 $0x0, s20;
	[sflag:s22] =	ssyncset.done $0x0  }
0xa2: {  	[sflag:s22] =	ssyncadd.s32 s6;
	_ =	sdelay $0x1  }
0xa3: {  	s23 =	simm.s32 $0x1B8B  }
0xa4: {  	_ =	swait.ge [sflag:s23], $0x1  }
0xa5: {  	[sflag:s23] =	ssyncset.done $0x0  }
0xa6: {  	s25 =	simm.s32 $0x1B8E;
	s24 =	sld [smem:$0x3FFE];
	[sflag:s23] =	ssyncadd.s32 $0xFFFFFFFF  }
0xa7: {  	s26 =	simm.s32 $execute0_lowered;
	[smem:$0x3FD2] =	sst s25  }
0xa8: {  	s7 =	sshll.u32 s26, $0x1;
	_ =	strace $0x80000046;
	[dreg:$0x1] =	wrdreg $0xFFFFFFFF  }
0xa9: {  	s28 =	simm.s32 $_size_execute0_lowered;
	s5 =	sadd.s32 s5, s7;
	[dreg:$0x0] =	wrdreg $0x0  }
0xaa: {  	s7 =	sshll.u32 s28, $0x1;
	[dreg:$0x2] =	wrdreg s5  }
0xab: {  	[dreg:$0x3] =	wrdreg s7  }
0xac: {  	[dreg:$0x4] =	wrdreg $0xC0  }
0xad: {  	_ =	task [dreg:s9], $0x5FFFF  }
0xae: {  	[dreg:$0x1] =	wrdreg $0xFFFFFFFF  }
0xaf: {  	[dreg:$0x0] =	wrdreg $0x60  }
0xb0: {  	[dreg:$0x2] =	wrdreg s2  }
0xb1: {  	[dreg:$0x3] =	wrdreg s24  }
0xb2: {  	[dreg:$0x4] =	wrdreg s18  }
0xb3: {  	[dreg:$0x5] =	wrdreg s4  }
0xb4: {  	[dreg:$0x6] =	wrdreg $0x14C000  }
0xb5: {  	[dreg:$0x7] =	wrdreg $0x17C000  }
0xb6: {  	[dreg:$0x8] =	wrdreg $0x9  }
0xb7: {  	_ =	task.clear_ibuf [dreg:s9], $0x9FFFF;
	_ =	strace $0x90000046  }
0xb8: {  	s29 =	simm.s32 $0x9;
	_ =	strace $0x80000048  }
0xb9: {  	_ =	swait.ge [sflag:s29], $0x1  }
0xba: {  	[sflag:s29] =	ssyncadd.s32 $0xFFFFFFFF  }
0xbb: {  	_ =	strace $0x90000048  }
0xbc: {  	_ =	sfence  }
0xbd: {  	s30 =	sld [smem:$0x0];
	_ =	sdelay $0x2  }
0xbe: {  	s31 =	sshll.u32 s1, $0xD;
	s1 =	sshrl.u32 s1, $0x2  }
0xbf: {  	s3 =	sand.u32 $0x4000, s31;
	s1 =	sadd.s32 s1, s30  }
0xc0: {  	s0 =	sor.u32 s3, s0;
	s1 =	sshll.u32 s1, $0x11  }
0xc1: {  	s0 =	sor.u32 s1, s0  }
0xc2: {  	s0 =	sadd.s32 $0x8F2B, s0  }
0xc3: {  	[sflag:s0] =	ssyncadd.remote.s32 $0x1  }
0xc4: {  	_ =	sfence.sel $0xFFFF  }
0xc5: {  	[dreg:$0x0] =	wrdreg $0xFFFFFFFF;
	(pc) =	sbr.abs _section_cstart, $3  }
0xc6: {  	[dreg:$0x1] =	wrdreg $0xFFFFFFFF  }
0xc7: {  	_ =	task.clear_ibuf [dreg:s9], $0x2FFFF;
	_ =	strace $0x9FFFFFFF  }
0xc8: {  	(tm) =	ssettm $0x7FFFFFFF  }
0xc9: {  	_ =	shalt  }
tec
execute0_lowered:
.L_overlay_start_1:
0x0: {  	(tag) =	ssettag $0x1  }
0x1: {  	s0 =	rddreg [dreg:$0x0]  }
0x2: {  	s1 =	rddreg [dreg:$0x1]  }
0x3: {  	s3 =	rddreg [dreg:$0x3]  }
0x4: {  	s2 =	rddreg [dreg:$0x4];
	s4 =	srdreg.scid  }
0x5: {  	s11 =	stileid.u32;
	s5 =	rddreg [dreg:$0x5];
	s7 =	simm.s32 $0x0  }
0x6: {  	s28 =	simm.s32 $0xE800;
	s30 =	simm.s32 $0x11A00;
	s29 =	simm.s32 $0x6  }
0x7: {  	s31 =	simm.s32 $0x3;
	s14 =	simm.s32 $0x0;
	s4 =	sand.u32 $0x1, s4  }
0x8: {  	s6 =	sshll.u32 s11, $0x1;
	[smem:$0x7FF] =	sst s7;
	s16 =	smul.u32 $0xC000, s11  }
0x9: {  	s11 =	smul.u32 $0xD000, s11;
	s6 =	sor.u32 s4, s6;
	_ =	strace $0x80000047  }
0xa: {  	s4 =	ssub.s32 $0x2, s4;
	s9 =	smul.u32 $0x1900, s6;
	s8 =	sshll.u32 s6, $0xA  }
0xb: {  	s10 =	sshrl.u32 s4, $0x1;
	s12 =	smul.u32 $0x19000, s6;
	s7 =	sshrl.u32 s16, $0x2  }
0xc: {  	s17 =	sshrl.u32 s11, $0x2;
	s6 =	smul.u32 $0xC8000, s6;
	s11 =	simm.s32 $0x11800  }
0xd: {  	s1 =	sadd.s32 s8, s1;
	s4 =	ssub.s32 s4, s10;
	s7 =	sadd.s32 s7, s2  }
0xe: {  	s8 =	sadd.s32 s17, s5;
	s10 =	sadd.s32 $0x600, s3;
	s1 =	sadd.s32 $0x400, s1  }
0xf: {  	s2 =	simm.s32 $0x2;
	s18 =	sadd.s32 s3, s12;
	[dreg:$0x7] =	wrdreg s1  }
0x10: {  	s19 =	sshrl.u32 s6, $0x3;
	s20 =	sadd.s32 s12, s10;
	[dreg:$0x8] =	wrdreg s18  }
0x11: {  	s26 =	smax.u32 s4, $0x1;
	[dreg:$0x9] =	wrdreg s20;
	s1 =	sadd.s32 s3, s19  }
0x12: {  	s12 =	sor.u32 $0xC8, s9;
	[dreg:$0x10] =	wrdreg s26;
	s21 =	sadd.s32 $0x16A80, s1  }
0x13: {  	s13 =	sadd.s32 $0x190, s9;
	s22 =	sadd.s32 $0x17080, s1;
	[dreg:$0xa] =	wrdreg s21  }
0x14: {  	s4 =	simm.s32 $0x1;
	s23 =	sadd.s32 $0x17700, s1;
	[dreg:$0xb] =	wrdreg s22  }
0x15: {  	s6 =	simm.s32 $0x4;
	s24 =	sadd.s32 $0x17D00, s1;
	[dreg:$0xc] =	wrdreg s23  }
0x16: {  	s9 =	simm.s32 $0x8;
	s25 =	sadd.s32 $0x18380, s1;
	[dreg:$0xd] =	wrdreg s24  }
0x17: {  	s26 =	simm.s32 $0x5;
	s1 =	sadd.s32 $0x18980, s1;
	[dreg:$0xe] =	wrdreg s25  }
0x18: {  	[dreg:$0xf] =	wrdreg s1;
	s22 =	simm.s32 $0x64;
	s23 =	simm.s32 $0x8400  }
0x19: {  	s25 =	simm.s32 $0xB600;
	s24 =	simm.s32 $0xB400;
	s1 =	simm.s32 $0x7  }
.LBB2_1:
0x1a: {  	[dreg:$0x11] =	wrdreg s14  }
0x1b: {  	s17 =	simm.s32 $0x0;
	s5 =	rddreg [dreg:$0x7];
	s15 =	simm.s32 $0x9  }
0x1c: {  	[tilespmem:s17], [sflag:$0x9] =	stream.linear.gather [hbm4b:s5+s17], $0x2000, $0x38;
	[tilespmem:$0x1B000] =	vst v63  }
0x1d: {  	_ =	swait.ge [sflag:s15], $0x2000  }
0x1e: {  	[sflag:s15] =	ssyncset.done $0x0  }
0x1f: {  	[sflag:s15] =	ssyncadd.s32 $0xFFFFE000  }
0x20: {  	[tilespmem:s23], [sflag:$0x1] =	stream.indirect.gather [hbm4b:s0+s22], $0x80, s17, s22, $0xb8;
	[tilespmem:$0x1B000] =	vst v63  }
0x21: {  	s18 =	simm.s32 $0x80  }
0x22: {  	[tilespmem:s25], [sflag:$0x2] =	stream.indirect.gather [hbm4b:s0+s22], $0x80, s18, s22, $0xb8;
	[tilespmem:$0x1B000] =	vst v63  }
0x23: {  	s19 =	simm.s32 $0x100  }
0x24: {  	[tilespmem:s28], [sflag:$0x3] =	stream.indirect.gather [hbm4b:s0+s22], $0x80, s19, s22, $0xb8;
	[tilespmem:$0x1B000] =	vst v63  }
0x25: {  	s20 =	simm.s32 $0x180  }
0x26: {  	[tilespmem:s30], [sflag:$0x4] =	stream.indirect.gather [hbm4b:s0+s22], $0x80, s20, s22, $0xb8;
	[tilespmem:$0x1B000] =	vst v63  }
0x27: {  	s16 =	simm.s32 $0x2000;
	s21 =	rddreg [dreg:$0x2]  }
0x28: {  	[tilespmem:s16], [sflag:$0x9] =	stream.linear.gather [hbm4b:s21+s17], $0x6400, $0x38;
	[tilespmem:$0x1B000] =	vst v63  }
0x29: {  	_ =	swait.ge [sflag:s15], $0x6400  }
0x2a: {  	[sflag:s15] =	ssyncset.done $0x0  }
0x2b: {  	[sflag:s15] =	ssyncadd.s32 $0xFFFF9C00  }
0x2c: {  	_ =	swait.ge [sflag:s4], $0x3200  }
0x2d: {  	[sflag:s4] =	ssyncset.done $0x0  }
0x2e: {  	s5 =	simm.s32 $0x0;
	s15 =	simm.s32 $0x400;
	[sflag:s4] =	ssyncadd.s32 $0xFFFFCE00  }
.LBB2_2:
0x2f: {  	p0 =	sne.s32 s15, $0xBC00;
	v0 =	vld [tilespmem:s5+$0x20F0]  }
0x30: {  	v1 =	vld [tilespmem:s5+$0x2000]  }
0x31: {  	v2 =	vld [tilespmem:s5+$0x2010]  }
0x32: {  	v3 =	vld [tilespmem:s5+$0x2020]  }
0x33: {  	v4 =	vld [tilespmem:s5+$0x2030]  }
0x34: {  	[tilespmem:s5+$0x84F0] =	vst.add.f32.msk $0xffff, v0  }
0x35: {  	v0 =	vld [tilespmem:s5+$0x2040]  }
0x36: {  	v5 =	vld [tilespmem:s5+$0x2050]  }
0x37: {  	v6 =	vld [tilespmem:s5+$0x2060]  }
0x38: {  	v7 =	vld [tilespmem:s5+$0x2070]  }
0x39: {  	v8 =	vld [tilespmem:s5+$0x2080]  }
0x3a: {  	v9 =	vld [tilespmem:s5+$0x2090]  }
0x3b: {  	v10 =	vld [tilespmem:s5+$0x20A0]  }
0x3c: {  	v11 =	vld [tilespmem:s5+$0x20B0]  }
0x3d: {  	v12 =	vld [tilespmem:s5+$0x20C0]  }
0x3e: {  	v13 =	vld [tilespmem:s5+$0x20D0]  }
0x3f: {  	v14 =	vld [tilespmem:s5+$0x20E0]  }
0x40: {  	[tilespmem:s5+$0x8400] =	vst.add.f32.msk $0xffff, v1  }
0x41: {  	[tilespmem:s5+$0x8410] =	vst.add.f32.msk $0xffff, v2  }
0x42: {  	[tilespmem:s5+$0x8420] =	vst.add.f32.msk $0xffff, v3  }
0x43: {  	[tilespmem:s5+$0x8430] =	vst.add.f32.msk $0xffff, v4  }
0x44: {  	[tilespmem:s5+$0x8440] =	vst.add.f32.msk $0xffff, v0  }
0x45: {  	[tilespmem:s5+$0x8450] =	vst.add.f32.msk $0xffff, v5  }
0x46: {  	[tilespmem:s5+$0x8460] =	vst.add.f32.msk $0xffff, v6  }
0x47: {  	[tilespmem:s5+$0x8470] =	vst.add.f32.msk $0xffff, v7  }
0x48: {  	[tilespmem:s5+$0x8480] =	vst.add.f32.msk $0xffff, v8  }
0x49: {  	[tilespmem:s5+$0x8490] =	vst.add.f32.msk $0xffff, v9  }
.Ltmp0:
0x4a: {  	[tilespmem:s5+$0x84A0] =	vst.add.f32.msk $0xffff, v10;
	(pc) =	sbr.rel @p0 .LBB2_2-.Ltmp0, $4  }
0x4b: {  	[tilespmem:s5+$0x84B0] =	vst.add.f32.msk $0xffff, v11  }
0x4c: {  	[tilespmem:s5+$0x84C0] =	vst.add.f32.msk $0xffff, v12  }
0x4d: {  	[tilespmem:s5+$0x84D0] =	vst.add.f32.msk $0xffff, v13  }
0x4e: {  	[tilespmem:s5+$0x84E0] =	vst.add.f32.msk $0xffff, v14;
	s5 =	sshra.s32 s15, $0x2;
	s15 =	sadd.s32 $0x400, s15  }
0x4f: {  	v0 =	vld [tilespmem:s5+$0x20F0]  }
0x50: {  	v1 =	vld [tilespmem:s5+$0x2000]  }
0x51: {  	v2 =	vld [tilespmem:s5+$0x2010]  }
0x52: {  	v3 =	vld [tilespmem:s5+$0x2020]  }
0x53: {  	v4 =	vld [tilespmem:s5+$0x2030]  }
0x54: {  	v63 =	vld [tilespmem:s5+$0x2040]  }
0x55: {  	v5 =	vld [tilespmem:s5+$0x2050]  }
0x56: {  	v6 =	vld [tilespmem:s5+$0x2060]  }
0x57: {  	v7 =	vld [tilespmem:s5+$0x2070]  }
0x58: {  	v8 =	vld [tilespmem:s5+$0x2080]  }
0x59: {  	v9 =	vld [tilespmem:s5+$0x2090]  }
0x5a: {  	v10 =	vld [tilespmem:s5+$0x20A0]  }
0x5b: {  	v11 =	vld [tilespmem:s5+$0x20B0]  }
0x5c: {  	v12 =	vld [tilespmem:s5+$0x20C0]  }
0x5d: {  	v13 =	vld [tilespmem:s5+$0x20D0]  }
0x5e: {  	v14 =	vld [tilespmem:s5+$0x20E0]  }
0x5f: {  	[tilespmem:s5+$0x84F0] =	vst.add.f32.msk $0xffff, v0  }
0x60: {  	[tilespmem:s5+$0x8400] =	vst.add.f32.msk $0xffff, v1  }
0x61: {  	[tilespmem:s5+$0x8410] =	vst.add.f32.msk $0xffff, v2  }
0x62: {  	[tilespmem:s5+$0x8420] =	vst.add.f32.msk $0xffff, v3  }
0x63: {  	[tilespmem:s5+$0x8430] =	vst.add.f32.msk $0xffff, v4  }
0x64: {  	[tilespmem:s5+$0x8440] =	vst.add.f32.msk $0xffff, v63  }
0x65: {  	[tilespmem:s5+$0x8450] =	vst.add.f32.msk $0xffff, v5  }
0x66: {  	[tilespmem:s5+$0x8460] =	vst.add.f32.msk $0xffff, v6  }
0x67: {  	[tilespmem:s5+$0x8470] =	vst.add.f32.msk $0xffff, v7  }
0x68: {  	[tilespmem:s5+$0x8480] =	vst.add.f32.msk $0xffff, v8  }
0x69: {  	[tilespmem:s5+$0x8490] =	vst.add.f32.msk $0xffff, v9  }
0x6a: {  	[tilespmem:s5+$0x84A0] =	vst.add.f32.msk $0xffff, v10  }
0x6b: {  	[tilespmem:s5+$0x84B0] =	vst.add.f32.msk $0xffff, v11  }
0x6c: {  	[tilespmem:s5+$0x84C0] =	vst.add.f32.msk $0xffff, v12  }
0x6d: {  	[tilespmem:s5+$0x84D0] =	vst.add.f32.msk $0xffff, v13  }
0x6e: {  	[tilespmem:s5+$0x84E0] =	vst.add.f32.msk $0xffff, v14  }
0x6f: {  	[spmem:s7] =	stream.linear.scatter [tilespmem:s23], [sflag:$0x5], $0x3000, $0x38;
	[tilespmem:$0x1B000] =	vst v63  }
0x70: {  	_ =	swait.ge [sflag:s2], $0x3200  }
0x71: {  	[sflag:s2] =	ssyncset.done $0x0  }
0x72: {  	s15 =	simm.s32 $0x400;
	s5 =	simm.s32 $0x0;
	[sflag:s2] =	ssyncadd.s32 $0xFFFFCE00  }
.LBB2_4:
0x73: {  	p0 =	sne.s32 s15, $0xCC00;
	v0 =	vld [tilespmem:s5+$0x50F0]  }
0x74: {  	v1 =	vld [tilespmem:s5+$0x5000]  }
0x75: {  	v2 =	vld [tilespmem:s5+$0x5010]  }
0x76: {  	v3 =	vld [tilespmem:s5+$0x5020]  }
0x77: {  	v4 =	vld [tilespmem:s5+$0x5030]  }
0x78: {  	[tilespmem:s5+$0xB4F0] =	vst.add.f32.msk $0xffff, v0  }
0x79: {  	v0 =	vld [tilespmem:s5+$0x5040]  }
0x7a: {  	v5 =	vld [tilespmem:s5+$0x5050]  }
0x7b: {  	v6 =	vld [tilespmem:s5+$0x5060]  }
0x7c: {  	v7 =	vld [tilespmem:s5+$0x5070]  }
0x7d: {  	v8 =	vld [tilespmem:s5+$0x5080]  }
0x7e: {  	v9 =	vld [tilespmem:s5+$0x5090]  }
0x7f: {  	v10 =	vld [tilespmem:s5+$0x50A0]  }
0x80: {  	v11 =	vld [tilespmem:s5+$0x50B0]  }
0x81: {  	v12 =	vld [tilespmem:s5+$0x50C0]  }
0x82: {  	v13 =	vld [tilespmem:s5+$0x50D0]  }
0x83: {  	v14 =	vld [tilespmem:s5+$0x50E0]  }
0x84: {  	[tilespmem:s5+$0xB400] =	vst.add.f32.msk $0xffff, v1  }
0x85: {  	[tilespmem:s5+$0xB410] =	vst.add.f32.msk $0xffff, v2  }
0x86: {  	[tilespmem:s5+$0xB420] =	vst.add.f32.msk $0xffff, v3  }
0x87: {  	[tilespmem:s5+$0xB430] =	vst.add.f32.msk $0xffff, v4  }
0x88: {  	[tilespmem:s5+$0xB440] =	vst.add.f32.msk $0xffff, v0  }
0x89: {  	[tilespmem:s5+$0xB450] =	vst.add.f32.msk $0xffff, v5  }
0x8a: {  	[tilespmem:s5+$0xB460] =	vst.add.f32.msk $0xffff, v6  }
0x8b: {  	[tilespmem:s5+$0xB470] =	vst.add.f32.msk $0xffff, v7  }
0x8c: {  	[tilespmem:s5+$0xB480] =	vst.add.f32.msk $0xffff, v8  }
0x8d: {  	[tilespmem:s5+$0xB490] =	vst.add.f32.msk $0xffff, v9  }
.Ltmp1:
0x8e: {  	[tilespmem:s5+$0xB4A0] =	vst.add.f32.msk $0xffff, v10;
	(pc) =	sbr.rel @p0 .LBB2_4-.Ltmp1, $4  }
0x8f: {  	[tilespmem:s5+$0xB4B0] =	vst.add.f32.msk $0xffff, v11  }
0x90: {  	[tilespmem:s5+$0xB4C0] =	vst.add.f32.msk $0xffff, v12  }
0x91: {  	[tilespmem:s5+$0xB4D0] =	vst.add.f32.msk $0xffff, v13  }
0x92: {  	[tilespmem:s5+$0xB4E0] =	vst.add.f32.msk $0xffff, v14;
	s5 =	sshra.s32 s15, $0x2;
	s15 =	sadd.s32 $0x400, s15  }
0x93: {  	v0 =	vld [tilespmem:s5+$0x50F0]  }
0x94: {  	v1 =	vld [tilespmem:s5+$0x5000]  }
0x95: {  	v2 =	vld [tilespmem:s5+$0x5010]  }
0x96: {  	v3 =	vld [tilespmem:s5+$0x5020]  }
0x97: {  	v4 =	vld [tilespmem:s5+$0x5030]  }
0x98: {  	v63 =	vld [tilespmem:s5+$0x5040]  }
0x99: {  	v5 =	vld [tilespmem:s5+$0x5050]  }
0x9a: {  	v6 =	vld [tilespmem:s5+$0x5060]  }
0x9b: {  	v7 =	vld [tilespmem:s5+$0x5070]  }
0x9c: {  	v8 =	vld [tilespmem:s5+$0x5080]  }
0x9d: {  	v9 =	vld [tilespmem:s5+$0x5090]  }
0x9e: {  	v10 =	vld [tilespmem:s5+$0x50A0]  }
0x9f: {  	v11 =	vld [tilespmem:s5+$0x50B0]  }
0xa0: {  	v12 =	vld [tilespmem:s5+$0x50C0]  }
0xa1: {  	v13 =	vld [tilespmem:s5+$0x50D0]  }
0xa2: {  	v14 =	vld [tilespmem:s5+$0x50E0]  }
0xa3: {  	[tilespmem:s5+$0xB4F0] =	vst.add.f32.msk $0xffff, v0  }
0xa4: {  	[tilespmem:s5+$0xB400] =	vst.add.f32.msk $0xffff, v1  }
0xa5: {  	[tilespmem:s5+$0xB410] =	vst.add.f32.msk $0xffff, v2  }
0xa6: {  	[tilespmem:s5+$0xB420] =	vst.add.f32.msk $0xffff, v3  }
0xa7: {  	[tilespmem:s5+$0xB430] =	vst.add.f32.msk $0xffff, v4  }
0xa8: {  	[tilespmem:s5+$0xB440] =	vst.add.f32.msk $0xffff, v63  }
0xa9: {  	[tilespmem:s5+$0xB450] =	vst.add.f32.msk $0xffff, v5  }
0xaa: {  	[tilespmem:s5+$0xB460] =	vst.add.f32.msk $0xffff, v6  }
0xab: {  	[tilespmem:s5+$0xB470] =	vst.add.f32.msk $0xffff, v7  }
0xac: {  	[tilespmem:s5+$0xB480] =	vst.add.f32.msk $0xffff, v8  }
0xad: {  	[tilespmem:s5+$0xB490] =	vst.add.f32.msk $0xffff, v9  }
0xae: {  	[tilespmem:s5+$0xB4A0] =	vst.add.f32.msk $0xffff, v10  }
0xaf: {  	[tilespmem:s5+$0xB4B0] =	vst.add.f32.msk $0xffff, v11  }
0xb0: {  	[tilespmem:s5+$0xB4C0] =	vst.add.f32.msk $0xffff, v12  }
0xb1: {  	[tilespmem:s5+$0xB4D0] =	vst.add.f32.msk $0xffff, v13  }
0xb2: {  	[tilespmem:s5+$0xB4E0] =	vst.add.f32.msk $0xffff, v14  }
0xb3: {  	[spmem:s8] =	stream.linear.scatter [tilespmem:s24], [sflag:$0x6], $0x3400, $0x38;
	[tilespmem:$0x1B000] =	vst v63  }
0xb4: {  	s18 =	stileid.u32;
	_ =	swait.ge [sflag:s26], $0x3000  }
0xb5: {  	s16 =	sshrl.u32 s7, $0x3;
	s5 =	sshll.u32 s18, $0x6;
	[sflag:s26] =	ssyncset.done $0x0  }
0xb6: {  	s15 =	sor.u32 $0x1C07, s5;
	s14 =	rddreg [dreg:$0x8];
	[sflag:s26] =	ssyncadd.s32 $0xFFFFD000  }
0xb7: {  	[hbm:s14], [sflag:s15] =	dma.local [spmem:s16], $0x600  }
0xb8: {  	_ =	swait.ge [sflag:s29], $0x3400  }
0xb9: {  	s20 =	simm.s32 $0x200;
	s18 =	sshrl.u32 s8, $0x3;
	[sflag:s29] =	ssyncset.done $0x0  }
0xba: {  	s17 =	sor.u32 $0x1C08, s5;
	s19 =	rddreg [dreg:$0x9];
	[sflag:s29] =	ssyncadd.s32 $0xFFFFCC00  }
0xbb: {  	[hbm:s19], [sflag:s17] =	dma.local [spmem:s18], $0x680  }
0xbc: {  	[tilespmem:s23], [sflag:$0x1] =	stream.indirect.gather [hbm4b:s0+s22], $0x80, s20, s22, $0xb8;
	[tilespmem:$0x1B000] =	vst v63  }
0xbd: {  	s21 =	simm.s32 $0x280;
	s19 =	simm.s32 $0x0  }
0xbe: {  	[tilespmem:s25], [sflag:$0x2] =	stream.indirect.gather [hbm4b:s0+s22], $0x80, s21, s22, $0xb8;
	[tilespmem:$0x1B000] =	vst v63  }
.LBB2_6:
0xbf: {  	_ =	swait.ge [sflag:s31], $0x3200  }
0xc0: {  	[sflag:s31] =	ssyncset.done $0x0  }
0xc1: {  	s5 =	simm.s32 $0x0;
	s20 =	simm.s32 $0x400;
	[sflag:s31] =	ssyncadd.s32 $0xFFFFCE00  }
.LBB2_7:
0xc2: {  	p0 =	sne.s32 s20, $0xBC00;
	v0 =	vld [tilespmem:s5+$0x20F0]  }
0xc3: {  	v1 =	vld [tilespmem:s5+$0x2000]  }
0xc4: {  	v2 =	vld [tilespmem:s5+$0x2010]  }
0xc5: {  	v3 =	vld [tilespmem:s5+$0x2020]  }
0xc6: {  	v4 =	vld [tilespmem:s5+$0x2030]  }
0xc7: {  	[tilespmem:s5+$0xE8F0] =	vst.add.f32.msk $0xffff, v0  }
0xc8: {  	v0 =	vld [tilespmem:s5+$0x2040]  }
0xc9: {  	v5 =	vld [tilespmem:s5+$0x2050]  }
0xca: {  	v6 =	vld [tilespmem:s5+$0x2060]  }
0xcb: {  	v7 =	vld [tilespmem:s5+$0x2070]  }
0xcc: {  	v8 =	vld [tilespmem:s5+$0x2080]  }
0xcd: {  	v9 =	vld [tilespmem:s5+$0x2090]  }
0xce: {  	v10 =	vld [tilespmem:s5+$0x20A0]  }
0xcf: {  	v11 =	vld [tilespmem:s5+$0x20B0]  }
0xd0: {  	v12 =	vld [tilespmem:s5+$0x20C0]  }
0xd1: {  	v13 =	vld [tilespmem:s5+$0x20D0]  }
0xd2: {  	v14 =	vld [tilespmem:s5+$0x20E0]  }
0xd3: {  	[tilespmem:s5+$0xE800] =	vst.add.f32.msk $0xffff, v1  }
0xd4: {  	[tilespmem:s5+$0xE810] =	vst.add.f32.msk $0xffff, v2  }
0xd5: {  	[tilespmem:s5+$0xE820] =	vst.add.f32.msk $0xffff, v3  }
0xd6: {  	[tilespmem:s5+$0xE830] =	vst.add.f32.msk $0xffff, v4  }
0xd7: {  	[tilespmem:s5+$0xE840] =	vst.add.f32.msk $0xffff, v0  }
0xd8: {  	[tilespmem:s5+$0xE850] =	vst.add.f32.msk $0xffff, v5  }
0xd9: {  	[tilespmem:s5+$0xE860] =	vst.add.f32.msk $0xffff, v6  }
0xda: {  	[tilespmem:s5+$0xE870] =	vst.add.f32.msk $0xffff, v7  }
0xdb: {  	[tilespmem:s5+$0xE880] =	vst.add.f32.msk $0xffff, v8  }
0xdc: {  	[tilespmem:s5+$0xE890] =	vst.add.f32.msk $0xffff, v9  }
.Ltmp2:
0xdd: {  	[tilespmem:s5+$0xE8A0] =	vst.add.f32.msk $0xffff, v10;
	(pc) =	sbr.rel @p0 .LBB2_7-.Ltmp2, $4  }
0xde: {  	[tilespmem:s5+$0xE8B0] =	vst.add.f32.msk $0xffff, v11  }
0xdf: {  	[tilespmem:s5+$0xE8C0] =	vst.add.f32.msk $0xffff, v12  }
0xe0: {  	[tilespmem:s5+$0xE8D0] =	vst.add.f32.msk $0xffff, v13  }
0xe1: {  	[tilespmem:s5+$0xE8E0] =	vst.add.f32.msk $0xffff, v14;
	s5 =	sshra.s32 s20, $0x2;
	s20 =	sadd.s32 $0x400, s20  }
0xe2: {  	v0 =	vld [tilespmem:s5+$0x20F0]  }
0xe3: {  	v1 =	vld [tilespmem:s5+$0x2000]  }
0xe4: {  	v2 =	vld [tilespmem:s5+$0x2010]  }
0xe5: {  	v3 =	vld [tilespmem:s5+$0x2020]  }
0xe6: {  	v4 =	vld [tilespmem:s5+$0x2030]  }
0xe7: {  	v63 =	vld [tilespmem:s5+$0x2040]  }
0xe8: {  	v5 =	vld [tilespmem:s5+$0x2050]  }
0xe9: {  	v6 =	vld [tilespmem:s5+$0x2060]  }
0xea: {  	v7 =	vld [tilespmem:s5+$0x2070]  }
0xeb: {  	v8 =	vld [tilespmem:s5+$0x2080]  }
0xec: {  	v9 =	vld [tilespmem:s5+$0x2090]  }
0xed: {  	v10 =	vld [tilespmem:s5+$0x20A0]  }
0xee: {  	v11 =	vld [tilespmem:s5+$0x20B0]  }
0xef: {  	v12 =	vld [tilespmem:s5+$0x20C0]  }
0xf0: {  	v13 =	vld [tilespmem:s5+$0x20D0]  }
0xf1: {  	v14 =	vld [tilespmem:s5+$0x20E0]  }
0xf2: {  	[tilespmem:s5+$0xE8F0] =	vst.add.f32.msk $0xffff, v0  }
0xf3: {  	[tilespmem:s5+$0xE800] =	vst.add.f32.msk $0xffff, v1  }
0xf4: {  	[tilespmem:s5+$0xE810] =	vst.add.f32.msk $0xffff, v2  }
0xf5: {  	[tilespmem:s5+$0xE820] =	vst.add.f32.msk $0xffff, v3  }
0xf6: {  	[tilespmem:s5+$0xE830] =	vst.add.f32.msk $0xffff, v4  }
0xf7: {  	[tilespmem:s5+$0xE840] =	vst.add.f32.msk $0xffff, v63  }
0xf8: {  	[tilespmem:s5+$0xE850] =	vst.add.f32.msk $0xffff, v5  }
0xf9: {  	[tilespmem:s5+$0xE860] =	vst.add.f32.msk $0xffff, v6  }
0xfa: {  	[tilespmem:s5+$0xE870] =	vst.add.f32.msk $0xffff, v7  }
0xfb: {  	[tilespmem:s5+$0xE880] =	vst.add.f32.msk $0xffff, v8  }
0xfc: {  	[tilespmem:s5+$0xE890] =	vst.add.f32.msk $0xffff, v9  }
0xfd: {  	[tilespmem:s5+$0xE8A0] =	vst.add.f32.msk $0xffff, v10  }
0xfe: {  	[tilespmem:s5+$0xE8B0] =	vst.add.f32.msk $0xffff, v11  }
0xff: {  	[tilespmem:s5+$0xE8C0] =	vst.add.f32.msk $0xffff, v12  }
0x100: {  	[tilespmem:s5+$0xE8D0] =	vst.add.f32.msk $0xffff, v13  }
0x101: {  	[tilespmem:s5+$0xE8E0] =	vst.add.f32.msk $0xffff, v14  }
0x102: {  	_ =	swait.ge [sflag:s1], $0x600  }
0x103: {  	[sflag:s1] =	ssyncset.done $0x0  }
0x104: {  	[sflag:s1] =	ssyncadd.s32 $0xFFFFFA00  }
0x105: {  	[spmem:s7] =	stream.linear.scatter [tilespmem:s28], [sflag:$0x5], $0x3000, $0x38;
	[tilespmem:$0x1B000] =	vst v63  }
0x106: {  	_ =	swait.ge [sflag:s6], $0x3200  }
0x107: {  	[sflag:s6] =	ssyncset.done $0x0  }
0x108: {  	s20 =	simm.s32 $0x400;
	s5 =	simm.s32 $0x0;
	[sflag:s6] =	ssyncadd.s32 $0xFFFFCE00  }
.LBB2_9:
0x109: {  	p0 =	sne.s32 s20, $0xCC00;
	v0 =	vld [tilespmem:s5+$0x50F0]  }
0x10a: {  	v1 =	vld [tilespmem:s5+$0x5000]  }
0x10b: {  	v2 =	vld [tilespmem:s5+$0x5010]  }
0x10c: {  	v3 =	vld [tilespmem:s5+$0x5020]  }
0x10d: {  	v4 =	vld [tilespmem:s5+$0x5030]  }
0x10e: {  	[tilespmem:s5+$0x118F0] =	vst.add.f32.msk $0xffff, v0  }
0x10f: {  	v0 =	vld [tilespmem:s5+$0x5040]  }
0x110: {  	v5 =	vld [tilespmem:s5+$0x5050]  }
0x111: {  	v6 =	vld [tilespmem:s5+$0x5060]  }
0x112: {  	v7 =	vld [tilespmem:s5+$0x5070]  }
0x113: {  	v8 =	vld [tilespmem:s5+$0x5080]  }
0x114: {  	v9 =	vld [tilespmem:s5+$0x5090]  }
0x115: {  	v10 =	vld [tilespmem:s5+$0x50A0]  }
0x116: {  	v11 =	vld [tilespmem:s5+$0x50B0]  }
0x117: {  	v12 =	vld [tilespmem:s5+$0x50C0]  }
0x118: {  	v13 =	vld [tilespmem:s5+$0x50D0]  }
0x119: {  	v14 =	vld [tilespmem:s5+$0x50E0]  }
0x11a: {  	[tilespmem:s5+$0x11800] =	vst.add.f32.msk $0xffff, v1  }
0x11b: {  	[tilespmem:s5+$0x11810] =	vst.add.f32.msk $0xffff, v2  }
0x11c: {  	[tilespmem:s5+$0x11820] =	vst.add.f32.msk $0xffff, v3  }
0x11d: {  	[tilespmem:s5+$0x11830] =	vst.add.f32.msk $0xffff, v4  }
0x11e: {  	[tilespmem:s5+$0x11840] =	vst.add.f32.msk $0xffff, v0  }
0x11f: {  	[tilespmem:s5+$0x11850] =	vst.add.f32.msk $0xffff, v5  }
0x120: {  	[tilespmem:s5+$0x11860] =	vst.add.f32.msk $0xffff, v6  }
0x121: {  	[tilespmem:s5+$0x11870] =	vst.add.f32.msk $0xffff, v7  }
0x122: {  	[tilespmem:s5+$0x11880] =	vst.add.f32.msk $0xffff, v8  }
0x123: {  	[tilespmem:s5+$0x11890] =	vst.add.f32.msk $0xffff, v9  }
.Ltmp3:
0x124: {  	[tilespmem:s5+$0x118A0] =	vst.add.f32.msk $0xffff, v10;
	(pc) =	sbr.rel @p0 .LBB2_9-.Ltmp3, $4  }
0x125: {  	[tilespmem:s5+$0x118B0] =	vst.add.f32.msk $0xffff, v11  }
0x126: {  	[tilespmem:s5+$0x118C0] =	vst.add.f32.msk $0xffff, v12  }
0x127: {  	[tilespmem:s5+$0x118D0] =	vst.add.f32.msk $0xffff, v13  }
0x128: {  	[tilespmem:s5+$0x118E0] =	vst.add.f32.msk $0xffff, v14;
	s5 =	sshra.s32 s20, $0x2;
	s20 =	sadd.s32 $0x400, s20  }
0x129: {  	v0 =	vld [tilespmem:s5+$0x50F0]  }
0x12a: {  	v1 =	vld [tilespmem:s5+$0x5000]  }
0x12b: {  	v2 =	vld [tilespmem:s5+$0x5010]  }
0x12c: {  	v3 =	vld [tilespmem:s5+$0x5020]  }
0x12d: {  	v4 =	vld [tilespmem:s5+$0x5030]  }
0x12e: {  	v63 =	vld [tilespmem:s5+$0x5040]  }
0x12f: {  	v5 =	vld [tilespmem:s5+$0x5050]  }
0x130: {  	v6 =	vld [tilespmem:s5+$0x5060]  }
0x131: {  	v7 =	vld [tilespmem:s5+$0x5070]  }
0x132: {  	v8 =	vld [tilespmem:s5+$0x5080]  }
0x133: {  	v9 =	vld [tilespmem:s5+$0x5090]  }
0x134: {  	v10 =	vld [tilespmem:s5+$0x50A0]  }
0x135: {  	v11 =	vld [tilespmem:s5+$0x50B0]  }
0x136: {  	v12 =	vld [tilespmem:s5+$0x50C0]  }
0x137: {  	v13 =	vld [tilespmem:s5+$0x50D0]  }
0x138: {  	v14 =	vld [tilespmem:s5+$0x50E0]  }
0x139: {  	[tilespmem:s5+$0x118F0] =	vst.add.f32.msk $0xffff, v0  }
0x13a: {  	[tilespmem:s5+$0x11800] =	vst.add.f32.msk $0xffff, v1  }
0x13b: {  	[tilespmem:s5+$0x11810] =	vst.add.f32.msk $0xffff, v2  }
0x13c: {  	[tilespmem:s5+$0x11820] =	vst.add.f32.msk $0xffff, v3  }
0x13d: {  	[tilespmem:s5+$0x11830] =	vst.add.f32.msk $0xffff, v4  }
0x13e: {  	[tilespmem:s5+$0x11840] =	vst.add.f32.msk $0xffff, v63  }
0x13f: {  	[tilespmem:s5+$0x11850] =	vst.add.f32.msk $0xffff, v5  }
0x140: {  	[tilespmem:s5+$0x11860] =	vst.add.f32.msk $0xffff, v6  }
0x141: {  	[tilespmem:s5+$0x11870] =	vst.add.f32.msk $0xffff, v7  }
0x142: {  	[tilespmem:s5+$0x11880] =	vst.add.f32.msk $0xffff, v8  }
0x143: {  	[tilespmem:s5+$0x11890] =	vst.add.f32.msk $0xffff, v9  }
0x144: {  	[tilespmem:s5+$0x118A0] =	vst.add.f32.msk $0xffff, v10  }
0x145: {  	[tilespmem:s5+$0x118B0] =	vst.add.f32.msk $0xffff, v11  }
0x146: {  	[tilespmem:s5+$0x118C0] =	vst.add.f32.msk $0xffff, v12  }
0x147: {  	[tilespmem:s5+$0x118D0] =	vst.add.f32.msk $0xffff, v13  }
0x148: {  	[tilespmem:s5+$0x118E0] =	vst.add.f32.msk $0xffff, v14  }
0x149: {  	_ =	swait.ge [sflag:s9], $0x680  }
0x14a: {  	[sflag:s9] =	ssyncset.done $0x0  }
0x14b: {  	s20 =	smul.u32 $0x190, s19;
	[sflag:s9] =	ssyncadd.s32 $0xFFFFF980  }
0x14c: {  	[spmem:s8] =	stream.linear.scatter [tilespmem:s11], [sflag:$0x6], $0x3400, $0x38;
	[tilespmem:$0x1B000] =	vst v63  }
0x14d: {  	s21 =	sadd.s32 s20, s12;
	_ =	swait.ge [sflag:s26], $0x3000  }
0x14e: {  	s5 =	sshll.u32 s21, $0x4;
	[sflag:s26] =	ssyncset.done $0x0  }
0x14f: {  	s14 =	sadd.s32 s3, s5;
	[sflag:s26] =	ssyncadd.s32 $0xFFFFD000  }
0x150: {  	[hbm:s14], [sflag:s15] =	dma.local [spmem:s16], $0x600  }
0x151: {  	_ =	swait.ge [sflag:s29], $0x3400  }
0x152: {  	[sflag:s29] =	ssyncset.done $0x0  }
0x153: {  	s5 =	sadd.s32 s5, s10;
	s14 =	sshll.u32 s19, $0x9;
	[sflag:s29] =	ssyncadd.s32 $0xFFFFCC00  }
0x154: {  	[hbm:s5], [sflag:s17] =	dma.local [spmem:s18], $0x680  }
0x155: {  	s5 =	sand.u32 $0x3FFFFE00, s14  }
0x156: {  	s21 =	sadd.s32 $0x300, s5  }
0x157: {  	[tilespmem:s28], [sflag:$0x3] =	stream.indirect.gather [hbm4b:s0+s22], $0x80, s21, s22, $0xb8;
	[tilespmem:$0x1B000] =	vst v63  }
0x158: {  	s21 =	sadd.s32 $0x380, s5  }
0x159: {  	[tilespmem:s30], [sflag:$0x4] =	stream.indirect.gather [hbm4b:s0+s22], $0x80, s21, s22, $0xb8;
	[tilespmem:$0x1B000] =	vst v63  }
0x15a: {  	_ =	swait.ge [sflag:s4], $0x3200  }
0x15b: {  	[sflag:s4] =	ssyncset.done $0x0  }
0x15c: {  	s14 =	simm.s32 $0x400;
	s21 =	simm.s32 $0x0;
	[sflag:s4] =	ssyncadd.s32 $0xFFFFCE00  }
.LBB2_11:
0x15d: {  	p0 =	sne.s32 s14, $0xBC00;
	v0 =	vld [tilespmem:s21+$0x20F0]  }
0x15e: {  	v1 =	vld [tilespmem:s21+$0x2000]  }
0x15f: {  	v2 =	vld [tilespmem:s21+$0x2010]  }
0x160: {  	v3 =	vld [tilespmem:s21+$0x2020]  }
0x161: {  	v4 =	vld [tilespmem:s21+$0x2030]  }
0x162: {  	[tilespmem:s21+$0x84F0] =	vst.add.f32.msk $0xffff, v0  }
0x163: {  	v0 =	vld [tilespmem:s21+$0x2040]  }
0x164: {  	v5 =	vld [tilespmem:s21+$0x2050]  }
0x165: {  	v6 =	vld [tilespmem:s21+$0x2060]  }
0x166: {  	v7 =	vld [tilespmem:s21+$0x2070]  }
0x167: {  	v8 =	vld [tilespmem:s21+$0x2080]  }
0x168: {  	v9 =	vld [tilespmem:s21+$0x2090]  }
0x169: {  	v10 =	vld [tilespmem:s21+$0x20A0]  }
0x16a: {  	v11 =	vld [tilespmem:s21+$0x20B0]  }
0x16b: {  	v12 =	vld [tilespmem:s21+$0x20C0]  }
0x16c: {  	v13 =	vld [tilespmem:s21+$0x20D0]  }
0x16d: {  	v14 =	vld [tilespmem:s21+$0x20E0]  }
0x16e: {  	[tilespmem:s21+$0x8400] =	vst.add.f32.msk $0xffff, v1  }
0x16f: {  	[tilespmem:s21+$0x8410] =	vst.add.f32.msk $0xffff, v2  }
0x170: {  	[tilespmem:s21+$0x8420] =	vst.add.f32.msk $0xffff, v3  }
0x171: {  	[tilespmem:s21+$0x8430] =	vst.add.f32.msk $0xffff, v4  }
0x172: {  	[tilespmem:s21+$0x8440] =	vst.add.f32.msk $0xffff, v0  }
0x173: {  	[tilespmem:s21+$0x8450] =	vst.add.f32.msk $0xffff, v5  }
0x174: {  	[tilespmem:s21+$0x8460] =	vst.add.f32.msk $0xffff, v6  }
0x175: {  	[tilespmem:s21+$0x8470] =	vst.add.f32.msk $0xffff, v7  }
0x176: {  	[tilespmem:s21+$0x8480] =	vst.add.f32.msk $0xffff, v8  }
0x177: {  	[tilespmem:s21+$0x8490] =	vst.add.f32.msk $0xffff, v9  }
.Ltmp4:
0x178: {  	[tilespmem:s21+$0x84A0] =	vst.add.f32.msk $0xffff, v10;
	(pc) =	sbr.rel @p0 .LBB2_11-.Ltmp4, $4  }
0x179: {  	[tilespmem:s21+$0x84B0] =	vst.add.f32.msk $0xffff, v11  }
0x17a: {  	[tilespmem:s21+$0x84C0] =	vst.add.f32.msk $0xffff, v12  }
0x17b: {  	[tilespmem:s21+$0x84D0] =	vst.add.f32.msk $0xffff, v13  }
0x17c: {  	[tilespmem:s21+$0x84E0] =	vst.add.f32.msk $0xffff, v14;
	s21 =	sshra.s32 s14, $0x2;
	s14 =	sadd.s32 $0x400, s14  }
0x17d: {  	v0 =	vld [tilespmem:s21+$0x20F0]  }
0x17e: {  	v1 =	vld [tilespmem:s21+$0x2000]  }
0x17f: {  	v2 =	vld [tilespmem:s21+$0x2010]  }
0x180: {  	v3 =	vld [tilespmem:s21+$0x2020]  }
0x181: {  	v4 =	vld [tilespmem:s21+$0x2030]  }
0x182: {  	v63 =	vld [tilespmem:s21+$0x2040]  }
0x183: {  	v5 =	vld [tilespmem:s21+$0x2050]  }
0x184: {  	v6 =	vld [tilespmem:s21+$0x2060]  }
0x185: {  	v7 =	vld [tilespmem:s21+$0x2070]  }
0x186: {  	v8 =	vld [tilespmem:s21+$0x2080]  }
0x187: {  	v9 =	vld [tilespmem:s21+$0x2090]  }
0x188: {  	v10 =	vld [tilespmem:s21+$0x20A0]  }
0x189: {  	v11 =	vld [tilespmem:s21+$0x20B0]  }
0x18a: {  	v12 =	vld [tilespmem:s21+$0x20C0]  }
0x18b: {  	v13 =	vld [tilespmem:s21+$0x20D0]  }
0x18c: {  	v14 =	vld [tilespmem:s21+$0x20E0]  }
0x18d: {  	[tilespmem:s21+$0x84F0] =	vst.add.f32.msk $0xffff, v0  }
0x18e: {  	[tilespmem:s21+$0x8400] =	vst.add.f32.msk $0xffff, v1  }
0x18f: {  	[tilespmem:s21+$0x8410] =	vst.add.f32.msk $0xffff, v2  }
0x190: {  	[tilespmem:s21+$0x8420] =	vst.add.f32.msk $0xffff, v3  }
0x191: {  	[tilespmem:s21+$0x8430] =	vst.add.f32.msk $0xffff, v4  }
0x192: {  	[tilespmem:s21+$0x8440] =	vst.add.f32.msk $0xffff, v63  }
0x193: {  	[tilespmem:s21+$0x8450] =	vst.add.f32.msk $0xffff, v5  }
0x194: {  	[tilespmem:s21+$0x8460] =	vst.add.f32.msk $0xffff, v6  }
0x195: {  	[tilespmem:s21+$0x8470] =	vst.add.f32.msk $0xffff, v7  }
0x196: {  	[tilespmem:s21+$0x8480] =	vst.add.f32.msk $0xffff, v8  }
0x197: {  	[tilespmem:s21+$0x8490] =	vst.add.f32.msk $0xffff, v9  }
0x198: {  	[tilespmem:s21+$0x84A0] =	vst.add.f32.msk $0xffff, v10  }
0x199: {  	[tilespmem:s21+$0x84B0] =	vst.add.f32.msk $0xffff, v11  }
0x19a: {  	[tilespmem:s21+$0x84C0] =	vst.add.f32.msk $0xffff, v12  }
0x19b: {  	[tilespmem:s21+$0x84D0] =	vst.add.f32.msk $0xffff, v13  }
0x19c: {  	[tilespmem:s21+$0x84E0] =	vst.add.f32.msk $0xffff, v14  }
0x19d: {  	_ =	swait.ge [sflag:s1], $0x600  }
0x19e: {  	[sflag:s1] =	ssyncset.done $0x0  }
0x19f: {  	[sflag:s1] =	ssyncadd.s32 $0xFFFFFA00  }
0x1a0: {  	[spmem:s7] =	stream.linear.scatter [tilespmem:s23], [sflag:$0x5], $0x3000, $0x38;
	[tilespmem:$0x1B000] =	vst v63  }
0x1a1: {  	_ =	swait.ge [sflag:s2], $0x3200  }
0x1a2: {  	[sflag:s2] =	ssyncset.done $0x0  }
0x1a3: {  	s14 =	simm.s32 $0x400;
	s21 =	simm.s32 $0x0;
	[sflag:s2] =	ssyncadd.s32 $0xFFFFCE00  }
.LBB2_13:
0x1a4: {  	p0 =	sne.s32 s14, $0xCC00;
	v0 =	vld [tilespmem:s21+$0x50F0]  }
0x1a5: {  	v1 =	vld [tilespmem:s21+$0x5000]  }
0x1a6: {  	v2 =	vld [tilespmem:s21+$0x5010]  }
0x1a7: {  	v3 =	vld [tilespmem:s21+$0x5020]  }
0x1a8: {  	v4 =	vld [tilespmem:s21+$0x5030]  }
0x1a9: {  	[tilespmem:s21+$0xB4F0] =	vst.add.f32.msk $0xffff, v0  }
0x1aa: {  	v0 =	vld [tilespmem:s21+$0x5040]  }
0x1ab: {  	v5 =	vld [tilespmem:s21+$0x5050]  }
0x1ac: {  	v6 =	vld [tilespmem:s21+$0x5060]  }
0x1ad: {  	v7 =	vld [tilespmem:s21+$0x5070]  }
0x1ae: {  	v8 =	vld [tilespmem:s21+$0x5080]  }
0x1af: {  	v9 =	vld [tilespmem:s21+$0x5090]  }
0x1b0: {  	v10 =	vld [tilespmem:s21+$0x50A0]  }
0x1b1: {  	v11 =	vld [tilespmem:s21+$0x50B0]  }
0x1b2: {  	v12 =	vld [tilespmem:s21+$0x50C0]  }
0x1b3: {  	v13 =	vld [tilespmem:s21+$0x50D0]  }
0x1b4: {  	v14 =	vld [tilespmem:s21+$0x50E0]  }
0x1b5: {  	[tilespmem:s21+$0xB400] =	vst.add.f32.msk $0xffff, v1  }
0x1b6: {  	[tilespmem:s21+$0xB410] =	vst.add.f32.msk $0xffff, v2  }
0x1b7: {  	[tilespmem:s21+$0xB420] =	vst.add.f32.msk $0xffff, v3  }
0x1b8: {  	[tilespmem:s21+$0xB430] =	vst.add.f32.msk $0xffff, v4  }
0x1b9: {  	[tilespmem:s21+$0xB440] =	vst.add.f32.msk $0xffff, v0  }
0x1ba: {  	[tilespmem:s21+$0xB450] =	vst.add.f32.msk $0xffff, v5  }
0x1bb: {  	[tilespmem:s21+$0xB460] =	vst.add.f32.msk $0xffff, v6  }
0x1bc: {  	[tilespmem:s21+$0xB470] =	vst.add.f32.msk $0xffff, v7  }
0x1bd: {  	[tilespmem:s21+$0xB480] =	vst.add.f32.msk $0xffff, v8  }
0x1be: {  	[tilespmem:s21+$0xB490] =	vst.add.f32.msk $0xffff, v9  }
.Ltmp5:
0x1bf: {  	[tilespmem:s21+$0xB4A0] =	vst.add.f32.msk $0xffff, v10;
	(pc) =	sbr.rel @p0 .LBB2_13-.Ltmp5, $4  }
0x1c0: {  	[tilespmem:s21+$0xB4B0] =	vst.add.f32.msk $0xffff, v11  }
0x1c1: {  	[tilespmem:s21+$0xB4C0] =	vst.add.f32.msk $0xffff, v12  }
0x1c2: {  	[tilespmem:s21+$0xB4D0] =	vst.add.f32.msk $0xffff, v13  }
0x1c3: {  	[tilespmem:s21+$0xB4E0] =	vst.add.f32.msk $0xffff, v14;
	s21 =	sshra.s32 s14, $0x2;
	s14 =	sadd.s32 $0x400, s14  }
0x1c4: {  	v0 =	vld [tilespmem:s21+$0x50F0]  }
0x1c5: {  	v1 =	vld [tilespmem:s21+$0x5000]  }
0x1c6: {  	v2 =	vld [tilespmem:s21+$0x5010]  }
0x1c7: {  	v3 =	vld [tilespmem:s21+$0x5020]  }
0x1c8: {  	v4 =	vld [tilespmem:s21+$0x5030]  }
0x1c9: {  	v63 =	vld [tilespmem:s21+$0x5040]  }
0x1ca: {  	v5 =	vld [tilespmem:s21+$0x5050]  }
0x1cb: {  	v6 =	vld [tilespmem:s21+$0x5060]  }
0x1cc: {  	v7 =	vld [tilespmem:s21+$0x5070]  }
0x1cd: {  	v8 =	vld [tilespmem:s21+$0x5080]  }
0x1ce: {  	v9 =	vld [tilespmem:s21+$0x5090]  }
0x1cf: {  	v10 =	vld [tilespmem:s21+$0x50A0]  }
0x1d0: {  	v11 =	vld [tilespmem:s21+$0x50B0]  }
0x1d1: {  	v12 =	vld [tilespmem:s21+$0x50C0]  }
0x1d2: {  	v13 =	vld [tilespmem:s21+$0x50D0]  }
0x1d3: {  	v14 =	vld [tilespmem:s21+$0x50E0]  }
0x1d4: {  	[tilespmem:s21+$0xB4F0] =	vst.add.f32.msk $0xffff, v0  }
0x1d5: {  	[tilespmem:s21+$0xB400] =	vst.add.f32.msk $0xffff, v1  }
0x1d6: {  	[tilespmem:s21+$0xB410] =	vst.add.f32.msk $0xffff, v2  }
0x1d7: {  	[tilespmem:s21+$0xB420] =	vst.add.f32.msk $0xffff, v3  }
0x1d8: {  	[tilespmem:s21+$0xB430] =	vst.add.f32.msk $0xffff, v4  }
0x1d9: {  	[tilespmem:s21+$0xB440] =	vst.add.f32.msk $0xffff, v63  }
0x1da: {  	[tilespmem:s21+$0xB450] =	vst.add.f32.msk $0xffff, v5  }
0x1db: {  	[tilespmem:s21+$0xB460] =	vst.add.f32.msk $0xffff, v6  }
0x1dc: {  	[tilespmem:s21+$0xB470] =	vst.add.f32.msk $0xffff, v7  }
0x1dd: {  	[tilespmem:s21+$0xB480] =	vst.add.f32.msk $0xffff, v8  }
0x1de: {  	[tilespmem:s21+$0xB490] =	vst.add.f32.msk $0xffff, v9  }
0x1df: {  	[tilespmem:s21+$0xB4A0] =	vst.add.f32.msk $0xffff, v10  }
0x1e0: {  	[tilespmem:s21+$0xB4B0] =	vst.add.f32.msk $0xffff, v11  }
0x1e1: {  	[tilespmem:s21+$0xB4C0] =	vst.add.f32.msk $0xffff, v12  }
0x1e2: {  	[tilespmem:s21+$0xB4D0] =	vst.add.f32.msk $0xffff, v13  }
0x1e3: {  	[tilespmem:s21+$0xB4E0] =	vst.add.f32.msk $0xffff, v14  }
0x1e4: {  	_ =	swait.ge [sflag:s9], $0x680  }
0x1e5: {  	[sflag:s9] =	ssyncset.done $0x0  }
0x1e6: {  	[sflag:s9] =	ssyncadd.s32 $0xFFFFF980  }
0x1e7: {  	[spmem:s8] =	stream.linear.scatter [tilespmem:s24], [sflag:$0x6], $0x3400, $0x38;
	[tilespmem:$0x1B000] =	vst v63  }
0x1e8: {  	s14 =	sadd.s32 s20, s13;
	_ =	swait.ge [sflag:s26], $0x3000  }
0x1e9: {  	s14 =	sshll.u32 s14, $0x4;
	[sflag:s26] =	ssyncset.done $0x0  }
0x1ea: {  	s21 =	sadd.s32 s3, s14;
	[sflag:s26] =	ssyncadd.s32 $0xFFFFD000  }
0x1eb: {  	[hbm:s21], [sflag:s15] =	dma.local [spmem:s16], $0x600  }
0x1ec: {  	s19 =	sadd.s32 $0x1, s19;
	_ =	swait.ge [sflag:s29], $0x3400  }
0x1ed: {  	s20 =	sadd.s32 $0x400, s5;
	p0 =	sne.s32 s19, $0xE;
	[sflag:s29] =	ssyncset.done $0x0  }
.Ltmp6:
0x1ee: {  	s14 =	sadd.s32 s14, s10;
	[sflag:s29] =	ssyncadd.s32 $0xFFFFCC00;
	(pc) =	sbr.rel @p0 .LBB2_6-.Ltmp6, $4  }
0x1ef: {  	[hbm:s14], [sflag:s17] =	dma.local [spmem:s18], $0x680  }
0x1f0: {  	[tilespmem:s23], [sflag:$0x1] =	stream.indirect.gather [hbm4b:s0+s22], $0x80, s20, s22, $0xb8;
	[tilespmem:$0x1B000] =	vst v63  }
0x1f1: {  	s21 =	sadd.s32 $0x480, s5  }
0x1f2: {  	[tilespmem:s25], [sflag:$0x2] =	stream.indirect.gather [hbm4b:s0+s22], $0x80, s21, s22, $0xb8;
	[tilespmem:$0x1B000] =	vst v63  }
0x1f3: {  	_ =	swait.ge [sflag:s31], $0x3200  }
0x1f4: {  	[sflag:s31] =	ssyncset.done $0x0  }
0x1f5: {  	s5 =	simm.s32 $0x0;
	s14 =	simm.s32 $0x400;
	[sflag:s31] =	ssyncadd.s32 $0xFFFFCE00  }
.LBB2_16:
0x1f6: {  	p0 =	sne.s32 s14, $0xBC00;
	v0 =	vld [tilespmem:s5+$0x20F0]  }
0x1f7: {  	v1 =	vld [tilespmem:s5+$0x2000]  }
0x1f8: {  	v2 =	vld [tilespmem:s5+$0x2010]  }
0x1f9: {  	v3 =	vld [tilespmem:s5+$0x2020]  }
0x1fa: {  	v4 =	vld [tilespmem:s5+$0x2030]  }
0x1fb: {  	[tilespmem:s5+$0xE8F0] =	vst.add.f32.msk $0xffff, v0  }
0x1fc: {  	v0 =	vld [tilespmem:s5+$0x2040]  }
0x1fd: {  	v5 =	vld [tilespmem:s5+$0x2050]  }
0x1fe: {  	v6 =	vld [tilespmem:s5+$0x2060]  }
0x1ff: {  	v7 =	vld [tilespmem:s5+$0x2070]  }
0x200: {  	v8 =	vld [tilespmem:s5+$0x2080]  }
0x201: {  	v9 =	vld [tilespmem:s5+$0x2090]  }
0x202: {  	v10 =	vld [tilespmem:s5+$0x20A0]  }
0x203: {  	v11 =	vld [tilespmem:s5+$0x20B0]  }
0x204: {  	v12 =	vld [tilespmem:s5+$0x20C0]  }
0x205: {  	v13 =	vld [tilespmem:s5+$0x20D0]  }
0x206: {  	v14 =	vld [tilespmem:s5+$0x20E0]  }
0x207: {  	[tilespmem:s5+$0xE800] =	vst.add.f32.msk $0xffff, v1  }
0x208: {  	[tilespmem:s5+$0xE810] =	vst.add.f32.msk $0xffff, v2  }
0x209: {  	[tilespmem:s5+$0xE820] =	vst.add.f32.msk $0xffff, v3  }
0x20a: {  	[tilespmem:s5+$0xE830] =	vst.add.f32.msk $0xffff, v4  }
0x20b: {  	[tilespmem:s5+$0xE840] =	vst.add.f32.msk $0xffff, v0  }
0x20c: {  	[tilespmem:s5+$0xE850] =	vst.add.f32.msk $0xffff, v5  }
0x20d: {  	[tilespmem:s5+$0xE860] =	vst.add.f32.msk $0xffff, v6  }
0x20e: {  	[tilespmem:s5+$0xE870] =	vst.add.f32.msk $0xffff, v7  }
0x20f: {  	[tilespmem:s5+$0xE880] =	vst.add.f32.msk $0xffff, v8  }
0x210: {  	[tilespmem:s5+$0xE890] =	vst.add.f32.msk $0xffff, v9  }
.Ltmp7:
0x211: {  	[tilespmem:s5+$0xE8A0] =	vst.add.f32.msk $0xffff, v10;
	(pc) =	sbr.rel @p0 .LBB2_16-.Ltmp7, $4  }
0x212: {  	[tilespmem:s5+$0xE8B0] =	vst.add.f32.msk $0xffff, v11  }
0x213: {  	[tilespmem:s5+$0xE8C0] =	vst.add.f32.msk $0xffff, v12  }
0x214: {  	[tilespmem:s5+$0xE8D0] =	vst.add.f32.msk $0xffff, v13  }
0x215: {  	[tilespmem:s5+$0xE8E0] =	vst.add.f32.msk $0xffff, v14;
	s5 =	sshra.s32 s14, $0x2;
	s14 =	sadd.s32 $0x400, s14  }
0x216: {  	v0 =	vld [tilespmem:s5+$0x20F0]  }
0x217: {  	v1 =	vld [tilespmem:s5+$0x2000]  }
0x218: {  	v2 =	vld [tilespmem:s5+$0x2010]  }
0x219: {  	v3 =	vld [tilespmem:s5+$0x2020]  }
0x21a: {  	v4 =	vld [tilespmem:s5+$0x2030]  }
0x21b: {  	v63 =	vld [tilespmem:s5+$0x2040]  }
0x21c: {  	v5 =	vld [tilespmem:s5+$0x2050]  }
0x21d: {  	v6 =	vld [tilespmem:s5+$0x2060]  }
0x21e: {  	v7 =	vld [tilespmem:s5+$0x2070]  }
0x21f: {  	v8 =	vld [tilespmem:s5+$0x2080]  }
0x220: {  	v9 =	vld [tilespmem:s5+$0x2090]  }
0x221: {  	v10 =	vld [tilespmem:s5+$0x20A0]  }
0x222: {  	v11 =	vld [tilespmem:s5+$0x20B0]  }
0x223: {  	v12 =	vld [tilespmem:s5+$0x20C0]  }
0x224: {  	v13 =	vld [tilespmem:s5+$0x20D0]  }
0x225: {  	v14 =	vld [tilespmem:s5+$0x20E0]  }
0x226: {  	[tilespmem:s5+$0xE8F0] =	vst.add.f32.msk $0xffff, v0  }
0x227: {  	[tilespmem:s5+$0xE800] =	vst.add.f32.msk $0xffff, v1  }
0x228: {  	[tilespmem:s5+$0xE810] =	vst.add.f32.msk $0xffff, v2  }
0x229: {  	[tilespmem:s5+$0xE820] =	vst.add.f32.msk $0xffff, v3  }
0x22a: {  	[tilespmem:s5+$0xE830] =	vst.add.f32.msk $0xffff, v4  }
0x22b: {  	[tilespmem:s5+$0xE840] =	vst.add.f32.msk $0xffff, v63  }
0x22c: {  	[tilespmem:s5+$0xE850] =	vst.add.f32.msk $0xffff, v5  }
0x22d: {  	[tilespmem:s5+$0xE860] =	vst.add.f32.msk $0xffff, v6  }
0x22e: {  	[tilespmem:s5+$0xE870] =	vst.add.f32.msk $0xffff, v7  }
0x22f: {  	[tilespmem:s5+$0xE880] =	vst.add.f32.msk $0xffff, v8  }
0x230: {  	[tilespmem:s5+$0xE890] =	vst.add.f32.msk $0xffff, v9  }
0x231: {  	[tilespmem:s5+$0xE8A0] =	vst.add.f32.msk $0xffff, v10  }
0x232: {  	[tilespmem:s5+$0xE8B0] =	vst.add.f32.msk $0xffff, v11  }
0x233: {  	[tilespmem:s5+$0xE8C0] =	vst.add.f32.msk $0xffff, v12  }
0x234: {  	[tilespmem:s5+$0xE8D0] =	vst.add.f32.msk $0xffff, v13  }
0x235: {  	[tilespmem:s5+$0xE8E0] =	vst.add.f32.msk $0xffff, v14  }
0x236: {  	_ =	swait.ge [sflag:s1], $0x600  }
0x237: {  	[sflag:s1] =	ssyncset.done $0x0  }
0x238: {  	[sflag:s1] =	ssyncadd.s32 $0xFFFFFA00  }
0x239: {  	[spmem:s7] =	stream.linear.scatter [tilespmem:s28], [sflag:$0x5], $0x3000, $0x38;
	[tilespmem:$0x1B000] =	vst v63  }
0x23a: {  	_ =	swait.ge [sflag:s6], $0x3200  }
0x23b: {  	[sflag:s6] =	ssyncset.done $0x0  }
0x23c: {  	s14 =	simm.s32 $0x400;
	s5 =	simm.s32 $0x0;
	[sflag:s6] =	ssyncadd.s32 $0xFFFFCE00  }
.LBB2_18:
0x23d: {  	p0 =	sne.s32 s14, $0xCC00;
	v0 =	vld [tilespmem:s5+$0x50F0]  }
0x23e: {  	v1 =	vld [tilespmem:s5+$0x5000]  }
0x23f: {  	v2 =	vld [tilespmem:s5+$0x5010]  }
0x240: {  	v3 =	vld [tilespmem:s5+$0x5020]  }
0x241: {  	v4 =	vld [tilespmem:s5+$0x5030]  }
0x242: {  	[tilespmem:s5+$0x118F0] =	vst.add.f32.msk $0xffff, v0  }
0x243: {  	v0 =	vld [tilespmem:s5+$0x5040]  }
0x244: {  	v5 =	vld [tilespmem:s5+$0x5050]  }
0x245: {  	v6 =	vld [tilespmem:s5+$0x5060]  }
0x246: {  	v7 =	vld [tilespmem:s5+$0x5070]  }
0x247: {  	v8 =	vld [tilespmem:s5+$0x5080]  }
0x248: {  	v9 =	vld [tilespmem:s5+$0x5090]  }
0x249: {  	v10 =	vld [tilespmem:s5+$0x50A0]  }
0x24a: {  	v11 =	vld [tilespmem:s5+$0x50B0]  }
0x24b: {  	v12 =	vld [tilespmem:s5+$0x50C0]  }
0x24c: {  	v13 =	vld [tilespmem:s5+$0x50D0]  }
0x24d: {  	v14 =	vld [tilespmem:s5+$0x50E0]  }
0x24e: {  	[tilespmem:s5+$0x11800] =	vst.add.f32.msk $0xffff, v1  }
0x24f: {  	[tilespmem:s5+$0x11810] =	vst.add.f32.msk $0xffff, v2  }
0x250: {  	[tilespmem:s5+$0x11820] =	vst.add.f32.msk $0xffff, v3  }
0x251: {  	[tilespmem:s5+$0x11830] =	vst.add.f32.msk $0xffff, v4  }
0x252: {  	[tilespmem:s5+$0x11840] =	vst.add.f32.msk $0xffff, v0  }
0x253: {  	[tilespmem:s5+$0x11850] =	vst.add.f32.msk $0xffff, v5  }
0x254: {  	[tilespmem:s5+$0x11860] =	vst.add.f32.msk $0xffff, v6  }
0x255: {  	[tilespmem:s5+$0x11870] =	vst.add.f32.msk $0xffff, v7  }
0x256: {  	[tilespmem:s5+$0x11880] =	vst.add.f32.msk $0xffff, v8  }
0x257: {  	[tilespmem:s5+$0x11890] =	vst.add.f32.msk $0xffff, v9  }
.Ltmp8:
0x258: {  	[tilespmem:s5+$0x118A0] =	vst.add.f32.msk $0xffff, v10;
	(pc) =	sbr.rel @p0 .LBB2_18-.Ltmp8, $4  }
0x259: {  	[tilespmem:s5+$0x118B0] =	vst.add.f32.msk $0xffff, v11  }
0x25a: {  	[tilespmem:s5+$0x118C0] =	vst.add.f32.msk $0xffff, v12  }
0x25b: {  	[tilespmem:s5+$0x118D0] =	vst.add.f32.msk $0xffff, v13  }
0x25c: {  	[tilespmem:s5+$0x118E0] =	vst.add.f32.msk $0xffff, v14;
	s5 =	sshra.s32 s14, $0x2;
	s14 =	sadd.s32 $0x400, s14  }
0x25d: {  	v0 =	vld [tilespmem:s5+$0x50F0]  }
0x25e: {  	v1 =	vld [tilespmem:s5+$0x5000]  }
0x25f: {  	v2 =	vld [tilespmem:s5+$0x5010]  }
0x260: {  	v3 =	vld [tilespmem:s5+$0x5020]  }
0x261: {  	v4 =	vld [tilespmem:s5+$0x5030]  }
0x262: {  	v63 =	vld [tilespmem:s5+$0x5040]  }
0x263: {  	v5 =	vld [tilespmem:s5+$0x5050]  }
0x264: {  	v6 =	vld [tilespmem:s5+$0x5060]  }
0x265: {  	v7 =	vld [tilespmem:s5+$0x5070]  }
0x266: {  	v8 =	vld [tilespmem:s5+$0x5080]  }
0x267: {  	v9 =	vld [tilespmem:s5+$0x5090]  }
0x268: {  	v10 =	vld [tilespmem:s5+$0x50A0]  }
0x269: {  	v11 =	vld [tilespmem:s5+$0x50B0]  }
0x26a: {  	v12 =	vld [tilespmem:s5+$0x50C0]  }
0x26b: {  	v13 =	vld [tilespmem:s5+$0x50D0]  }
0x26c: {  	v14 =	vld [tilespmem:s5+$0x50E0]  }
0x26d: {  	[tilespmem:s5+$0x118F0] =	vst.add.f32.msk $0xffff, v0  }
0x26e: {  	[tilespmem:s5+$0x11800] =	vst.add.f32.msk $0xffff, v1  }
0x26f: {  	[tilespmem:s5+$0x11810] =	vst.add.f32.msk $0xffff, v2  }
0x270: {  	[tilespmem:s5+$0x11820] =	vst.add.f32.msk $0xffff, v3  }
0x271: {  	[tilespmem:s5+$0x11830] =	vst.add.f32.msk $0xffff, v4  }
0x272: {  	[tilespmem:s5+$0x11840] =	vst.add.f32.msk $0xffff, v63  }
0x273: {  	[tilespmem:s5+$0x11850] =	vst.add.f32.msk $0xffff, v5  }
0x274: {  	[tilespmem:s5+$0x11860] =	vst.add.f32.msk $0xffff, v6  }
0x275: {  	[tilespmem:s5+$0x11870] =	vst.add.f32.msk $0xffff, v7  }
0x276: {  	[tilespmem:s5+$0x11880] =	vst.add.f32.msk $0xffff, v8  }
0x277: {  	[tilespmem:s5+$0x11890] =	vst.add.f32.msk $0xffff, v9  }
0x278: {  	[tilespmem:s5+$0x118A0] =	vst.add.f32.msk $0xffff, v10  }
0x279: {  	[tilespmem:s5+$0x118B0] =	vst.add.f32.msk $0xffff, v11  }
0x27a: {  	[tilespmem:s5+$0x118C0] =	vst.add.f32.msk $0xffff, v12  }
0x27b: {  	[tilespmem:s5+$0x118D0] =	vst.add.f32.msk $0xffff, v13  }
0x27c: {  	[tilespmem:s5+$0x118E0] =	vst.add.f32.msk $0xffff, v14  }
0x27d: {  	_ =	swait.ge [sflag:s9], $0x680  }
0x27e: {  	[sflag:s9] =	ssyncset.done $0x0  }
0x27f: {  	[sflag:s9] =	ssyncadd.s32 $0xFFFFF980  }
0x280: {  	[spmem:s8] =	stream.linear.scatter [tilespmem:s11], [sflag:$0x6], $0x3400, $0x38;
	[tilespmem:$0x1B000] =	vst v63  }
0x281: {  	_ =	swait.ge [sflag:s26], $0x3000  }
0x282: {  	[sflag:s26] =	ssyncset.done $0x0  }
0x283: {  	s14 =	rddreg [dreg:$0xa];
	[sflag:s26] =	ssyncadd.s32 $0xFFFFD000  }
0x284: {  	[hbm:s14], [sflag:s15] =	dma.local [spmem:s16], $0x600  }
0x285: {  	_ =	swait.ge [sflag:s29], $0x3400  }
0x286: {  	[sflag:s29] =	ssyncset.done $0x0  }
0x287: {  	s20 =	simm.s32 $0x1F00;
	s19 =	rddreg [dreg:$0xb];
	[sflag:s29] =	ssyncadd.s32 $0xFFFFCC00  }
0x288: {  	[hbm:s19], [sflag:s17] =	dma.local [spmem:s18], $0x680  }
0x289: {  	[tilespmem:s28], [sflag:$0x3] =	stream.indirect.gather [hbm4b:s0+s22], $0x80, s20, s22, $0xb8;
	[tilespmem:$0x1B000] =	vst v63  }
0x28a: {  	s21 =	simm.s32 $0x1F80  }
0x28b: {  	[tilespmem:s30], [sflag:$0x4] =	stream.indirect.gather [hbm4b:s0+s22], $0x80, s21, s22, $0xb8;
	[tilespmem:$0x1B000] =	vst v63  }
0x28c: {  	_ =	swait.ge [sflag:s4], $0x3200  }
0x28d: {  	[sflag:s4] =	ssyncset.done $0x0  }
0x28e: {  	s5 =	simm.s32 $0x0;
	s14 =	simm.s32 $0x400;
	[sflag:s4] =	ssyncadd.s32 $0xFFFFCE00  }
.LBB2_20:
0x28f: {  	p0 =	sne.s32 s14, $0xBC00;
	v0 =	vld [tilespmem:s5+$0x20F0]  }
0x290: {  	v1 =	vld [tilespmem:s5+$0x2000]  }
0x291: {  	v2 =	vld [tilespmem:s5+$0x2010]  }
0x292: {  	v3 =	vld [tilespmem:s5+$0x2020]  }
0x293: {  	v4 =	vld [tilespmem:s5+$0x2030]  }
0x294: {  	[tilespmem:s5+$0x84F0] =	vst.add.f32.msk $0xffff, v0  }
0x295: {  	v0 =	vld [tilespmem:s5+$0x2040]  }
0x296: {  	v5 =	vld [tilespmem:s5+$0x2050]  }
0x297: {  	v6 =	vld [tilespmem:s5+$0x2060]  }
0x298: {  	v7 =	vld [tilespmem:s5+$0x2070]  }
0x299: {  	v8 =	vld [tilespmem:s5+$0x2080]  }
0x29a: {  	v9 =	vld [tilespmem:s5+$0x2090]  }
0x29b: {  	v10 =	vld [tilespmem:s5+$0x20A0]  }
0x29c: {  	v11 =	vld [tilespmem:s5+$0x20B0]  }
0x29d: {  	v12 =	vld [tilespmem:s5+$0x20C0]  }
0x29e: {  	v13 =	vld [tilespmem:s5+$0x20D0]  }
0x29f: {  	v14 =	vld [tilespmem:s5+$0x20E0]  }
0x2a0: {  	[tilespmem:s5+$0x8400] =	vst.add.f32.msk $0xffff, v1  }
0x2a1: {  	[tilespmem:s5+$0x8410] =	vst.add.f32.msk $0xffff, v2  }
0x2a2: {  	[tilespmem:s5+$0x8420] =	vst.add.f32.msk $0xffff, v3  }
0x2a3: {  	[tilespmem:s5+$0x8430] =	vst.add.f32.msk $0xffff, v4  }
0x2a4: {  	[tilespmem:s5+$0x8440] =	vst.add.f32.msk $0xffff, v0  }
0x2a5: {  	[tilespmem:s5+$0x8450] =	vst.add.f32.msk $0xffff, v5  }
0x2a6: {  	[tilespmem:s5+$0x8460] =	vst.add.f32.msk $0xffff, v6  }
0x2a7: {  	[tilespmem:s5+$0x8470] =	vst.add.f32.msk $0xffff, v7  }
0x2a8: {  	[tilespmem:s5+$0x8480] =	vst.add.f32.msk $0xffff, v8  }
0x2a9: {  	[tilespmem:s5+$0x8490] =	vst.add.f32.msk $0xffff, v9  }
.Ltmp9:
0x2aa: {  	[tilespmem:s5+$0x84A0] =	vst.add.f32.msk $0xffff, v10;
	(pc) =	sbr.rel @p0 .LBB2_20-.Ltmp9, $4  }
0x2ab: {  	[tilespmem:s5+$0x84B0] =	vst.add.f32.msk $0xffff, v11  }
0x2ac: {  	[tilespmem:s5+$0x84C0] =	vst.add.f32.msk $0xffff, v12  }
0x2ad: {  	[tilespmem:s5+$0x84D0] =	vst.add.f32.msk $0xffff, v13  }
0x2ae: {  	[tilespmem:s5+$0x84E0] =	vst.add.f32.msk $0xffff, v14;
	s5 =	sshra.s32 s14, $0x2;
	s14 =	sadd.s32 $0x400, s14  }
0x2af: {  	v0 =	vld [tilespmem:s5+$0x20F0]  }
0x2b0: {  	v1 =	vld [tilespmem:s5+$0x2000]  }
0x2b1: {  	v2 =	vld [tilespmem:s5+$0x2010]  }
0x2b2: {  	v3 =	vld [tilespmem:s5+$0x2020]  }
0x2b3: {  	v4 =	vld [tilespmem:s5+$0x2030]  }
0x2b4: {  	v63 =	vld [tilespmem:s5+$0x2040]  }
0x2b5: {  	v5 =	vld [tilespmem:s5+$0x2050]  }
0x2b6: {  	v6 =	vld [tilespmem:s5+$0x2060]  }
0x2b7: {  	v7 =	vld [tilespmem:s5+$0x2070]  }
0x2b8: {  	v8 =	vld [tilespmem:s5+$0x2080]  }
0x2b9: {  	v9 =	vld [tilespmem:s5+$0x2090]  }
0x2ba: {  	v10 =	vld [tilespmem:s5+$0x20A0]  }
0x2bb: {  	v11 =	vld [tilespmem:s5+$0x20B0]  }
0x2bc: {  	v12 =	vld [tilespmem:s5+$0x20C0]  }
0x2bd: {  	v13 =	vld [tilespmem:s5+$0x20D0]  }
0x2be: {  	v14 =	vld [tilespmem:s5+$0x20E0]  }
0x2bf: {  	[tilespmem:s5+$0x84F0] =	vst.add.f32.msk $0xffff, v0  }
0x2c0: {  	[tilespmem:s5+$0x8400] =	vst.add.f32.msk $0xffff, v1  }
0x2c1: {  	[tilespmem:s5+$0x8410] =	vst.add.f32.msk $0xffff, v2  }
0x2c2: {  	[tilespmem:s5+$0x8420] =	vst.add.f32.msk $0xffff, v3  }
0x2c3: {  	[tilespmem:s5+$0x8430] =	vst.add.f32.msk $0xffff, v4  }
0x2c4: {  	[tilespmem:s5+$0x8440] =	vst.add.f32.msk $0xffff, v63  }
0x2c5: {  	[tilespmem:s5+$0x8450] =	vst.add.f32.msk $0xffff, v5  }
0x2c6: {  	[tilespmem:s5+$0x8460] =	vst.add.f32.msk $0xffff, v6  }
0x2c7: {  	[tilespmem:s5+$0x8470] =	vst.add.f32.msk $0xffff, v7  }
0x2c8: {  	[tilespmem:s5+$0x8480] =	vst.add.f32.msk $0xffff, v8  }
0x2c9: {  	[tilespmem:s5+$0x8490] =	vst.add.f32.msk $0xffff, v9  }
0x2ca: {  	[tilespmem:s5+$0x84A0] =	vst.add.f32.msk $0xffff, v10  }
0x2cb: {  	[tilespmem:s5+$0x84B0] =	vst.add.f32.msk $0xffff, v11  }
0x2cc: {  	[tilespmem:s5+$0x84C0] =	vst.add.f32.msk $0xffff, v12  }
0x2cd: {  	[tilespmem:s5+$0x84D0] =	vst.add.f32.msk $0xffff, v13  }
0x2ce: {  	[tilespmem:s5+$0x84E0] =	vst.add.f32.msk $0xffff, v14  }
0x2cf: {  	_ =	swait.ge [sflag:s1], $0x600  }
0x2d0: {  	[sflag:s1] =	ssyncset.done $0x0  }
0x2d1: {  	[sflag:s1] =	ssyncadd.s32 $0xFFFFFA00  }
0x2d2: {  	[spmem:s7] =	stream.linear.scatter [tilespmem:s23], [sflag:$0x5], $0x3000, $0x38;
	[tilespmem:$0x1B000] =	vst v63  }
0x2d3: {  	_ =	swait.ge [sflag:s2], $0x3200  }
0x2d4: {  	[sflag:s2] =	ssyncset.done $0x0  }
0x2d5: {  	s14 =	simm.s32 $0x400;
	s5 =	simm.s32 $0x0;
	[sflag:s2] =	ssyncadd.s32 $0xFFFFCE00  }
.LBB2_22:
0x2d6: {  	p0 =	sne.s32 s14, $0xCC00;
	v0 =	vld [tilespmem:s5+$0x50F0]  }
0x2d7: {  	v1 =	vld [tilespmem:s5+$0x5000]  }
0x2d8: {  	v2 =	vld [tilespmem:s5+$0x5010]  }
0x2d9: {  	v3 =	vld [tilespmem:s5+$0x5020]  }
0x2da: {  	v4 =	vld [tilespmem:s5+$0x5030]  }
0x2db: {  	[tilespmem:s5+$0xB4F0] =	vst.add.f32.msk $0xffff, v0  }
0x2dc: {  	v0 =	vld [tilespmem:s5+$0x5040]  }
0x2dd: {  	v5 =	vld [tilespmem:s5+$0x5050]  }
0x2de: {  	v6 =	vld [tilespmem:s5+$0x5060]  }
0x2df: {  	v7 =	vld [tilespmem:s5+$0x5070]  }
0x2e0: {  	v8 =	vld [tilespmem:s5+$0x5080]  }
0x2e1: {  	v9 =	vld [tilespmem:s5+$0x5090]  }
0x2e2: {  	v10 =	vld [tilespmem:s5+$0x50A0]  }
0x2e3: {  	v11 =	vld [tilespmem:s5+$0x50B0]  }
0x2e4: {  	v12 =	vld [tilespmem:s5+$0x50C0]  }
0x2e5: {  	v13 =	vld [tilespmem:s5+$0x50D0]  }
0x2e6: {  	v14 =	vld [tilespmem:s5+$0x50E0]  }
0x2e7: {  	[tilespmem:s5+$0xB400] =	vst.add.f32.msk $0xffff, v1  }
0x2e8: {  	[tilespmem:s5+$0xB410] =	vst.add.f32.msk $0xffff, v2  }
0x2e9: {  	[tilespmem:s5+$0xB420] =	vst.add.f32.msk $0xffff, v3  }
0x2ea: {  	[tilespmem:s5+$0xB430] =	vst.add.f32.msk $0xffff, v4  }
0x2eb: {  	[tilespmem:s5+$0xB440] =	vst.add.f32.msk $0xffff, v0  }
0x2ec: {  	[tilespmem:s5+$0xB450] =	vst.add.f32.msk $0xffff, v5  }
0x2ed: {  	[tilespmem:s5+$0xB460] =	vst.add.f32.msk $0xffff, v6  }
0x2ee: {  	[tilespmem:s5+$0xB470] =	vst.add.f32.msk $0xffff, v7  }
0x2ef: {  	[tilespmem:s5+$0xB480] =	vst.add.f32.msk $0xffff, v8  }
0x2f0: {  	[tilespmem:s5+$0xB490] =	vst.add.f32.msk $0xffff, v9  }
.Ltmp10:
0x2f1: {  	[tilespmem:s5+$0xB4A0] =	vst.add.f32.msk $0xffff, v10;
	(pc) =	sbr.rel @p0 .LBB2_22-.Ltmp10, $4  }
0x2f2: {  	[tilespmem:s5+$0xB4B0] =	vst.add.f32.msk $0xffff, v11  }
0x2f3: {  	[tilespmem:s5+$0xB4C0] =	vst.add.f32.msk $0xffff, v12  }
0x2f4: {  	[tilespmem:s5+$0xB4D0] =	vst.add.f32.msk $0xffff, v13  }
0x2f5: {  	[tilespmem:s5+$0xB4E0] =	vst.add.f32.msk $0xffff, v14;
	s5 =	sshra.s32 s14, $0x2;
	s14 =	sadd.s32 $0x400, s14  }
0x2f6: {  	v0 =	vld [tilespmem:s5+$0x50F0]  }
0x2f7: {  	v1 =	vld [tilespmem:s5+$0x5000]  }
0x2f8: {  	v2 =	vld [tilespmem:s5+$0x5010]  }
0x2f9: {  	v3 =	vld [tilespmem:s5+$0x5020]  }
0x2fa: {  	v4 =	vld [tilespmem:s5+$0x5030]  }
0x2fb: {  	v63 =	vld [tilespmem:s5+$0x5040]  }
0x2fc: {  	v5 =	vld [tilespmem:s5+$0x5050]  }
0x2fd: {  	v6 =	vld [tilespmem:s5+$0x5060]  }
0x2fe: {  	v7 =	vld [tilespmem:s5+$0x5070]  }
0x2ff: {  	v8 =	vld [tilespmem:s5+$0x5080]  }
0x300: {  	v9 =	vld [tilespmem:s5+$0x5090]  }
0x301: {  	v10 =	vld [tilespmem:s5+$0x50A0]  }
0x302: {  	v11 =	vld [tilespmem:s5+$0x50B0]  }
0x303: {  	v12 =	vld [tilespmem:s5+$0x50C0]  }
0x304: {  	v13 =	vld [tilespmem:s5+$0x50D0]  }
0x305: {  	v14 =	vld [tilespmem:s5+$0x50E0]  }
0x306: {  	[tilespmem:s5+$0xB4F0] =	vst.add.f32.msk $0xffff, v0  }
0x307: {  	[tilespmem:s5+$0xB400] =	vst.add.f32.msk $0xffff, v1  }
0x308: {  	[tilespmem:s5+$0xB410] =	vst.add.f32.msk $0xffff, v2  }
0x309: {  	[tilespmem:s5+$0xB420] =	vst.add.f32.msk $0xffff, v3  }
0x30a: {  	[tilespmem:s5+$0xB430] =	vst.add.f32.msk $0xffff, v4  }
0x30b: {  	[tilespmem:s5+$0xB440] =	vst.add.f32.msk $0xffff, v63  }
0x30c: {  	[tilespmem:s5+$0xB450] =	vst.add.f32.msk $0xffff, v5  }
0x30d: {  	[tilespmem:s5+$0xB460] =	vst.add.f32.msk $0xffff, v6  }
0x30e: {  	[tilespmem:s5+$0xB470] =	vst.add.f32.msk $0xffff, v7  }
0x30f: {  	[tilespmem:s5+$0xB480] =	vst.add.f32.msk $0xffff, v8  }
0x310: {  	[tilespmem:s5+$0xB490] =	vst.add.f32.msk $0xffff, v9  }
0x311: {  	[tilespmem:s5+$0xB4A0] =	vst.add.f32.msk $0xffff, v10  }
0x312: {  	[tilespmem:s5+$0xB4B0] =	vst.add.f32.msk $0xffff, v11  }
0x313: {  	[tilespmem:s5+$0xB4C0] =	vst.add.f32.msk $0xffff, v12  }
0x314: {  	[tilespmem:s5+$0xB4D0] =	vst.add.f32.msk $0xffff, v13  }
0x315: {  	[tilespmem:s5+$0xB4E0] =	vst.add.f32.msk $0xffff, v14  }
0x316: {  	_ =	swait.ge [sflag:s9], $0x680  }
0x317: {  	[sflag:s9] =	ssyncset.done $0x0  }
0x318: {  	[sflag:s9] =	ssyncadd.s32 $0xFFFFF980  }
0x319: {  	[spmem:s8] =	stream.linear.scatter [tilespmem:s24], [sflag:$0x6], $0x3400, $0x38;
	[tilespmem:$0x1B000] =	vst v63  }
0x31a: {  	_ =	swait.ge [sflag:s26], $0x3000  }
0x31b: {  	[sflag:s26] =	ssyncset.done $0x0  }
0x31c: {  	s20 =	rddreg [dreg:$0xc];
	[sflag:s26] =	ssyncadd.s32 $0xFFFFD000  }
0x31d: {  	[hbm:s20], [sflag:s15] =	dma.local [spmem:s16], $0x600  }
0x31e: {  	_ =	swait.ge [sflag:s29], $0x3400  }
0x31f: {  	[sflag:s29] =	ssyncset.done $0x0  }
0x320: {  	s21 =	rddreg [dreg:$0xd];
	[sflag:s29] =	ssyncadd.s32 $0xFFFFCC00  }
0x321: {  	[hbm:s21], [sflag:s17] =	dma.local [spmem:s18], $0x680  }
0x322: {  	_ =	swait.ge [sflag:s31], $0x3200  }
0x323: {  	[sflag:s31] =	ssyncset.done $0x0  }
0x324: {  	s14 =	simm.s32 $0x400;
	s5 =	simm.s32 $0x0;
	[sflag:s31] =	ssyncadd.s32 $0xFFFFCE00  }
.LBB2_24:
0x325: {  	p0 =	sne.s32 s14, $0xBC00;
	v0 =	vld [tilespmem:s5+$0x20F0]  }
0x326: {  	v1 =	vld [tilespmem:s5+$0x2000]  }
0x327: {  	v2 =	vld [tilespmem:s5+$0x2010]  }
0x328: {  	v3 =	vld [tilespmem:s5+$0x2020]  }
0x329: {  	v4 =	vld [tilespmem:s5+$0x2030]  }
0x32a: {  	[tilespmem:s5+$0xE8F0] =	vst.add.f32.msk $0xffff, v0  }
0x32b: {  	v0 =	vld [tilespmem:s5+$0x2040]  }
0x32c: {  	v5 =	vld [tilespmem:s5+$0x2050]  }
0x32d: {  	v6 =	vld [tilespmem:s5+$0x2060]  }
0x32e: {  	v7 =	vld [tilespmem:s5+$0x2070]  }
0x32f: {  	v8 =	vld [tilespmem:s5+$0x2080]  }
0x330: {  	v9 =	vld [tilespmem:s5+$0x2090]  }
0x331: {  	v10 =	vld [tilespmem:s5+$0x20A0]  }
0x332: {  	v11 =	vld [tilespmem:s5+$0x20B0]  }
0x333: {  	v12 =	vld [tilespmem:s5+$0x20C0]  }
0x334: {  	v13 =	vld [tilespmem:s5+$0x20D0]  }
0x335: {  	v14 =	vld [tilespmem:s5+$0x20E0]  }
0x336: {  	[tilespmem:s5+$0xE800] =	vst.add.f32.msk $0xffff, v1  }
0x337: {  	[tilespmem:s5+$0xE810] =	vst.add.f32.msk $0xffff, v2  }
0x338: {  	[tilespmem:s5+$0xE820] =	vst.add.f32.msk $0xffff, v3  }
0x339: {  	[tilespmem:s5+$0xE830] =	vst.add.f32.msk $0xffff, v4  }
0x33a: {  	[tilespmem:s5+$0xE840] =	vst.add.f32.msk $0xffff, v0  }
0x33b: {  	[tilespmem:s5+$0xE850] =	vst.add.f32.msk $0xffff, v5  }
0x33c: {  	[tilespmem:s5+$0xE860] =	vst.add.f32.msk $0xffff, v6  }
0x33d: {  	[tilespmem:s5+$0xE870] =	vst.add.f32.msk $0xffff, v7  }
0x33e: {  	[tilespmem:s5+$0xE880] =	vst.add.f32.msk $0xffff, v8  }
0x33f: {  	[tilespmem:s5+$0xE890] =	vst.add.f32.msk $0xffff, v9  }
.Ltmp11:
0x340: {  	[tilespmem:s5+$0xE8A0] =	vst.add.f32.msk $0xffff, v10;
	(pc) =	sbr.rel @p0 .LBB2_24-.Ltmp11, $4  }
0x341: {  	[tilespmem:s5+$0xE8B0] =	vst.add.f32.msk $0xffff, v11  }
0x342: {  	[tilespmem:s5+$0xE8C0] =	vst.add.f32.msk $0xffff, v12  }
0x343: {  	[tilespmem:s5+$0xE8D0] =	vst.add.f32.msk $0xffff, v13  }
0x344: {  	[tilespmem:s5+$0xE8E0] =	vst.add.f32.msk $0xffff, v14;
	s5 =	sshra.s32 s14, $0x2;
	s14 =	sadd.s32 $0x400, s14  }
0x345: {  	v0 =	vld [tilespmem:s5+$0x20F0]  }
0x346: {  	v1 =	vld [tilespmem:s5+$0x2000]  }
0x347: {  	v2 =	vld [tilespmem:s5+$0x2010]  }
0x348: {  	v3 =	vld [tilespmem:s5+$0x2020]  }
0x349: {  	v4 =	vld [tilespmem:s5+$0x2030]  }
0x34a: {  	v63 =	vld [tilespmem:s5+$0x2040]  }
0x34b: {  	v5 =	vld [tilespmem:s5+$0x2050]  }
0x34c: {  	v6 =	vld [tilespmem:s5+$0x2060]  }
0x34d: {  	v7 =	vld [tilespmem:s5+$0x2070]  }
0x34e: {  	v8 =	vld [tilespmem:s5+$0x2080]  }
0x34f: {  	v9 =	vld [tilespmem:s5+$0x2090]  }
0x350: {  	v10 =	vld [tilespmem:s5+$0x20A0]  }
0x351: {  	v11 =	vld [tilespmem:s5+$0x20B0]  }
0x352: {  	v12 =	vld [tilespmem:s5+$0x20C0]  }
0x353: {  	v13 =	vld [tilespmem:s5+$0x20D0]  }
0x354: {  	v14 =	vld [tilespmem:s5+$0x20E0]  }
0x355: {  	[tilespmem:s5+$0xE8F0] =	vst.add.f32.msk $0xffff, v0  }
0x356: {  	[tilespmem:s5+$0xE800] =	vst.add.f32.msk $0xffff, v1  }
0x357: {  	[tilespmem:s5+$0xE810] =	vst.add.f32.msk $0xffff, v2  }
0x358: {  	[tilespmem:s5+$0xE820] =	vst.add.f32.msk $0xffff, v3  }
0x359: {  	[tilespmem:s5+$0xE830] =	vst.add.f32.msk $0xffff, v4  }
0x35a: {  	[tilespmem:s5+$0xE840] =	vst.add.f32.msk $0xffff, v63  }
0x35b: {  	[tilespmem:s5+$0xE850] =	vst.add.f32.msk $0xffff, v5  }
0x35c: {  	[tilespmem:s5+$0xE860] =	vst.add.f32.msk $0xffff, v6  }
0x35d: {  	[tilespmem:s5+$0xE870] =	vst.add.f32.msk $0xffff, v7  }
0x35e: {  	[tilespmem:s5+$0xE880] =	vst.add.f32.msk $0xffff, v8  }
0x35f: {  	[tilespmem:s5+$0xE890] =	vst.add.f32.msk $0xffff, v9  }
0x360: {  	[tilespmem:s5+$0xE8A0] =	vst.add.f32.msk $0xffff, v10  }
0x361: {  	[tilespmem:s5+$0xE8B0] =	vst.add.f32.msk $0xffff, v11  }
0x362: {  	[tilespmem:s5+$0xE8C0] =	vst.add.f32.msk $0xffff, v12  }
0x363: {  	[tilespmem:s5+$0xE8D0] =	vst.add.f32.msk $0xffff, v13  }
0x364: {  	[tilespmem:s5+$0xE8E0] =	vst.add.f32.msk $0xffff, v14  }
0x365: {  	_ =	swait.ge [sflag:s1], $0x600  }
0x366: {  	[sflag:s1] =	ssyncset.done $0x0  }
0x367: {  	[sflag:s1] =	ssyncadd.s32 $0xFFFFFA00  }
0x368: {  	[spmem:s7] =	stream.linear.scatter [tilespmem:s28], [sflag:$0x5], $0x3000, $0x38;
	[tilespmem:$0x1B000] =	vst v63  }
0x369: {  	_ =	swait.ge [sflag:s6], $0x3200  }
0x36a: {  	[sflag:s6] =	ssyncset.done $0x0  }
0x36b: {  	s14 =	simm.s32 $0x400;
	s5 =	simm.s32 $0x0;
	[sflag:s6] =	ssyncadd.s32 $0xFFFFCE00  }
.LBB2_26:
0x36c: {  	p0 =	sne.s32 s14, $0xCC00;
	v0 =	vld [tilespmem:s5+$0x50F0]  }
0x36d: {  	v1 =	vld [tilespmem:s5+$0x5000]  }
0x36e: {  	v2 =	vld [tilespmem:s5+$0x5010]  }
0x36f: {  	v3 =	vld [tilespmem:s5+$0x5020]  }
0x370: {  	v4 =	vld [tilespmem:s5+$0x5030]  }
0x371: {  	[tilespmem:s5+$0x118F0] =	vst.add.f32.msk $0xffff, v0  }
0x372: {  	v0 =	vld [tilespmem:s5+$0x5040]  }
0x373: {  	v5 =	vld [tilespmem:s5+$0x5050]  }
0x374: {  	v6 =	vld [tilespmem:s5+$0x5060]  }
0x375: {  	v7 =	vld [tilespmem:s5+$0x5070]  }
0x376: {  	v8 =	vld [tilespmem:s5+$0x5080]  }
0x377: {  	v9 =	vld [tilespmem:s5+$0x5090]  }
0x378: {  	v10 =	vld [tilespmem:s5+$0x50A0]  }
0x379: {  	v11 =	vld [tilespmem:s5+$0x50B0]  }
0x37a: {  	v12 =	vld [tilespmem:s5+$0x50C0]  }
0x37b: {  	v13 =	vld [tilespmem:s5+$0x50D0]  }
0x37c: {  	v14 =	vld [tilespmem:s5+$0x50E0]  }
0x37d: {  	[tilespmem:s5+$0x11800] =	vst.add.f32.msk $0xffff, v1  }
0x37e: {  	[tilespmem:s5+$0x11810] =	vst.add.f32.msk $0xffff, v2  }
0x37f: {  	[tilespmem:s5+$0x11820] =	vst.add.f32.msk $0xffff, v3  }
0x380: {  	[tilespmem:s5+$0x11830] =	vst.add.f32.msk $0xffff, v4  }
0x381: {  	[tilespmem:s5+$0x11840] =	vst.add.f32.msk $0xffff, v0  }
0x382: {  	[tilespmem:s5+$0x11850] =	vst.add.f32.msk $0xffff, v5  }
0x383: {  	[tilespmem:s5+$0x11860] =	vst.add.f32.msk $0xffff, v6  }
0x384: {  	[tilespmem:s5+$0x11870] =	vst.add.f32.msk $0xffff, v7  }
0x385: {  	[tilespmem:s5+$0x11880] =	vst.add.f32.msk $0xffff, v8  }
0x386: {  	[tilespmem:s5+$0x11890] =	vst.add.f32.msk $0xffff, v9  }
.Ltmp12:
0x387: {  	[tilespmem:s5+$0x118A0] =	vst.add.f32.msk $0xffff, v10;
	(pc) =	sbr.rel @p0 .LBB2_26-.Ltmp12, $4  }
0x388: {  	[tilespmem:s5+$0x118B0] =	vst.add.f32.msk $0xffff, v11  }
0x389: {  	[tilespmem:s5+$0x118C0] =	vst.add.f32.msk $0xffff, v12  }
0x38a: {  	[tilespmem:s5+$0x118D0] =	vst.add.f32.msk $0xffff, v13  }
0x38b: {  	[tilespmem:s5+$0x118E0] =	vst.add.f32.msk $0xffff, v14;
	s5 =	sshra.s32 s14, $0x2;
	s14 =	sadd.s32 $0x400, s14  }
0x38c: {  	v0 =	vld [tilespmem:s5+$0x50F0]  }
0x38d: {  	v1 =	vld [tilespmem:s5+$0x5000]  }
0x38e: {  	v2 =	vld [tilespmem:s5+$0x5010]  }
0x38f: {  	v3 =	vld [tilespmem:s5+$0x5020]  }
0x390: {  	v4 =	vld [tilespmem:s5+$0x5030]  }
0x391: {  	v63 =	vld [tilespmem:s5+$0x5040]  }
0x392: {  	v5 =	vld [tilespmem:s5+$0x5050]  }
0x393: {  	v6 =	vld [tilespmem:s5+$0x5060]  }
0x394: {  	v7 =	vld [tilespmem:s5+$0x5070]  }
0x395: {  	v8 =	vld [tilespmem:s5+$0x5080]  }
0x396: {  	v9 =	vld [tilespmem:s5+$0x5090]  }
0x397: {  	v10 =	vld [tilespmem:s5+$0x50A0]  }
0x398: {  	v11 =	vld [tilespmem:s5+$0x50B0]  }
0x399: {  	v12 =	vld [tilespmem:s5+$0x50C0]  }
0x39a: {  	v13 =	vld [tilespmem:s5+$0x50D0]  }
0x39b: {  	v14 =	vld [tilespmem:s5+$0x50E0]  }
0x39c: {  	[tilespmem:s5+$0x118F0] =	vst.add.f32.msk $0xffff, v0  }
0x39d: {  	[tilespmem:s5+$0x11800] =	vst.add.f32.msk $0xffff, v1  }
0x39e: {  	[tilespmem:s5+$0x11810] =	vst.add.f32.msk $0xffff, v2  }
0x39f: {  	[tilespmem:s5+$0x11820] =	vst.add.f32.msk $0xffff, v3  }
0x3a0: {  	[tilespmem:s5+$0x11830] =	vst.add.f32.msk $0xffff, v4  }
0x3a1: {  	[tilespmem:s5+$0x11840] =	vst.add.f32.msk $0xffff, v63  }
0x3a2: {  	[tilespmem:s5+$0x11850] =	vst.add.f32.msk $0xffff, v5  }
0x3a3: {  	[tilespmem:s5+$0x11860] =	vst.add.f32.msk $0xffff, v6  }
0x3a4: {  	[tilespmem:s5+$0x11870] =	vst.add.f32.msk $0xffff, v7  }
0x3a5: {  	[tilespmem:s5+$0x11880] =	vst.add.f32.msk $0xffff, v8  }
0x3a6: {  	[tilespmem:s5+$0x11890] =	vst.add.f32.msk $0xffff, v9  }
0x3a7: {  	[tilespmem:s5+$0x118A0] =	vst.add.f32.msk $0xffff, v10  }
0x3a8: {  	[tilespmem:s5+$0x118B0] =	vst.add.f32.msk $0xffff, v11  }
0x3a9: {  	[tilespmem:s5+$0x118C0] =	vst.add.f32.msk $0xffff, v12  }
0x3aa: {  	[tilespmem:s5+$0x118D0] =	vst.add.f32.msk $0xffff, v13  }
0x3ab: {  	[tilespmem:s5+$0x118E0] =	vst.add.f32.msk $0xffff, v14  }
0x3ac: {  	_ =	swait.ge [sflag:s9], $0x680  }
0x3ad: {  	[sflag:s9] =	ssyncset.done $0x0  }
0x3ae: {  	[sflag:s9] =	ssyncadd.s32 $0xFFFFF980  }
0x3af: {  	[spmem:s8] =	stream.linear.scatter [tilespmem:s11], [sflag:$0x6], $0x3400, $0x38;
	[tilespmem:$0x1B000] =	vst v63  }
0x3b0: {  	_ =	swait.ge [sflag:s26], $0x3000  }
0x3b1: {  	[sflag:s26] =	ssyncset.done $0x0  }
0x3b2: {  	s19 =	rddreg [dreg:$0xe];
	[sflag:s26] =	ssyncadd.s32 $0xFFFFD000  }
0x3b3: {  	[hbm:s19], [sflag:s15] =	dma.local [spmem:s16], $0x600  }
0x3b4: {  	_ =	swait.ge [sflag:s29], $0x3400  }
0x3b5: {  	[sflag:s29] =	ssyncset.done $0x0  }
0x3b6: {  	s20 =	rddreg [dreg:$0xf];
	[sflag:s29] =	ssyncadd.s32 $0xFFFFCC00  }
0x3b7: {  	[hbm:s20], [sflag:s17] =	dma.local [spmem:s18], $0x680  }
0x3b8: {  	_ =	swait.ge [sflag:s1], $0x600  }
0x3b9: {  	[sflag:s1] =	ssyncset.done $0x0  }
0x3ba: {  	[sflag:s1] =	ssyncadd.s32 $0xFFFFFA00  }
0x3bb: {  	_ =	swait.ge [sflag:s9], $0x680  }
0x3bc: {  	s14 =	rddreg [dreg:$0x11]  }
0x3bd: {  	s21 =	rddreg [dreg:$0x10];
	s14 =	sadd.s32 $0x1, s14  }
0x3be: {  	p0 =	sne.s32 s14, s21  }
.Ltmp13:
0x3bf: {  	_ = 	snop;
	(pc) =	sbr.rel @p0 .LBB2_1-.Ltmp13, $3  }
0x3c0: {  	_ =	sdelay $0x1  }
0x3c1: {  	[sflag:s9] =	ssyncset.done $0x0  }
0x3c2: {  	[sflag:s9] =	ssyncadd.s32 $0xFFFFF980  }
0x3c3: {  	_ =	sfence.sel $0x180000  }
0x3c4: {  	[bflag:$0x0] =	sbarrier.arrive $0xFFFF  }
0x3c5: {  	_ =	strace $0x90000047  }
0x3c6: {  	s0 =	stileid.u32;
	[bflag:$0x2] =	sbarrier.arrive $0xFFFF  }
0x3c7: {  	p0 =	sne.s32 s0, $0x0;
	s0 =	rddreg [dreg:$0x6]  }
0x3c8: {  	s0 =	sadd.s32 @!p0 $0x100000, s0  }
0x3c9: {  	[sflag:s0] =	ssyncadd.tile.s32 @!p0 $0x1;
	_ =	shalt  }
.Lfunc_end2:
_tile_overlayer_lowered:
.L_overlay_start_2:
0x3ca: {  	(tag) =	ssettag $0x2  }
0x3cb: {  	s0 =	rddreg [dreg:$0x0];
	s2 =	stileid.u32  }
0x3cc: {  	s1 =	rddreg [dreg:$0x1];
	p0 =	sne.s32 s2, $0x0  }
0x3cd: {  	s3 =	rddreg [dreg:$0x2];
	[bflag:$0x3] =	sbarrier.arrive $0xFFFF;
	s2 =	simm.s32 @!p0 $0x1C09  }
0x3ce: {  	[timem:s3], [sflag:s2] =	dma.local @!p0 [hbm:s0], s1  }
0x3cf: {  	s0 =	simm.s32 @!p0 $0x9  }
0x3d0: {  	_ =	swait.ge @!p0 [sflag:s0], s1  }
0x3d1: {  	s1 =	ssub.s32 @!p0 $0x0, s1;
	[sflag:s0] =	ssyncset.done @!p0 $0x0  }
0x3d2: {  	[sflag:s0] =	ssyncadd.s32 @!p0 s1  }
0x3d3: {  	[bflag:$0x3] =	sbarrier.arrive $0xFFFF  }
0x3d4: {  	_ =	shalt  }

</sc_bundles>
